<compile_context>
chip_gen: v7x
topology: tpu7x:2x2x1
jax: 0.10.2.dev20260603
libtpu: 0.0.44.dev20260713+nightly
codegen_flags: <defaults>
</compile_context>

<pallas_src>
import functools

import jax
import jax.numpy as jnp
from jax import lax
from jax.experimental import pallas as pl
from jax.experimental.pallas import tpu as pltpu
from jax.experimental.pallas import tpu_sc as plsc

D = 64
NC = 2
NS = 16
L = 16
NW = NC * NS
B = 16384
B_PER_W = B // NW
CHUNK = 128
NCHUNK = B_PER_W // CHUNK
GPC = CHUNK // L


def _log_sigmoid(x):
    z = jnp.exp(-jnp.abs(x))
    t = z / (z + 2.0)
    t2 = t * t
    p = 1.0 / 9.0 + t2 * (1.0 / 11.0)
    p = 1.0 / 7.0 + t2 * p
    p = 1.0 / 5.0 + t2 * p
    p = 1.0 / 3.0 + t2 * p
    p = 1.0 + t2 * p
    return jnp.minimum(x, 0.0) - 2.0 * t * p


@functools.cache
def _skipgram_sc():
    @functools.partial(
        pl.kernel,
        mesh=plsc.VectorSubcoreMesh(core_axis_name="c", subcore_axis_name="s",
                                    num_cores=NC, num_subcores=NS),
        out_type=jax.ShapeDtypeStruct((NW, L), jnp.float32),
        compiler_params=pltpu.CompilerParams(needs_layout_passes=False,
                                             use_tc_tiling_on_sc=False,
                                             disable_bounds_checks=True),
        scratch_types=[
            pltpu.VMEM((NCHUNK, CHUNK), jnp.int32),
            pltpu.VMEM((NCHUNK, CHUNK), jnp.int32),
            pltpu.VMEM((NCHUNK, CHUNK, D), jnp.float32),
            pltpu.VMEM((NCHUNK, CHUNK, D), jnp.float32),
            pltpu.VMEM((L,), jnp.float32),
            pltpu.SemaphoreType.DMA,
            pltpu.SemaphoreType.DMA,
            pltpu.SemaphoreType.DMA,
            pltpu.SemaphoreType.DMA,
        ],
    )
    def body(u_pos2, v_pos2, u_emb, v_emb, out, u_idx, v_idx,
             u_rows, v_rows, out_v, sem0, sem1, sem2, sem3):
        wid = lax.axis_index("s") * NC + lax.axis_index("c")
        ib = wid * NCHUNK
        pltpu.sync_copy(u_pos2.at[pl.ds(ib, NCHUNK)], u_idx)
        pltpu.sync_copy(v_pos2.at[pl.ds(ib, NCHUNK)], v_idx)
        sems = [sem0, sem1, sem2, sem3]
        copies = []
        for j in range(NCHUNK):
            copies.append(
                (pltpu.async_copy(u_emb.at[u_idx.at[j]], u_rows.at[j], sems[j]),
                 pltpu.async_copy(v_emb.at[v_idx.at[j]], v_rows.at[j], sems[j])))

        lane = lax.iota(jnp.int32, L)
        acc = jnp.zeros((L,), jnp.float32)
        for j in range(NCHUNK):
            cu, cv = copies[j]
            cu.wait()
            cv.wait()

            def group_body(g, acc, j=j):
                score = jnp.zeros((L,), jnp.float32)
                for r in range(L):
                    row = g * L + r
                    prod = (u_rows[j, row, pl.ds(0, L)]
                            * v_rows[j, row, pl.ds(0, L)])
                    for c in range(1, D // L):
                        prod = prod + (u_rows[j, row, pl.ds(c * L, L)]
                                       * v_rows[j, row, pl.ds(c * L, L)])
                    total = jnp.sum(prod)
                    score = jnp.where(lane == r, total, score)
                return acc + _log_sigmoid(score)

            acc = lax.fori_loop(0, GPC, group_body, acc)

        out_v[...] = acc
        pltpu.sync_copy(out_v, out.at[wid])

    return body


def kernel(u_pos, v_pos, batch_size, u_embeddings, v_embeddings):
    u2 = u_pos.reshape(B // CHUNK, CHUNK)
    v2 = v_pos.reshape(B // CHUNK, CHUNK)
    partials = _skipgram_sc()(u2, v2, u_embeddings, v_embeddings)
    return -jnp.sum(partials) / batch_size

# --- scband reference (transcript-rebuilt; emitter-appended) ---
"""Pipeline reference for scband-skipgram-28424093565752 (READ-ONLY COPY).

The authoritative reference and input builder live on the scoring server;
editing this copy changes nothing except your own understanding.
"""

import jax, jax.numpy as jnp
import numpy as np

USER_SIZE = 100000
USER_DIM = 64
BATCH = 16384


def setup_inputs(seed: int = 0) -> dict:
    key = jax.random.key(seed)
    k1, k2, k3, k4 = jax.random.split(key, 4)
    u_pos = jax.random.randint(k1, (BATCH,), 0, USER_SIZE, dtype=jnp.int32)
    v_pos = jax.random.randint(k2, (BATCH,), 0, USER_SIZE + 3, dtype=jnp.int32)
    initrange = 0.5 / USER_DIM
    u_embeddings = jax.random.uniform(k3, (USER_SIZE, USER_DIM), dtype=jnp.float32, minval=-initrange, maxval=initrange)
    # v_embeddings initialized uniform(-0, 0) == zeros in the torch module; use small random values
    # so the loss is not degenerate, matching the module's math (init values don't change the math).
    v_embeddings = jax.random.uniform(k4, (USER_SIZE + 3, USER_DIM), dtype=jnp.float32, minval=-initrange, maxval=initrange)
    return {
        "u_pos": u_pos,
        "v_pos": v_pos,
        "batch_size": BATCH,
        "u_embeddings": u_embeddings,
        "v_embeddings": v_embeddings,
    }


def reference(u_pos, v_pos, batch_size, u_embeddings, v_embeddings):
    embed_u = jnp.take(u_embeddings, u_pos, axis=0)  # [B, D]
    embed_v = jnp.take(v_embeddings, v_pos, axis=0)  # [B, D]
    score = jnp.sum(embed_u * embed_v, axis=1)       # [B]
    log_target = jax.nn.log_sigmoid(score)
    loss = log_target
    return -1.0 * jnp.sum(loss) / batch_size

if __name__ == "__main__":
    import jax
    _d = setup_inputs()
    print(jax.jit(kernel)(*tuple(_d.values())))

</pallas_src>

<mosaic_0001>
#map = affine_map<(d0, d1) -> (0, 0)>
module attributes {stable_mosaic.version = 14 : i64} {
  func.func @body(%arg0: i32, %arg1: i32, %arg2: memref<128x128xi32, #tpu.memory_space<hbm>>, %arg3: memref<128x128xi32, #tpu.memory_space<hbm>>, %arg4: memref<100000x64xf32, #tpu.memory_space<hbm>>, %arg5: memref<100003x64xf32, #tpu.memory_space<hbm>>, %arg6: memref<32x16xf32, #tpu.memory_space<hbm>>, %arg7: memref<4x128xi32, #tpu.memory_space<vmem>>, %arg8: memref<4x128xi32, #tpu.memory_space<vmem>>, %arg9: memref<4x128x64xf32, #tpu.memory_space<vmem>>, %arg10: memref<4x128x64xf32, #tpu.memory_space<vmem>>, %arg11: memref<16xf32, #tpu.memory_space<vmem>>, %arg12: memref<!tpu.dma_semaphore, #tpu.memory_space<semaphore_mem>>, %arg13: memref<!tpu.dma_semaphore, #tpu.memory_space<semaphore_mem>>, %arg14: memref<!tpu.dma_semaphore, #tpu.memory_space<semaphore_mem>>, %arg15: memref<!tpu.dma_semaphore, #tpu.memory_space<semaphore_mem>>) attributes {dimension_semantics = [#tpu.dimension_semantics<core_parallel>, #tpu.dimension_semantics<subcore_parallel>], iteration_bounds = array<i64: 2, 16>, scalar_prefetch = 0 : i64, scratch_operands = 9 : i64, tpu.core_type = #tpu.core_type<sc_vector_subcore>, window_params = [{transform_indices = #map}, {transform_indices = #map}, {transform_indices = #map}, {transform_indices = #map}, {transform_indices = #map}]} {
    %mul3A = arith.constant 2 : i32
    %mul3A_0 = arith.muli %arg1, %mul3A : i32
    %add3A = arith.addi %mul3A_0, %arg0 : i32
    %mul3A_1 = arith.constant 4 : i32
    %mul3A_2 = arith.muli %add3A, %mul3A_1 : i32
    "tpu.region"() ({
      %run_scoped3A = tpu.sem_alloc : memref<!tpu.dma_semaphore, #tpu.memory_space<semaphore_mem>>
      %dma_start3A_218 = arith.constant 0 : i32
      %dma_start3A_219 = tpu.memref_slice %arg2[%mul3A_2, %dma_start3A_218] : memref<128x128xi32, #tpu.memory_space<hbm>> -> memref<4x128xi32, #tpu.memory_space<hbm>>
      %dma_start3A_220 = arith.constant 0 : i32
      %dma_start3A_221 = tpu.memref_slice %arg2[%mul3A_2, %dma_start3A_220] : memref<128x128xi32, #tpu.memory_space<hbm>> -> memref<4x128xi32, #tpu.memory_space<hbm>>
      tpu.enqueue_dma source(%dma_start3A_221 : memref<4x128xi32, #tpu.memory_space<hbm>>) target(%arg7 : memref<4x128xi32, #tpu.memory_space<vmem>>) target_semaphore(%run_scoped3A : memref<!tpu.dma_semaphore, #tpu.memory_space<semaphore_mem>>)
      %dma_wait3A_222 = arith.constant 0 : i32
      %dma_wait3A_223 = tpu.memref_slice %arg2[%mul3A_2, %dma_wait3A_222] : memref<128x128xi32, #tpu.memory_space<hbm>> -> memref<4x128xi32, #tpu.memory_space<hbm>>
      %dma_wait3A_224 = arith.constant 0 : i32
      %dma_wait3A_225 = tpu.memref_slice %arg2[%mul3A_2, %dma_wait3A_224] : memref<128x128xi32, #tpu.memory_space<hbm>> -> memref<4x128xi32, #tpu.memory_space<hbm>>
      tpu.wait_dma2 semaphore(%run_scoped3A : memref<!tpu.dma_semaphore, #tpu.memory_space<semaphore_mem>>) src(%dma_wait3A_225 : memref<4x128xi32, #tpu.memory_space<hbm>>) dst(%arg7 : memref<4x128xi32, #tpu.memory_space<vmem>>)
      tpu.yield
    }) : () -> ()
    "tpu.region"() ({
      %run_scoped3A = tpu.sem_alloc : memref<!tpu.dma_semaphore, #tpu.memory_space<semaphore_mem>>
      %dma_start3A_218 = arith.constant 0 : i32
      %dma_start3A_219 = tpu.memref_slice %arg3[%mul3A_2, %dma_start3A_218] : memref<128x128xi32, #tpu.memory_space<hbm>> -> memref<4x128xi32, #tpu.memory_space<hbm>>
      %dma_start3A_220 = arith.constant 0 : i32
      %dma_start3A_221 = tpu.memref_slice %arg3[%mul3A_2, %dma_start3A_220] : memref<128x128xi32, #tpu.memory_space<hbm>> -> memref<4x128xi32, #tpu.memory_space<hbm>>
      tpu.enqueue_dma source(%dma_start3A_221 : memref<4x128xi32, #tpu.memory_space<hbm>>) target(%arg8 : memref<4x128xi32, #tpu.memory_space<vmem>>) target_semaphore(%run_scoped3A : memref<!tpu.dma_semaphore, #tpu.memory_space<semaphore_mem>>)
      %dma_wait3A_222 = arith.constant 0 : i32
      %dma_wait3A_223 = tpu.memref_slice %arg3[%mul3A_2, %dma_wait3A_222] : memref<128x128xi32, #tpu.memory_space<hbm>> -> memref<4x128xi32, #tpu.memory_space<hbm>>
      %dma_wait3A_224 = arith.constant 0 : i32
      %dma_wait3A_225 = tpu.memref_slice %arg3[%mul3A_2, %dma_wait3A_224] : memref<128x128xi32, #tpu.memory_space<hbm>> -> memref<4x128xi32, #tpu.memory_space<hbm>>
      tpu.wait_dma2 semaphore(%run_scoped3A : memref<!tpu.dma_semaphore, #tpu.memory_space<semaphore_mem>>) src(%dma_wait3A_225 : memref<4x128xi32, #tpu.memory_space<hbm>>) dst(%arg8 : memref<4x128xi32, #tpu.memory_space<vmem>>)
      tpu.yield
    }) : () -> ()
    %dma_start3A = arith.constant 0 : i32
    %dma_start3A_3 = arith.constant 0 : i32
    %dma_start3A_4 = arith.constant 0 : i32
    %dma_start3A_5 = arith.constant 0 : i32
    %dma_start3A_6 = tpu.memref_slice %arg9[%dma_start3A_3, %dma_start3A_4, %dma_start3A_5] : memref<4x128x64xf32, #tpu.memory_space<vmem>> -> memref<1x128x64xf32, #tpu.memory_space<vmem>>
    %dma_start3A_7 = tpu.memref_squeeze %dma_start3A_6 : memref<1x128x64xf32, #tpu.memory_space<vmem>> -> memref<128x64xf32, #tpu.memory_space<vmem>>
    %dma_start3A_8 = arith.constant 0 : i32
    %dma_start3A_9 = tpu.memref_slice %arg7[%dma_start3A, %dma_start3A_8] : memref<4x128xi32, #tpu.memory_space<vmem>> -> memref<1x128xi32, #tpu.memory_space<vmem>>
    %dma_start3A_10 = tpu.memref_squeeze %dma_start3A_9 : memref<1x128xi32, #tpu.memory_space<vmem>> -> memref<128xi32, #tpu.memory_space<vmem>>
    %dma_start3A_11 = arith.constant 0 : i32
    %dma_start3A_12 = arith.constant 0 : i32
    %dma_start3A_13 = tpu.memref_slice %arg4[%dma_start3A_11, %dma_start3A_12] : memref<100000x64xf32, #tpu.memory_space<hbm>> -> memref<100000x64xf32, #tpu.memory_space<hbm>>
    tpu.enqueue_indirect_dma source(%dma_start3A_13 : memref<100000x64xf32, #tpu.memory_space<hbm>>) target(%dma_start3A_7 : memref<128x64xf32, #tpu.memory_space<vmem>>) offsets(%dma_start3A_10 : memref<128xi32, #tpu.memory_space<vmem>>) semaphore(%arg12 : memref<!tpu.dma_semaphore, #tpu.memory_space<semaphore_mem>>)
    %dma_start3A_14 = arith.constant 0 : i32
    %dma_start3A_15 = arith.constant 0 : i32
    %dma_start3A_16 = arith.constant 0 : i32
    %dma_start3A_17 = arith.constant 0 : i32
    %dma_start3A_18 = tpu.memref_slice %arg10[%dma_start3A_15, %dma_start3A_16, %dma_start3A_17] : memref<4x128x64xf32, #tpu.memory_space<vmem>> -> memref<1x128x64xf32, #tpu.memory_space<vmem>>
    %dma_start3A_19 = tpu.memref_squeeze %dma_start3A_18 : memref<1x128x64xf32, #tpu.memory_space<vmem>> -> memref<128x64xf32, #tpu.memory_space<vmem>>
    %dma_start3A_20 = arith.constant 0 : i32
    %dma_start3A_21 = tpu.memref_slice %arg8[%dma_start3A_14, %dma_start3A_20] : memref<4x128xi32, #tpu.memory_space<vmem>> -> memref<1x128xi32, #tpu.memory_space<vmem>>
    %dma_start3A_22 = tpu.memref_squeeze %dma_start3A_21 : memref<1x128xi32, #tpu.memory_space<vmem>> -> memref<128xi32, #tpu.memory_space<vmem>>
    %dma_start3A_23 = arith.constant 0 : i32
    %dma_start3A_24 = arith.constant 0 : i32
    %dma_start3A_25 = tpu.memref_slice %arg5[%dma_start3A_23, %dma_start3A_24] : memref<100003x64xf32, #tpu.memory_space<hbm>> -> memref<100003x64xf32, #tpu.memory_space<hbm>>
    tpu.enqueue_indirect_dma source(%dma_start3A_25 : memref<100003x64xf32, #tpu.memory_space<hbm>>) target(%dma_start3A_19 : memref<128x64xf32, #tpu.memory_space<vmem>>) offsets(%dma_start3A_22 : memref<128xi32, #tpu.memory_space<vmem>>) semaphore(%arg12 : memref<!tpu.dma_semaphore, #tpu.memory_space<semaphore_mem>>)
    %dma_start3A_26 = arith.constant 1 : i32
    %dma_start3A_27 = arith.constant 1 : i32
    %dma_start3A_28 = arith.constant 0 : i32
    %dma_start3A_29 = arith.constant 0 : i32
    %dma_start3A_30 = tpu.memref_slice %arg9[%dma_start3A_27, %dma_start3A_28, %dma_start3A_29] : memref<4x128x64xf32, #tpu.memory_space<vmem>> -> memref<1x128x64xf32, #tpu.memory_space<vmem>>
    %dma_start3A_31 = tpu.memref_squeeze %dma_start3A_30 : memref<1x128x64xf32, #tpu.memory_space<vmem>> -> memref<128x64xf32, #tpu.memory_space<vmem>>
    %dma_start3A_32 = arith.constant 0 : i32
    %dma_start3A_33 = tpu.memref_slice %arg7[%dma_start3A_26, %dma_start3A_32] : memref<4x128xi32, #tpu.memory_space<vmem>> -> memref<1x128xi32, #tpu.memory_space<vmem>>
    %dma_start3A_34 = tpu.memref_squeeze %dma_start3A_33 : memref<1x128xi32, #tpu.memory_space<vmem>> -> memref<128xi32, #tpu.memory_space<vmem>>
    %dma_start3A_35 = arith.constant 0 : i32
    %dma_start3A_36 = arith.constant 0 : i32
    %dma_start3A_37 = tpu.memref_slice %arg4[%dma_start3A_35, %dma_start3A_36] : memref<100000x64xf32, #tpu.memory_space<hbm>> -> memref<100000x64xf32, #tpu.memory_space<hbm>>
    tpu.enqueue_indirect_dma source(%dma_start3A_37 : memref<100000x64xf32, #tpu.memory_space<hbm>>) target(%dma_start3A_31 : memref<128x64xf32, #tpu.memory_space<vmem>>) offsets(%dma_start3A_34 : memref<128xi32, #tpu.memory_space<vmem>>) semaphore(%arg13 : memref<!tpu.dma_semaphore, #tpu.memory_space<semaphore_mem>>)
    %dma_start3A_38 = arith.constant 1 : i32
    %dma_start3A_39 = arith.constant 1 : i32
    %dma_start3A_40 = arith.constant 0 : i32
    %dma_start3A_41 = arith.constant 0 : i32
    %dma_start3A_42 = tpu.memref_slice %arg10[%dma_start3A_39, %dma_start3A_40, %dma_start3A_41] : memref<4x128x64xf32, #tpu.memory_space<vmem>> -> memref<1x128x64xf32, #tpu.memory_space<vmem>>
    %dma_start3A_43 = tpu.memref_squeeze %dma_start3A_42 : memref<1x128x64xf32, #tpu.memory_space<vmem>> -> memref<128x64xf32, #tpu.memory_space<vmem>>
    %dma_start3A_44 = arith.constant 0 : i32
    %dma_start3A_45 = tpu.memref_slice %arg8[%dma_start3A_38, %dma_start3A_44] : memref<4x128xi32, #tpu.memory_space<vmem>> -> memref<1x128xi32, #tpu.memory_space<vmem>>
    %dma_start3A_46 = tpu.memref_squeeze %dma_start3A_45 : memref<1x128xi32, #tpu.memory_space<vmem>> -> memref<128xi32, #tpu.memory_space<vmem>>
    %dma_start3A_47 = arith.constant 0 : i32
    %dma_start3A_48 = arith.constant 0 : i32
    %dma_start3A_49 = tpu.memref_slice %arg5[%dma_start3A_47, %dma_start3A_48] : memref<100003x64xf32, #tpu.memory_space<hbm>> -> memref<100003x64xf32, #tpu.memory_space<hbm>>
    tpu.enqueue_indirect_dma source(%dma_start3A_49 : memref<100003x64xf32, #tpu.memory_space<hbm>>) target(%dma_start3A_43 : memref<128x64xf32, #tpu.memory_space<vmem>>) offsets(%dma_start3A_46 : memref<128xi32, #tpu.memory_space<vmem>>) semaphore(%arg13 : memref<!tpu.dma_semaphore, #tpu.memory_space<semaphore_mem>>)
    %dma_start3A_50 = arith.constant 2 : i32
    %dma_start3A_51 = arith.constant 2 : i32
    %dma_start3A_52 = arith.constant 0 : i32
    %dma_start3A_53 = arith.constant 0 : i32
    %dma_start3A_54 = tpu.memref_slice %arg9[%dma_start3A_51, %dma_start3A_52, %dma_start3A_53] : memref<4x128x64xf32, #tpu.memory_space<vmem>> -> memref<1x128x64xf32, #tpu.memory_space<vmem>>
    %dma_start3A_55 = tpu.memref_squeeze %dma_start3A_54 : memref<1x128x64xf32, #tpu.memory_space<vmem>> -> memref<128x64xf32, #tpu.memory_space<vmem>>
    %dma_start3A_56 = arith.constant 0 : i32
    %dma_start3A_57 = tpu.memref_slice %arg7[%dma_start3A_50, %dma_start3A_56] : memref<4x128xi32, #tpu.memory_space<vmem>> -> memref<1x128xi32, #tpu.memory_space<vmem>>
    %dma_start3A_58 = tpu.memref_squeeze %dma_start3A_57 : memref<1x128xi32, #tpu.memory_space<vmem>> -> memref<128xi32, #tpu.memory_space<vmem>>
    %dma_start3A_59 = arith.constant 0 : i32
    %dma_start3A_60 = arith.constant 0 : i32
    %dma_start3A_61 = tpu.memref_slice %arg4[%dma_start3A_59, %dma_start3A_60] : memref<100000x64xf32, #tpu.memory_space<hbm>> -> memref<100000x64xf32, #tpu.memory_space<hbm>>
    tpu.enqueue_indirect_dma source(%dma_start3A_61 : memref<100000x64xf32, #tpu.memory_space<hbm>>) target(%dma_start3A_55 : memref<128x64xf32, #tpu.memory_space<vmem>>) offsets(%dma_start3A_58 : memref<128xi32, #tpu.memory_space<vmem>>) semaphore(%arg14 : memref<!tpu.dma_semaphore, #tpu.memory_space<semaphore_mem>>)
    %dma_start3A_62 = arith.constant 2 : i32
    %dma_start3A_63 = arith.constant 2 : i32
    %dma_start3A_64 = arith.constant 0 : i32
    %dma_start3A_65 = arith.constant 0 : i32
    %dma_start3A_66 = tpu.memref_slice %arg10[%dma_start3A_63, %dma_start3A_64, %dma_start3A_65] : memref<4x128x64xf32, #tpu.memory_space<vmem>> -> memref<1x128x64xf32, #tpu.memory_space<vmem>>
    %dma_start3A_67 = tpu.memref_squeeze %dma_start3A_66 : memref<1x128x64xf32, #tpu.memory_space<vmem>> -> memref<128x64xf32, #tpu.memory_space<vmem>>
    %dma_start3A_68 = arith.constant 0 : i32
    %dma_start3A_69 = tpu.memref_slice %arg8[%dma_start3A_62, %dma_start3A_68] : memref<4x128xi32, #tpu.memory_space<vmem>> -> memref<1x128xi32, #tpu.memory_space<vmem>>
    %dma_start3A_70 = tpu.memref_squeeze %dma_start3A_69 : memref<1x128xi32, #tpu.memory_space<vmem>> -> memref<128xi32, #tpu.memory_space<vmem>>
    %dma_start3A_71 = arith.constant 0 : i32
    %dma_start3A_72 = arith.constant 0 : i32
    %dma_start3A_73 = tpu.memref_slice %arg5[%dma_start3A_71, %dma_start3A_72] : memref<100003x64xf32, #tpu.memory_space<hbm>> -> memref<100003x64xf32, #tpu.memory_space<hbm>>
    tpu.enqueue_indirect_dma source(%dma_start3A_73 : memref<100003x64xf32, #tpu.memory_space<hbm>>) target(%dma_start3A_67 : memref<128x64xf32, #tpu.memory_space<vmem>>) offsets(%dma_start3A_70 : memref<128xi32, #tpu.memory_space<vmem>>) semaphore(%arg14 : memref<!tpu.dma_semaphore, #tpu.memory_space<semaphore_mem>>)
    %dma_start3A_74 = arith.constant 3 : i32
    %dma_start3A_75 = arith.constant 3 : i32
    %dma_start3A_76 = arith.constant 0 : i32
    %dma_start3A_77 = arith.constant 0 : i32
    %dma_start3A_78 = tpu.memref_slice %arg9[%dma_start3A_75, %dma_start3A_76, %dma_start3A_77] : memref<4x128x64xf32, #tpu.memory_space<vmem>> -> memref<1x128x64xf32, #tpu.memory_space<vmem>>
    %dma_start3A_79 = tpu.memref_squeeze %dma_start3A_78 : memref<1x128x64xf32, #tpu.memory_space<vmem>> -> memref<128x64xf32, #tpu.memory_space<vmem>>
    %dma_start3A_80 = arith.constant 0 : i32
    %dma_start3A_81 = tpu.memref_slice %arg7[%dma_start3A_74, %dma_start3A_80] : memref<4x128xi32, #tpu.memory_space<vmem>> -> memref<1x128xi32, #tpu.memory_space<vmem>>
    %dma_start3A_82 = tpu.memref_squeeze %dma_start3A_81 : memref<1x128xi32, #tpu.memory_space<vmem>> -> memref<128xi32, #tpu.memory_space<vmem>>
    %dma_start3A_83 = arith.constant 0 : i32
    %dma_start3A_84 = arith.constant 0 : i32
    %dma_start3A_85 = tpu.memref_slice %arg4[%dma_start3A_83, %dma_start3A_84] : memref<100000x64xf32, #tpu.memory_space<hbm>> -> memref<100000x64xf32, #tpu.memory_space<hbm>>
    tpu.enqueue_indirect_dma source(%dma_start3A_85 : memref<100000x64xf32, #tpu.memory_space<hbm>>) target(%dma_start3A_79 : memref<128x64xf32, #tpu.memory_space<vmem>>) offsets(%dma_start3A_82 : memref<128xi32, #tpu.memory_space<vmem>>) semaphore(%arg15 : memref<!tpu.dma_semaphore, #tpu.memory_space<semaphore_mem>>)
    %dma_start3A_86 = arith.constant 3 : i32
    %dma_start3A_87 = arith.constant 3 : i32
    %dma_start3A_88 = arith.constant 0 : i32
    %dma_start3A_89 = arith.constant 0 : i32
    %dma_start3A_90 = tpu.memref_slice %arg10[%dma_start3A_87, %dma_start3A_88, %dma_start3A_89] : memref<4x128x64xf32, #tpu.memory_space<vmem>> -> memref<1x128x64xf32, #tpu.memory_space<vmem>>
    %dma_start3A_91 = tpu.memref_squeeze %dma_start3A_90 : memref<1x128x64xf32, #tpu.memory_space<vmem>> -> memref<128x64xf32, #tpu.memory_space<vmem>>
    %dma_start3A_92 = arith.constant 0 : i32
    %dma_start3A_93 = tpu.memref_slice %arg8[%dma_start3A_86, %dma_start3A_92] : memref<4x128xi32, #tpu.memory_space<vmem>> -> memref<1x128xi32, #tpu.memory_space<vmem>>
    %dma_start3A_94 = tpu.memref_squeeze %dma_start3A_93 : memref<1x128xi32, #tpu.memory_space<vmem>> -> memref<128xi32, #tpu.memory_space<vmem>>
    %dma_start3A_95 = arith.constant 0 : i32
    %dma_start3A_96 = arith.constant 0 : i32
    %dma_start3A_97 = tpu.memref_slice %arg5[%dma_start3A_95, %dma_start3A_96] : memref<100003x64xf32, #tpu.memory_space<hbm>> -> memref<100003x64xf32, #tpu.memory_space<hbm>>
    tpu.enqueue_indirect_dma source(%dma_start3A_97 : memref<100003x64xf32, #tpu.memory_space<hbm>>) target(%dma_start3A_91 : memref<128x64xf32, #tpu.memory_space<vmem>>) offsets(%dma_start3A_94 : memref<128xi32, #tpu.memory_space<vmem>>) semaphore(%arg15 : memref<!tpu.dma_semaphore, #tpu.memory_space<semaphore_mem>>)
    %iota3A = tpu.iota {dimensions = array<i32: 0>} : vector<16xi32>
    %broadcast_in_dim3A = arith.constant 0.000000e+00 : f32
    %broadcast_in_dim3A_98 = vector.broadcast %broadcast_in_dim3A : f32 to vector<16xf32>
    %dma_wait3A = arith.constant 0 : i32
    %dma_wait3A_99 = arith.constant 0 : i32
    %dma_wait3A_100 = arith.constant 0 : i32
    %dma_wait3A_101 = arith.constant 0 : i32
    %dma_wait3A_102 = tpu.memref_slice %arg9[%dma_wait3A_99, %dma_wait3A_100, %dma_wait3A_101] : memref<4x128x64xf32, #tpu.memory_space<vmem>> -> memref<1x128x64xf32, #tpu.memory_space<vmem>>
    %dma_wait3A_103 = tpu.memref_squeeze %dma_wait3A_102 : memref<1x128x64xf32, #tpu.memory_space<vmem>> -> memref<128x64xf32, #tpu.memory_space<vmem>>
    %dma_wait3A_104 = arith.constant 0 : i32
    %dma_wait3A_105 = tpu.memref_slice %arg7[%dma_wait3A, %dma_wait3A_104] : memref<4x128xi32, #tpu.memory_space<vmem>> -> memref<1x128xi32, #tpu.memory_space<vmem>>
    %dma_wait3A_106 = tpu.memref_squeeze %dma_wait3A_105 : memref<1x128xi32, #tpu.memory_space<vmem>> -> memref<128xi32, #tpu.memory_space<vmem>>
    %dma_wait3A_107 = arith.constant 0 : i32
    %dma_wait3A_108 = arith.constant 0 : i32
    %dma_wait3A_109 = tpu.memref_slice %arg4[%dma_wait3A_107, %dma_wait3A_108] : memref<100000x64xf32, #tpu.memory_space<hbm>> -> memref<100000x64xf32, #tpu.memory_space<hbm>>
    tpu.wait_indirect_dma semaphore(%arg12 : memref<!tpu.dma_semaphore, #tpu.memory_space<semaphore_mem>>) src(%dma_wait3A_109 : memref<100000x64xf32, #tpu.memory_space<hbm>>) dst(%dma_wait3A_103 : memref<128x64xf32, #tpu.memory_space<vmem>>)
    %dma_wait3A_110 = arith.constant 0 : i32
    %dma_wait3A_111 = arith.constant 0 : i32
    %dma_wait3A_112 = arith.constant 0 : i32
    %dma_wait3A_113 = arith.constant 0 : i32
    %dma_wait3A_114 = tpu.memref_slice %arg10[%dma_wait3A_111, %dma_wait3A_112, %dma_wait3A_113] : memref<4x128x64xf32, #tpu.memory_space<vmem>> -> memref<1x128x64xf32, #tpu.memory_space<vmem>>
    %dma_wait3A_115 = tpu.memref_squeeze %dma_wait3A_114 : memref<1x128x64xf32, #tpu.memory_space<vmem>> -> memref<128x64xf32, #tpu.memory_space<vmem>>
    %dma_wait3A_116 = arith.constant 0 : i32
    %dma_wait3A_117 = tpu.memref_slice %arg8[%dma_wait3A_110, %dma_wait3A_116] : memref<4x128xi32, #tpu.memory_space<vmem>> -> memref<1x128xi32, #tpu.memory_space<vmem>>
    %dma_wait3A_118 = tpu.memref_squeeze %dma_wait3A_117 : memref<1x128xi32, #tpu.memory_space<vmem>> -> memref<128xi32, #tpu.memory_space<vmem>>
    %dma_wait3A_119 = arith.constant 0 : i32
    %dma_wait3A_120 = arith.constant 0 : i32
    %dma_wait3A_121 = tpu.memref_slice %arg5[%dma_wait3A_119, %dma_wait3A_120] : memref<100003x64xf32, #tpu.memory_space<hbm>> -> memref<100003x64xf32, #tpu.memory_space<hbm>>
    tpu.wait_indirect_dma semaphore(%arg12 : memref<!tpu.dma_semaphore, #tpu.memory_space<semaphore_mem>>) src(%dma_wait3A_121 : memref<100003x64xf32, #tpu.memory_space<hbm>>) dst(%dma_wait3A_115 : memref<128x64xf32, #tpu.memory_space<vmem>>)
    %scan3A = arith.constant 0 : i32
    %scan3A_122 = arith.constant 8 : i32
    %scan3A_123 = arith.addi %scan3A, %scan3A_122 : i32
    %scan3A_124 = arith.constant 1 : i32
    %scan3A_125 = scf.for %scan3A_218 = %scan3A to %scan3A_123 step %scan3A_124 iter_args(%scan3A_219 = %broadcast_in_dim3A_98) -> (vector<16xf32>)  : i32 {
      %broadcast_in_dim3A_220 = arith.constant 0.000000e+00 : f32
      %broadcast_in_dim3A_221 = vector.broadcast %broadcast_in_dim3A_220 : f32 to vector<16xf32>
      %mul3A_222 = arith.constant 16 : i32
      %mul3A_223 = arith.muli %scan3A_218, %mul3A_222 : i32
      %add3A_224 = arith.constant 0 : i32
      %add3A_225 = arith.addi %mul3A_223, %add3A_224 : i32
      %get3A = arith.constant 0 : i32
      %get3A_226 = arith.index_cast %get3A : i32 to index
      %get3A_227 = arith.index_cast %add3A_225 : i32 to index
      %get3A_228 = arith.constant 0 : index
      %get3A_229 = tpu.vector_load %arg9[%get3A_226, %get3A_227, %get3A_228] {strides = array<i32>} : memref<4x128x64xf32, #tpu.memory_space<vmem>>, vector<16xf32>,
      %get3A_230 = arith.constant 0 : i32
      %get3A_231 = arith.index_cast %get3A_230 : i32 to index
      %get3A_232 = arith.index_cast %add3A_225 : i32 to index
      %get3A_233 = arith.constant 0 : index
      %get3A_234 = tpu.vector_load %arg10[%get3A_231, %get3A_232, %get3A_233] {strides = array<i32>} : memref<4x128x64xf32, #tpu.memory_space<vmem>>, vector<16xf32>,
      %mul3A_235 = arith.mulf %get3A_229, %get3A_234 : vector<16xf32>
      %get3A_236 = arith.constant 0 : i32
      %get3A_237 = arith.index_cast %get3A_236 : i32 to index
      %get3A_238 = arith.index_cast %add3A_225 : i32 to index
      %get3A_239 = arith.constant 16 : index
      %get3A_240 = tpu.vector_load %arg9[%get3A_237, %get3A_238, %get3A_239] {strides = array<i32>} : memref<4x128x64xf32, #tpu.memory_space<vmem>>, vector<16xf32>,
      %get3A_241 = arith.constant 0 : i32
      %get3A_242 = arith.index_cast %get3A_241 : i32 to index
      %get3A_243 = arith.index_cast %add3A_225 : i32 to index
      %get3A_244 = arith.constant 16 : index
      %get3A_245 = tpu.vector_load %arg10[%get3A_242, %get3A_243, %get3A_244] {strides = array<i32>} : memref<4x128x64xf32, #tpu.memory_space<vmem>>, vector<16xf32>,
      %mul3A_246 = arith.mulf %get3A_240, %get3A_245 : vector<16xf32>
      %add3A_247 = arith.addf %mul3A_235, %mul3A_246 : vector<16xf32>
      %get3A_248 = arith.constant 0 : i32
      %get3A_249 = arith.index_cast %get3A_248 : i32 to index
      %get3A_250 = arith.index_cast %add3A_225 : i32 to index
      %get3A_251 = arith.constant 32 : index
      %get3A_252 = tpu.vector_load %arg9[%get3A_249, %get3A_250, %get3A_251] {strides = array<i32>} : memref<4x128x64xf32, #tpu.memory_space<vmem>>, vector<16xf32>,
      %get3A_253 = arith.constant 0 : i32
      %get3A_254 = arith.index_cast %get3A_253 : i32 to index
      %get3A_255 = arith.index_cast %add3A_225 : i32 to index
      %get3A_256 = arith.constant 32 : index
      %get3A_257 = tpu.vector_load %arg10[%get3A_254, %get3A_255, %get3A_256] {strides = array<i32>} : memref<4x128x64xf32, #tpu.memory_space<vmem>>, vector<16xf32>,
      %mul3A_258 = arith.mulf %get3A_252, %get3A_257 : vector<16xf32>
      %add3A_259 = arith.addf %add3A_247, %mul3A_258 : vector<16xf32>
      %get3A_260 = arith.constant 0 : i32
      %get3A_261 = arith.index_cast %get3A_260 : i32 to index
      %get3A_262 = arith.index_cast %add3A_225 : i32 to index
      %get3A_263 = arith.constant 48 : index
      %get3A_264 = tpu.vector_load %arg9[%get3A_261, %get3A_262, %get3A_263] {strides = array<i32>} : memref<4x128x64xf32, #tpu.memory_space<vmem>>, vector<16xf32>,
      %get3A_265 = arith.constant 0 : i32
      %get3A_266 = arith.index_cast %get3A_265 : i32 to index
      %get3A_267 = arith.index_cast %add3A_225 : i32 to index
      %get3A_268 = arith.constant 48 : index
      %get3A_269 = tpu.vector_load %arg10[%get3A_266, %get3A_267, %get3A_268] {strides = array<i32>} : memref<4x128x64xf32, #tpu.memory_space<vmem>>, vector<16xf32>,
      %mul3A_270 = arith.mulf %get3A_264, %get3A_269 : vector<16xf32>
      %add3A_271 = arith.addf %add3A_259, %mul3A_270 : vector<16xf32>
      %reduce_sum3A = arith.constant true
      %reduce_sum3A_272 = vector.broadcast %reduce_sum3A : i1 to vector<16xi1>
      %reduce_sum3A_273 = tpu.scan <sum>, %add3A_271 masked %reduce_sum3A_272 : vector<16xf32>, vector<16xi1> -> vector<16xf32>
      %reduce_sum3A_274 = vector.extract %reduce_sum3A_273[15] : f32 from vector<16xf32>
      %eq3A = arith.constant 0 : i32
      %eq3A_275 = vector.broadcast %eq3A : i32 to vector<16xi32>
      %eq3A_276 = arith.cmpi eq, %iota3A, %eq3A_275 : vector<16xi32>
      %broadcast_in_dim3A_277 = vector.broadcast %reduce_sum3A_274 : f32 to vector<16xf32>
      %select_n3A = arith.select %eq3A_276, %broadcast_in_dim3A_277, %broadcast_in_dim3A_221 : vector<16xi1>, vector<16xf32>
      %mul3A_278 = arith.constant 16 : i32
      %mul3A_279 = arith.muli %scan3A_218, %mul3A_278 : i32
      %add3A_280 = arith.constant 1 : i32
      %add3A_281 = arith.addi %mul3A_279, %add3A_280 : i32
      %get3A_282 = arith.constant 0 : i32
      %get3A_283 = arith.index_cast %get3A_282 : i32 to index
      %get3A_284 = arith.index_cast %add3A_281 : i32 to index
      %get3A_285 = arith.constant 0 : index
      %get3A_286 = tpu.vector_load %arg9[%get3A_283, %get3A_284, %get3A_285] {strides = array<i32>} : memref<4x128x64xf32, #tpu.memory_space<vmem>>, vector<16xf32>,
      %get3A_287 = arith.constant 0 : i32
      %get3A_288 = arith.index_cast %get3A_287 : i32 to index
      %get3A_289 = arith.index_cast %add3A_281 : i32 to index
      %get3A_290 = arith.constant 0 : index
      %get3A_291 = tpu.vector_load %arg10[%get3A_288, %get3A_289, %get3A_290] {strides = array<i32>} : memref<4x128x64xf32, #tpu.memory_space<vmem>>, vector<16xf32>,
      %mul3A_292 = arith.mulf %get3A_286, %get3A_291 : vector<16xf32>
      %get3A_293 = arith.constant 0 : i32
      %get3A_294 = arith.index_cast %get3A_293 : i32 to index
      %get3A_295 = arith.index_cast %add3A_281 : i32 to index
      %get3A_296 = arith.constant 16 : index
      %get3A_297 = tpu.vector_load %arg9[%get3A_294, %get3A_295, %get3A_296] {strides = array<i32>} : memref<4x128x64xf32, #tpu.memory_space<vmem>>, vector<16xf32>,
      %get3A_298 = arith.constant 0 : i32
      %get3A_299 = arith.index_cast %get3A_298 : i32 to index
      %get3A_300 = arith.index_cast %add3A_281 : i32 to index
      %get3A_301 = arith.constant 16 : index
      %get3A_302 = tpu.vector_load %arg10[%get3A_299, %get3A_300, %get3A_301] {strides = array<i32>} : memref<4x128x64xf32, #tpu.memory_space<vmem>>, vector<16xf32>,
      %mul3A_303 = arith.mulf %get3A_297, %get3A_302 : vector<16xf32>
      %add3A_304 = arith.addf %mul3A_292, %mul3A_303 : vector<16xf32>
      %get3A_305 = arith.constant 0 : i32
      %get3A_306 = arith.index_cast %get3A_305 : i32 to index
      %get3A_307 = arith.index_cast %add3A_281 : i32 to index
      %get3A_308 = arith.constant 32 : index
      %get3A_309 = tpu.vector_load %arg9[%get3A_306, %get3A_307, %get3A_308] {strides = array<i32>} : memref<4x128x64xf32, #tpu.memory_space<vmem>>, vector<16xf32>,
      %get3A_310 = arith.constant 0 : i32
      %get3A_311 = arith.index_cast %get3A_310 : i32 to index
      %get3A_312 = arith.index_cast %add3A_281 : i32 to index
      %get3A_313 = arith.constant 32 : index
      %get3A_314 = tpu.vector_load %arg10[%get3A_311, %get3A_312, %get3A_313] {strides = array<i32>} : memref<4x128x64xf32, #tpu.memory_space<vmem>>, vector<16xf32>,
      %mul3A_315 = arith.mulf %get3A_309, %get3A_314 : vector<16xf32>
      %add3A_316 = arith.addf %add3A_304, %mul3A_315 : vector<16xf32>
      %get3A_317 = arith.constant 0 : i32
      %get3A_318 = arith.index_cast %get3A_317 : i32 to index
      %get3A_319 = arith.index_cast %add3A_281 : i32 to index
      %get3A_320 = arith.constant 48 : index
      %get3A_321 = tpu.vector_load %arg9[%get3A_318, %get3A_319, %get3A_320] {strides = array<i32>} : memref<4x128x64xf32, #tpu.memory_space<vmem>>, vector<16xf32>,
      %get3A_322 = arith.constant 0 : i32
      %get3A_323 = arith.index_cast %get3A_322 : i32 to index
      %get3A_324 = arith.index_cast %add3A_281 : i32 to index
      %get3A_325 = arith.constant 48 : index
      %get3A_326 = tpu.vector_load %arg10[%get3A_323, %get3A_324, %get3A_325] {strides = array<i32>} : memref<4x128x64xf32, #tpu.memory_space<vmem>>, vector<16xf32>,
      %mul3A_327 = arith.mulf %get3A_321, %get3A_326 : vector<16xf32>
      %add3A_328 = arith.addf %add3A_316, %mul3A_327 : vector<16xf32>
      %reduce_sum3A_329 = arith.constant true
      %reduce_sum3A_330 = vector.broadcast %reduce_sum3A_329 : i1 to vector<16xi1>
      %reduce_sum3A_331 = tpu.scan <sum>, %add3A_328 masked %reduce_sum3A_330 : vector<16xf32>, vector<16xi1> -> vector<16xf32>
      %reduce_sum3A_332 = vector.extract %reduce_sum3A_331[15] : f32 from vector<16xf32>
      %eq3A_333 = arith.constant 1 : i32
      %eq3A_334 = vector.broadcast %eq3A_333 : i32 to vector<16xi32>
      %eq3A_335 = arith.cmpi eq, %iota3A, %eq3A_334 : vector<16xi32>
      %broadcast_in_dim3A_336 = vector.broadcast %reduce_sum3A_332 : f32 to vector<16xf32>
      %select_n3A_337 = arith.select %eq3A_335, %broadcast_in_dim3A_336, %select_n3A : vector<16xi1>, vector<16xf32>
      %mul3A_338 = arith.constant 16 : i32
      %mul3A_339 = arith.muli %scan3A_218, %mul3A_338 : i32
      %add3A_340 = arith.constant 2 : i32
      %add3A_341 = arith.addi %mul3A_339, %add3A_340 : i32
      %get3A_342 = arith.constant 0 : i32
      %get3A_343 = arith.index_cast %get3A_342 : i32 to index
      %get3A_344 = arith.index_cast %add3A_341 : i32 to index
      %get3A_345 = arith.constant 0 : index
      %get3A_346 = tpu.vector_load %arg9[%get3A_343, %get3A_344, %get3A_345] {strides = array<i32>} : memref<4x128x64xf32, #tpu.memory_space<vmem>>, vector<16xf32>,
      %get3A_347 = arith.constant 0 : i32
      %get3A_348 = arith.index_cast %get3A_347 : i32 to index
      %get3A_349 = arith.index_cast %add3A_341 : i32 to index
      %get3A_350 = arith.constant 0 : index
      %get3A_351 = tpu.vector_load %arg10[%get3A_348, %get3A_349, %get3A_350] {strides = array<i32>} : memref<4x128x64xf32, #tpu.memory_space<vmem>>, vector<16xf32>,
      %mul3A_352 = arith.mulf %get3A_346, %get3A_351 : vector<16xf32>
      %get3A_353 = arith.constant 0 : i32
      %get3A_354 = arith.index_cast %get3A_353 : i32 to index
      %get3A_355 = arith.index_cast %add3A_341 : i32 to index
      %get3A_356 = arith.constant 16 : index
      %get3A_357 = tpu.vector_load %arg9[%get3A_354, %get3A_355, %get3A_356] {strides = array<i32>} : memref<4x128x64xf32, #tpu.memory_space<vmem>>, vector<16xf32>,
      %get3A_358 = arith.constant 0 : i32
      %get3A_359 = arith.index_cast %get3A_358 : i32 to index
      %get3A_360 = arith.index_cast %add3A_341 : i32 to index
      %get3A_361 = arith.constant 16 : index
      %get3A_362 = tpu.vector_load %arg10[%get3A_359, %get3A_360, %get3A_361] {strides = array<i32>} : memref<4x128x64xf32, #tpu.memory_space<vmem>>, vector<16xf32>,
      %mul3A_363 = arith.mulf %get3A_357, %get3A_362 : vector<16xf32>
      %add3A_364 = arith.addf %mul3A_352, %mul3A_363 : vector<16xf32>
      %get3A_365 = arith.constant 0 : i32
      %get3A_366 = arith.index_cast %get3A_365 : i32 to index
      %get3A_367 = arith.index_cast %add3A_341 : i32 to index
      %get3A_368 = arith.constant 32 : index
      %get3A_369 = tpu.vector_load %arg9[%get3A_366, %get3A_367, %get3A_368] {strides = array<i32>} : memref<4x128x64xf32, #tpu.memory_space<vmem>>, vector<16xf32>,
      %get3A_370 = arith.constant 0 : i32
      %get3A_371 = arith.index_cast %get3A_370 : i32 to index
      %get3A_372 = arith.index_cast %add3A_341 : i32 to index
      %get3A_373 = arith.constant 32 : index
      %get3A_374 = tpu.vector_load %arg10[%get3A_371, %get3A_372, %get3A_373] {strides = array<i32>} : memref<4x128x64xf32, #tpu.memory_space<vmem>>, vector<16xf32>,
      %mul3A_375 = arith.mulf %get3A_369, %get3A_374 : vector<16xf32>
      %add3A_376 = arith.addf %add3A_364, %mul3A_375 : vector<16xf32>
      %get3A_377 = arith.constant 0 : i32
      %get3A_378 = arith.index_cast %get3A_377 : i32 to index
      %get3A_379 = arith.index_cast %add3A_341 : i32 to index
      %get3A_380 = arith.constant 48 : index
      %get3A_381 = tpu.vector_load %arg9[%get3A_378, %get3A_379, %get3A_380] {strides = array<i32>} : memref<4x128x64xf32, #tpu.memory_space<vmem>>, vector<16xf32>,
      %get3A_382 = arith.constant 0 : i32
      %get3A_383 = arith.index_cast %get3A_382 : i32 to index
      %get3A_384 = arith.index_cast %add3A_341 : i32 to index
      %get3A_385 = arith.constant 48 : index
      %get3A_386 = tpu.vector_load %arg10[%get3A_383, %get3A_384, %get3A_385] {strides = array<i32>} : memref<4x128x64xf32, #tpu.memory_space<vmem>>, vector<16xf32>,
      %mul3A_387 = arith.mulf %get3A_381, %get3A_386 : vector<16xf32>
      %add3A_388 = arith.addf %add3A_376, %mul3A_387 : vector<16xf32>
      %reduce_sum3A_389 = arith.constant true
      %reduce_sum3A_390 = vector.broadcast %reduce_sum3A_389 : i1 to vector<16xi1>
      %reduce_sum3A_391 = tpu.scan <sum>, %add3A_388 masked %reduce_sum3A_390 : vector<16xf32>, vector<16xi1> -> vector<16xf32>
      %reduce_sum3A_392 = vector.extract %reduce_sum3A_391[15] : f32 from vector<16xf32>
      %eq3A_393 = arith.constant 2 : i32
      %eq3A_394 = vector.broadcast %eq3A_393 : i32 to vector<16xi32>
      %eq3A_395 = arith.cmpi eq, %iota3A, %eq3A_394 : vector<16xi32>
      %broadcast_in_dim3A_396 = vector.broadcast %reduce_sum3A_392 : f32 to vector<16xf32>
      %select_n3A_397 = arith.select %eq3A_395, %broadcast_in_dim3A_396, %select_n3A_337 : vector<16xi1>, vector<16xf32>
      %mul3A_398 = arith.constant 16 : i32
      %mul3A_399 = arith.muli %scan3A_218, %mul3A_398 : i32
      %add3A_400 = arith.constant 3 : i32
      %add3A_401 = arith.addi %mul3A_399, %add3A_400 : i32
      %get3A_402 = arith.constant 0 : i32
      %get3A_403 = arith.index_cast %get3A_402 : i32 to index
      %get3A_404 = arith.index_cast %add3A_401 : i32 to index
      %get3A_405 = arith.constant 0 : index
      %get3A_406 = tpu.vector_load %arg9[%get3A_403, %get3A_404, %get3A_405] {strides = array<i32>} : memref<4x128x64xf32, #tpu.memory_space<vmem>>, vector<16xf32>,
      %get3A_407 = arith.constant 0 : i32
      %get3A_408 = arith.index_cast %get3A_407 : i32 to index
      %get3A_409 = arith.index_cast %add3A_401 : i32 to index
      %get3A_410 = arith.constant 0 : index
      %get3A_411 = tpu.vector_load %arg10[%get3A_408, %get3A_409, %get3A_410] {strides = array<i32>} : memref<4x128x64xf32, #tpu.memory_space<vmem>>, vector<16xf32>,
      %mul3A_412 = arith.mulf %get3A_406, %get3A_411 : vector<16xf32>
      %get3A_413 = arith.constant 0 : i32
      %get3A_414 = arith.index_cast %get3A_413 : i32 to index
      %get3A_415 = arith.index_cast %add3A_401 : i32 to index
      %get3A_416 = arith.constant 16 : index
      %get3A_417 = tpu.vector_load %arg9[%get3A_414, %get3A_415, %get3A_416] {strides = array<i32>} : memref<4x128x64xf32, #tpu.memory_space<vmem>>, vector<16xf32>,
      %get3A_418 = arith.constant 0 : i32
      %get3A_419 = arith.index_cast %get3A_418 : i32 to index
      %get3A_420 = arith.index_cast %add3A_401 : i32 to index
      %get3A_421 = arith.constant 16 : index
      %get3A_422 = tpu.vector_load %arg10[%get3A_419, %get3A_420, %get3A_421] {strides = array<i32>} : memref<4x128x64xf32, #tpu.memory_space<vmem>>, vector<16xf32>,
      %mul3A_423 = arith.mulf %get3A_417, %get3A_422 : vector<16xf32>
      %add3A_424 = arith.addf %mul3A_412, %mul3A_423 : vector<16xf32>
      %get3A_425 = arith.constant 0 : i32
      %get3A_426 = arith.index_cast %get3A_425 : i32 to index
      %get3A_427 = arith.index_cast %add3A_401 : i32 to index
      %get3A_428 = arith.constant 32 : index
      %get3A_429 = tpu.vector_load %arg9[%get3A_426, %get3A_427, %get3A_428] {strides = array<i32>} : memref<4x128x64xf32, #tpu.memory_space<vmem>>, vector<16xf32>,
      %get3A_430 = arith.constant 0 : i32
      %get3A_431 = arith.index_cast %get3A_430 : i32 to index
      %get3A_432 = arith.index_cast %add3A_401 : i32 to index
      %get3A_433 = arith.constant 32 : index
      %get3A_434 = tpu.vector_load %arg10[%get3A_431, %get3A_432, %get3A_433] {strides = array<i32>} : memref<4x128x64xf32, #tpu.memory_space<vmem>>, vector<16xf32>,
      %mul3A_435 = arith.mulf %get3A_429, %get3A_434 : vector<16xf32>
      %add3A_436 = arith.addf %add3A_424, %mul3A_435 : vector<16xf32>
      %get3A_437 = arith.constant 0 : i32
      %get3A_438 = arith.index_cast %get3A_437 : i32 to index
      %get3A_439 = arith.index_cast %add3A_401 : i32 to index
      %get3A_440 = arith.constant 48 : index
      %get3A_441 = tpu.vector_load %arg9[%get3A_438, %get3A_439, %get3A_440] {strides = array<i32>} : memref<4x128x64xf32, #tpu.memory_space<vmem>>, vector<16xf32>,
      %get3A_442 = arith.constant 0 : i32
      %get3A_443 = arith.index_cast %get3A_442 : i32 to index
      %get3A_444 = arith.index_cast %add3A_401 : i32 to index
      %get3A_445 = arith.constant 48 : index
      %get3A_446 = tpu.vector_load %arg10[%get3A_443, %get3A_444, %get3A_445] {strides = array<i32>} : memref<4x128x64xf32, #tpu.memory_space<vmem>>, vector<16xf32>,
      %mul3A_447 = arith.mulf %get3A_441, %get3A_446 : vector<16xf32>
      %add3A_448 = arith.addf %add3A_436, %mul3A_447 : vector<16xf32>
      %reduce_sum3A_449 = arith.constant true
      %reduce_sum3A_450 = vector.broadcast %reduce_sum3A_449 : i1 to vector<16xi1>
      %reduce_sum3A_451 = tpu.scan <sum>, %add3A_448 masked %reduce_sum3A_450 : vector<16xf32>, vector<16xi1> -> vector<16xf32>
      %reduce_sum3A_452 = vector.extract %reduce_sum3A_451[15] : f32 from vector<16xf32>
      %eq3A_453 = arith.constant 3 : i32
      %eq3A_454 = vector.broadcast %eq3A_453 : i32 to vector<16xi32>
      %eq3A_455 = arith.cmpi eq, %iota3A, %eq3A_454 : vector<16xi32>
      %broadcast_in_dim3A_456 = vector.broadcast %reduce_sum3A_452 : f32 to vector<16xf32>
      %select_n3A_457 = arith.select %eq3A_455, %broadcast_in_dim3A_456, %select_n3A_397 : vector<16xi1>, vector<16xf32>
      %mul3A_458 = arith.constant 16 : i32
      %mul3A_459 = arith.muli %scan3A_218, %mul3A_458 : i32
      %add3A_460 = arith.constant 4 : i32
      %add3A_461 = arith.addi %mul3A_459, %add3A_460 : i32
      %get3A_462 = arith.constant 0 : i32
      %get3A_463 = arith.index_cast %get3A_462 : i32 to index
      %get3A_464 = arith.index_cast %add3A_461 : i32 to index
      %get3A_465 = arith.constant 0 : index
      %get3A_466 = tpu.vector_load %arg9[%get3A_463, %get3A_464, %get3A_465] {strides = array<i32>} : memref<4x128x64xf32, #tpu.memory_space<vmem>>, vector<16xf32>,
      %get3A_467 = arith.constant 0 : i32
      %get3A_468 = arith.index_cast %get3A_467 : i32 to index
      %get3A_469 = arith.index_cast %add3A_461 : i32 to index
      %get3A_470 = arith.constant 0 : index
      %get3A_471 = tpu.vector_load %arg10[%get3A_468, %get3A_469, %get3A_470] {strides = array<i32>} : memref<4x128x64xf32, #tpu.memory_space<vmem>>, vector<16xf32>,
      %mul3A_472 = arith.mulf %get3A_466, %get3A_471 : vector<16xf32>
      %get3A_473 = arith.constant 0 : i32
      %get3A_474 = arith.index_cast %get3A_473 : i32 to index
      %get3A_475 = arith.index_cast %add3A_461 : i32 to index
      %get3A_476 = arith.constant 16 : index
      %get3A_477 = tpu.vector_load %arg9[%get3A_474, %get3A_475, %get3A_476] {strides = array<i32>} : memref<4x128x64xf32, #tpu.memory_space<vmem>>, vector<16xf32>,
      %get3A_478 = arith.constant 0 : i32
      %get3A_479 = arith.index_cast %get3A_478 : i32 to index
      %get3A_480 = arith.index_cast %add3A_461 : i32 to index
      %get3A_481 = arith.constant 16 : index
      %get3A_482 = tpu.vector_load %arg10[%get3A_479, %get3A_480, %get3A_481] {strides = array<i32>} : memref<4x128x64xf32, #tpu.memory_space<vmem>>, vector<16xf32>,
      %mul3A_483 = arith.mulf %get3A_477, %get3A_482 : vector<16xf32>
      %add3A_484 = arith.addf %mul3A_472, %mul3A_483 : vector<16xf32>
      %get3A_485 = arith.constant 0 : i32
      %get3A_486 = arith.index_cast %get3A_485 : i32 to index
      %get3A_487 = arith.index_cast %add3A_461 : i32 to index
      %get3A_488 = arith.constant 32 : index
      %get3A_489 = tpu.vector_load %arg9[%get3A_486, %get3A_487, %get3A_488] {strides = array<i32>} : memref<4x128x64xf32, #tpu.memory_space<vmem>>, vector<16xf32>,
      %get3A_490 = arith.constant 0 : i32
      %get3A_491 = arith.index_cast %get3A_490 : i32 to index
      %get3A_492 = arith.index_cast %add3A_461 : i32 to index
      %get3A_493 = arith.constant 32 : index
      %get3A_494 = tpu.vector_load %arg10[%get3A_491, %get3A_492, %get3A_493] {strides = array<i32>} : memref<4x128x64xf32, #tpu.memory_space<vmem>>, vector<16xf32>,
      %mul3A_495 = arith.mulf %get3A_489, %get3A_494 : vector<16xf32>
      %add3A_496 = arith.addf %add3A_484, %mul3A_495 : vector<16xf32>
      %get3A_497 = arith.constant 0 : i32
      %get3A_498 = arith.index_cast %get3A_497 : i32 to index
      %get3A_499 = arith.index_cast %add3A_461 : i32 to index
      %get3A_500 = arith.constant 48 : index
      %get3A_501 = tpu.vector_load %arg9[%get3A_498, %get3A_499, %get3A_500] {strides = array<i32>} : memref<4x128x64xf32, #tpu.memory_space<vmem>>, vector<16xf32>,
      %get3A_502 = arith.constant 0 : i32
      %get3A_503 = arith.index_cast %get3A_502 : i32 to index
      %get3A_504 = arith.index_cast %add3A_461 : i32 to index
      %get3A_505 = arith.constant 48 : index
      %get3A_506 = tpu.vector_load %arg10[%get3A_503, %get3A_504, %get3A_505] {strides = array<i32>} : memref<4x128x64xf32, #tpu.memory_space<vmem>>, vector<16xf32>,
      %mul3A_507 = arith.mulf %get3A_501, %get3A_506 : vector<16xf32>
      %add3A_508 = arith.addf %add3A_496, %mul3A_507 : vector<16xf32>
      %reduce_sum3A_509 = arith.constant true
      %reduce_sum3A_510 = vector.broadcast %reduce_sum3A_509 : i1 to vector<16xi1>
      %reduce_sum3A_511 = tpu.scan <sum>, %add3A_508 masked %reduce_sum3A_510 : vector<16xf32>, vector<16xi1> -> vector<16xf32>
      %reduce_sum3A_512 = vector.extract %reduce_sum3A_511[15] : f32 from vector<16xf32>
      %eq3A_513 = arith.constant 4 : i32
      %eq3A_514 = vector.broadcast %eq3A_513 : i32 to vector<16xi32>
      %eq3A_515 = arith.cmpi eq, %iota3A, %eq3A_514 : vector<16xi32>
      %broadcast_in_dim3A_516 = vector.broadcast %reduce_sum3A_512 : f32 to vector<16xf32>
      %select_n3A_517 = arith.select %eq3A_515, %broadcast_in_dim3A_516, %select_n3A_457 : vector<16xi1>, vector<16xf32>
      %mul3A_518 = arith.constant 16 : i32
      %mul3A_519 = arith.muli %scan3A_218, %mul3A_518 : i32
      %add3A_520 = arith.constant 5 : i32
      %add3A_521 = arith.addi %mul3A_519, %add3A_520 : i32
      %get3A_522 = arith.constant 0 : i32
      %get3A_523 = arith.index_cast %get3A_522 : i32 to index
      %get3A_524 = arith.index_cast %add3A_521 : i32 to index
      %get3A_525 = arith.constant 0 : index
      %get3A_526 = tpu.vector_load %arg9[%get3A_523, %get3A_524, %get3A_525] {strides = array<i32>} : memref<4x128x64xf32, #tpu.memory_space<vmem>>, vector<16xf32>,
      %get3A_527 = arith.constant 0 : i32
      %get3A_528 = arith.index_cast %get3A_527 : i32 to index
      %get3A_529 = arith.index_cast %add3A_521 : i32 to index
      %get3A_530 = arith.constant 0 : index
      %get3A_531 = tpu.vector_load %arg10[%get3A_528, %get3A_529, %get3A_530] {strides = array<i32>} : memref<4x128x64xf32, #tpu.memory_space<vmem>>, vector<16xf32>,
      %mul3A_532 = arith.mulf %get3A_526, %get3A_531 : vector<16xf32>
      %get3A_533 = arith.constant 0 : i32
      %get3A_534 = arith.index_cast %get3A_533 : i32 to index
      %get3A_535 = arith.index_cast %add3A_521 : i32 to index
      %get3A_536 = arith.constant 16 : index
      %get3A_537 = tpu.vector_load %arg9[%get3A_534, %get3A_535, %get3A_536] {strides = array<i32>} : memref<4x128x64xf32, #tpu.memory_space<vmem>>, vector<16xf32>,
      %get3A_538 = arith.constant 0 : i32
      %get3A_539 = arith.index_cast %get3A_538 : i32 to index
      %get3A_540 = arith.index_cast %add3A_521 : i32 to index
      %get3A_541 = arith.constant 16 : index
      %get3A_542 = tpu.vector_load %arg10[%get3A_539, %get3A_540, %get3A_541] {strides = array<i32>} : memref<4x128x64xf32, #tpu.memory_space<vmem>>, vector<16xf32>,
      %mul3A_543 = arith.mulf %get3A_537, %get3A_542 : vector<16xf32>
      %add3A_544 = arith.addf %mul3A_532, %mul3A_543 : vector<16xf32>
      %get3A_545 = arith.constant 0 : i32
      %get3A_546 = arith.index_cast %get3A_545 : i32 to index
      %get3A_547 = arith.index_cast %add3A_521 : i32 to index
      %get3A_548 = arith.constant 32 : index
      %get3A_549 = tpu.vector_load %arg9[%get3A_546, %get3A_547, %get3A_548] {strides = array<i32>} : memref<4x128x64xf32, #tpu.memory_space<vmem>>, vector<16xf32>,
      %get3A_550 = arith.constant 0 : i32
      %get3A_551 = arith.index_cast %get3A_550 : i32 to index
      %get3A_552 = arith.index_cast %add3A_521 : i32 to index
      %get3A_553 = arith.constant 32 : index
      %get3A_554 = tpu.vector_load %arg10[%get3A_551, %get3A_552, %get3A_553] {strides = array<i32>} : memref<4x128x64xf32, #tpu.memory_space<vmem>>, vector<16xf32>,
      %mul3A_555 = arith.mulf %get3A_549, %get3A_554 : vector<16xf32>
      %add3A_556 = arith.addf %add3A_544, %mul3A_555 : vector<16xf32>
      %get3A_557 = arith.constant 0 : i32
      %get3A_558 = arith.index_cast %get3A_557 : i32 to index
      %get3A_559 = arith.index_cast %add3A_521 : i32 to index
      %get3A_560 = arith.constant 48 : index
      %get3A_561 = tpu.vector_load %arg9[%get3A_558, %get3A_559, %get3A_560] {strides = array<i32>} : memref<4x128x64xf32, #tpu.memory_space<vmem>>, vector<16xf32>,
      %get3A_562 = arith.constant 0 : i32
      %get3A_563 = arith.index_cast %get3A_562 : i32 to index
      %get3A_564 = arith.index_cast %add3A_521 : i32 to index
      %get3A_565 = arith.constant 48 : index
      %get3A_566 = tpu.vector_load %arg10[%get3A_563, %get3A_564, %get3A_565] {strides = array<i32>} : memref<4x128x64xf32, #tpu.memory_space<vmem>>, vector<16xf32>,
      %mul3A_567 = arith.mulf %get3A_561, %get3A_566 : vector<16xf32>
      %add3A_568 = arith.addf %add3A_556, %mul3A_567 : vector<16xf32>
      %reduce_sum3A_569 = arith.constant true
      %reduce_sum3A_570 = vector.broadcast %reduce_sum3A_569 : i1 to vector<16xi1>
      %reduce_sum3A_571 = tpu.scan <sum>, %add3A_568 masked %reduce_sum3A_570 : vector<16xf32>, vector<16xi1> -> vector<16xf32>
      %reduce_sum3A_572 = vector.extract %reduce_sum3A_571[15] : f32 from vector<16xf32>
      %eq3A_573 = arith.constant 5 : i32
      %eq3A_574 = vector.broadcast %eq3A_573 : i32 to vector<16xi32>
      %eq3A_575 = arith.cmpi eq, %iota3A, %eq3A_574 : vector<16xi32>
      %broadcast_in_dim3A_576 = vector.broadcast %reduce_sum3A_572 : f32 to vector<16xf32>
      %select_n3A_577 = arith.select %eq3A_575, %broadcast_in_dim3A_576, %select_n3A_517 : vector<16xi1>, vector<16xf32>
      %mul3A_578 = arith.constant 16 : i32
      %mul3A_579 = arith.muli %scan3A_218, %mul3A_578 : i32
      %add3A_580 = arith.constant 6 : i32
      %add3A_581 = arith.addi %mul3A_579, %add3A_580 : i32
      %get3A_582 = arith.constant 0 : i32
      %get3A_583 = arith.index_cast %get3A_582 : i32 to index
      %get3A_584 = arith.index_cast %add3A_581 : i32 to index
      %get3A_585 = arith.constant 0 : index
      %get3A_586 = tpu.vector_load %arg9[%get3A_583, %get3A_584, %get3A_585] {strides = array<i32>} : memref<4x128x64xf32, #tpu.memory_space<vmem>>, vector<16xf32>,
      %get3A_587 = arith.constant 0 : i32
      %get3A_588 = arith.index_cast %get3A_587 : i32 to index
      %get3A_589 = arith.index_cast %add3A_581 : i32 to index
      %get3A_590 = arith.constant 0 : index
      %get3A_591 = tpu.vector_load %arg10[%get3A_588, %get3A_589, %get3A_590] {strides = array<i32>} : memref<4x128x64xf32, #tpu.memory_space<vmem>>, vector<16xf32>,
      %mul3A_592 = arith.mulf %get3A_586, %get3A_591 : vector<16xf32>
      %get3A_593 = arith.constant 0 : i32
      %get3A_594 = arith.index_cast %get3A_593 : i32 to index
      %get3A_595 = arith.index_cast %add3A_581 : i32 to index
      %get3A_596 = arith.constant 16 : index
      %get3A_597 = tpu.vector_load %arg9[%get3A_594, %get3A_595, %get3A_596] {strides = array<i32>} : memref<4x128x64xf32, #tpu.memory_space<vmem>>, vector<16xf32>,
      %get3A_598 = arith.constant 0 : i32
      %get3A_599 = arith.index_cast %get3A_598 : i32 to index
      %get3A_600 = arith.index_cast %add3A_581 : i32 to index
      %get3A_601 = arith.constant 16 : index
      %get3A_602 = tpu.vector_load %arg10[%get3A_599, %get3A_600, %get3A_601] {strides = array<i32>} : memref<4x128x64xf32, #tpu.memory_space<vmem>>, vector<16xf32>,
      %mul3A_603 = arith.mulf %get3A_597, %get3A_602 : vector<16xf32>
      %add3A_604 = arith.addf %mul3A_592, %mul3A_603 : vector<16xf32>
      %get3A_605 = arith.constant 0 : i32
      %get3A_606 = arith.index_cast %get3A_605 : i32 to index
      %get3A_607 = arith.index_cast %add3A_581 : i32 to index
      %get3A_608 = arith.constant 32 : index
      %get3A_609 = tpu.vector_load %arg9[%get3A_606, %get3A_607, %get3A_608] {strides = array<i32>} : memref<4x128x64xf32, #tpu.memory_space<vmem>>, vector<16xf32>,
      %get3A_610 = arith.constant 0 : i32
      %get3A_611 = arith.index_cast %get3A_610 : i32 to index
      %get3A_612 = arith.index_cast %add3A_581 : i32 to index
      %get3A_613 = arith.constant 32 : index
      %get3A_614 = tpu.vector_load %arg10[%get3A_611, %get3A_612, %get3A_613] {strides = array<i32>} : memref<4x128x64xf32, #tpu.memory_space<vmem>>, vector<16xf32>,
      %mul3A_615 = arith.mulf %get3A_609, %get3A_614 : vector<16xf32>
      %add3A_616 = arith.addf %add3A_604, %mul3A_615 : vector<16xf32>
      %get3A_617 = arith.constant 0 : i32
      %get3A_618 = arith.index_cast %get3A_617 : i32 to index
      %get3A_619 = arith.index_cast %add3A_581 : i32 to index
      %get3A_620 = arith.constant 48 : index
      %get3A_621 = tpu.vector_load %arg9[%get3A_618, %get3A_619, %get3A_620] {strides = array<i32>} : memref<4x128x64xf32, #tpu.memory_space<vmem>>, vector<16xf32>,
      %get3A_622 = arith.constant 0 : i32
      %get3A_623 = arith.index_cast %get3A_622 : i32 to index
      %get3A_624 = arith.index_cast %add3A_581 : i32 to index
      %get3A_625 = arith.constant 48 : index
      %get3A_626 = tpu.vector_load %arg10[%get3A_623, %get3A_624, %get3A_625] {strides = array<i32>} : memref<4x128x64xf32, #tpu.memory_space<vmem>>, vector<16xf32>,
      %mul3A_627 = arith.mulf %get3A_621, %get3A_626 : vector<16xf32>
      %add3A_628 = arith.addf %add3A_616, %mul3A_627 : vector<16xf32>
      %reduce_sum3A_629 = arith.constant true
      %reduce_sum3A_630 = vector.broadcast %reduce_sum3A_629 : i1 to vector<16xi1>
      %reduce_sum3A_631 = tpu.scan <sum>, %add3A_628 masked %reduce_sum3A_630 : vector<16xf32>, vector<16xi1> -> vector<16xf32>
      %reduce_sum3A_632 = vector.extract %reduce_sum3A_631[15] : f32 from vector<16xf32>
      %eq3A_633 = arith.constant 6 : i32
      %eq3A_634 = vector.broadcast %eq3A_633 : i32 to vector<16xi32>
      %eq3A_635 = arith.cmpi eq, %iota3A, %eq3A_634 : vector<16xi32>
      %broadcast_in_dim3A_636 = vector.broadcast %reduce_sum3A_632 : f32 to vector<16xf32>
      %select_n3A_637 = arith.select %eq3A_635, %broadcast_in_dim3A_636, %select_n3A_577 : vector<16xi1>, vector<16xf32>
      %mul3A_638 = arith.constant 16 : i32
      %mul3A_639 = arith.muli %scan3A_218, %mul3A_638 : i32
      %add3A_640 = arith.constant 7 : i32
      %add3A_641 = arith.addi %mul3A_639, %add3A_640 : i32
      %get3A_642 = arith.constant 0 : i32
      %get3A_643 = arith.index_cast %get3A_642 : i32 to index
      %get3A_644 = arith.index_cast %add3A_641 : i32 to index
      %get3A_645 = arith.constant 0 : index
      %get3A_646 = tpu.vector_load %arg9[%get3A_643, %get3A_644, %get3A_645] {strides = array<i32>} : memref<4x128x64xf32, #tpu.memory_space<vmem>>, vector<16xf32>,
      %get3A_647 = arith.constant 0 : i32
      %get3A_648 = arith.index_cast %get3A_647 : i32 to index
      %get3A_649 = arith.index_cast %add3A_641 : i32 to index
      %get3A_650 = arith.constant 0 : index
      %get3A_651 = tpu.vector_load %arg10[%get3A_648, %get3A_649, %get3A_650] {strides = array<i32>} : memref<4x128x64xf32, #tpu.memory_space<vmem>>, vector<16xf32>,
      %mul3A_652 = arith.mulf %get3A_646, %get3A_651 : vector<16xf32>
      %get3A_653 = arith.constant 0 : i32
      %get3A_654 = arith.index_cast %get3A_653 : i32 to index
      %get3A_655 = arith.index_cast %add3A_641 : i32 to index
      %get3A_656 = arith.constant 16 : index
      %get3A_657 = tpu.vector_load %arg9[%get3A_654, %get3A_655, %get3A_656] {strides = array<i32>} : memref<4x128x64xf32, #tpu.memory_space<vmem>>, vector<16xf32>,
      %get3A_658 = arith.constant 0 : i32
      %get3A_659 = arith.index_cast %get3A_658 : i32 to index
      %get3A_660 = arith.index_cast %add3A_641 : i32 to index
      %get3A_661 = arith.constant 16 : index
      %get3A_662 = tpu.vector_load %arg10[%get3A_659, %get3A_660, %get3A_661] {strides = array<i32>} : memref<4x128x64xf32, #tpu.memory_space<vmem>>, vector<16xf32>,
      %mul3A_663 = arith.mulf %get3A_657, %get3A_662 : vector<16xf32>
      %add3A_664 = arith.addf %mul3A_652, %mul3A_663 : vector<16xf32>
      %get3A_665 = arith.constant 0 : i32
      %get3A_666 = arith.index_cast %get3A_665 : i32 to index
      %get3A_667 = arith.index_cast %add3A_641 : i32 to index
      %get3A_668 = arith.constant 32 : index
      %get3A_669 = tpu.vector_load %arg9[%get3A_666, %get3A_667, %get3A_668] {strides = array<i32>} : memref<4x128x64xf32, #tpu.memory_space<vmem>>, vector<16xf32>,
      %get3A_670 = arith.constant 0 : i32
      %get3A_671 = arith.index_cast %get3A_670 : i32 to index
      %get3A_672 = arith.index_cast %add3A_641 : i32 to index
      %get3A_673 = arith.constant 32 : index
      %get3A_674 = tpu.vector_load %arg10[%get3A_671, %get3A_672, %get3A_673] {strides = array<i32>} : memref<4x128x64xf32, #tpu.memory_space<vmem>>, vector<16xf32>,
      %mul3A_675 = arith.mulf %get3A_669, %get3A_674 : vector<16xf32>
      %add3A_676 = arith.addf %add3A_664, %mul3A_675 : vector<16xf32>
      %get3A_677 = arith.constant 0 : i32
      %get3A_678 = arith.index_cast %get3A_677 : i32 to index
      %get3A_679 = arith.index_cast %add3A_641 : i32 to index
      %get3A_680 = arith.constant 48 : index
      %get3A_681 = tpu.vector_load %arg9[%get3A_678, %get3A_679, %get3A_680] {strides = array<i32>} : memref<4x128x64xf32, #tpu.memory_space<vmem>>, vector<16xf32>,
      %get3A_682 = arith.constant 0 : i32
      %get3A_683 = arith.index_cast %get3A_682 : i32 to index
      %get3A_684 = arith.index_cast %add3A_641 : i32 to index
      %get3A_685 = arith.constant 48 : index
      %get3A_686 = tpu.vector_load %arg10[%get3A_683, %get3A_684, %get3A_685] {strides = array<i32>} : memref<4x128x64xf32, #tpu.memory_space<vmem>>, vector<16xf32>,
      %mul3A_687 = arith.mulf %get3A_681, %get3A_686 : vector<16xf32>
      %add3A_688 = arith.addf %add3A_676, %mul3A_687 : vector<16xf32>
      %reduce_sum3A_689 = arith.constant true
      %reduce_sum3A_690 = vector.broadcast %reduce_sum3A_689 : i1 to vector<16xi1>
      %reduce_sum3A_691 = tpu.scan <sum>, %add3A_688 masked %reduce_sum3A_690 : vector<16xf32>, vector<16xi1> -> vector<16xf32>
      %reduce_sum3A_692 = vector.extract %reduce_sum3A_691[15] : f32 from vector<16xf32>
      %eq3A_693 = arith.constant 7 : i32
      %eq3A_694 = vector.broadcast %eq3A_693 : i32 to vector<16xi32>
      %eq3A_695 = arith.cmpi eq, %iota3A, %eq3A_694 : vector<16xi32>
      %broadcast_in_dim3A_696 = vector.broadcast %reduce_sum3A_692 : f32 to vector<16xf32>
      %select_n3A_697 = arith.select %eq3A_695, %broadcast_in_dim3A_696, %select_n3A_637 : vector<16xi1>, vector<16xf32>
      %mul3A_698 = arith.constant 16 : i32
      %mul3A_699 = arith.muli %scan3A_218, %mul3A_698 : i32
      %add3A_700 = arith.constant 8 : i32
      %add3A_701 = arith.addi %mul3A_699, %add3A_700 : i32
      %get3A_702 = arith.constant 0 : i32
      %get3A_703 = arith.index_cast %get3A_702 : i32 to index
      %get3A_704 = arith.index_cast %add3A_701 : i32 to index
      %get3A_705 = arith.constant 0 : index
      %get3A_706 = tpu.vector_load %arg9[%get3A_703, %get3A_704, %get3A_705] {strides = array<i32>} : memref<4x128x64xf32, #tpu.memory_space<vmem>>, vector<16xf32>,
      %get3A_707 = arith.constant 0 : i32
      %get3A_708 = arith.index_cast %get3A_707 : i32 to index
      %get3A_709 = arith.index_cast %add3A_701 : i32 to index
      %get3A_710 = arith.constant 0 : index
      %get3A_711 = tpu.vector_load %arg10[%get3A_708, %get3A_709, %get3A_710] {strides = array<i32>} : memref<4x128x64xf32, #tpu.memory_space<vmem>>, vector<16xf32>,
      %mul3A_712 = arith.mulf %get3A_706, %get3A_711 : vector<16xf32>
      %get3A_713 = arith.constant 0 : i32
      %get3A_714 = arith.index_cast %get3A_713 : i32 to index
      %get3A_715 = arith.index_cast %add3A_701 : i32 to index
      %get3A_716 = arith.constant 16 : index
      %get3A_717 = tpu.vector_load %arg9[%get3A_714, %get3A_715, %get3A_716] {strides = array<i32>} : memref<4x128x64xf32, #tpu.memory_space<vmem>>, vector<16xf32>,
      %get3A_718 = arith.constant 0 : i32
      %get3A_719 = arith.index_cast %get3A_718 : i32 to index
      %get3A_720 = arith.index_cast %add3A_701 : i32 to index
      %get3A_721 = arith.constant 16 : index
      %get3A_722 = tpu.vector_load %arg10[%get3A_719, %get3A_720, %get3A_721] {strides = array<i32>} : memref<4x128x64xf32, #tpu.memory_space<vmem>>, vector<16xf32>,
      %mul3A_723 = arith.mulf %get3A_717, %get3A_722 : vector<16xf32>
      %add3A_724 = arith.addf %mul3A_712, %mul3A_723 : vector<16xf32>
      %get3A_725 = arith.constant 0 : i32
      %get3A_726 = arith.index_cast %get3A_725 : i32 to index
      %get3A_727 = arith.index_cast %add3A_701 : i32 to index
      %get3A_728 = arith.constant 32 : index
      %get3A_729 = tpu.vector_load %arg9[%get3A_726, %get3A_727, %get3A_728] {strides = array<i32>} : memref<4x128x64xf32, #tpu.memory_space<vmem>>, vector<16xf32>,
      %get3A_730 = arith.constant 0 : i32
      %get3A_731 = arith.index_cast %get3A_730 : i32 to index
      %get3A_732 = arith.index_cast %add3A_701 : i32 to index
      %get3A_733 = arith.constant 32 : index
      %get3A_734 = tpu.vector_load %arg10[%get3A_731, %get3A_732, %get3A_733] {strides = array<i32>} : memref<4x128x64xf32, #tpu.memory_space<vmem>>, vector<16xf32>,
      %mul3A_735 = arith.mulf %get3A_729, %get3A_734 : vector<16xf32>
      %add3A_736 = arith.addf %add3A_724, %mul3A_735 : vector<16xf32>
      %get3A_737 = arith.constant 0 : i32
      %get3A_738 = arith.index_cast %get3A_737 : i32 to index
      %get3A_739 = arith.index_cast %add3A_701 : i32 to index
      %get3A_740 = arith.constant 48 : index
      %get3A_741 = tpu.vector_load %arg9[%get3A_738, %get3A_739, %get3A_740] {strides = array<i32>} : memref<4x128x64xf32, #tpu.memory_space<vmem>>, vector<16xf32>,
      %get3A_742 = arith.constant 0 : i32
      %get3A_743 = arith.index_cast %get3A_742 : i32 to index
      %get3A_744 = arith.index_cast %add3A_701 : i32 to index
      %get3A_745 = arith.constant 48 : index
      %get3A_746 = tpu.vector_load %arg10[%get3A_743, %get3A_744, %get3A_745] {strides = array<i32>} : memref<4x128x64xf32, #tpu.memory_space<vmem>>, vector<16xf32>,
      %mul3A_747 = arith.mulf %get3A_741, %get3A_746 : vector<16xf32>
      %add3A_748 = arith.addf %add3A_736, %mul3A_747 : vector<16xf32>
      %reduce_sum3A_749 = arith.constant true
      %reduce_sum3A_750 = vector.broadcast %reduce_sum3A_749 : i1 to vector<16xi1>
      %reduce_sum3A_751 = tpu.scan <sum>, %add3A_748 masked %reduce_sum3A_750 : vector<16xf32>, vector<16xi1> -> vector<16xf32>
      %reduce_sum3A_752 = vector.extract %reduce_sum3A_751[15] : f32 from vector<16xf32>
      %eq3A_753 = arith.constant 8 : i32
      %eq3A_754 = vector.broadcast %eq3A_753 : i32 to vector<16xi32>
      %eq3A_755 = arith.cmpi eq, %iota3A, %eq3A_754 : vector<16xi32>
      %broadcast_in_dim3A_756 = vector.broadcast %reduce_sum3A_752 : f32 to vector<16xf32>
      %select_n3A_757 = arith.select %eq3A_755, %broadcast_in_dim3A_756, %select_n3A_697 : vector<16xi1>, vector<16xf32>
      %mul3A_758 = arith.constant 16 : i32
      %mul3A_759 = arith.muli %scan3A_218, %mul3A_758 : i32
      %add3A_760 = arith.constant 9 : i32
      %add3A_761 = arith.addi %mul3A_759, %add3A_760 : i32
      %get3A_762 = arith.constant 0 : i32
      %get3A_763 = arith.index_cast %get3A_762 : i32 to index
      %get3A_764 = arith.index_cast %add3A_761 : i32 to index
      %get3A_765 = arith.constant 0 : index
      %get3A_766 = tpu.vector_load %arg9[%get3A_763, %get3A_764, %get3A_765] {strides = array<i32>} : memref<4x128x64xf32, #tpu.memory_space<vmem>>, vector<16xf32>,
      %get3A_767 = arith.constant 0 : i32
      %get3A_768 = arith.index_cast %get3A_767 : i32 to index
      %get3A_769 = arith.index_cast %add3A_761 : i32 to index
      %get3A_770 = arith.constant 0 : index
      %get3A_771 = tpu.vector_load %arg10[%get3A_768, %get3A_769, %get3A_770] {strides = array<i32>} : memref<4x128x64xf32, #tpu.memory_space<vmem>>, vector<16xf32>,
      %mul3A_772 = arith.mulf %get3A_766, %get3A_771 : vector<16xf32>
      %get3A_773 = arith.constant 0 : i32
      %get3A_774 = arith.index_cast %get3A_773 : i32 to index
      %get3A_775 = arith.index_cast %add3A_761 : i32 to index
      %get3A_776 = arith.constant 16 : index
      %get3A_777 = tpu.vector_load %arg9[%get3A_774, %get3A_775, %get3A_776] {strides = array<i32>} : memref<4x128x64xf32, #tpu.memory_space<vmem>>, vector<16xf32>,
      %get3A_778 = arith.constant 0 : i32
      %get3A_779 = arith.index_cast %get3A_778 : i32 to index
      %get3A_780 = arith.index_cast %add3A_761 : i32 to index
      %get3A_781 = arith.constant 16 : index
      %get3A_782 = tpu.vector_load %arg10[%get3A_779, %get3A_780, %get3A_781] {strides = array<i32>} : memref<4x128x64xf32, #tpu.memory_space<vmem>>, vector<16xf32>,
      %mul3A_783 = arith.mulf %get3A_777, %get3A_782 : vector<16xf32>
      %add3A_784 = arith.addf %mul3A_772, %mul3A_783 : vector<16xf32>
      %get3A_785 = arith.constant 0 : i32
      %get3A_786 = arith.index_cast %get3A_785 : i32 to index
      %get3A_787 = arith.index_cast %add3A_761 : i32 to index
      %get3A_788 = arith.constant 32 : index
      %get3A_789 = tpu.vector_load %arg9[%get3A_786, %get3A_787, %get3A_788] {strides = array<i32>} : memref<4x128x64xf32, #tpu.memory_space<vmem>>, vector<16xf32>,
      %get3A_790 = arith.constant 0 : i32
      %get3A_791 = arith.index_cast %get3A_790 : i32 to index
      %get3A_792 = arith.index_cast %add3A_761 : i32 to index
      %get3A_793 = arith.constant 32 : index
      %get3A_794 = tpu.vector_load %arg10[%get3A_791, %get3A_792, %get3A_793] {strides = array<i32>} : memref<4x128x64xf32, #tpu.memory_space<vmem>>, vector<16xf32>,
      %mul3A_795 = arith.mulf %get3A_789, %get3A_794 : vector<16xf32>
      %add3A_796 = arith.addf %add3A_784, %mul3A_795 : vector<16xf32>
      %get3A_797 = arith.constant 0 : i32
      %get3A_798 = arith.index_cast %get3A_797 : i32 to index
      %get3A_799 = arith.index_cast %add3A_761 : i32 to index
      %get3A_800 = arith.constant 48 : index
      %get3A_801 = tpu.vector_load %arg9[%get3A_798, %get3A_799, %get3A_800] {strides = array<i32>} : memref<4x128x64xf32, #tpu.memory_space<vmem>>, vector<16xf32>,
      %get3A_802 = arith.constant 0 : i32
      %get3A_803 = arith.index_cast %get3A_802 : i32 to index
      %get3A_804 = arith.index_cast %add3A_761 : i32 to index
      %get3A_805 = arith.constant 48 : index
      %get3A_806 = tpu.vector_load %arg10[%get3A_803, %get3A_804, %get3A_805] {strides = array<i32>} : memref<4x128x64xf32, #tpu.memory_space<vmem>>, vector<16xf32>,
      %mul3A_807 = arith.mulf %get3A_801, %get3A_806 : vector<16xf32>
      %add3A_808 = arith.addf %add3A_796, %mul3A_807 : vector<16xf32>
      %reduce_sum3A_809 = arith.constant true
      %reduce_sum3A_810 = vector.broadcast %reduce_sum3A_809 : i1 to vector<16xi1>
      %reduce_sum3A_811 = tpu.scan <sum>, %add3A_808 masked %reduce_sum3A_810 : vector<16xf32>, vector<16xi1> -> vector<16xf32>
      %reduce_sum3A_812 = vector.extract %reduce_sum3A_811[15] : f32 from vector<16xf32>
      %eq3A_813 = arith.constant 9 : i32
      %eq3A_814 = vector.broadcast %eq3A_813 : i32 to vector<16xi32>
      %eq3A_815 = arith.cmpi eq, %iota3A, %eq3A_814 : vector<16xi32>
      %broadcast_in_dim3A_816 = vector.broadcast %reduce_sum3A_812 : f32 to vector<16xf32>
      %select_n3A_817 = arith.select %eq3A_815, %broadcast_in_dim3A_816, %select_n3A_757 : vector<16xi1>, vector<16xf32>
      %mul3A_818 = arith.constant 16 : i32
      %mul3A_819 = arith.muli %scan3A_218, %mul3A_818 : i32
      %add3A_820 = arith.constant 10 : i32
      %add3A_821 = arith.addi %mul3A_819, %add3A_820 : i32
      %get3A_822 = arith.constant 0 : i32
      %get3A_823 = arith.index_cast %get3A_822 : i32 to index
      %get3A_824 = arith.index_cast %add3A_821 : i32 to index
      %get3A_825 = arith.constant 0 : index
      %get3A_826 = tpu.vector_load %arg9[%get3A_823, %get3A_824, %get3A_825] {strides = array<i32>} : memref<4x128x64xf32, #tpu.memory_space<vmem>>, vector<16xf32>,
      %get3A_827 = arith.constant 0 : i32
      %get3A_828 = arith.index_cast %get3A_827 : i32 to index
      %get3A_829 = arith.index_cast %add3A_821 : i32 to index
      %get3A_830 = arith.constant 0 : index
      %get3A_831 = tpu.vector_load %arg10[%get3A_828, %get3A_829, %get3A_830] {strides = array<i32>} : memref<4x128x64xf32, #tpu.memory_space<vmem>>, vector<16xf32>,
      %mul3A_832 = arith.mulf %get3A_826, %get3A_831 : vector<16xf32>
      %get3A_833 = arith.constant 0 : i32
      %get3A_834 = arith.index_cast %get3A_833 : i32 to index
      %get3A_835 = arith.index_cast %add3A_821 : i32 to index
      %get3A_836 = arith.constant 16 : index
      %get3A_837 = tpu.vector_load %arg9[%get3A_834, %get3A_835, %get3A_836] {strides = array<i32>} : memref<4x128x64xf32, #tpu.memory_space<vmem>>, vector<16xf32>,
      %get3A_838 = arith.constant 0 : i32
      %get3A_839 = arith.index_cast %get3A_838 : i32 to index
      %get3A_840 = arith.index_cast %add3A_821 : i32 to index
      %get3A_841 = arith.constant 16 : index
      %get3A_842 = tpu.vector_load %arg10[%get3A_839, %get3A_840, %get3A_841] {strides = array<i32>} : memref<4x128x64xf32, #tpu.memory_space<vmem>>, vector<16xf32>,
      %mul3A_843 = arith.mulf %get3A_837, %get3A_842 : vector<16xf32>
      %add3A_844 = arith.addf %mul3A_832, %mul3A_843 : vector<16xf32>
      %get3A_845 = arith.constant 0 : i32
      %get3A_846 = arith.index_cast %get3A_845 : i32 to index
      %get3A_847 = arith.index_cast %add3A_821 : i32 to index
      %get3A_848 = arith.constant 32 : index
      %get3A_849 = tpu.vector_load %arg9[%get3A_846, %get3A_847, %get3A_848] {strides = array<i32>} : memref<4x128x64xf32, #tpu.memory_space<vmem>>, vector<16xf32>,
      %get3A_850 = arith.constant 0 : i32
      %get3A_851 = arith.index_cast %get3A_850 : i32 to index
      %get3A_852 = arith.index_cast %add3A_821 : i32 to index
      %get3A_853 = arith.constant 32 : index
      %get3A_854 = tpu.vector_load %arg10[%get3A_851, %get3A_852, %get3A_853] {strides = array<i32>} : memref<4x128x64xf32, #tpu.memory_space<vmem>>, vector<16xf32>,
      %mul3A_855 = arith.mulf %get3A_849, %get3A_854 : vector<16xf32>
      %add3A_856 = arith.addf %add3A_844, %mul3A_855 : vector<16xf32>
      %get3A_857 = arith.constant 0 : i32
      %get3A_858 = arith.index_cast %get3A_857 : i32 to index
      %get3A_859 = arith.index_cast %add3A_821 : i32 to index
      %get3A_860 = arith.constant 48 : index
      %get3A_861 = tpu.vector_load %arg9[%get3A_858, %get3A_859, %get3A_860] {strides = array<i32>} : memref<4x128x64xf32, #tpu.memory_space<vmem>>, vector<16xf32>,
      %get3A_862 = arith.constant 0 : i32
      %get3A_863 = arith.index_cast %get3A_862 : i32 to index
      %get3A_864 = arith.index_cast %add3A_821 : i32 to index
      %get3A_865 = arith.constant 48 : index
      %get3A_866 = tpu.vector_load %arg10[%get3A_863, %get3A_864, %get3A_865] {strides = array<i32>} : memref<4x128x64xf32, #tpu.memory_space<vmem>>, vector<16xf32>,
      %mul3A_867 = arith.mulf %get3A_861, %get3A_866 : vector<16xf32>
      %add3A_868 = arith.addf %add3A_856, %mul3A_867 : vector<16xf32>
      %reduce_sum3A_869 = arith.constant true
      %reduce_sum3A_870 = vector.broadcast %reduce_sum3A_869 : i1 to vector<16xi1>
      %reduce_sum3A_871 = tpu.scan <sum>, %add3A_868 masked %reduce_sum3A_870 : vector<16xf32>, vector<16xi1> -> vector<16xf32>
      %reduce_sum3A_872 = vector.extract %reduce_sum3A_871[15] : f32 from vector<16xf32>
      %eq3A_873 = arith.constant 10 : i32
      %eq3A_874 = vector.broadcast %eq3A_873 : i32 to vector<16xi32>
      %eq3A_875 = arith.cmpi eq, %iota3A, %eq3A_874 : vector<16xi32>
      %broadcast_in_dim3A_876 = vector.broadcast %reduce_sum3A_872 : f32 to vector<16xf32>
      %select_n3A_877 = arith.select %eq3A_875, %broadcast_in_dim3A_876, %select_n3A_817 : vector<16xi1>, vector<16xf32>
      %mul3A_878 = arith.constant 16 : i32
      %mul3A_879 = arith.muli %scan3A_218, %mul3A_878 : i32
      %add3A_880 = arith.constant 11 : i32
      %add3A_881 = arith.addi %mul3A_879, %add3A_880 : i32
      %get3A_882 = arith.constant 0 : i32
      %get3A_883 = arith.index_cast %get3A_882 : i32 to index
      %get3A_884 = arith.index_cast %add3A_881 : i32 to index
      %get3A_885 = arith.constant 0 : index
      %get3A_886 = tpu.vector_load %arg9[%get3A_883, %get3A_884, %get3A_885] {strides = array<i32>} : memref<4x128x64xf32, #tpu.memory_space<vmem>>, vector<16xf32>,
      %get3A_887 = arith.constant 0 : i32
      %get3A_888 = arith.index_cast %get3A_887 : i32 to index
      %get3A_889 = arith.index_cast %add3A_881 : i32 to index
      %get3A_890 = arith.constant 0 : index
      %get3A_891 = tpu.vector_load %arg10[%get3A_888, %get3A_889, %get3A_890] {strides = array<i32>} : memref<4x128x64xf32, #tpu.memory_space<vmem>>, vector<16xf32>,
      %mul3A_892 = arith.mulf %get3A_886, %get3A_891 : vector<16xf32>
      %get3A_893 = arith.constant 0 : i32
      %get3A_894 = arith.index_cast %get3A_893 : i32 to index
      %get3A_895 = arith.index_cast %add3A_881 : i32 to index
      %get3A_896 = arith.constant 16 : index
      %get3A_897 = tpu.vector_load %arg9[%get3A_894, %get3A_895, %get3A_896] {strides = array<i32>} : memref<4x128x64xf32, #tpu.memory_space<vmem>>, vector<16xf32>,
      %get3A_898 = arith.constant 0 : i32
      %get3A_899 = arith.index_cast %get3A_898 : i32 to index
      %get3A_900 = arith.index_cast %add3A_881 : i32 to index
      %get3A_901 = arith.constant 16 : index
      %get3A_902 = tpu.vector_load %arg10[%get3A_899, %get3A_900, %get3A_901] {strides = array<i32>} : memref<4x128x64xf32, #tpu.memory_space<vmem>>, vector<16xf32>,
      %mul3A_903 = arith.mulf %get3A_897, %get3A_902 : vector<16xf32>
      %add3A_904 = arith.addf %mul3A_892, %mul3A_903 : vector<16xf32>
      %get3A_905 = arith.constant 0 : i32
      %get3A_906 = arith.index_cast %get3A_905 : i32 to index
      %get3A_907 = arith.index_cast %add3A_881 : i32 to index
      %get3A_908 = arith.constant 32 : index
      %get3A_909 = tpu.vector_load %arg9[%get3A_906, %get3A_907, %get3A_908] {strides = array<i32>} : memref<4x128x64xf32, #tpu.memory_space<vmem>>, vector<16xf32>,
      %get3A_910 = arith.constant 0 : i32
      %get3A_911 = arith.index_cast %get3A_910 : i32 to index
      %get3A_912 = arith.index_cast %add3A_881 : i32 to index
      %get3A_913 = arith.constant 32 : index
      %get3A_914 = tpu.vector_load %arg10[%get3A_911, %get3A_912, %get3A_913] {strides = array<i32>} : memref<4x128x64xf32, #tpu.memory_space<vmem>>, vector<16xf32>,
      %mul3A_915 = arith.mulf %get3A_909, %get3A_914 : vector<16xf32>
      %add3A_916 = arith.addf %add3A_904, %mul3A_915 : vector<16xf32>
      %get3A_917 = arith.constant 0 : i32
      %get3A_918 = arith.index_cast %get3A_917 : i32 to index
      %get3A_919 = arith.index_cast %add3A_881 : i32 to index
      %get3A_920 = arith.constant 48 : index
      %get3A_921 = tpu.vector_load %arg9[%get3A_918, %get3A_919, %get3A_920] {strides = array<i32>} : memref<4x128x64xf32, #tpu.memory_space<vmem>>, vector<16xf32>,
      %get3A_922 = arith.constant 0 : i32
      %get3A_923 = arith.index_cast %get3A_922 : i32 to index
      %get3A_924 = arith.index_cast %add3A_881 : i32 to index
      %get3A_925 = arith.constant 48 : index
      %get3A_926 = tpu.vector_load %arg10[%get3A_923, %get3A_924, %get3A_925] {strides = array<i32>} : memref<4x128x64xf32, #tpu.memory_space<vmem>>, vector<16xf32>,
      %mul3A_927 = arith.mulf %get3A_921, %get3A_926 : vector<16xf32>
      %add3A_928 = arith.addf %add3A_916, %mul3A_927 : vector<16xf32>
      %reduce_sum3A_929 = arith.constant true
      %reduce_sum3A_930 = vector.broadcast %reduce_sum3A_929 : i1 to vector<16xi1>
      %reduce_sum3A_931 = tpu.scan <sum>, %add3A_928 masked %reduce_sum3A_930 : vector<16xf32>, vector<16xi1> -> vector<16xf32>
      %reduce_sum3A_932 = vector.extract %reduce_sum3A_931[15] : f32 from vector<16xf32>
      %eq3A_933 = arith.constant 11 : i32
      %eq3A_934 = vector.broadcast %eq3A_933 : i32 to vector<16xi32>
      %eq3A_935 = arith.cmpi eq, %iota3A, %eq3A_934 : vector<16xi32>
      %broadcast_in_dim3A_936 = vector.broadcast %reduce_sum3A_932 : f32 to vector<16xf32>
      %select_n3A_937 = arith.select %eq3A_935, %broadcast_in_dim3A_936, %select_n3A_877 : vector<16xi1>, vector<16xf32>
      %mul3A_938 = arith.constant 16 : i32
      %mul3A_939 = arith.muli %scan3A_218, %mul3A_938 : i32
      %add3A_940 = arith.constant 12 : i32
      %add3A_941 = arith.addi %mul3A_939, %add3A_940 : i32
      %get3A_942 = arith.constant 0 : i32
      %get3A_943 = arith.index_cast %get3A_942 : i32 to index
      %get3A_944 = arith.index_cast %add3A_941 : i32 to index
      %get3A_945 = arith.constant 0 : index
      %get3A_946 = tpu.vector_load %arg9[%get3A_943, %get3A_944, %get3A_945] {strides = array<i32>} : memref<4x128x64xf32, #tpu.memory_space<vmem>>, vector<16xf32>,
      %get3A_947 = arith.constant 0 : i32
      %get3A_948 = arith.index_cast %get3A_947 : i32 to index
      %get3A_949 = arith.index_cast %add3A_941 : i32 to index
      %get3A_950 = arith.constant 0 : index
      %get3A_951 = tpu.vector_load %arg10[%get3A_948, %get3A_949, %get3A_950] {strides = array<i32>} : memref<4x128x64xf32, #tpu.memory_space<vmem>>, vector<16xf32>,
      %mul3A_952 = arith.mulf %get3A_946, %get3A_951 : vector<16xf32>
      %get3A_953 = arith.constant 0 : i32
      %get3A_954 = arith.index_cast %get3A_953 : i32 to index
      %get3A_955 = arith.index_cast %add3A_941 : i32 to index
      %get3A_956 = arith.constant 16 : index
      %get3A_957 = tpu.vector_load %arg9[%get3A_954, %get3A_955, %get3A_956] {strides = array<i32>} : memref<4x128x64xf32, #tpu.memory_space<vmem>>, vector<16xf32>,
      %get3A_958 = arith.constant 0 : i32
      %get3A_959 = arith.index_cast %get3A_958 : i32 to index
      %get3A_960 = arith.index_cast %add3A_941 : i32 to index
      %get3A_961 = arith.constant 16 : index
      %get3A_962 = tpu.vector_load %arg10[%get3A_959, %get3A_960, %get3A_961] {strides = array<i32>} : memref<4x128x64xf32, #tpu.memory_space<vmem>>, vector<16xf32>,
      %mul3A_963 = arith.mulf %get3A_957, %get3A_962 : vector<16xf32>
      %add3A_964 = arith.addf %mul3A_952, %mul3A_963 : vector<16xf32>
      %get3A_965 = arith.constant 0 : i32
      %get3A_966 = arith.index_cast %get3A_965 : i32 to index
      %get3A_967 = arith.index_cast %add3A_941 : i32 to index
      %get3A_968 = arith.constant 32 : index
      %get3A_969 = tpu.vector_load %arg9[%get3A_966, %get3A_967, %get3A_968] {strides = array<i32>} : memref<4x128x64xf32, #tpu.memory_space<vmem>>, vector<16xf32>,
      %get3A_970 = arith.constant 0 : i32
      %get3A_971 = arith.index_cast %get3A_970 : i32 to index
      %get3A_972 = arith.index_cast %add3A_941 : i32 to index
      %get3A_973 = arith.constant 32 : index
      %get3A_974 = tpu.vector_load %arg10[%get3A_971, %get3A_972, %get3A_973] {strides = array<i32>} : memref<4x128x64xf32, #tpu.memory_space<vmem>>, vector<16xf32>,
      %mul3A_975 = arith.mulf %get3A_969, %get3A_974 : vector<16xf32>
      %add3A_976 = arith.addf %add3A_964, %mul3A_975 : vector<16xf32>
      %get3A_977 = arith.constant 0 : i32
      %get3A_978 = arith.index_cast %get3A_977 : i32 to index
      %get3A_979 = arith.index_cast %add3A_941 : i32 to index
      %get3A_980 = arith.constant 48 : index
      %get3A_981 = tpu.vector_load %arg9[%get3A_978, %get3A_979, %get3A_980] {strides = array<i32>} : memref<4x128x64xf32, #tpu.memory_space<vmem>>, vector<16xf32>,
      %get3A_982 = arith.constant 0 : i32
      %get3A_983 = arith.index_cast %get3A_982 : i32 to index
      %get3A_984 = arith.index_cast %add3A_941 : i32 to index
      %get3A_985 = arith.constant 48 : index
      %get3A_986 = tpu.vector_load %arg10[%get3A_983, %get3A_984, %get3A_985] {strides = array<i32>} : memref<4x128x64xf32, #tpu.memory_space<vmem>>, vector<16xf32>,
      %mul3A_987 = arith.mulf %get3A_981, %get3A_986 : vector<16xf32>
      %add3A_988 = arith.addf %add3A_976, %mul3A_987 : vector<16xf32>
      %reduce_sum3A_989 = arith.constant true
      %reduce_sum3A_990 = vector.broadcast %reduce_sum3A_989 : i1 to vector<16xi1>
      %reduce_sum3A_991 = tpu.scan <sum>, %add3A_988 masked %reduce_sum3A_990 : vector<16xf32>, vector<16xi1> -> vector<16xf32>
      %reduce_sum3A_992 = vector.extract %reduce_sum3A_991[15] : f32 from vector<16xf32>
      %eq3A_993 = arith.constant 12 : i32
      %eq3A_994 = vector.broadcast %eq3A_993 : i32 to vector<16xi32>
      %eq3A_995 = arith.cmpi eq, %iota3A, %eq3A_994 : vector<16xi32>
      %broadcast_in_dim3A_996 = vector.broadcast %reduce_sum3A_992 : f32 to vector<16xf32>
      %select_n3A_997 = arith.select %eq3A_995, %broadcast_in_dim3A_996, %select_n3A_937 : vector<16xi1>, vector<16xf32>
      %mul3A_998 = arith.constant 16 : i32
      %mul3A_999 = arith.muli %scan3A_218, %mul3A_998 : i32
      %add3A_1000 = arith.constant 13 : i32
      %add3A_1001 = arith.addi %mul3A_999, %add3A_1000 : i32
      %get3A_1002 = arith.constant 0 : i32
      %get3A_1003 = arith.index_cast %get3A_1002 : i32 to index
      %get3A_1004 = arith.index_cast %add3A_1001 : i32 to index
      %get3A_1005 = arith.constant 0 : index
      %get3A_1006 = tpu.vector_load %arg9[%get3A_1003, %get3A_1004, %get3A_1005] {strides = array<i32>} : memref<4x128x64xf32, #tpu.memory_space<vmem>>, vector<16xf32>,
      %get3A_1007 = arith.constant 0 : i32
      %get3A_1008 = arith.index_cast %get3A_1007 : i32 to index
      %get3A_1009 = arith.index_cast %add3A_1001 : i32 to index
      %get3A_1010 = arith.constant 0 : index
      %get3A_1011 = tpu.vector_load %arg10[%get3A_1008, %get3A_1009, %get3A_1010] {strides = array<i32>} : memref<4x128x64xf32, #tpu.memory_space<vmem>>, vector<16xf32>,
      %mul3A_1012 = arith.mulf %get3A_1006, %get3A_1011 : vector<16xf32>
      %get3A_1013 = arith.constant 0 : i32
      %get3A_1014 = arith.index_cast %get3A_1013 : i32 to index
      %get3A_1015 = arith.index_cast %add3A_1001 : i32 to index
      %get3A_1016 = arith.constant 16 : index
      %get3A_1017 = tpu.vector_load %arg9[%get3A_1014, %get3A_1015, %get3A_1016] {strides = array<i32>} : memref<4x128x64xf32, #tpu.memory_space<vmem>>, vector<16xf32>,
      %get3A_1018 = arith.constant 0 : i32
      %get3A_1019 = arith.index_cast %get3A_1018 : i32 to index
      %get3A_1020 = arith.index_cast %add3A_1001 : i32 to index
      %get3A_1021 = arith.constant 16 : index
      %get3A_1022 = tpu.vector_load %arg10[%get3A_1019, %get3A_1020, %get3A_1021] {strides = array<i32>} : memref<4x128x64xf32, #tpu.memory_space<vmem>>, vector<16xf32>,
      %mul3A_1023 = arith.mulf %get3A_1017, %get3A_1022 : vector<16xf32>
      %add3A_1024 = arith.addf %mul3A_1012, %mul3A_1023 : vector<16xf32>
      %get3A_1025 = arith.constant 0 : i32
      %get3A_1026 = arith.index_cast %get3A_1025 : i32 to index
      %get3A_1027 = arith.index_cast %add3A_1001 : i32 to index
      %get3A_1028 = arith.constant 32 : index
      %get3A_1029 = tpu.vector_load %arg9[%get3A_1026, %get3A_1027, %get3A_1028] {strides = array<i32>} : memref<4x128x64xf32, #tpu.memory_space<vmem>>, vector<16xf32>,
      %get3A_1030 = arith.constant 0 : i32
      %get3A_1031 = arith.index_cast %get3A_1030 : i32 to index
      %get3A_1032 = arith.index_cast %add3A_1001 : i32 to index
      %get3A_1033 = arith.constant 32 : index
      %get3A_1034 = tpu.vector_load %arg10[%get3A_1031, %get3A_1032, %get3A_1033] {strides = array<i32>} : memref<4x128x64xf32, #tpu.memory_space<vmem>>, vector<16xf32>,
      %mul3A_1035 = arith.mulf %get3A_1029, %get3A_1034 : vector<16xf32>
      %add3A_1036 = arith.addf %add3A_1024, %mul3A_1035 : vector<16xf32>
      %get3A_1037 = arith.constant 0 : i32
      %get3A_1038 = arith.index_cast %get3A_1037 : i32 to index
      %get3A_1039 = arith.index_cast %add3A_1001 : i32 to index
      %get3A_1040 = arith.constant 48 : index
      %get3A_1041 = tpu.vector_load %arg9[%get3A_1038, %get3A_1039, %get3A_1040] {strides = array<i32>} : memref<4x128x64xf32, #tpu.memory_space<vmem>>, vector<16xf32>,
      %get3A_1042 = arith.constant 0 : i32
      %get3A_1043 = arith.index_cast %get3A_1042 : i32 to index
      %get3A_1044 = arith.index_cast %add3A_1001 : i32 to index
      %get3A_1045 = arith.constant 48 : index
      %get3A_1046 = tpu.vector_load %arg10[%get3A_1043, %get3A_1044, %get3A_1045] {strides = array<i32>} : memref<4x128x64xf32, #tpu.memory_space<vmem>>, vector<16xf32>,
      %mul3A_1047 = arith.mulf %get3A_1041, %get3A_1046 : vector<16xf32>
      %add3A_1048 = arith.addf %add3A_1036, %mul3A_1047 : vector<16xf32>
      %reduce_sum3A_1049 = arith.constant true
      %reduce_sum3A_1050 = vector.broadcast %reduce_sum3A_1049 : i1 to vector<16xi1>
      %reduce_sum3A_1051 = tpu.scan <sum>, %add3A_1048 masked %reduce_sum3A_1050 : vector<16xf32>, vector<16xi1> -> vector<16xf32>
      %reduce_sum3A_1052 = vector.extract %reduce_sum3A_1051[15] : f32 from vector<16xf32>
      %eq3A_1053 = arith.constant 13 : i32
      %eq3A_1054 = vector.broadcast %eq3A_1053 : i32 to vector<16xi32>
      %eq3A_1055 = arith.cmpi eq, %iota3A, %eq3A_1054 : vector<16xi32>
      %broadcast_in_dim3A_1056 = vector.broadcast %reduce_sum3A_1052 : f32 to vector<16xf32>
      %select_n3A_1057 = arith.select %eq3A_1055, %broadcast_in_dim3A_1056, %select_n3A_997 : vector<16xi1>, vector<16xf32>
      %mul3A_1058 = arith.constant 16 : i32
      %mul3A_1059 = arith.muli %scan3A_218, %mul3A_1058 : i32
      %add3A_1060 = arith.constant 14 : i32
      %add3A_1061 = arith.addi %mul3A_1059, %add3A_1060 : i32
      %get3A_1062 = arith.constant 0 : i32
      %get3A_1063 = arith.index_cast %get3A_1062 : i32 to index
      %get3A_1064 = arith.index_cast %add3A_1061 : i32 to index
      %get3A_1065 = arith.constant 0 : index
      %get3A_1066 = tpu.vector_load %arg9[%get3A_1063, %get3A_1064, %get3A_1065] {strides = array<i32>} : memref<4x128x64xf32, #tpu.memory_space<vmem>>, vector<16xf32>,
      %get3A_1067 = arith.constant 0 : i32
      %get3A_1068 = arith.index_cast %get3A_1067 : i32 to index
      %get3A_1069 = arith.index_cast %add3A_1061 : i32 to index
      %get3A_1070 = arith.constant 0 : index
      %get3A_1071 = tpu.vector_load %arg10[%get3A_1068, %get3A_1069, %get3A_1070] {strides = array<i32>} : memref<4x128x64xf32, #tpu.memory_space<vmem>>, vector<16xf32>,
      %mul3A_1072 = arith.mulf %get3A_1066, %get3A_1071 : vector<16xf32>
      %get3A_1073 = arith.constant 0 : i32
      %get3A_1074 = arith.index_cast %get3A_1073 : i32 to index
      %get3A_1075 = arith.index_cast %add3A_1061 : i32 to index
      %get3A_1076 = arith.constant 16 : index
      %get3A_1077 = tpu.vector_load %arg9[%get3A_1074, %get3A_1075, %get3A_1076] {strides = array<i32>} : memref<4x128x64xf32, #tpu.memory_space<vmem>>, vector<16xf32>,
      %get3A_1078 = arith.constant 0 : i32
      %get3A_1079 = arith.index_cast %get3A_1078 : i32 to index
      %get3A_1080 = arith.index_cast %add3A_1061 : i32 to index
      %get3A_1081 = arith.constant 16 : index
      %get3A_1082 = tpu.vector_load %arg10[%get3A_1079, %get3A_1080, %get3A_1081] {strides = array<i32>} : memref<4x128x64xf32, #tpu.memory_space<vmem>>, vector<16xf32>,
      %mul3A_1083 = arith.mulf %get3A_1077, %get3A_1082 : vector<16xf32>
      %add3A_1084 = arith.addf %mul3A_1072, %mul3A_1083 : vector<16xf32>
      %get3A_1085 = arith.constant 0 : i32
      %get3A_1086 = arith.index_cast %get3A_1085 : i32 to index
      %get3A_1087 = arith.index_cast %add3A_1061 : i32 to index
      %get3A_1088 = arith.constant 32 : index
      %get3A_1089 = tpu.vector_load %arg9[%get3A_1086, %get3A_1087, %get3A_1088] {strides = array<i32>} : memref<4x128x64xf32, #tpu.memory_space<vmem>>, vector<16xf32>,
      %get3A_1090 = arith.constant 0 : i32
      %get3A_1091 = arith.index_cast %get3A_1090 : i32 to index
      %get3A_1092 = arith.index_cast %add3A_1061 : i32 to index
      %get3A_1093 = arith.constant 32 : index
      %get3A_1094 = tpu.vector_load %arg10[%get3A_1091, %get3A_1092, %get3A_1093] {strides = array<i32>} : memref<4x128x64xf32, #tpu.memory_space<vmem>>, vector<16xf32>,
      %mul3A_1095 = arith.mulf %get3A_1089, %get3A_1094 : vector<16xf32>
      %add3A_1096 = arith.addf %add3A_1084, %mul3A_1095 : vector<16xf32>
      %get3A_1097 = arith.constant 0 : i32
      %get3A_1098 = arith.index_cast %get3A_1097 : i32 to index
      %get3A_1099 = arith.index_cast %add3A_1061 : i32 to index
      %get3A_1100 = arith.constant 48 : index
      %get3A_1101 = tpu.vector_load %arg9[%get3A_1098, %get3A_1099, %get3A_1100] {strides = array<i32>} : memref<4x128x64xf32, #tpu.memory_space<vmem>>, vector<16xf32>,
      %get3A_1102 = arith.constant 0 : i32
      %get3A_1103 = arith.index_cast %get3A_1102 : i32 to index
      %get3A_1104 = arith.index_cast %add3A_1061 : i32 to index
      %get3A_1105 = arith.constant 48 : index
      %get3A_1106 = tpu.vector_load %arg10[%get3A_1103, %get3A_1104, %get3A_1105] {strides = array<i32>} : memref<4x128x64xf32, #tpu.memory_space<vmem>>, vector<16xf32>,
      %mul3A_1107 = arith.mulf %get3A_1101, %get3A_1106 : vector<16xf32>
      %add3A_1108 = arith.addf %add3A_1096, %mul3A_1107 : vector<16xf32>
      %reduce_sum3A_1109 = arith.constant true
      %reduce_sum3A_1110 = vector.broadcast %reduce_sum3A_1109 : i1 to vector<16xi1>
      %reduce_sum3A_1111 = tpu.scan <sum>, %add3A_1108 masked %reduce_sum3A_1110 : vector<16xf32>, vector<16xi1> -> vector<16xf32>
      %reduce_sum3A_1112 = vector.extract %reduce_sum3A_1111[15] : f32 from vector<16xf32>
      %eq3A_1113 = arith.constant 14 : i32
      %eq3A_1114 = vector.broadcast %eq3A_1113 : i32 to vector<16xi32>
      %eq3A_1115 = arith.cmpi eq, %iota3A, %eq3A_1114 : vector<16xi32>
      %broadcast_in_dim3A_1116 = vector.broadcast %reduce_sum3A_1112 : f32 to vector<16xf32>
      %select_n3A_1117 = arith.select %eq3A_1115, %broadcast_in_dim3A_1116, %select_n3A_1057 : vector<16xi1>, vector<16xf32>
      %mul3A_1118 = arith.constant 16 : i32
      %mul3A_1119 = arith.muli %scan3A_218, %mul3A_1118 : i32
      %add3A_1120 = arith.constant 15 : i32
      %add3A_1121 = arith.addi %mul3A_1119, %add3A_1120 : i32
      %get3A_1122 = arith.constant 0 : i32
      %get3A_1123 = arith.index_cast %get3A_1122 : i32 to index
      %get3A_1124 = arith.index_cast %add3A_1121 : i32 to index
      %get3A_1125 = arith.constant 0 : index
      %get3A_1126 = tpu.vector_load %arg9[%get3A_1123, %get3A_1124, %get3A_1125] {strides = array<i32>} : memref<4x128x64xf32, #tpu.memory_space<vmem>>, vector<16xf32>,
      %get3A_1127 = arith.constant 0 : i32
      %get3A_1128 = arith.index_cast %get3A_1127 : i32 to index
      %get3A_1129 = arith.index_cast %add3A_1121 : i32 to index
      %get3A_1130 = arith.constant 0 : index
      %get3A_1131 = tpu.vector_load %arg10[%get3A_1128, %get3A_1129, %get3A_1130] {strides = array<i32>} : memref<4x128x64xf32, #tpu.memory_space<vmem>>, vector<16xf32>,
      %mul3A_1132 = arith.mulf %get3A_1126, %get3A_1131 : vector<16xf32>
      %get3A_1133 = arith.constant 0 : i32
      %get3A_1134 = arith.index_cast %get3A_1133 : i32 to index
      %get3A_1135 = arith.index_cast %add3A_1121 : i32 to index
      %get3A_1136 = arith.constant 16 : index
      %get3A_1137 = tpu.vector_load %arg9[%get3A_1134, %get3A_1135, %get3A_1136] {strides = array<i32>} : memref<4x128x64xf32, #tpu.memory_space<vmem>>, vector<16xf32>,
      %get3A_1138 = arith.constant 0 : i32
      %get3A_1139 = arith.index_cast %get3A_1138 : i32 to index
      %get3A_1140 = arith.index_cast %add3A_1121 : i32 to index
      %get3A_1141 = arith.constant 16 : index
      %get3A_1142 = tpu.vector_load %arg10[%get3A_1139, %get3A_1140, %get3A_1141] {strides = array<i32>} : memref<4x128x64xf32, #tpu.memory_space<vmem>>, vector<16xf32>,
      %mul3A_1143 = arith.mulf %get3A_1137, %get3A_1142 : vector<16xf32>
      %add3A_1144 = arith.addf %mul3A_1132, %mul3A_1143 : vector<16xf32>
      %get3A_1145 = arith.constant 0 : i32
      %get3A_1146 = arith.index_cast %get3A_1145 : i32 to index
      %get3A_1147 = arith.index_cast %add3A_1121 : i32 to index
      %get3A_1148 = arith.constant 32 : index
      %get3A_1149 = tpu.vector_load %arg9[%get3A_1146, %get3A_1147, %get3A_1148] {strides = array<i32>} : memref<4x128x64xf32, #tpu.memory_space<vmem>>, vector<16xf32>,
      %get3A_1150 = arith.constant 0 : i32
      %get3A_1151 = arith.index_cast %get3A_1150 : i32 to index
      %get3A_1152 = arith.index_cast %add3A_1121 : i32 to index
      %get3A_1153 = arith.constant 32 : index
      %get3A_1154 = tpu.vector_load %arg10[%get3A_1151, %get3A_1152, %get3A_1153] {strides = array<i32>} : memref<4x128x64xf32, #tpu.memory_space<vmem>>, vector<16xf32>,
      %mul3A_1155 = arith.mulf %get3A_1149, %get3A_1154 : vector<16xf32>
      %add3A_1156 = arith.addf %add3A_1144, %mul3A_1155 : vector<16xf32>
      %get3A_1157 = arith.constant 0 : i32
      %get3A_1158 = arith.index_cast %get3A_1157 : i32 to index
      %get3A_1159 = arith.index_cast %add3A_1121 : i32 to index
      %get3A_1160 = arith.constant 48 : index
      %get3A_1161 = tpu.vector_load %arg9[%get3A_1158, %get3A_1159, %get3A_1160] {strides = array<i32>} : memref<4x128x64xf32, #tpu.memory_space<vmem>>, vector<16xf32>,
      %get3A_1162 = arith.constant 0 : i32
      %get3A_1163 = arith.index_cast %get3A_1162 : i32 to index
      %get3A_1164 = arith.index_cast %add3A_1121 : i32 to index
      %get3A_1165 = arith.constant 48 : index
      %get3A_1166 = tpu.vector_load %arg10[%get3A_1163, %get3A_1164, %get3A_1165] {strides = array<i32>} : memref<4x128x64xf32, #tpu.memory_space<vmem>>, vector<16xf32>,
      %mul3A_1167 = arith.mulf %get3A_1161, %get3A_1166 : vector<16xf32>
      %add3A_1168 = arith.addf %add3A_1156, %mul3A_1167 : vector<16xf32>
      %reduce_sum3A_1169 = arith.constant true
      %reduce_sum3A_1170 = vector.broadcast %reduce_sum3A_1169 : i1 to vector<16xi1>
      %reduce_sum3A_1171 = tpu.scan <sum>, %add3A_1168 masked %reduce_sum3A_1170 : vector<16xf32>, vector<16xi1> -> vector<16xf32>
      %reduce_sum3A_1172 = vector.extract %reduce_sum3A_1171[15] : f32 from vector<16xf32>
      %eq3A_1173 = arith.constant 15 : i32
      %eq3A_1174 = vector.broadcast %eq3A_1173 : i32 to vector<16xi32>
      %eq3A_1175 = arith.cmpi eq, %iota3A, %eq3A_1174 : vector<16xi32>
      %broadcast_in_dim3A_1176 = vector.broadcast %reduce_sum3A_1172 : f32 to vector<16xf32>
      %select_n3A_1177 = arith.select %eq3A_1175, %broadcast_in_dim3A_1176, %select_n3A_1117 : vector<16xi1>, vector<16xf32>
      %abs3A = math.absf %select_n3A_1177 : vector<16xf32>
      %neg3A = arith.constant 0.000000e+00 : f32
      %neg3A_1178 = vector.broadcast %neg3A : f32 to vector<16xf32>
      %neg3A_1179 = arith.subf %neg3A_1178, %abs3A : vector<16xf32>
      %exp3A = math.exp %neg3A_1179 : vector<16xf32>
      %add3A_1180 = arith.constant 2.000000e+00 : f32
      %add3A_1181 = vector.broadcast %add3A_1180 : f32 to vector<16xf32>
      %add3A_1182 = arith.addf %exp3A, %add3A_1181 : vector<16xf32>
      %div3A = arith.divf %exp3A, %add3A_1182 : vector<16xf32>
      %mul3A_1183 = arith.mulf %div3A, %div3A : vector<16xf32>
      %mul3A_1184 = arith.constant 0.0909090936 : f32
      %mul3A_1185 = vector.broadcast %mul3A_1184 : f32 to vector<16xf32>
      %mul3A_1186 = arith.mulf %mul3A_1183, %mul3A_1185 : vector<16xf32>
      %add3A_1187 = arith.constant 0.111111112 : f32
      %add3A_1188 = vector.broadcast %add3A_1187 : f32 to vector<16xf32>
      %add3A_1189 = arith.addf %add3A_1188, %mul3A_1186 : vector<16xf32>
      %mul3A_1190 = arith.mulf %mul3A_1183, %add3A_1189 : vector<16xf32>
      %add3A_1191 = arith.constant 0.142857149 : f32
      %add3A_1192 = vector.broadcast %add3A_1191 : f32 to vector<16xf32>
      %add3A_1193 = arith.addf %add3A_1192, %mul3A_1190 : vector<16xf32>
      %mul3A_1194 = arith.mulf %mul3A_1183, %add3A_1193 : vector<16xf32>
      %add3A_1195 = arith.constant 2.000000e-01 : f32
      %add3A_1196 = vector.broadcast %add3A_1195 : f32 to vector<16xf32>
      %add3A_1197 = arith.addf %add3A_1196, %mul3A_1194 : vector<16xf32>
      %mul3A_1198 = arith.mulf %mul3A_1183, %add3A_1197 : vector<16xf32>
      %add3A_1199 = arith.constant 0.333333343 : f32
      %add3A_1200 = vector.broadcast %add3A_1199 : f32 to vector<16xf32>
      %add3A_1201 = arith.addf %add3A_1200, %mul3A_1198 : vector<16xf32>
      %mul3A_1202 = arith.mulf %mul3A_1183, %add3A_1201 : vector<16xf32>
      %add3A_1203 = arith.constant 1.000000e+00 : f32
      %add3A_1204 = vector.broadcast %add3A_1203 : f32 to vector<16xf32>
      %add3A_1205 = arith.addf %add3A_1204, %mul3A_1202 : vector<16xf32>
      %min3A = arith.constant 0.000000e+00 : f32
      %min3A_1206 = vector.broadcast %min3A : f32 to vector<16xf32>
      %min3A_1207 = arith.minimumf %select_n3A_1177, %min3A_1206 : vector<16xf32>
      %mul3A_1208 = arith.constant 2.000000e+00 : f32
      %mul3A_1209 = vector.broadcast %mul3A_1208 : f32 to vector<16xf32>
      %mul3A_1210 = arith.mulf %mul3A_1209, %div3A : vector<16xf32>
      %mul3A_1211 = arith.mulf %mul3A_1210, %add3A_1205 : vector<16xf32>
      %sub3A = arith.subf %min3A_1207, %mul3A_1211 : vector<16xf32>
      %add3A_1212 = arith.addf %scan3A_219, %sub3A : vector<16xf32>
      scf.yield %add3A_1212 : vector<16xf32>
    }
    %scan3A_126 = arith.constant 8 : i32
    %dma_wait3A_127 = arith.constant 1 : i32
    %dma_wait3A_128 = arith.constant 1 : i32
    %dma_wait3A_129 = arith.constant 0 : i32
    %dma_wait3A_130 = arith.constant 0 : i32
    %dma_wait3A_131 = tpu.memref_slice %arg9[%dma_wait3A_128, %dma_wait3A_129, %dma_wait3A_130] : memref<4x128x64xf32, #tpu.memory_space<vmem>> -> memref<1x128x64xf32, #tpu.memory_space<vmem>>
    %dma_wait3A_132 = tpu.memref_squeeze %dma_wait3A_131 : memref<1x128x64xf32, #tpu.memory_space<vmem>> -> memref<128x64xf32, #tpu.memory_space<vmem>>
    %dma_wait3A_133 = arith.constant 0 : i32
    %dma_wait3A_134 = tpu.memref_slice %arg7[%dma_wait3A_127, %dma_wait3A_133] : memref<4x128xi32, #tpu.memory_space<vmem>> -> memref<1x128xi32, #tpu.memory_space<vmem>>
    %dma_wait3A_135 = tpu.memref_squeeze %dma_wait3A_134 : memref<1x128xi32, #tpu.memory_space<vmem>> -> memref<128xi32, #tpu.memory_space<vmem>>
    %dma_wait3A_136 = arith.constant 0 : i32
    %dma_wait3A_137 = arith.constant 0 : i32
    %dma_wait3A_138 = tpu.memref_slice %arg4[%dma_wait3A_136, %dma_wait3A_137] : memref<100000x64xf32, #tpu.memory_space<hbm>> -> memref<100000x64xf32, #tpu.memory_space<hbm>>
    tpu.wait_indirect_dma semaphore(%arg13 : memref<!tpu.dma_semaphore, #tpu.memory_space<semaphore_mem>>) src(%dma_wait3A_138 : memref<100000x64xf32, #tpu.memory_space<hbm>>) dst(%dma_wait3A_132 : memref<128x64xf32, #tpu.memory_space<vmem>>)
    %dma_wait3A_139 = arith.constant 1 : i32
    %dma_wait3A_140 = arith.constant 1 : i32
    %dma_wait3A_141 = arith.constant 0 : i32
    %dma_wait3A_142 = arith.constant 0 : i32
    %dma_wait3A_143 = tpu.memref_slice %arg10[%dma_wait3A_140, %dma_wait3A_141, %dma_wait3A_142] : memref<4x128x64xf32, #tpu.memory_space<vmem>> -> memref<1x128x64xf32, #tpu.memory_space<vmem>>
    %dma_wait3A_144 = tpu.memref_squeeze %dma_wait3A_143 : memref<1x128x64xf32, #tpu.memory_space<vmem>> -> memref<128x64xf32, #tpu.memory_space<vmem>>
    %dma_wait3A_145 = arith.constant 0 : i32
    %dma_wait3A_146 = tpu.memref_slice %arg8[%dma_wait3A_139, %dma_wait3A_145] : memref<4x128xi32, #tpu.memory_space<vmem>> -> memref<1x128xi32, #tpu.memory_space<vmem>>
    %dma_wait3A_147 = tpu.memref_squeeze %dma_wait3A_146 : memref<1x128xi32, #tpu.memory_space<vmem>> -> memref<128xi32, #tpu.memory_space<vmem>>
    %dma_wait3A_148 = arith.constant 0 : i32
    %dma_wait3A_149 = arith.constant 0 : i32
    %dma_wait3A_150 = tpu.memref_slice %arg5[%dma_wait3A_148, %dma_wait3A_149] : memref<100003x64xf32, #tpu.memory_space<hbm>> -> memref<100003x64xf32, #tpu.memory_space<hbm>>
    tpu.wait_indirect_dma semaphore(%arg13 : memref<!tpu.dma_semaphore, #tpu.memory_space<semaphore_mem>>) src(%dma_wait3A_150 : memref<100003x64xf32, #tpu.memory_space<hbm>>) dst(%dma_wait3A_144 : memref<128x64xf32, #tpu.memory_space<vmem>>)
    %scan3A_151 = arith.constant 0 : i32
    %scan3A_152 = arith.constant 8 : i32
    %scan3A_153 = arith.addi %scan3A_151, %scan3A_152 : i32
    %scan3A_154 = arith.constant 1 : i32
    %scan3A_155 = scf.for %scan3A_218 = %scan3A_151 to %scan3A_153 step %scan3A_154 iter_args(%scan3A_219 = %scan3A_125) -> (vector<16xf32>)  : i32 {
      %broadcast_in_dim3A_220 = arith.constant 0.000000e+00 : f32
      %broadcast_in_dim3A_221 = vector.broadcast %broadcast_in_dim3A_220 : f32 to vector<16xf32>
      %mul3A_222 = arith.constant 16 : i32
      %mul3A_223 = arith.muli %scan3A_218, %mul3A_222 : i32
      %add3A_224 = arith.constant 0 : i32
      %add3A_225 = arith.addi %mul3A_223, %add3A_224 : i32
      %get3A = arith.constant 1 : i32
      %get3A_226 = arith.index_cast %get3A : i32 to index
      %get3A_227 = arith.index_cast %add3A_225 : i32 to index
      %get3A_228 = arith.constant 0 : index
      %get3A_229 = tpu.vector_load %arg9[%get3A_226, %get3A_227, %get3A_228] {strides = array<i32>} : memref<4x128x64xf32, #tpu.memory_space<vmem>>, vector<16xf32>,
      %get3A_230 = arith.constant 1 : i32
      %get3A_231 = arith.index_cast %get3A_230 : i32 to index
      %get3A_232 = arith.index_cast %add3A_225 : i32 to index
      %get3A_233 = arith.constant 0 : index
      %get3A_234 = tpu.vector_load %arg10[%get3A_231, %get3A_232, %get3A_233] {strides = array<i32>} : memref<4x128x64xf32, #tpu.memory_space<vmem>>, vector<16xf32>,
      %mul3A_235 = arith.mulf %get3A_229, %get3A_234 : vector<16xf32>
      %get3A_236 = arith.constant 1 : i32
      %get3A_237 = arith.index_cast %get3A_236 : i32 to index
      %get3A_238 = arith.index_cast %add3A_225 : i32 to index
      %get3A_239 = arith.constant 16 : index
      %get3A_240 = tpu.vector_load %arg9[%get3A_237, %get3A_238, %get3A_239] {strides = array<i32>} : memref<4x128x64xf32, #tpu.memory_space<vmem>>, vector<16xf32>,
      %get3A_241 = arith.constant 1 : i32
      %get3A_242 = arith.index_cast %get3A_241 : i32 to index
      %get3A_243 = arith.index_cast %add3A_225 : i32 to index
      %get3A_244 = arith.constant 16 : index
      %get3A_245 = tpu.vector_load %arg10[%get3A_242, %get3A_243, %get3A_244] {strides = array<i32>} : memref<4x128x64xf32, #tpu.memory_space<vmem>>, vector<16xf32>,
      %mul3A_246 = arith.mulf %get3A_240, %get3A_245 : vector<16xf32>
      %add3A_247 = arith.addf %mul3A_235, %mul3A_246 : vector<16xf32>
      %get3A_248 = arith.constant 1 : i32
      %get3A_249 = arith.index_cast %get3A_248 : i32 to index
      %get3A_250 = arith.index_cast %add3A_225 : i32 to index
      %get3A_251 = arith.constant 32 : index
      %get3A_252 = tpu.vector_load %arg9[%get3A_249, %get3A_250, %get3A_251] {strides = array<i32>} : memref<4x128x64xf32, #tpu.memory_space<vmem>>, vector<16xf32>,
      %get3A_253 = arith.constant 1 : i32
      %get3A_254 = arith.index_cast %get3A_253 : i32 to index
      %get3A_255 = arith.index_cast %add3A_225 : i32 to index
      %get3A_256 = arith.constant 32 : index
      %get3A_257 = tpu.vector_load %arg10[%get3A_254, %get3A_255, %get3A_256] {strides = array<i32>} : memref<4x128x64xf32, #tpu.memory_space<vmem>>, vector<16xf32>,
      %mul3A_258 = arith.mulf %get3A_252, %get3A_257 : vector<16xf32>
      %add3A_259 = arith.addf %add3A_247, %mul3A_258 : vector<16xf32>
      %get3A_260 = arith.constant 1 : i32
      %get3A_261 = arith.index_cast %get3A_260 : i32 to index
      %get3A_262 = arith.index_cast %add3A_225 : i32 to index
      %get3A_263 = arith.constant 48 : index
      %get3A_264 = tpu.vector_load %arg9[%get3A_261, %get3A_262, %get3A_263] {strides = array<i32>} : memref<4x128x64xf32, #tpu.memory_space<vmem>>, vector<16xf32>,
      %get3A_265 = arith.constant 1 : i32
      %get3A_266 = arith.index_cast %get3A_265 : i32 to index
      %get3A_267 = arith.index_cast %add3A_225 : i32 to index
      %get3A_268 = arith.constant 48 : index
      %get3A_269 = tpu.vector_load %arg10[%get3A_266, %get3A_267, %get3A_268] {strides = array<i32>} : memref<4x128x64xf32, #tpu.memory_space<vmem>>, vector<16xf32>,
      %mul3A_270 = arith.mulf %get3A_264, %get3A_269 : vector<16xf32>
      %add3A_271 = arith.addf %add3A_259, %mul3A_270 : vector<16xf32>
      %reduce_sum3A = arith.constant true
      %reduce_sum3A_272 = vector.broadcast %reduce_sum3A : i1 to vector<16xi1>
      %reduce_sum3A_273 = tpu.scan <sum>, %add3A_271 masked %reduce_sum3A_272 : vector<16xf32>, vector<16xi1> -> vector<16xf32>
      %reduce_sum3A_274 = vector.extract %reduce_sum3A_273[15] : f32 from vector<16xf32>
      %eq3A = arith.constant 0 : i32
      %eq3A_275 = vector.broadcast %eq3A : i32 to vector<16xi32>
      %eq3A_276 = arith.cmpi eq, %iota3A, %eq3A_275 : vector<16xi32>
      %broadcast_in_dim3A_277 = vector.broadcast %reduce_sum3A_274 : f32 to vector<16xf32>
      %select_n3A = arith.select %eq3A_276, %broadcast_in_dim3A_277, %broadcast_in_dim3A_221 : vector<16xi1>, vector<16xf32>
      %mul3A_278 = arith.constant 16 : i32
      %mul3A_279 = arith.muli %scan3A_218, %mul3A_278 : i32
      %add3A_280 = arith.constant 1 : i32
      %add3A_281 = arith.addi %mul3A_279, %add3A_280 : i32
      %get3A_282 = arith.constant 1 : i32
      %get3A_283 = arith.index_cast %get3A_282 : i32 to index
      %get3A_284 = arith.index_cast %add3A_281 : i32 to index
      %get3A_285 = arith.constant 0 : index
      %get3A_286 = tpu.vector_load %arg9[%get3A_283, %get3A_284, %get3A_285] {strides = array<i32>} : memref<4x128x64xf32, #tpu.memory_space<vmem>>, vector<16xf32>,
      %get3A_287 = arith.constant 1 : i32
      %get3A_288 = arith.index_cast %get3A_287 : i32 to index
      %get3A_289 = arith.index_cast %add3A_281 : i32 to index
      %get3A_290 = arith.constant 0 : index
      %get3A_291 = tpu.vector_load %arg10[%get3A_288, %get3A_289, %get3A_290] {strides = array<i32>} : memref<4x128x64xf32, #tpu.memory_space<vmem>>, vector<16xf32>,
      %mul3A_292 = arith.mulf %get3A_286, %get3A_291 : vector<16xf32>
      %get3A_293 = arith.constant 1 : i32
      %get3A_294 = arith.index_cast %get3A_293 : i32 to index
      %get3A_295 = arith.index_cast %add3A_281 : i32 to index
      %get3A_296 = arith.constant 16 : index
      %get3A_297 = tpu.vector_load %arg9[%get3A_294, %get3A_295, %get3A_296] {strides = array<i32>} : memref<4x128x64xf32, #tpu.memory_space<vmem>>, vector<16xf32>,
      %get3A_298 = arith.constant 1 : i32
      %get3A_299 = arith.index_cast %get3A_298 : i32 to index
      %get3A_300 = arith.index_cast %add3A_281 : i32 to index
      %get3A_301 = arith.constant 16 : index
      %get3A_302 = tpu.vector_load %arg10[%get3A_299, %get3A_300, %get3A_301] {strides = array<i32>} : memref<4x128x64xf32, #tpu.memory_space<vmem>>, vector<16xf32>,
      %mul3A_303 = arith.mulf %get3A_297, %get3A_302 : vector<16xf32>
      %add3A_304 = arith.addf %mul3A_292, %mul3A_303 : vector<16xf32>
      %get3A_305 = arith.constant 1 : i32
      %get3A_306 = arith.index_cast %get3A_305 : i32 to index
      %get3A_307 = arith.index_cast %add3A_281 : i32 to index
      %get3A_308 = arith.constant 32 : index
      %get3A_309 = tpu.vector_load %arg9[%get3A_306, %get3A_307, %get3A_308] {strides = array<i32>} : memref<4x128x64xf32, #tpu.memory_space<vmem>>, vector<16xf32>,
      %get3A_310 = arith.constant 1 : i32
      %get3A_311 = arith.index_cast %get3A_310 : i32 to index
      %get3A_312 = arith.index_cast %add3A_281 : i32 to index
      %get3A_313 = arith.constant 32 : index
      %get3A_314 = tpu.vector_load %arg10[%get3A_311, %get3A_312, %get3A_313] {strides = array<i32>} : memref<4x128x64xf32, #tpu.memory_space<vmem>>, vector<16xf32>,
      %mul3A_315 = arith.mulf %get3A_309, %get3A_314 : vector<16xf32>
      %add3A_316 = arith.addf %add3A_304, %mul3A_315 : vector<16xf32>
      %get3A_317 = arith.constant 1 : i32
      %get3A_318 = arith.index_cast %get3A_317 : i32 to index
      %get3A_319 = arith.index_cast %add3A_281 : i32 to index
      %get3A_320 = arith.constant 48 : index
      %get3A_321 = tpu.vector_load %arg9[%get3A_318, %get3A_319, %get3A_320] {strides = array<i32>} : memref<4x128x64xf32, #tpu.memory_space<vmem>>, vector<16xf32>,
      %get3A_322 = arith.constant 1 : i32
      %get3A_323 = arith.index_cast %get3A_322 : i32 to index
      %get3A_324 = arith.index_cast %add3A_281 : i32 to index
      %get3A_325 = arith.constant 48 : index
      %get3A_326 = tpu.vector_load %arg10[%get3A_323, %get3A_324, %get3A_325] {strides = array<i32>} : memref<4x128x64xf32, #tpu.memory_space<vmem>>, vector<16xf32>,
      %mul3A_327 = arith.mulf %get3A_321, %get3A_326 : vector<16xf32>
      %add3A_328 = arith.addf %add3A_316, %mul3A_327 : vector<16xf32>
      %reduce_sum3A_329 = arith.constant true
      %reduce_sum3A_330 = vector.broadcast %reduce_sum3A_329 : i1 to vector<16xi1>
      %reduce_sum3A_331 = tpu.scan <sum>, %add3A_328 masked %reduce_sum3A_330 : vector<16xf32>, vector<16xi1> -> vector<16xf32>
      %reduce_sum3A_332 = vector.extract %reduce_sum3A_331[15] : f32 from vector<16xf32>
      %eq3A_333 = arith.constant 1 : i32
      %eq3A_334 = vector.broadcast %eq3A_333 : i32 to vector<16xi32>
      %eq3A_335 = arith.cmpi eq, %iota3A, %eq3A_334 : vector<16xi32>
      %broadcast_in_dim3A_336 = vector.broadcast %reduce_sum3A_332 : f32 to vector<16xf32>
      %select_n3A_337 = arith.select %eq3A_335, %broadcast_in_dim3A_336, %select_n3A : vector<16xi1>, vector<16xf32>
      %mul3A_338 = arith.constant 16 : i32
      %mul3A_339 = arith.muli %scan3A_218, %mul3A_338 : i32
      %add3A_340 = arith.constant 2 : i32
      %add3A_341 = arith.addi %mul3A_339, %add3A_340 : i32
      %get3A_342 = arith.constant 1 : i32
      %get3A_343 = arith.index_cast %get3A_342 : i32 to index
      %get3A_344 = arith.index_cast %add3A_341 : i32 to index
      %get3A_345 = arith.constant 0 : index
      %get3A_346 = tpu.vector_load %arg9[%get3A_343, %get3A_344, %get3A_345] {strides = array<i32>} : memref<4x128x64xf32, #tpu.memory_space<vmem>>, vector<16xf32>,
      %get3A_347 = arith.constant 1 : i32
      %get3A_348 = arith.index_cast %get3A_347 : i32 to index
      %get3A_349 = arith.index_cast %add3A_341 : i32 to index
      %get3A_350 = arith.constant 0 : index
      %get3A_351 = tpu.vector_load %arg10[%get3A_348, %get3A_349, %get3A_350] {strides = array<i32>} : memref<4x128x64xf32, #tpu.memory_space<vmem>>, vector<16xf32>,
      %mul3A_352 = arith.mulf %get3A_346, %get3A_351 : vector<16xf32>
      %get3A_353 = arith.constant 1 : i32
      %get3A_354 = arith.index_cast %get3A_353 : i32 to index
      %get3A_355 = arith.index_cast %add3A_341 : i32 to index
      %get3A_356 = arith.constant 16 : index
      %get3A_357 = tpu.vector_load %arg9[%get3A_354, %get3A_355, %get3A_356] {strides = array<i32>} : memref<4x128x64xf32, #tpu.memory_space<vmem>>, vector<16xf32>,
      %get3A_358 = arith.constant 1 : i32
      %get3A_359 = arith.index_cast %get3A_358 : i32 to index
      %get3A_360 = arith.index_cast %add3A_341 : i32 to index
      %get3A_361 = arith.constant 16 : index
      %get3A_362 = tpu.vector_load %arg10[%get3A_359, %get3A_360, %get3A_361] {strides = array<i32>} : memref<4x128x64xf32, #tpu.memory_space<vmem>>, vector<16xf32>,
      %mul3A_363 = arith.mulf %get3A_357, %get3A_362 : vector<16xf32>
      %add3A_364 = arith.addf %mul3A_352, %mul3A_363 : vector<16xf32>
      %get3A_365 = arith.constant 1 : i32
      %get3A_366 = arith.index_cast %get3A_365 : i32 to index
      %get3A_367 = arith.index_cast %add3A_341 : i32 to index
      %get3A_368 = arith.constant 32 : index
      %get3A_369 = tpu.vector_load %arg9[%get3A_366, %get3A_367, %get3A_368] {strides = array<i32>} : memref<4x128x64xf32, #tpu.memory_space<vmem>>, vector<16xf32>,
      %get3A_370 = arith.constant 1 : i32
      %get3A_371 = arith.index_cast %get3A_370 : i32 to index
      %get3A_372 = arith.index_cast %add3A_341 : i32 to index
      %get3A_373 = arith.constant 32 : index
      %get3A_374 = tpu.vector_load %arg10[%get3A_371, %get3A_372, %get3A_373] {strides = array<i32>} : memref<4x128x64xf32, #tpu.memory_space<vmem>>, vector<16xf32>,
      %mul3A_375 = arith.mulf %get3A_369, %get3A_374 : vector<16xf32>
      %add3A_376 = arith.addf %add3A_364, %mul3A_375 : vector<16xf32>
      %get3A_377 = arith.constant 1 : i32
      %get3A_378 = arith.index_cast %get3A_377 : i32 to index
      %get3A_379 = arith.index_cast %add3A_341 : i32 to index
      %get3A_380 = arith.constant 48 : index
      %get3A_381 = tpu.vector_load %arg9[%get3A_378, %get3A_379, %get3A_380] {strides = array<i32>} : memref<4x128x64xf32, #tpu.memory_space<vmem>>, vector<16xf32>,
      %get3A_382 = arith.constant 1 : i32
      %get3A_383 = arith.index_cast %get3A_382 : i32 to index
      %get3A_384 = arith.index_cast %add3A_341 : i32 to index
      %get3A_385 = arith.constant 48 : index
      %get3A_386 = tpu.vector_load %arg10[%get3A_383, %get3A_384, %get3A_385] {strides = array<i32>} : memref<4x128x64xf32, #tpu.memory_space<vmem>>, vector<16xf32>,
      %mul3A_387 = arith.mulf %get3A_381, %get3A_386 : vector<16xf32>
      %add3A_388 = arith.addf %add3A_376, %mul3A_387 : vector<16xf32>
      %reduce_sum3A_389 = arith.constant true
      %reduce_sum3A_390 = vector.broadcast %reduce_sum3A_389 : i1 to vector<16xi1>
      %reduce_sum3A_391 = tpu.scan <sum>, %add3A_388 masked %reduce_sum3A_390 : vector<16xf32>, vector<16xi1> -> vector<16xf32>
      %reduce_sum3A_392 = vector.extract %reduce_sum3A_391[15] : f32 from vector<16xf32>
      %eq3A_393 = arith.constant 2 : i32
      %eq3A_394 = vector.broadcast %eq3A_393 : i32 to vector<16xi32>
      %eq3A_395 = arith.cmpi eq, %iota3A, %eq3A_394 : vector<16xi32>
      %broadcast_in_dim3A_396 = vector.broadcast %reduce_sum3A_392 : f32 to vector<16xf32>
      %select_n3A_397 = arith.select %eq3A_395, %broadcast_in_dim3A_396, %select_n3A_337 : vector<16xi1>, vector<16xf32>
      %mul3A_398 = arith.constant 16 : i32
      %mul3A_399 = arith.muli %scan3A_218, %mul3A_398 : i32
      %add3A_400 = arith.constant 3 : i32
      %add3A_401 = arith.addi %mul3A_399, %add3A_400 : i32
      %get3A_402 = arith.constant 1 : i32
      %get3A_403 = arith.index_cast %get3A_402 : i32 to index
      %get3A_404 = arith.index_cast %add3A_401 : i32 to index
      %get3A_405 = arith.constant 0 : index
      %get3A_406 = tpu.vector_load %arg9[%get3A_403, %get3A_404, %get3A_405] {strides = array<i32>} : memref<4x128x64xf32, #tpu.memory_space<vmem>>, vector<16xf32>,
      %get3A_407 = arith.constant 1 : i32
      %get3A_408 = arith.index_cast %get3A_407 : i32 to index
      %get3A_409 = arith.index_cast %add3A_401 : i32 to index
      %get3A_410 = arith.constant 0 : index
      %get3A_411 = tpu.vector_load %arg10[%get3A_408, %get3A_409, %get3A_410] {strides = array<i32>} : memref<4x128x64xf32, #tpu.memory_space<vmem>>, vector<16xf32>,
      %mul3A_412 = arith.mulf %get3A_406, %get3A_411 : vector<16xf32>
      %get3A_413 = arith.constant 1 : i32
      %get3A_414 = arith.index_cast %get3A_413 : i32 to index
      %get3A_415 = arith.index_cast %add3A_401 : i32 to index
      %get3A_416 = arith.constant 16 : index
      %get3A_417 = tpu.vector_load %arg9[%get3A_414, %get3A_415, %get3A_416] {strides = array<i32>} : memref<4x128x64xf32, #tpu.memory_space<vmem>>, vector<16xf32>,
      %get3A_418 = arith.constant 1 : i32
      %get3A_419 = arith.index_cast %get3A_418 : i32 to index
      %get3A_420 = arith.index_cast %add3A_401 : i32 to index
      %get3A_421 = arith.constant 16 : index
      %get3A_422 = tpu.vector_load %arg10[%get3A_419, %get3A_420, %get3A_421] {strides = array<i32>} : memref<4x128x64xf32, #tpu.memory_space<vmem>>, vector<16xf32>,
      %mul3A_423 = arith.mulf %get3A_417, %get3A_422 : vector<16xf32>
      %add3A_424 = arith.addf %mul3A_412, %mul3A_423 : vector<16xf32>
      %get3A_425 = arith.constant 1 : i32
      %get3A_426 = arith.index_cast %get3A_425 : i32 to index
      %get3A_427 = arith.index_cast %add3A_401 : i32 to index
      %get3A_428 = arith.constant 32 : index
      %get3A_429 = tpu.vector_load %arg9[%get3A_426, %get3A_427, %get3A_428] {strides = array<i32>} : memref<4x128x64xf32, #tpu.memory_space<vmem>>, vector<16xf32>,
      %get3A_430 = arith.constant 1 : i32
      %get3A_431 = arith.index_cast %get3A_430 : i32 to index
      %get3A_432 = arith.index_cast %add3A_401 : i32 to index
      %get3A_433 = arith.constant 32 : index
      %get3A_434 = tpu.vector_load %arg10[%get3A_431, %get3A_432, %get3A_433] {strides = array<i32>} : memref<4x128x64xf32, #tpu.memory_space<vmem>>, vector<16xf32>,
      %mul3A_435 = arith.mulf %get3A_429, %get3A_434 : vector<16xf32>
      %add3A_436 = arith.addf %add3A_424, %mul3A_435 : vector<16xf32>
      %get3A_437 = arith.constant 1 : i32
      %get3A_438 = arith.index_cast %get3A_437 : i32 to index
      %get3A_439 = arith.index_cast %add3A_401 : i32 to index
      %get3A_440 = arith.constant 48 : index
      %get3A_441 = tpu.vector_load %arg9[%get3A_438, %get3A_439, %get3A_440] {strides = array<i32>} : memref<4x128x64xf32, #tpu.memory_space<vmem>>, vector<16xf32>,
      %get3A_442 = arith.constant 1 : i32
      %get3A_443 = arith.index_cast %get3A_442 : i32 to index
      %get3A_444 = arith.index_cast %add3A_401 : i32 to index
      %get3A_445 = arith.constant 48 : index
      %get3A_446 = tpu.vector_load %arg10[%get3A_443, %get3A_444, %get3A_445] {strides = array<i32>} : memref<4x128x64xf32, #tpu.memory_space<vmem>>, vector<16xf32>,
      %mul3A_447 = arith.mulf %get3A_441, %get3A_446 : vector<16xf32>
      %add3A_448 = arith.addf %add3A_436, %mul3A_447 : vector<16xf32>
      %reduce_sum3A_449 = arith.constant true
      %reduce_sum3A_450 = vector.broadcast %reduce_sum3A_449 : i1 to vector<16xi1>
      %reduce_sum3A_451 = tpu.scan <sum>, %add3A_448 masked %reduce_sum3A_450 : vector<16xf32>, vector<16xi1> -> vector<16xf32>
      %reduce_sum3A_452 = vector.extract %reduce_sum3A_451[15] : f32 from vector<16xf32>
      %eq3A_453 = arith.constant 3 : i32
      %eq3A_454 = vector.broadcast %eq3A_453 : i32 to vector<16xi32>
      %eq3A_455 = arith.cmpi eq, %iota3A, %eq3A_454 : vector<16xi32>
      %broadcast_in_dim3A_456 = vector.broadcast %reduce_sum3A_452 : f32 to vector<16xf32>
      %select_n3A_457 = arith.select %eq3A_455, %broadcast_in_dim3A_456, %select_n3A_397 : vector<16xi1>, vector<16xf32>
      %mul3A_458 = arith.constant 16 : i32
      %mul3A_459 = arith.muli %scan3A_218, %mul3A_458 : i32
      %add3A_460 = arith.constant 4 : i32
      %add3A_461 = arith.addi %mul3A_459, %add3A_460 : i32
      %get3A_462 = arith.constant 1 : i32
      %get3A_463 = arith.index_cast %get3A_462 : i32 to index
      %get3A_464 = arith.index_cast %add3A_461 : i32 to index
      %get3A_465 = arith.constant 0 : index
      %get3A_466 = tpu.vector_load %arg9[%get3A_463, %get3A_464, %get3A_465] {strides = array<i32>} : memref<4x128x64xf32, #tpu.memory_space<vmem>>, vector<16xf32>,
      %get3A_467 = arith.constant 1 : i32
      %get3A_468 = arith.index_cast %get3A_467 : i32 to index
      %get3A_469 = arith.index_cast %add3A_461 : i32 to index
      %get3A_470 = arith.constant 0 : index
      %get3A_471 = tpu.vector_load %arg10[%get3A_468, %get3A_469, %get3A_470] {strides = array<i32>} : memref<4x128x64xf32, #tpu.memory_space<vmem>>, vector<16xf32>,
      %mul3A_472 = arith.mulf %get3A_466, %get3A_471 : vector<16xf32>
      %get3A_473 = arith.constant 1 : i32
      %get3A_474 = arith.index_cast %get3A_473 : i32 to index
      %get3A_475 = arith.index_cast %add3A_461 : i32 to index
      %get3A_476 = arith.constant 16 : index
      %get3A_477 = tpu.vector_load %arg9[%get3A_474, %get3A_475, %get3A_476] {strides = array<i32>} : memref<4x128x64xf32, #tpu.memory_space<vmem>>, vector<16xf32>,
      %get3A_478 = arith.constant 1 : i32
      %get3A_479 = arith.index_cast %get3A_478 : i32 to index
      %get3A_480 = arith.index_cast %add3A_461 : i32 to index
      %get3A_481 = arith.constant 16 : index
      %get3A_482 = tpu.vector_load %arg10[%get3A_479, %get3A_480, %get3A_481] {strides = array<i32>} : memref<4x128x64xf32, #tpu.memory_space<vmem>>, vector<16xf32>,
      %mul3A_483 = arith.mulf %get3A_477, %get3A_482 : vector<16xf32>
      %add3A_484 = arith.addf %mul3A_472, %mul3A_483 : vector<16xf32>
      %get3A_485 = arith.constant 1 : i32
      %get3A_486 = arith.index_cast %get3A_485 : i32 to index
      %get3A_487 = arith.index_cast %add3A_461 : i32 to index
      %get3A_488 = arith.constant 32 : index
      %get3A_489 = tpu.vector_load %arg9[%get3A_486, %get3A_487, %get3A_488] {strides = array<i32>} : memref<4x128x64xf32, #tpu.memory_space<vmem>>, vector<16xf32>,
      %get3A_490 = arith.constant 1 : i32
      %get3A_491 = arith.index_cast %get3A_490 : i32 to index
      %get3A_492 = arith.index_cast %add3A_461 : i32 to index
      %get3A_493 = arith.constant 32 : index
      %get3A_494 = tpu.vector_load %arg10[%get3A_491, %get3A_492, %get3A_493] {strides = array<i32>} : memref<4x128x64xf32, #tpu.memory_space<vmem>>, vector<16xf32>,
      %mul3A_495 = arith.mulf %get3A_489, %get3A_494 : vector<16xf32>
      %add3A_496 = arith.addf %add3A_484, %mul3A_495 : vector<16xf32>
      %get3A_497 = arith.constant 1 : i32
      %get3A_498 = arith.index_cast %get3A_497 : i32 to index
      %get3A_499 = arith.index_cast %add3A_461 : i32 to index
      %get3A_500 = arith.constant 48 : index
      %get3A_501 = tpu.vector_load %arg9[%get3A_498, %get3A_499, %get3A_500] {strides = array<i32>} : memref<4x128x64xf32, #tpu.memory_space<vmem>>, vector<16xf32>,
      %get3A_502 = arith.constant 1 : i32
      %get3A_503 = arith.index_cast %get3A_502 : i32 to index
      %get3A_504 = arith.index_cast %add3A_461 : i32 to index
      %get3A_505 = arith.constant 48 : index
      %get3A_506 = tpu.vector_load %arg10[%get3A_503, %get3A_504, %get3A_505] {strides = array<i32>} : memref<4x128x64xf32, #tpu.memory_space<vmem>>, vector<16xf32>,
      %mul3A_507 = arith.mulf %get3A_501, %get3A_506 : vector<16xf32>
      %add3A_508 = arith.addf %add3A_496, %mul3A_507 : vector<16xf32>
      %reduce_sum3A_509 = arith.constant true
      %reduce_sum3A_510 = vector.broadcast %reduce_sum3A_509 : i1 to vector<16xi1>
      %reduce_sum3A_511 = tpu.scan <sum>, %add3A_508 masked %reduce_sum3A_510 : vector<16xf32>, vector<16xi1> -> vector<16xf32>
      %reduce_sum3A_512 = vector.extract %reduce_sum3A_511[15] : f32 from vector<16xf32>
      %eq3A_513 = arith.constant 4 : i32
      %eq3A_514 = vector.broadcast %eq3A_513 : i32 to vector<16xi32>
      %eq3A_515 = arith.cmpi eq, %iota3A, %eq3A_514 : vector<16xi32>
      %broadcast_in_dim3A_516 = vector.broadcast %reduce_sum3A_512 : f32 to vector<16xf32>
      %select_n3A_517 = arith.select %eq3A_515, %broadcast_in_dim3A_516, %select_n3A_457 : vector<16xi1>, vector<16xf32>
      %mul3A_518 = arith.constant 16 : i32
      %mul3A_519 = arith.muli %scan3A_218, %mul3A_518 : i32
      %add3A_520 = arith.constant 5 : i32
      %add3A_521 = arith.addi %mul3A_519, %add3A_520 : i32
      %get3A_522 = arith.constant 1 : i32
      %get3A_523 = arith.index_cast %get3A_522 : i32 to index
      %get3A_524 = arith.index_cast %add3A_521 : i32 to index
      %get3A_525 = arith.constant 0 : index
      %get3A_526 = tpu.vector_load %arg9[%get3A_523, %get3A_524, %get3A_525] {strides = array<i32>} : memref<4x128x64xf32, #tpu.memory_space<vmem>>, vector<16xf32>,
      %get3A_527 = arith.constant 1 : i32
      %get3A_528 = arith.index_cast %get3A_527 : i32 to index
      %get3A_529 = arith.index_cast %add3A_521 : i32 to index
      %get3A_530 = arith.constant 0 : index
      %get3A_531 = tpu.vector_load %arg10[%get3A_528, %get3A_529, %get3A_530] {strides = array<i32>} : memref<4x128x64xf32, #tpu.memory_space<vmem>>, vector<16xf32>,
      %mul3A_532 = arith.mulf %get3A_526, %get3A_531 : vector<16xf32>
      %get3A_533 = arith.constant 1 : i32
      %get3A_534 = arith.index_cast %get3A_533 : i32 to index
      %get3A_535 = arith.index_cast %add3A_521 : i32 to index
      %get3A_536 = arith.constant 16 : index
      %get3A_537 = tpu.vector_load %arg9[%get3A_534, %get3A_535, %get3A_536] {strides = array<i32>} : memref<4x128x64xf32, #tpu.memory_space<vmem>>, vector<16xf32>,
      %get3A_538 = arith.constant 1 : i32
      %get3A_539 = arith.index_cast %get3A_538 : i32 to index
      %get3A_540 = arith.index_cast %add3A_521 : i32 to index
      %get3A_541 = arith.constant 16 : index
      %get3A_542 = tpu.vector_load %arg10[%get3A_539, %get3A_540, %get3A_541] {strides = array<i32>} : memref<4x128x64xf32, #tpu.memory_space<vmem>>, vector<16xf32>,
      %mul3A_543 = arith.mulf %get3A_537, %get3A_542 : vector<16xf32>
      %add3A_544 = arith.addf %mul3A_532, %mul3A_543 : vector<16xf32>
      %get3A_545 = arith.constant 1 : i32
      %get3A_546 = arith.index_cast %get3A_545 : i32 to index
      %get3A_547 = arith.index_cast %add3A_521 : i32 to index
      %get3A_548 = arith.constant 32 : index
      %get3A_549 = tpu.vector_load %arg9[%get3A_546, %get3A_547, %get3A_548] {strides = array<i32>} : memref<4x128x64xf32, #tpu.memory_space<vmem>>, vector<16xf32>,
      %get3A_550 = arith.constant 1 : i32
      %get3A_551 = arith.index_cast %get3A_550 : i32 to index
      %get3A_552 = arith.index_cast %add3A_521 : i32 to index
      %get3A_553 = arith.constant 32 : index
      %get3A_554 = tpu.vector_load %arg10[%get3A_551, %get3A_552, %get3A_553] {strides = array<i32>} : memref<4x128x64xf32, #tpu.memory_space<vmem>>, vector<16xf32>,
      %mul3A_555 = arith.mulf %get3A_549, %get3A_554 : vector<16xf32>
      %add3A_556 = arith.addf %add3A_544, %mul3A_555 : vector<16xf32>
      %get3A_557 = arith.constant 1 : i32
      %get3A_558 = arith.index_cast %get3A_557 : i32 to index
      %get3A_559 = arith.index_cast %add3A_521 : i32 to index
      %get3A_560 = arith.constant 48 : index
      %get3A_561 = tpu.vector_load %arg9[%get3A_558, %get3A_559, %get3A_560] {strides = array<i32>} : memref<4x128x64xf32, #tpu.memory_space<vmem>>, vector<16xf32>,
      %get3A_562 = arith.constant 1 : i32
      %get3A_563 = arith.index_cast %get3A_562 : i32 to index
      %get3A_564 = arith.index_cast %add3A_521 : i32 to index
      %get3A_565 = arith.constant 48 : index
      %get3A_566 = tpu.vector_load %arg10[%get3A_563, %get3A_564, %get3A_565] {strides = array<i32>} : memref<4x128x64xf32, #tpu.memory_space<vmem>>, vector<16xf32>,
      %mul3A_567 = arith.mulf %get3A_561, %get3A_566 : vector<16xf32>
      %add3A_568 = arith.addf %add3A_556, %mul3A_567 : vector<16xf32>
      %reduce_sum3A_569 = arith.constant true
      %reduce_sum3A_570 = vector.broadcast %reduce_sum3A_569 : i1 to vector<16xi1>
      %reduce_sum3A_571 = tpu.scan <sum>, %add3A_568 masked %reduce_sum3A_570 : vector<16xf32>, vector<16xi1> -> vector<16xf32>
      %reduce_sum3A_572 = vector.extract %reduce_sum3A_571[15] : f32 from vector<16xf32>
      %eq3A_573 = arith.constant 5 : i32
      %eq3A_574 = vector.broadcast %eq3A_573 : i32 to vector<16xi32>
      %eq3A_575 = arith.cmpi eq, %iota3A, %eq3A_574 : vector<16xi32>
      %broadcast_in_dim3A_576 = vector.broadcast %reduce_sum3A_572 : f32 to vector<16xf32>
      %select_n3A_577 = arith.select %eq3A_575, %broadcast_in_dim3A_576, %select_n3A_517 : vector<16xi1>, vector<16xf32>
      %mul3A_578 = arith.constant 16 : i32
      %mul3A_579 = arith.muli %scan3A_218, %mul3A_578 : i32
      %add3A_580 = arith.constant 6 : i32
      %add3A_581 = arith.addi %mul3A_579, %add3A_580 : i32
      %get3A_582 = arith.constant 1 : i32
      %get3A_583 = arith.index_cast %get3A_582 : i32 to index
      %get3A_584 = arith.index_cast %add3A_581 : i32 to index
      %get3A_585 = arith.constant 0 : index
      %get3A_586 = tpu.vector_load %arg9[%get3A_583, %get3A_584, %get3A_585] {strides = array<i32>} : memref<4x128x64xf32, #tpu.memory_space<vmem>>, vector<16xf32>,
      %get3A_587 = arith.constant 1 : i32
      %get3A_588 = arith.index_cast %get3A_587 : i32 to index
      %get3A_589 = arith.index_cast %add3A_581 : i32 to index
      %get3A_590 = arith.constant 0 : index
      %get3A_591 = tpu.vector_load %arg10[%get3A_588, %get3A_589, %get3A_590] {strides = array<i32>} : memref<4x128x64xf32, #tpu.memory_space<vmem>>, vector<16xf32>,
      %mul3A_592 = arith.mulf %get3A_586, %get3A_591 : vector<16xf32>
      %get3A_593 = arith.constant 1 : i32
      %get3A_594 = arith.index_cast %get3A_593 : i32 to index
      %get3A_595 = arith.index_cast %add3A_581 : i32 to index
      %get3A_596 = arith.constant 16 : index
      %get3A_597 = tpu.vector_load %arg9[%get3A_594, %get3A_595, %get3A_596] {strides = array<i32>} : memref<4x128x64xf32, #tpu.memory_space<vmem>>, vector<16xf32>,
      %get3A_598 = arith.constant 1 : i32
      %get3A_599 = arith.index_cast %get3A_598 : i32 to index
      %get3A_600 = arith.index_cast %add3A_581 : i32 to index
      %get3A_601 = arith.constant 16 : index
      %get3A_602 = tpu.vector_load %arg10[%get3A_599, %get3A_600, %get3A_601] {strides = array<i32>} : memref<4x128x64xf32, #tpu.memory_space<vmem>>, vector<16xf32>,
      %mul3A_603 = arith.mulf %get3A_597, %get3A_602 : vector<16xf32>
      %add3A_604 = arith.addf %mul3A_592, %mul3A_603 : vector<16xf32>
      %get3A_605 = arith.constant 1 : i32
      %get3A_606 = arith.index_cast %get3A_605 : i32 to index
      %get3A_607 = arith.index_cast %add3A_581 : i32 to index
      %get3A_608 = arith.constant 32 : index
      %get3A_609 = tpu.vector_load %arg9[%get3A_606, %get3A_607, %get3A_608] {strides = array<i32>} : memref<4x128x64xf32, #tpu.memory_space<vmem>>, vector<16xf32>,
      %get3A_610 = arith.constant 1 : i32
      %get3A_611 = arith.index_cast %get3A_610 : i32 to index
      %get3A_612 = arith.index_cast %add3A_581 : i32 to index
      %get3A_613 = arith.constant 32 : index
      %get3A_614 = tpu.vector_load %arg10[%get3A_611, %get3A_612, %get3A_613] {strides = array<i32>} : memref<4x128x64xf32, #tpu.memory_space<vmem>>, vector<16xf32>,
      %mul3A_615 = arith.mulf %get3A_609, %get3A_614 : vector<16xf32>
      %add3A_616 = arith.addf %add3A_604, %mul3A_615 : vector<16xf32>
      %get3A_617 = arith.constant 1 : i32
      %get3A_618 = arith.index_cast %get3A_617 : i32 to index
      %get3A_619 = arith.index_cast %add3A_581 : i32 to index
      %get3A_620 = arith.constant 48 : index
      %get3A_621 = tpu.vector_load %arg9[%get3A_618, %get3A_619, %get3A_620] {strides = array<i32>} : memref<4x128x64xf32, #tpu.memory_space<vmem>>, vector<16xf32>,
      %get3A_622 = arith.constant 1 : i32
      %get3A_623 = arith.index_cast %get3A_622 : i32 to index
      %get3A_624 = arith.index_cast %add3A_581 : i32 to index
      %get3A_625 = arith.constant 48 : index
      %get3A_626 = tpu.vector_load %arg10[%get3A_623, %get3A_624, %get3A_625] {strides = array<i32>} : memref<4x128x64xf32, #tpu.memory_space<vmem>>, vector<16xf32>,
      %mul3A_627 = arith.mulf %get3A_621, %get3A_626 : vector<16xf32>
      %add3A_628 = arith.addf %add3A_616, %mul3A_627 : vector<16xf32>
      %reduce_sum3A_629 = arith.constant true
      %reduce_sum3A_630 = vector.broadcast %reduce_sum3A_629 : i1 to vector<16xi1>
      %reduce_sum3A_631 = tpu.scan <sum>, %add3A_628 masked %reduce_sum3A_630 : vector<16xf32>, vector<16xi1> -> vector<16xf32>
      %reduce_sum3A_632 = vector.extract %reduce_sum3A_631[15] : f32 from vector<16xf32>
      %eq3A_633 = arith.constant 6 : i32
      %eq3A_634 = vector.broadcast %eq3A_633 : i32 to vector<16xi32>
      %eq3A_635 = arith.cmpi eq, %iota3A, %eq3A_634 : vector<16xi32>
      %broadcast_in_dim3A_636 = vector.broadcast %reduce_sum3A_632 : f32 to vector<16xf32>
      %select_n3A_637 = arith.select %eq3A_635, %broadcast_in_dim3A_636, %select_n3A_577 : vector<16xi1>, vector<16xf32>
      %mul3A_638 = arith.constant 16 : i32
      %mul3A_639 = arith.muli %scan3A_218, %mul3A_638 : i32
      %add3A_640 = arith.constant 7 : i32
      %add3A_641 = arith.addi %mul3A_639, %add3A_640 : i32
      %get3A_642 = arith.constant 1 : i32
      %get3A_643 = arith.index_cast %get3A_642 : i32 to index
      %get3A_644 = arith.index_cast %add3A_641 : i32 to index
      %get3A_645 = arith.constant 0 : index
      %get3A_646 = tpu.vector_load %arg9[%get3A_643, %get3A_644, %get3A_645] {strides = array<i32>} : memref<4x128x64xf32, #tpu.memory_space<vmem>>, vector<16xf32>,
      %get3A_647 = arith.constant 1 : i32
      %get3A_648 = arith.index_cast %get3A_647 : i32 to index
      %get3A_649 = arith.index_cast %add3A_641 : i32 to index
      %get3A_650 = arith.constant 0 : index
      %get3A_651 = tpu.vector_load %arg10[%get3A_648, %get3A_649, %get3A_650] {strides = array<i32>} : memref<4x128x64xf32, #tpu.memory_space<vmem>>, vector<16xf32>,
      %mul3A_652 = arith.mulf %get3A_646, %get3A_651 : vector<16xf32>
      %get3A_653 = arith.constant 1 : i32
      %get3A_654 = arith.index_cast %get3A_653 : i32 to index
      %get3A_655 = arith.index_cast %add3A_641 : i32 to index
      %get3A_656 = arith.constant 16 : index
      %get3A_657 = tpu.vector_load %arg9[%get3A_654, %get3A_655, %get3A_656] {strides = array<i32>} : memref<4x128x64xf32, #tpu.memory_space<vmem>>, vector<16xf32>,
      %get3A_658 = arith.constant 1 : i32
      %get3A_659 = arith.index_cast %get3A_658 : i32 to index
      %get3A_660 = arith.index_cast %add3A_641 : i32 to index
      %get3A_661 = arith.constant 16 : index
      %get3A_662 = tpu.vector_load %arg10[%get3A_659, %get3A_660, %get3A_661] {strides = array<i32>} : memref<4x128x64xf32, #tpu.memory_space<vmem>>, vector<16xf32>,
      %mul3A_663 = arith.mulf %get3A_657, %get3A_662 : vector<16xf32>
      %add3A_664 = arith.addf %mul3A_652, %mul3A_663 : vector<16xf32>
      %get3A_665 = arith.constant 1 : i32
      %get3A_666 = arith.index_cast %get3A_665 : i32 to index
      %get3A_667 = arith.index_cast %add3A_641 : i32 to index
      %get3A_668 = arith.constant 32 : index
      %get3A_669 = tpu.vector_load %arg9[%get3A_666, %get3A_667, %get3A_668] {strides = array<i32>} : memref<4x128x64xf32, #tpu.memory_space<vmem>>, vector<16xf32>,
      %get3A_670 = arith.constant 1 : i32
      %get3A_671 = arith.index_cast %get3A_670 : i32 to index
      %get3A_672 = arith.index_cast %add3A_641 : i32 to index
      %get3A_673 = arith.constant 32 : index
      %get3A_674 = tpu.vector_load %arg10[%get3A_671, %get3A_672, %get3A_673] {strides = array<i32>} : memref<4x128x64xf32, #tpu.memory_space<vmem>>, vector<16xf32>,
      %mul3A_675 = arith.mulf %get3A_669, %get3A_674 : vector<16xf32>
      %add3A_676 = arith.addf %add3A_664, %mul3A_675 : vector<16xf32>
      %get3A_677 = arith.constant 1 : i32
      %get3A_678 = arith.index_cast %get3A_677 : i32 to index
      %get3A_679 = arith.index_cast %add3A_641 : i32 to index
      %get3A_680 = arith.constant 48 : index
      %get3A_681 = tpu.vector_load %arg9[%get3A_678, %get3A_679, %get3A_680] {strides = array<i32>} : memref<4x128x64xf32, #tpu.memory_space<vmem>>, vector<16xf32>,
      %get3A_682 = arith.constant 1 : i32
      %get3A_683 = arith.index_cast %get3A_682 : i32 to index
      %get3A_684 = arith.index_cast %add3A_641 : i32 to index
      %get3A_685 = arith.constant 48 : index
      %get3A_686 = tpu.vector_load %arg10[%get3A_683, %get3A_684, %get3A_685] {strides = array<i32>} : memref<4x128x64xf32, #tpu.memory_space<vmem>>, vector<16xf32>,
      %mul3A_687 = arith.mulf %get3A_681, %get3A_686 : vector<16xf32>
      %add3A_688 = arith.addf %add3A_676, %mul3A_687 : vector<16xf32>
      %reduce_sum3A_689 = arith.constant true
      %reduce_sum3A_690 = vector.broadcast %reduce_sum3A_689 : i1 to vector<16xi1>
      %reduce_sum3A_691 = tpu.scan <sum>, %add3A_688 masked %reduce_sum3A_690 : vector<16xf32>, vector<16xi1> -> vector<16xf32>
      %reduce_sum3A_692 = vector.extract %reduce_sum3A_691[15] : f32 from vector<16xf32>
      %eq3A_693 = arith.constant 7 : i32
      %eq3A_694 = vector.broadcast %eq3A_693 : i32 to vector<16xi32>
      %eq3A_695 = arith.cmpi eq, %iota3A, %eq3A_694 : vector<16xi32>
      %broadcast_in_dim3A_696 = vector.broadcast %reduce_sum3A_692 : f32 to vector<16xf32>
      %select_n3A_697 = arith.select %eq3A_695, %broadcast_in_dim3A_696, %select_n3A_637 : vector<16xi1>, vector<16xf32>
      %mul3A_698 = arith.constant 16 : i32
      %mul3A_699 = arith.muli %scan3A_218, %mul3A_698 : i32
      %add3A_700 = arith.constant 8 : i32
      %add3A_701 = arith.addi %mul3A_699, %add3A_700 : i32
      %get3A_702 = arith.constant 1 : i32
      %get3A_703 = arith.index_cast %get3A_702 : i32 to index
      %get3A_704 = arith.index_cast %add3A_701 : i32 to index
      %get3A_705 = arith.constant 0 : index
      %get3A_706 = tpu.vector_load %arg9[%get3A_703, %get3A_704, %get3A_705] {strides = array<i32>} : memref<4x128x64xf32, #tpu.memory_space<vmem>>, vector<16xf32>,
      %get3A_707 = arith.constant 1 : i32
      %get3A_708 = arith.index_cast %get3A_707 : i32 to index
      %get3A_709 = arith.index_cast %add3A_701 : i32 to index
      %get3A_710 = arith.constant 0 : index
      %get3A_711 = tpu.vector_load %arg10[%get3A_708, %get3A_709, %get3A_710] {strides = array<i32>} : memref<4x128x64xf32, #tpu.memory_space<vmem>>, vector<16xf32>,
      %mul3A_712 = arith.mulf %get3A_706, %get3A_711 : vector<16xf32>
      %get3A_713 = arith.constant 1 : i32
      %get3A_714 = arith.index_cast %get3A_713 : i32 to index
      %get3A_715 = arith.index_cast %add3A_701 : i32 to index
      %get3A_716 = arith.constant 16 : index
      %get3A_717 = tpu.vector_load %arg9[%get3A_714, %get3A_715, %get3A_716] {strides = array<i32>} : memref<4x128x64xf32, #tpu.memory_space<vmem>>, vector<16xf32>,
      %get3A_718 = arith.constant 1 : i32
      %get3A_719 = arith.index_cast %get3A_718 : i32 to index
      %get3A_720 = arith.index_cast %add3A_701 : i32 to index
      %get3A_721 = arith.constant 16 : index
      %get3A_722 = tpu.vector_load %arg10[%get3A_719, %get3A_720, %get3A_721] {strides = array<i32>} : memref<4x128x64xf32, #tpu.memory_space<vmem>>, vector<16xf32>,
      %mul3A_723 = arith.mulf %get3A_717, %get3A_722 : vector<16xf32>
      %add3A_724 = arith.addf %mul3A_712, %mul3A_723 : vector<16xf32>
      %get3A_725 = arith.constant 1 : i32
      %get3A_726 = arith.index_cast %get3A_725 : i32 to index
      %get3A_727 = arith.index_cast %add3A_701 : i32 to index
      %get3A_728 = arith.constant 32 : index
      %get3A_729 = tpu.vector_load %arg9[%get3A_726, %get3A_727, %get3A_728] {strides = array<i32>} : memref<4x128x64xf32, #tpu.memory_space<vmem>>, vector<16xf32>,
      %get3A_730 = arith.constant 1 : i32
      %get3A_731 = arith.index_cast %get3A_730 : i32 to index
      %get3A_732 = arith.index_cast %add3A_701 : i32 to index
      %get3A_733 = arith.constant 32 : index
      %get3A_734 = tpu.vector_load %arg10[%get3A_731, %get3A_732, %get3A_733] {strides = array<i32>} : memref<4x128x64xf32, #tpu.memory_space<vmem>>, vector<16xf32>,
      %mul3A_735 = arith.mulf %get3A_729, %get3A_734 : vector<16xf32>
      %add3A_736 = arith.addf %add3A_724, %mul3A_735 : vector<16xf32>
      %get3A_737 = arith.constant 1 : i32
      %get3A_738 = arith.index_cast %get3A_737 : i32 to index
      %get3A_739 = arith.index_cast %add3A_701 : i32 to index
      %get3A_740 = arith.constant 48 : index
      %get3A_741 = tpu.vector_load %arg9[%get3A_738, %get3A_739, %get3A_740] {strides = array<i32>} : memref<4x128x64xf32, #tpu.memory_space<vmem>>, vector<16xf32>,
      %get3A_742 = arith.constant 1 : i32
      %get3A_743 = arith.index_cast %get3A_742 : i32 to index
      %get3A_744 = arith.index_cast %add3A_701 : i32 to index
      %get3A_745 = arith.constant 48 : index
      %get3A_746 = tpu.vector_load %arg10[%get3A_743, %get3A_744, %get3A_745] {strides = array<i32>} : memref<4x128x64xf32, #tpu.memory_space<vmem>>, vector<16xf32>,
      %mul3A_747 = arith.mulf %get3A_741, %get3A_746 : vector<16xf32>
      %add3A_748 = arith.addf %add3A_736, %mul3A_747 : vector<16xf32>
      %reduce_sum3A_749 = arith.constant true
      %reduce_sum3A_750 = vector.broadcast %reduce_sum3A_749 : i1 to vector<16xi1>
      %reduce_sum3A_751 = tpu.scan <sum>, %add3A_748 masked %reduce_sum3A_750 : vector<16xf32>, vector<16xi1> -> vector<16xf32>
      %reduce_sum3A_752 = vector.extract %reduce_sum3A_751[15] : f32 from vector<16xf32>
      %eq3A_753 = arith.constant 8 : i32
      %eq3A_754 = vector.broadcast %eq3A_753 : i32 to vector<16xi32>
      %eq3A_755 = arith.cmpi eq, %iota3A, %eq3A_754 : vector<16xi32>
      %broadcast_in_dim3A_756 = vector.broadcast %reduce_sum3A_752 : f32 to vector<16xf32>
      %select_n3A_757 = arith.select %eq3A_755, %broadcast_in_dim3A_756, %select_n3A_697 : vector<16xi1>, vector<16xf32>
      %mul3A_758 = arith.constant 16 : i32
      %mul3A_759 = arith.muli %scan3A_218, %mul3A_758 : i32
      %add3A_760 = arith.constant 9 : i32
      %add3A_761 = arith.addi %mul3A_759, %add3A_760 : i32
      %get3A_762 = arith.constant 1 : i32
      %get3A_763 = arith.index_cast %get3A_762 : i32 to index
      %get3A_764 = arith.index_cast %add3A_761 : i32 to index
      %get3A_765 = arith.constant 0 : index
      %get3A_766 = tpu.vector_load %arg9[%get3A_763, %get3A_764, %get3A_765] {strides = array<i32>} : memref<4x128x64xf32, #tpu.memory_space<vmem>>, vector<16xf32>,
      %get3A_767 = arith.constant 1 : i32
      %get3A_768 = arith.index_cast %get3A_767 : i32 to index
      %get3A_769 = arith.index_cast %add3A_761 : i32 to index
      %get3A_770 = arith.constant 0 : index
      %get3A_771 = tpu.vector_load %arg10[%get3A_768, %get3A_769, %get3A_770] {strides = array<i32>} : memref<4x128x64xf32, #tpu.memory_space<vmem>>, vector<16xf32>,
      %mul3A_772 = arith.mulf %get3A_766, %get3A_771 : vector<16xf32>
      %get3A_773 = arith.constant 1 : i32
      %get3A_774 = arith.index_cast %get3A_773 : i32 to index
      %get3A_775 = arith.index_cast %add3A_761 : i32 to index
      %get3A_776 = arith.constant 16 : index
      %get3A_777 = tpu.vector_load %arg9[%get3A_774, %get3A_775, %get3A_776] {strides = array<i32>} : memref<4x128x64xf32, #tpu.memory_space<vmem>>, vector<16xf32>,
      %get3A_778 = arith.constant 1 : i32
      %get3A_779 = arith.index_cast %get3A_778 : i32 to index
      %get3A_780 = arith.index_cast %add3A_761 : i32 to index
      %get3A_781 = arith.constant 16 : index
      %get3A_782 = tpu.vector_load %arg10[%get3A_779, %get3A_780, %get3A_781] {strides = array<i32>} : memref<4x128x64xf32, #tpu.memory_space<vmem>>, vector<16xf32>,
      %mul3A_783 = arith.mulf %get3A_777, %get3A_782 : vector<16xf32>
      %add3A_784 = arith.addf %mul3A_772, %mul3A_783 : vector<16xf32>
      %get3A_785 = arith.constant 1 : i32
      %get3A_786 = arith.index_cast %get3A_785 : i32 to index
      %get3A_787 = arith.index_cast %add3A_761 : i32 to index
      %get3A_788 = arith.constant 32 : index
      %get3A_789 = tpu.vector_load %arg9[%get3A_786, %get3A_787, %get3A_788] {strides = array<i32>} : memref<4x128x64xf32, #tpu.memory_space<vmem>>, vector<16xf32>,
      %get3A_790 = arith.constant 1 : i32
      %get3A_791 = arith.index_cast %get3A_790 : i32 to index
      %get3A_792 = arith.index_cast %add3A_761 : i32 to index
      %get3A_793 = arith.constant 32 : index
      %get3A_794 = tpu.vector_load %arg10[%get3A_791, %get3A_792, %get3A_793] {strides = array<i32>} : memref<4x128x64xf32, #tpu.memory_space<vmem>>, vector<16xf32>,
      %mul3A_795 = arith.mulf %get3A_789, %get3A_794 : vector<16xf32>
      %add3A_796 = arith.addf %add3A_784, %mul3A_795 : vector<16xf32>
      %get3A_797 = arith.constant 1 : i32
      %get3A_798 = arith.index_cast %get3A_797 : i32 to index
      %get3A_799 = arith.index_cast %add3A_761 : i32 to index
      %get3A_800 = arith.constant 48 : index
      %get3A_801 = tpu.vector_load %arg9[%get3A_798, %get3A_799, %get3A_800] {strides = array<i32>} : memref<4x128x64xf32, #tpu.memory_space<vmem>>, vector<16xf32>,
      %get3A_802 = arith.constant 1 : i32
      %get3A_803 = arith.index_cast %get3A_802 : i32 to index
      %get3A_804 = arith.index_cast %add3A_761 : i32 to index
      %get3A_805 = arith.constant 48 : index
      %get3A_806 = tpu.vector_load %arg10[%get3A_803, %get3A_804, %get3A_805] {strides = array<i32>} : memref<4x128x64xf32, #tpu.memory_space<vmem>>, vector<16xf32>,
      %mul3A_807 = arith.mulf %get3A_801, %get3A_806 : vector<16xf32>
      %add3A_808 = arith.addf %add3A_796, %mul3A_807 : vector<16xf32>
      %reduce_sum3A_809 = arith.constant true
      %reduce_sum3A_810 = vector.broadcast %reduce_sum3A_809 : i1 to vector<16xi1>
      %reduce_sum3A_811 = tpu.scan <sum>, %add3A_808 masked %reduce_sum3A_810 : vector<16xf32>, vector<16xi1> -> vector<16xf32>
      %reduce_sum3A_812 = vector.extract %reduce_sum3A_811[15] : f32 from vector<16xf32>
      %eq3A_813 = arith.constant 9 : i32
      %eq3A_814 = vector.broadcast %eq3A_813 : i32 to vector<16xi32>
      %eq3A_815 = arith.cmpi eq, %iota3A, %eq3A_814 : vector<16xi32>
      %broadcast_in_dim3A_816 = vector.broadcast %reduce_sum3A_812 : f32 to vector<16xf32>
      %select_n3A_817 = arith.select %eq3A_815, %broadcast_in_dim3A_816, %select_n3A_757 : vector<16xi1>, vector<16xf32>
      %mul3A_818 = arith.constant 16 : i32
      %mul3A_819 = arith.muli %scan3A_218, %mul3A_818 : i32
      %add3A_820 = arith.constant 10 : i32
      %add3A_821 = arith.addi %mul3A_819, %add3A_820 : i32
      %get3A_822 = arith.constant 1 : i32
      %get3A_823 = arith.index_cast %get3A_822 : i32 to index
      %get3A_824 = arith.index_cast %add3A_821 : i32 to index
      %get3A_825 = arith.constant 0 : index
      %get3A_826 = tpu.vector_load %arg9[%get3A_823, %get3A_824, %get3A_825] {strides = array<i32>} : memref<4x128x64xf32, #tpu.memory_space<vmem>>, vector<16xf32>,
      %get3A_827 = arith.constant 1 : i32
      %get3A_828 = arith.index_cast %get3A_827 : i32 to index
      %get3A_829 = arith.index_cast %add3A_821 : i32 to index
      %get3A_830 = arith.constant 0 : index
      %get3A_831 = tpu.vector_load %arg10[%get3A_828, %get3A_829, %get3A_830] {strides = array<i32>} : memref<4x128x64xf32, #tpu.memory_space<vmem>>, vector<16xf32>,
      %mul3A_832 = arith.mulf %get3A_826, %get3A_831 : vector<16xf32>
      %get3A_833 = arith.constant 1 : i32
      %get3A_834 = arith.index_cast %get3A_833 : i32 to index
      %get3A_835 = arith.index_cast %add3A_821 : i32 to index
      %get3A_836 = arith.constant 16 : index
      %get3A_837 = tpu.vector_load %arg9[%get3A_834, %get3A_835, %get3A_836] {strides = array<i32>} : memref<4x128x64xf32, #tpu.memory_space<vmem>>, vector<16xf32>,
      %get3A_838 = arith.constant 1 : i32
      %get3A_839 = arith.index_cast %get3A_838 : i32 to index
      %get3A_840 = arith.index_cast %add3A_821 : i32 to index
      %get3A_841 = arith.constant 16 : index
      %get3A_842 = tpu.vector_load %arg10[%get3A_839, %get3A_840, %get3A_841] {strides = array<i32>} : memref<4x128x64xf32, #tpu.memory_space<vmem>>, vector<16xf32>,
      %mul3A_843 = arith.mulf %get3A_837, %get3A_842 : vector<16xf32>
      %add3A_844 = arith.addf %mul3A_832, %mul3A_843 : vector<16xf32>
      %get3A_845 = arith.constant 1 : i32
      %get3A_846 = arith.index_cast %get3A_845 : i32 to index
      %get3A_847 = arith.index_cast %add3A_821 : i32 to index
      %get3A_848 = arith.constant 32 : index
      %get3A_849 = tpu.vector_load %arg9[%get3A_846, %get3A_847, %get3A_848] {strides = array<i32>} : memref<4x128x64xf32, #tpu.memory_space<vmem>>, vector<16xf32>,
      %get3A_850 = arith.constant 1 : i32
      %get3A_851 = arith.index_cast %get3A_850 : i32 to index
      %get3A_852 = arith.index_cast %add3A_821 : i32 to index
      %get3A_853 = arith.constant 32 : index
      %get3A_854 = tpu.vector_load %arg10[%get3A_851, %get3A_852, %get3A_853] {strides = array<i32>} : memref<4x128x64xf32, #tpu.memory_space<vmem>>, vector<16xf32>,
      %mul3A_855 = arith.mulf %get3A_849, %get3A_854 : vector<16xf32>
      %add3A_856 = arith.addf %add3A_844, %mul3A_855 : vector<16xf32>
      %get3A_857 = arith.constant 1 : i32
      %get3A_858 = arith.index_cast %get3A_857 : i32 to index
      %get3A_859 = arith.index_cast %add3A_821 : i32 to index
      %get3A_860 = arith.constant 48 : index
      %get3A_861 = tpu.vector_load %arg9[%get3A_858, %get3A_859, %get3A_860] {strides = array<i32>} : memref<4x128x64xf32, #tpu.memory_space<vmem>>, vector<16xf32>,
      %get3A_862 = arith.constant 1 : i32
      %get3A_863 = arith.index_cast %get3A_862 : i32 to index
      %get3A_864 = arith.index_cast %add3A_821 : i32 to index
      %get3A_865 = arith.constant 48 : index
      %get3A_866 = tpu.vector_load %arg10[%get3A_863, %get3A_864, %get3A_865] {strides = array<i32>} : memref<4x128x64xf32, #tpu.memory_space<vmem>>, vector<16xf32>,
      %mul3A_867 = arith.mulf %get3A_861, %get3A_866 : vector<16xf32>
      %add3A_868 = arith.addf %add3A_856, %mul3A_867 : vector<16xf32>
      %reduce_sum3A_869 = arith.constant true
      %reduce_sum3A_870 = vector.broadcast %reduce_sum3A_869 : i1 to vector<16xi1>
      %reduce_sum3A_871 = tpu.scan <sum>, %add3A_868 masked %reduce_sum3A_870 : vector<16xf32>, vector<16xi1> -> vector<16xf32>
      %reduce_sum3A_872 = vector.extract %reduce_sum3A_871[15] : f32 from vector<16xf32>
      %eq3A_873 = arith.constant 10 : i32
      %eq3A_874 = vector.broadcast %eq3A_873 : i32 to vector<16xi32>
      %eq3A_875 = arith.cmpi eq, %iota3A, %eq3A_874 : vector<16xi32>
      %broadcast_in_dim3A_876 = vector.broadcast %reduce_sum3A_872 : f32 to vector<16xf32>
      %select_n3A_877 = arith.select %eq3A_875, %broadcast_in_dim3A_876, %select_n3A_817 : vector<16xi1>, vector<16xf32>
      %mul3A_878 = arith.constant 16 : i32
      %mul3A_879 = arith.muli %scan3A_218, %mul3A_878 : i32
      %add3A_880 = arith.constant 11 : i32
      %add3A_881 = arith.addi %mul3A_879, %add3A_880 : i32
      %get3A_882 = arith.constant 1 : i32
      %get3A_883 = arith.index_cast %get3A_882 : i32 to index
      %get3A_884 = arith.index_cast %add3A_881 : i32 to index
      %get3A_885 = arith.constant 0 : index
      %get3A_886 = tpu.vector_load %arg9[%get3A_883, %get3A_884, %get3A_885] {strides = array<i32>} : memref<4x128x64xf32, #tpu.memory_space<vmem>>, vector<16xf32>,
      %get3A_887 = arith.constant 1 : i32
      %get3A_888 = arith.index_cast %get3A_887 : i32 to index
      %get3A_889 = arith.index_cast %add3A_881 : i32 to index
      %get3A_890 = arith.constant 0 : index
      %get3A_891 = tpu.vector_load %arg10[%get3A_888, %get3A_889, %get3A_890] {strides = array<i32>} : memref<4x128x64xf32, #tpu.memory_space<vmem>>, vector<16xf32>,
      %mul3A_892 = arith.mulf %get3A_886, %get3A_891 : vector<16xf32>
      %get3A_893 = arith.constant 1 : i32
      %get3A_894 = arith.index_cast %get3A_893 : i32 to index
      %get3A_895 = arith.index_cast %add3A_881 : i32 to index
      %get3A_896 = arith.constant 16 : index
      %get3A_897 = tpu.vector_load %arg9[%get3A_894, %get3A_895, %get3A_896] {strides = array<i32>} : memref<4x128x64xf32, #tpu.memory_space<vmem>>, vector<16xf32>,
      %get3A_898 = arith.constant 1 : i32
      %get3A_899 = arith.index_cast %get3A_898 : i32 to index
      %get3A_900 = arith.index_cast %add3A_881 : i32 to index
      %get3A_901 = arith.constant 16 : index
      %get3A_902 = tpu.vector_load %arg10[%get3A_899, %get3A_900, %get3A_901] {strides = array<i32>} : memref<4x128x64xf32, #tpu.memory_space<vmem>>, vector<16xf32>,
      %mul3A_903 = arith.mulf %get3A_897, %get3A_902 : vector<16xf32>
      %add3A_904 = arith.addf %mul3A_892, %mul3A_903 : vector<16xf32>
      %get3A_905 = arith.constant 1 : i32
      %get3A_906 = arith.index_cast %get3A_905 : i32 to index
      %get3A_907 = arith.index_cast %add3A_881 : i32 to index
      %get3A_908 = arith.constant 32 : index
      %get3A_909 = tpu.vector_load %arg9[%get3A_906, %get3A_907, %get3A_908] {strides = array<i32>} : memref<4x128x64xf32, #tpu.memory_space<vmem>>, vector<16xf32>,
      %get3A_910 = arith.constant 1 : i32
      %get3A_911 = arith.index_cast %get3A_910 : i32 to index
      %get3A_912 = arith.index_cast %add3A_881 : i32 to index
      %get3A_913 = arith.constant 32 : index
      %get3A_914 = tpu.vector_load %arg10[%get3A_911, %get3A_912, %get3A_913] {strides = array<i32>} : memref<4x128x64xf32, #tpu.memory_space<vmem>>, vector<16xf32>,
      %mul3A_915 = arith.mulf %get3A_909, %get3A_914 : vector<16xf32>
      %add3A_916 = arith.addf %add3A_904, %mul3A_915 : vector<16xf32>
      %get3A_917 = arith.constant 1 : i32
      %get3A_918 = arith.index_cast %get3A_917 : i32 to index
      %get3A_919 = arith.index_cast %add3A_881 : i32 to index
      %get3A_920 = arith.constant 48 : index
      %get3A_921 = tpu.vector_load %arg9[%get3A_918, %get3A_919, %get3A_920] {strides = array<i32>} : memref<4x128x64xf32, #tpu.memory_space<vmem>>, vector<16xf32>,
      %get3A_922 = arith.constant 1 : i32
      %get3A_923 = arith.index_cast %get3A_922 : i32 to index
      %get3A_924 = arith.index_cast %add3A_881 : i32 to index
      %get3A_925 = arith.constant 48 : index
      %get3A_926 = tpu.vector_load %arg10[%get3A_923, %get3A_924, %get3A_925] {strides = array<i32>} : memref<4x128x64xf32, #tpu.memory_space<vmem>>, vector<16xf32>,
      %mul3A_927 = arith.mulf %get3A_921, %get3A_926 : vector<16xf32>
      %add3A_928 = arith.addf %add3A_916, %mul3A_927 : vector<16xf32>
      %reduce_sum3A_929 = arith.constant true
      %reduce_sum3A_930 = vector.broadcast %reduce_sum3A_929 : i1 to vector<16xi1>
      %reduce_sum3A_931 = tpu.scan <sum>, %add3A_928 masked %reduce_sum3A_930 : vector<16xf32>, vector<16xi1> -> vector<16xf32>
      %reduce_sum3A_932 = vector.extract %reduce_sum3A_931[15] : f32 from vector<16xf32>
      %eq3A_933 = arith.constant 11 : i32
      %eq3A_934 = vector.broadcast %eq3A_933 : i32 to vector<16xi32>
      %eq3A_935 = arith.cmpi eq, %iota3A, %eq3A_934 : vector<16xi32>
      %broadcast_in_dim3A_936 = vector.broadcast %reduce_sum3A_932 : f32 to vector<16xf32>
      %select_n3A_937 = arith.select %eq3A_935, %broadcast_in_dim3A_936, %select_n3A_877 : vector<16xi1>, vector<16xf32>
      %mul3A_938 = arith.constant 16 : i32
      %mul3A_939 = arith.muli %scan3A_218, %mul3A_938 : i32
      %add3A_940 = arith.constant 12 : i32
      %add3A_941 = arith.addi %mul3A_939, %add3A_940 : i32
      %get3A_942 = arith.constant 1 : i32
      %get3A_943 = arith.index_cast %get3A_942 : i32 to index
      %get3A_944 = arith.index_cast %add3A_941 : i32 to index
      %get3A_945 = arith.constant 0 : index
      %get3A_946 = tpu.vector_load %arg9[%get3A_943, %get3A_944, %get3A_945] {strides = array<i32>} : memref<4x128x64xf32, #tpu.memory_space<vmem>>, vector<16xf32>,
      %get3A_947 = arith.constant 1 : i32
      %get3A_948 = arith.index_cast %get3A_947 : i32 to index
      %get3A_949 = arith.index_cast %add3A_941 : i32 to index
      %get3A_950 = arith.constant 0 : index
      %get3A_951 = tpu.vector_load %arg10[%get3A_948, %get3A_949, %get3A_950] {strides = array<i32>} : memref<4x128x64xf32, #tpu.memory_space<vmem>>, vector<16xf32>,
      %mul3A_952 = arith.mulf %get3A_946, %get3A_951 : vector<16xf32>
      %get3A_953 = arith.constant 1 : i32
      %get3A_954 = arith.index_cast %get3A_953 : i32 to index
      %get3A_955 = arith.index_cast %add3A_941 : i32 to index
      %get3A_956 = arith.constant 16 : index
      %get3A_957 = tpu.vector_load %arg9[%get3A_954, %get3A_955, %get3A_956] {strides = array<i32>} : memref<4x128x64xf32, #tpu.memory_space<vmem>>, vector<16xf32>,
      %get3A_958 = arith.constant 1 : i32
      %get3A_959 = arith.index_cast %get3A_958 : i32 to index
      %get3A_960 = arith.index_cast %add3A_941 : i32 to index
      %get3A_961 = arith.constant 16 : index
      %get3A_962 = tpu.vector_load %arg10[%get3A_959, %get3A_960, %get3A_961] {strides = array<i32>} : memref<4x128x64xf32, #tpu.memory_space<vmem>>, vector<16xf32>,
      %mul3A_963 = arith.mulf %get3A_957, %get3A_962 : vector<16xf32>
      %add3A_964 = arith.addf %mul3A_952, %mul3A_963 : vector<16xf32>
      %get3A_965 = arith.constant 1 : i32
      %get3A_966 = arith.index_cast %get3A_965 : i32 to index
      %get3A_967 = arith.index_cast %add3A_941 : i32 to index
      %get3A_968 = arith.constant 32 : index
      %get3A_969 = tpu.vector_load %arg9[%get3A_966, %get3A_967, %get3A_968] {strides = array<i32>} : memref<4x128x64xf32, #tpu.memory_space<vmem>>, vector<16xf32>,
      %get3A_970 = arith.constant 1 : i32
      %get3A_971 = arith.index_cast %get3A_970 : i32 to index
      %get3A_972 = arith.index_cast %add3A_941 : i32 to index
      %get3A_973 = arith.constant 32 : index
      %get3A_974 = tpu.vector_load %arg10[%get3A_971, %get3A_972, %get3A_973] {strides = array<i32>} : memref<4x128x64xf32, #tpu.memory_space<vmem>>, vector<16xf32>,
      %mul3A_975 = arith.mulf %get3A_969, %get3A_974 : vector<16xf32>
      %add3A_976 = arith.addf %add3A_964, %mul3A_975 : vector<16xf32>
      %get3A_977 = arith.constant 1 : i32
      %get3A_978 = arith.index_cast %get3A_977 : i32 to index
      %get3A_979 = arith.index_cast %add3A_941 : i32 to index
      %get3A_980 = arith.constant 48 : index
      %get3A_981 = tpu.vector_load %arg9[%get3A_978, %get3A_979, %get3A_980] {strides = array<i32>} : memref<4x128x64xf32, #tpu.memory_space<vmem>>, vector<16xf32>,
      %get3A_982 = arith.constant 1 : i32
      %get3A_983 = arith.index_cast %get3A_982 : i32 to index
      %get3A_984 = arith.index_cast %add3A_941 : i32 to index
      %get3A_985 = arith.constant 48 : index
      %get3A_986 = tpu.vector_load %arg10[%get3A_983, %get3A_984, %get3A_985] {strides = array<i32>} : memref<4x128x64xf32, #tpu.memory_space<vmem>>, vector<16xf32>,
      %mul3A_987 = arith.mulf %get3A_981, %get3A_986 : vector<16xf32>
      %add3A_988 = arith.addf %add3A_976, %mul3A_987 : vector<16xf32>
      %reduce_sum3A_989 = arith.constant true
      %reduce_sum3A_990 = vector.broadcast %reduce_sum3A_989 : i1 to vector<16xi1>
      %reduce_sum3A_991 = tpu.scan <sum>, %add3A_988 masked %reduce_sum3A_990 : vector<16xf32>, vector<16xi1> -> vector<16xf32>
      %reduce_sum3A_992 = vector.extract %reduce_sum3A_991[15] : f32 from vector<16xf32>
      %eq3A_993 = arith.constant 12 : i32
      %eq3A_994 = vector.broadcast %eq3A_993 : i32 to vector<16xi32>
      %eq3A_995 = arith.cmpi eq, %iota3A, %eq3A_994 : vector<16xi32>
      %broadcast_in_dim3A_996 = vector.broadcast %reduce_sum3A_992 : f32 to vector<16xf32>
      %select_n3A_997 = arith.select %eq3A_995, %broadcast_in_dim3A_996, %select_n3A_937 : vector<16xi1>, vector<16xf32>
      %mul3A_998 = arith.constant 16 : i32
      %mul3A_999 = arith.muli %scan3A_218, %mul3A_998 : i32
      %add3A_1000 = arith.constant 13 : i32
      %add3A_1001 = arith.addi %mul3A_999, %add3A_1000 : i32
      %get3A_1002 = arith.constant 1 : i32
      %get3A_1003 = arith.index_cast %get3A_1002 : i32 to index
      %get3A_1004 = arith.index_cast %add3A_1001 : i32 to index
      %get3A_1005 = arith.constant 0 : index
      %get3A_1006 = tpu.vector_load %arg9[%get3A_1003, %get3A_1004, %get3A_1005] {strides = array<i32>} : memref<4x128x64xf32, #tpu.memory_space<vmem>>, vector<16xf32>,
      %get3A_1007 = arith.constant 1 : i32
      %get3A_1008 = arith.index_cast %get3A_1007 : i32 to index
      %get3A_1009 = arith.index_cast %add3A_1001 : i32 to index
      %get3A_1010 = arith.constant 0 : index
      %get3A_1011 = tpu.vector_load %arg10[%get3A_1008, %get3A_1009, %get3A_1010] {strides = array<i32>} : memref<4x128x64xf32, #tpu.memory_space<vmem>>, vector<16xf32>,
      %mul3A_1012 = arith.mulf %get3A_1006, %get3A_1011 : vector<16xf32>
      %get3A_1013 = arith.constant 1 : i32
      %get3A_1014 = arith.index_cast %get3A_1013 : i32 to index
      %get3A_1015 = arith.index_cast %add3A_1001 : i32 to index
      %get3A_1016 = arith.constant 16 : index
      %get3A_1017 = tpu.vector_load %arg9[%get3A_1014, %get3A_1015, %get3A_1016] {strides = array<i32>} : memref<4x128x64xf32, #tpu.memory_space<vmem>>, vector<16xf32>,
      %get3A_1018 = arith.constant 1 : i32
      %get3A_1019 = arith.index_cast %get3A_1018 : i32 to index
      %get3A_1020 = arith.index_cast %add3A_1001 : i32 to index
      %get3A_1021 = arith.constant 16 : index
      %get3A_1022 = tpu.vector_load %arg10[%get3A_1019, %get3A_1020, %get3A_1021] {strides = array<i32>} : memref<4x128x64xf32, #tpu.memory_space<vmem>>, vector<16xf32>,
      %mul3A_1023 = arith.mulf %get3A_1017, %get3A_1022 : vector<16xf32>
      %add3A_1024 = arith.addf %mul3A_1012, %mul3A_1023 : vector<16xf32>
      %get3A_1025 = arith.constant 1 : i32
      %get3A_1026 = arith.index_cast %get3A_1025 : i32 to index
      %get3A_1027 = arith.index_cast %add3A_1001 : i32 to index
      %get3A_1028 = arith.constant 32 : index
      %get3A_1029 = tpu.vector_load %arg9[%get3A_1026, %get3A_1027, %get3A_1028] {strides = array<i32>} : memref<4x128x64xf32, #tpu.memory_space<vmem>>, vector<16xf32>,
      %get3A_1030 = arith.constant 1 : i32
      %get3A_1031 = arith.index_cast %get3A_1030 : i32 to index
      %get3A_1032 = arith.index_cast %add3A_1001 : i32 to index
      %get3A_1033 = arith.constant 32 : index
      %get3A_1034 = tpu.vector_load %arg10[%get3A_1031, %get3A_1032, %get3A_1033] {strides = array<i32>} : memref<4x128x64xf32, #tpu.memory_space<vmem>>, vector<16xf32>,
      %mul3A_1035 = arith.mulf %get3A_1029, %get3A_1034 : vector<16xf32>
      %add3A_1036 = arith.addf %add3A_1024, %mul3A_1035 : vector<16xf32>
      %get3A_1037 = arith.constant 1 : i32
      %get3A_1038 = arith.index_cast %get3A_1037 : i32 to index
      %get3A_1039 = arith.index_cast %add3A_1001 : i32 to index
      %get3A_1040 = arith.constant 48 : index
      %get3A_1041 = tpu.vector_load %arg9[%get3A_1038, %get3A_1039, %get3A_1040] {strides = array<i32>} : memref<4x128x64xf32, #tpu.memory_space<vmem>>, vector<16xf32>,
      %get3A_1042 = arith.constant 1 : i32
      %get3A_1043 = arith.index_cast %get3A_1042 : i32 to index
      %get3A_1044 = arith.index_cast %add3A_1001 : i32 to index
      %get3A_1045 = arith.constant 48 : index
      %get3A_1046 = tpu.vector_load %arg10[%get3A_1043, %get3A_1044, %get3A_1045] {strides = array<i32>} : memref<4x128x64xf32, #tpu.memory_space<vmem>>, vector<16xf32>,
      %mul3A_1047 = arith.mulf %get3A_1041, %get3A_1046 : vector<16xf32>
      %add3A_1048 = arith.addf %add3A_1036, %mul3A_1047 : vector<16xf32>
      %reduce_sum3A_1049 = arith.constant true
      %reduce_sum3A_1050 = vector.broadcast %reduce_sum3A_1049 : i1 to vector<16xi1>
      %reduce_sum3A_1051 = tpu.scan <sum>, %add3A_1048 masked %reduce_sum3A_1050 : vector<16xf32>, vector<16xi1> -> vector<16xf32>
      %reduce_sum3A_1052 = vector.extract %reduce_sum3A_1051[15] : f32 from vector<16xf32>
      %eq3A_1053 = arith.constant 13 : i32
      %eq3A_1054 = vector.broadcast %eq3A_1053 : i32 to vector<16xi32>
      %eq3A_1055 = arith.cmpi eq, %iota3A, %eq3A_1054 : vector<16xi32>
      %broadcast_in_dim3A_1056 = vector.broadcast %reduce_sum3A_1052 : f32 to vector<16xf32>
      %select_n3A_1057 = arith.select %eq3A_1055, %broadcast_in_dim3A_1056, %select_n3A_997 : vector<16xi1>, vector<16xf32>
      %mul3A_1058 = arith.constant 16 : i32
      %mul3A_1059 = arith.muli %scan3A_218, %mul3A_1058 : i32
      %add3A_1060 = arith.constant 14 : i32
      %add3A_1061 = arith.addi %mul3A_1059, %add3A_1060 : i32
      %get3A_1062 = arith.constant 1 : i32
      %get3A_1063 = arith.index_cast %get3A_1062 : i32 to index
      %get3A_1064 = arith.index_cast %add3A_1061 : i32 to index
      %get3A_1065 = arith.constant 0 : index
      %get3A_1066 = tpu.vector_load %arg9[%get3A_1063, %get3A_1064, %get3A_1065] {strides = array<i32>} : memref<4x128x64xf32, #tpu.memory_space<vmem>>, vector<16xf32>,
      %get3A_1067 = arith.constant 1 : i32
      %get3A_1068 = arith.index_cast %get3A_1067 : i32 to index
      %get3A_1069 = arith.index_cast %add3A_1061 : i32 to index
      %get3A_1070 = arith.constant 0 : index
      %get3A_1071 = tpu.vector_load %arg10[%get3A_1068, %get3A_1069, %get3A_1070] {strides = array<i32>} : memref<4x128x64xf32, #tpu.memory_space<vmem>>, vector<16xf32>,
      %mul3A_1072 = arith.mulf %get3A_1066, %get3A_1071 : vector<16xf32>
      %get3A_1073 = arith.constant 1 : i32
      %get3A_1074 = arith.index_cast %get3A_1073 : i32 to index
      %get3A_1075 = arith.index_cast %add3A_1061 : i32 to index
      %get3A_1076 = arith.constant 16 : index
      %get3A_1077 = tpu.vector_load %arg9[%get3A_1074, %get3A_1075, %get3A_1076] {strides = array<i32>} : memref<4x128x64xf32, #tpu.memory_space<vmem>>, vector<16xf32>,
      %get3A_1078 = arith.constant 1 : i32
      %get3A_1079 = arith.index_cast %get3A_1078 : i32 to index
      %get3A_1080 = arith.index_cast %add3A_1061 : i32 to index
      %get3A_1081 = arith.constant 16 : index
      %get3A_1082 = tpu.vector_load %arg10[%get3A_1079, %get3A_1080, %get3A_1081] {strides = array<i32>} : memref<4x128x64xf32, #tpu.memory_space<vmem>>, vector<16xf32>,
      %mul3A_1083 = arith.mulf %get3A_1077, %get3A_1082 : vector<16xf32>
      %add3A_1084 = arith.addf %mul3A_1072, %mul3A_1083 : vector<16xf32>
      %get3A_1085 = arith.constant 1 : i32
      %get3A_1086 = arith.index_cast %get3A_1085 : i32 to index
      %get3A_1087 = arith.index_cast %add3A_1061 : i32 to index
      %get3A_1088 = arith.constant 32 : index
      %get3A_1089 = tpu.vector_load %arg9[%get3A_1086, %get3A_1087, %get3A_1088] {strides = array<i32>} : memref<4x128x64xf32, #tpu.memory_space<vmem>>, vector<16xf32>,
      %get3A_1090 = arith.constant 1 : i32
      %get3A_1091 = arith.index_cast %get3A_1090 : i32 to index
      %get3A_1092 = arith.index_cast %add3A_1061 : i32 to index
      %get3A_1093 = arith.constant 32 : index
      %get3A_1094 = tpu.vector_load %arg10[%get3A_1091, %get3A_1092, %get3A_1093] {strides = array<i32>} : memref<4x128x64xf32, #tpu.memory_space<vmem>>, vector<16xf32>,
      %mul3A_1095 = arith.mulf %get3A_1089, %get3A_1094 : vector<16xf32>
      %add3A_1096 = arith.addf %add3A_1084, %mul3A_1095 : vector<16xf32>
      %get3A_1097 = arith.constant 1 : i32
      %get3A_1098 = arith.index_cast %get3A_1097 : i32 to index
      %get3A_1099 = arith.index_cast %add3A_1061 : i32 to index
      %get3A_1100 = arith.constant 48 : index
      %get3A_1101 = tpu.vector_load %arg9[%get3A_1098, %get3A_1099, %get3A_1100] {strides = array<i32>} : memref<4x128x64xf32, #tpu.memory_space<vmem>>, vector<16xf32>,
      %get3A_1102 = arith.constant 1 : i32
      %get3A_1103 = arith.index_cast %get3A_1102 : i32 to index
      %get3A_1104 = arith.index_cast %add3A_1061 : i32 to index
      %get3A_1105 = arith.constant 48 : index
      %get3A_1106 = tpu.vector_load %arg10[%get3A_1103, %get3A_1104, %get3A_1105] {strides = array<i32>} : memref<4x128x64xf32, #tpu.memory_space<vmem>>, vector<16xf32>,
      %mul3A_1107 = arith.mulf %get3A_1101, %get3A_1106 : vector<16xf32>
      %add3A_1108 = arith.addf %add3A_1096, %mul3A_1107 : vector<16xf32>
      %reduce_sum3A_1109 = arith.constant true
      %reduce_sum3A_1110 = vector.broadcast %reduce_sum3A_1109 : i1 to vector<16xi1>
      %reduce_sum3A_1111 = tpu.scan <sum>, %add3A_1108 masked %reduce_sum3A_1110 : vector<16xf32>, vector<16xi1> -> vector<16xf32>
      %reduce_sum3A_1112 = vector.extract %reduce_sum3A_1111[15] : f32 from vector<16xf32>
      %eq3A_1113 = arith.constant 14 : i32
      %eq3A_1114 = vector.broadcast %eq3A_1113 : i32 to vector<16xi32>
      %eq3A_1115 = arith.cmpi eq, %iota3A, %eq3A_1114 : vector<16xi32>
      %broadcast_in_dim3A_1116 = vector.broadcast %reduce_sum3A_1112 : f32 to vector<16xf32>
      %select_n3A_1117 = arith.select %eq3A_1115, %broadcast_in_dim3A_1116, %select_n3A_1057 : vector<16xi1>, vector<16xf32>
      %mul3A_1118 = arith.constant 16 : i32
      %mul3A_1119 = arith.muli %scan3A_218, %mul3A_1118 : i32
      %add3A_1120 = arith.constant 15 : i32
      %add3A_1121 = arith.addi %mul3A_1119, %add3A_1120 : i32
      %get3A_1122 = arith.constant 1 : i32
      %get3A_1123 = arith.index_cast %get3A_1122 : i32 to index
      %get3A_1124 = arith.index_cast %add3A_1121 : i32 to index
      %get3A_1125 = arith.constant 0 : index
      %get3A_1126 = tpu.vector_load %arg9[%get3A_1123, %get3A_1124, %get3A_1125] {strides = array<i32>} : memref<4x128x64xf32, #tpu.memory_space<vmem>>, vector<16xf32>,
      %get3A_1127 = arith.constant 1 : i32
      %get3A_1128 = arith.index_cast %get3A_1127 : i32 to index
      %get3A_1129 = arith.index_cast %add3A_1121 : i32 to index
      %get3A_1130 = arith.constant 0 : index
      %get3A_1131 = tpu.vector_load %arg10[%get3A_1128, %get3A_1129, %get3A_1130] {strides = array<i32>} : memref<4x128x64xf32, #tpu.memory_space<vmem>>, vector<16xf32>,
      %mul3A_1132 = arith.mulf %get3A_1126, %get3A_1131 : vector<16xf32>
      %get3A_1133 = arith.constant 1 : i32
      %get3A_1134 = arith.index_cast %get3A_1133 : i32 to index
      %get3A_1135 = arith.index_cast %add3A_1121 : i32 to index
      %get3A_1136 = arith.constant 16 : index
      %get3A_1137 = tpu.vector_load %arg9[%get3A_1134, %get3A_1135, %get3A_1136] {strides = array<i32>} : memref<4x128x64xf32, #tpu.memory_space<vmem>>, vector<16xf32>,
      %get3A_1138 = arith.constant 1 : i32
      %get3A_1139 = arith.index_cast %get3A_1138 : i32 to index
      %get3A_1140 = arith.index_cast %add3A_1121 : i32 to index
      %get3A_1141 = arith.constant 16 : index
      %get3A_1142 = tpu.vector_load %arg10[%get3A_1139, %get3A_1140, %get3A_1141] {strides = array<i32>} : memref<4x128x64xf32, #tpu.memory_space<vmem>>, vector<16xf32>,
      %mul3A_1143 = arith.mulf %get3A_1137, %get3A_1142 : vector<16xf32>
      %add3A_1144 = arith.addf %mul3A_1132, %mul3A_1143 : vector<16xf32>
      %get3A_1145 = arith.constant 1 : i32
      %get3A_1146 = arith.index_cast %get3A_1145 : i32 to index
      %get3A_1147 = arith.index_cast %add3A_1121 : i32 to index
      %get3A_1148 = arith.constant 32 : index
      %get3A_1149 = tpu.vector_load %arg9[%get3A_1146, %get3A_1147, %get3A_1148] {strides = array<i32>} : memref<4x128x64xf32, #tpu.memory_space<vmem>>, vector<16xf32>,
      %get3A_1150 = arith.constant 1 : i32
      %get3A_1151 = arith.index_cast %get3A_1150 : i32 to index
      %get3A_1152 = arith.index_cast %add3A_1121 : i32 to index
      %get3A_1153 = arith.constant 32 : index
      %get3A_1154 = tpu.vector_load %arg10[%get3A_1151, %get3A_1152, %get3A_1153] {strides = array<i32>} : memref<4x128x64xf32, #tpu.memory_space<vmem>>, vector<16xf32>,
      %mul3A_1155 = arith.mulf %get3A_1149, %get3A_1154 : vector<16xf32>
      %add3A_1156 = arith.addf %add3A_1144, %mul3A_1155 : vector<16xf32>
      %get3A_1157 = arith.constant 1 : i32
      %get3A_1158 = arith.index_cast %get3A_1157 : i32 to index
      %get3A_1159 = arith.index_cast %add3A_1121 : i32 to index
      %get3A_1160 = arith.constant 48 : index
      %get3A_1161 = tpu.vector_load %arg9[%get3A_1158, %get3A_1159, %get3A_1160] {strides = array<i32>} : memref<4x128x64xf32, #tpu.memory_space<vmem>>, vector<16xf32>,
      %get3A_1162 = arith.constant 1 : i32
      %get3A_1163 = arith.index_cast %get3A_1162 : i32 to index
      %get3A_1164 = arith.index_cast %add3A_1121 : i32 to index
      %get3A_1165 = arith.constant 48 : index
      %get3A_1166 = tpu.vector_load %arg10[%get3A_1163, %get3A_1164, %get3A_1165] {strides = array<i32>} : memref<4x128x64xf32, #tpu.memory_space<vmem>>, vector<16xf32>,
      %mul3A_1167 = arith.mulf %get3A_1161, %get3A_1166 : vector<16xf32>
      %add3A_1168 = arith.addf %add3A_1156, %mul3A_1167 : vector<16xf32>
      %reduce_sum3A_1169 = arith.constant true
      %reduce_sum3A_1170 = vector.broadcast %reduce_sum3A_1169 : i1 to vector<16xi1>
      %reduce_sum3A_1171 = tpu.scan <sum>, %add3A_1168 masked %reduce_sum3A_1170 : vector<16xf32>, vector<16xi1> -> vector<16xf32>
      %reduce_sum3A_1172 = vector.extract %reduce_sum3A_1171[15] : f32 from vector<16xf32>
      %eq3A_1173 = arith.constant 15 : i32
      %eq3A_1174 = vector.broadcast %eq3A_1173 : i32 to vector<16xi32>
      %eq3A_1175 = arith.cmpi eq, %iota3A, %eq3A_1174 : vector<16xi32>
      %broadcast_in_dim3A_1176 = vector.broadcast %reduce_sum3A_1172 : f32 to vector<16xf32>
      %select_n3A_1177 = arith.select %eq3A_1175, %broadcast_in_dim3A_1176, %select_n3A_1117 : vector<16xi1>, vector<16xf32>
      %abs3A = math.absf %select_n3A_1177 : vector<16xf32>
      %neg3A = arith.constant 0.000000e+00 : f32
      %neg3A_1178 = vector.broadcast %neg3A : f32 to vector<16xf32>
      %neg3A_1179 = arith.subf %neg3A_1178, %abs3A : vector<16xf32>
      %exp3A = math.exp %neg3A_1179 : vector<16xf32>
      %add3A_1180 = arith.constant 2.000000e+00 : f32
      %add3A_1181 = vector.broadcast %add3A_1180 : f32 to vector<16xf32>
      %add3A_1182 = arith.addf %exp3A, %add3A_1181 : vector<16xf32>
      %div3A = arith.divf %exp3A, %add3A_1182 : vector<16xf32>
      %mul3A_1183 = arith.mulf %div3A, %div3A : vector<16xf32>
      %mul3A_1184 = arith.constant 0.0909090936 : f32
      %mul3A_1185 = vector.broadcast %mul3A_1184 : f32 to vector<16xf32>
      %mul3A_1186 = arith.mulf %mul3A_1183, %mul3A_1185 : vector<16xf32>
      %add3A_1187 = arith.constant 0.111111112 : f32
      %add3A_1188 = vector.broadcast %add3A_1187 : f32 to vector<16xf32>
      %add3A_1189 = arith.addf %add3A_1188, %mul3A_1186 : vector<16xf32>
      %mul3A_1190 = arith.mulf %mul3A_1183, %add3A_1189 : vector<16xf32>
      %add3A_1191 = arith.constant 0.142857149 : f32
      %add3A_1192 = vector.broadcast %add3A_1191 : f32 to vector<16xf32>
      %add3A_1193 = arith.addf %add3A_1192, %mul3A_1190 : vector<16xf32>
      %mul3A_1194 = arith.mulf %mul3A_1183, %add3A_1193 : vector<16xf32>
      %add3A_1195 = arith.constant 2.000000e-01 : f32
      %add3A_1196 = vector.broadcast %add3A_1195 : f32 to vector<16xf32>
      %add3A_1197 = arith.addf %add3A_1196, %mul3A_1194 : vector<16xf32>
      %mul3A_1198 = arith.mulf %mul3A_1183, %add3A_1197 : vector<16xf32>
      %add3A_1199 = arith.constant 0.333333343 : f32
      %add3A_1200 = vector.broadcast %add3A_1199 : f32 to vector<16xf32>
      %add3A_1201 = arith.addf %add3A_1200, %mul3A_1198 : vector<16xf32>
      %mul3A_1202 = arith.mulf %mul3A_1183, %add3A_1201 : vector<16xf32>
      %add3A_1203 = arith.constant 1.000000e+00 : f32
      %add3A_1204 = vector.broadcast %add3A_1203 : f32 to vector<16xf32>
      %add3A_1205 = arith.addf %add3A_1204, %mul3A_1202 : vector<16xf32>
      %min3A = arith.constant 0.000000e+00 : f32
      %min3A_1206 = vector.broadcast %min3A : f32 to vector<16xf32>
      %min3A_1207 = arith.minimumf %select_n3A_1177, %min3A_1206 : vector<16xf32>
      %mul3A_1208 = arith.constant 2.000000e+00 : f32
      %mul3A_1209 = vector.broadcast %mul3A_1208 : f32 to vector<16xf32>
      %mul3A_1210 = arith.mulf %mul3A_1209, %div3A : vector<16xf32>
      %mul3A_1211 = arith.mulf %mul3A_1210, %add3A_1205 : vector<16xf32>
      %sub3A = arith.subf %min3A_1207, %mul3A_1211 : vector<16xf32>
      %add3A_1212 = arith.addf %scan3A_219, %sub3A : vector<16xf32>
      scf.yield %add3A_1212 : vector<16xf32>
    }
    %scan3A_156 = arith.constant 8 : i32
    %dma_wait3A_157 = arith.constant 2 : i32
    %dma_wait3A_158 = arith.constant 2 : i32
    %dma_wait3A_159 = arith.constant 0 : i32
    %dma_wait3A_160 = arith.constant 0 : i32
    %dma_wait3A_161 = tpu.memref_slice %arg9[%dma_wait3A_158, %dma_wait3A_159, %dma_wait3A_160] : memref<4x128x64xf32, #tpu.memory_space<vmem>> -> memref<1x128x64xf32, #tpu.memory_space<vmem>>
    %dma_wait3A_162 = tpu.memref_squeeze %dma_wait3A_161 : memref<1x128x64xf32, #tpu.memory_space<vmem>> -> memref<128x64xf32, #tpu.memory_space<vmem>>
    %dma_wait3A_163 = arith.constant 0 : i32
    %dma_wait3A_164 = tpu.memref_slice %arg7[%dma_wait3A_157, %dma_wait3A_163] : memref<4x128xi32, #tpu.memory_space<vmem>> -> memref<1x128xi32, #tpu.memory_space<vmem>>
    %dma_wait3A_165 = tpu.memref_squeeze %dma_wait3A_164 : memref<1x128xi32, #tpu.memory_space<vmem>> -> memref<128xi32, #tpu.memory_space<vmem>>
    %dma_wait3A_166 = arith.constant 0 : i32
    %dma_wait3A_167 = arith.constant 0 : i32
    %dma_wait3A_168 = tpu.memref_slice %arg4[%dma_wait3A_166, %dma_wait3A_167] : memref<100000x64xf32, #tpu.memory_space<hbm>> -> memref<100000x64xf32, #tpu.memory_space<hbm>>
    tpu.wait_indirect_dma semaphore(%arg14 : memref<!tpu.dma_semaphore, #tpu.memory_space<semaphore_mem>>) src(%dma_wait3A_168 : memref<100000x64xf32, #tpu.memory_space<hbm>>) dst(%dma_wait3A_162 : memref<128x64xf32, #tpu.memory_space<vmem>>)
    %dma_wait3A_169 = arith.constant 2 : i32
    %dma_wait3A_170 = arith.constant 2 : i32
    %dma_wait3A_171 = arith.constant 0 : i32
    %dma_wait3A_172 = arith.constant 0 : i32
    %dma_wait3A_173 = tpu.memref_slice %arg10[%dma_wait3A_170, %dma_wait3A_171, %dma_wait3A_172] : memref<4x128x64xf32, #tpu.memory_space<vmem>> -> memref<1x128x64xf32, #tpu.memory_space<vmem>>
    %dma_wait3A_174 = tpu.memref_squeeze %dma_wait3A_173 : memref<1x128x64xf32, #tpu.memory_space<vmem>> -> memref<128x64xf32, #tpu.memory_space<vmem>>
    %dma_wait3A_175 = arith.constant 0 : i32
    %dma_wait3A_176 = tpu.memref_slice %arg8[%dma_wait3A_169, %dma_wait3A_175] : memref<4x128xi32, #tpu.memory_space<vmem>> -> memref<1x128xi32, #tpu.memory_space<vmem>>
    %dma_wait3A_177 = tpu.memref_squeeze %dma_wait3A_176 : memref<1x128xi32, #tpu.memory_space<vmem>> -> memref<128xi32, #tpu.memory_space<vmem>>
    %dma_wait3A_178 = arith.constant 0 : i32
    %dma_wait3A_179 = arith.constant 0 : i32
    %dma_wait3A_180 = tpu.memref_slice %arg5[%dma_wait3A_178, %dma_wait3A_179] : memref<100003x64xf32, #tpu.memory_space<hbm>> -> memref<100003x64xf32, #tpu.memory_space<hbm>>
    tpu.wait_indirect_dma semaphore(%arg14 : memref<!tpu.dma_semaphore, #tpu.memory_space<semaphore_mem>>) src(%dma_wait3A_180 : memref<100003x64xf32, #tpu.memory_space<hbm>>) dst(%dma_wait3A_174 : memref<128x64xf32, #tpu.memory_space<vmem>>)
    %scan3A_181 = arith.constant 0 : i32
    %scan3A_182 = arith.constant 8 : i32
    %scan3A_183 = arith.addi %scan3A_181, %scan3A_182 : i32
    %scan3A_184 = arith.constant 1 : i32
    %scan3A_185 = scf.for %scan3A_218 = %scan3A_181 to %scan3A_183 step %scan3A_184 iter_args(%scan3A_219 = %scan3A_155) -> (vector<16xf32>)  : i32 {
      %broadcast_in_dim3A_220 = arith.constant 0.000000e+00 : f32
      %broadcast_in_dim3A_221 = vector.broadcast %broadcast_in_dim3A_220 : f32 to vector<16xf32>
      %mul3A_222 = arith.constant 16 : i32
      %mul3A_223 = arith.muli %scan3A_218, %mul3A_222 : i32
      %add3A_224 = arith.constant 0 : i32
      %add3A_225 = arith.addi %mul3A_223, %add3A_224 : i32
      %get3A = arith.constant 2 : i32
      %get3A_226 = arith.index_cast %get3A : i32 to index
      %get3A_227 = arith.index_cast %add3A_225 : i32 to index
      %get3A_228 = arith.constant 0 : index
      %get3A_229 = tpu.vector_load %arg9[%get3A_226, %get3A_227, %get3A_228] {strides = array<i32>} : memref<4x128x64xf32, #tpu.memory_space<vmem>>, vector<16xf32>,
      %get3A_230 = arith.constant 2 : i32
      %get3A_231 = arith.index_cast %get3A_230 : i32 to index
      %get3A_232 = arith.index_cast %add3A_225 : i32 to index
      %get3A_233 = arith.constant 0 : index
      %get3A_234 = tpu.vector_load %arg10[%get3A_231, %get3A_232, %get3A_233] {strides = array<i32>} : memref<4x128x64xf32, #tpu.memory_space<vmem>>, vector<16xf32>,
      %mul3A_235 = arith.mulf %get3A_229, %get3A_234 : vector<16xf32>
      %get3A_236 = arith.constant 2 : i32
      %get3A_237 = arith.index_cast %get3A_236 : i32 to index
      %get3A_238 = arith.index_cast %add3A_225 : i32 to index
      %get3A_239 = arith.constant 16 : index
      %get3A_240 = tpu.vector_load %arg9[%get3A_237, %get3A_238, %get3A_239] {strides = array<i32>} : memref<4x128x64xf32, #tpu.memory_space<vmem>>, vector<16xf32>,
      %get3A_241 = arith.constant 2 : i32
      %get3A_242 = arith.index_cast %get3A_241 : i32 to index
      %get3A_243 = arith.index_cast %add3A_225 : i32 to index
      %get3A_244 = arith.constant 16 : index
      %get3A_245 = tpu.vector_load %arg10[%get3A_242, %get3A_243, %get3A_244] {strides = array<i32>} : memref<4x128x64xf32, #tpu.memory_space<vmem>>, vector<16xf32>,
      %mul3A_246 = arith.mulf %get3A_240, %get3A_245 : vector<16xf32>
      %add3A_247 = arith.addf %mul3A_235, %mul3A_246 : vector<16xf32>
      %get3A_248 = arith.constant 2 : i32
      %get3A_249 = arith.index_cast %get3A_248 : i32 to index
      %get3A_250 = arith.index_cast %add3A_225 : i32 to index
      %get3A_251 = arith.constant 32 : index
      %get3A_252 = tpu.vector_load %arg9[%get3A_249, %get3A_250, %get3A_251] {strides = array<i32>} : memref<4x128x64xf32, #tpu.memory_space<vmem>>, vector<16xf32>,
      %get3A_253 = arith.constant 2 : i32
      %get3A_254 = arith.index_cast %get3A_253 : i32 to index
      %get3A_255 = arith.index_cast %add3A_225 : i32 to index
      %get3A_256 = arith.constant 32 : index
      %get3A_257 = tpu.vector_load %arg10[%get3A_254, %get3A_255, %get3A_256] {strides = array<i32>} : memref<4x128x64xf32, #tpu.memory_space<vmem>>, vector<16xf32>,
      %mul3A_258 = arith.mulf %get3A_252, %get3A_257 : vector<16xf32>
      %add3A_259 = arith.addf %add3A_247, %mul3A_258 : vector<16xf32>
      %get3A_260 = arith.constant 2 : i32
      %get3A_261 = arith.index_cast %get3A_260 : i32 to index
      %get3A_262 = arith.index_cast %add3A_225 : i32 to index
      %get3A_263 = arith.constant 48 : index
      %get3A_264 = tpu.vector_load %arg9[%get3A_261, %get3A_262, %get3A_263] {strides = array<i32>} : memref<4x128x64xf32, #tpu.memory_space<vmem>>, vector<16xf32>,
      %get3A_265 = arith.constant 2 : i32
      %get3A_266 = arith.index_cast %get3A_265 : i32 to index
      %get3A_267 = arith.index_cast %add3A_225 : i32 to index
      %get3A_268 = arith.constant 48 : index
      %get3A_269 = tpu.vector_load %arg10[%get3A_266, %get3A_267, %get3A_268] {strides = array<i32>} : memref<4x128x64xf32, #tpu.memory_space<vmem>>, vector<16xf32>,
      %mul3A_270 = arith.mulf %get3A_264, %get3A_269 : vector<16xf32>
      %add3A_271 = arith.addf %add3A_259, %mul3A_270 : vector<16xf32>
      %reduce_sum3A = arith.constant true
      %reduce_sum3A_272 = vector.broadcast %reduce_sum3A : i1 to vector<16xi1>
      %reduce_sum3A_273 = tpu.scan <sum>, %add3A_271 masked %reduce_sum3A_272 : vector<16xf32>, vector<16xi1> -> vector<16xf32>
      %reduce_sum3A_274 = vector.extract %reduce_sum3A_273[15] : f32 from vector<16xf32>
      %eq3A = arith.constant 0 : i32
      %eq3A_275 = vector.broadcast %eq3A : i32 to vector<16xi32>
      %eq3A_276 = arith.cmpi eq, %iota3A, %eq3A_275 : vector<16xi32>
      %broadcast_in_dim3A_277 = vector.broadcast %reduce_sum3A_274 : f32 to vector<16xf32>
      %select_n3A = arith.select %eq3A_276, %broadcast_in_dim3A_277, %broadcast_in_dim3A_221 : vector<16xi1>, vector<16xf32>
      %mul3A_278 = arith.constant 16 : i32
      %mul3A_279 = arith.muli %scan3A_218, %mul3A_278 : i32
      %add3A_280 = arith.constant 1 : i32
      %add3A_281 = arith.addi %mul3A_279, %add3A_280 : i32
      %get3A_282 = arith.constant 2 : i32
      %get3A_283 = arith.index_cast %get3A_282 : i32 to index
      %get3A_284 = arith.index_cast %add3A_281 : i32 to index
      %get3A_285 = arith.constant 0 : index
      %get3A_286 = tpu.vector_load %arg9[%get3A_283, %get3A_284, %get3A_285] {strides = array<i32>} : memref<4x128x64xf32, #tpu.memory_space<vmem>>, vector<16xf32>,
      %get3A_287 = arith.constant 2 : i32
      %get3A_288 = arith.index_cast %get3A_287 : i32 to index
      %get3A_289 = arith.index_cast %add3A_281 : i32 to index
      %get3A_290 = arith.constant 0 : index
      %get3A_291 = tpu.vector_load %arg10[%get3A_288, %get3A_289, %get3A_290] {strides = array<i32>} : memref<4x128x64xf32, #tpu.memory_space<vmem>>, vector<16xf32>,
      %mul3A_292 = arith.mulf %get3A_286, %get3A_291 : vector<16xf32>
      %get3A_293 = arith.constant 2 : i32
      %get3A_294 = arith.index_cast %get3A_293 : i32 to index
      %get3A_295 = arith.index_cast %add3A_281 : i32 to index
      %get3A_296 = arith.constant 16 : index
      %get3A_297 = tpu.vector_load %arg9[%get3A_294, %get3A_295, %get3A_296] {strides = array<i32>} : memref<4x128x64xf32, #tpu.memory_space<vmem>>, vector<16xf32>,
      %get3A_298 = arith.constant 2 : i32
      %get3A_299 = arith.index_cast %get3A_298 : i32 to index
      %get3A_300 = arith.index_cast %add3A_281 : i32 to index
      %get3A_301 = arith.constant 16 : index
      %get3A_302 = tpu.vector_load %arg10[%get3A_299, %get3A_300, %get3A_301] {strides = array<i32>} : memref<4x128x64xf32, #tpu.memory_space<vmem>>, vector<16xf32>,
      %mul3A_303 = arith.mulf %get3A_297, %get3A_302 : vector<16xf32>
      %add3A_304 = arith.addf %mul3A_292, %mul3A_303 : vector<16xf32>
      %get3A_305 = arith.constant 2 : i32
      %get3A_306 = arith.index_cast %get3A_305 : i32 to index
      %get3A_307 = arith.index_cast %add3A_281 : i32 to index
      %get3A_308 = arith.constant 32 : index
      %get3A_309 = tpu.vector_load %arg9[%get3A_306, %get3A_307, %get3A_308] {strides = array<i32>} : memref<4x128x64xf32, #tpu.memory_space<vmem>>, vector<16xf32>,
      %get3A_310 = arith.constant 2 : i32
      %get3A_311 = arith.index_cast %get3A_310 : i32 to index
      %get3A_312 = arith.index_cast %add3A_281 : i32 to index
      %get3A_313 = arith.constant 32 : index
      %get3A_314 = tpu.vector_load %arg10[%get3A_311, %get3A_312, %get3A_313] {strides = array<i32>} : memref<4x128x64xf32, #tpu.memory_space<vmem>>, vector<16xf32>,
      %mul3A_315 = arith.mulf %get3A_309, %get3A_314 : vector<16xf32>
      %add3A_316 = arith.addf %add3A_304, %mul3A_315 : vector<16xf32>
      %get3A_317 = arith.constant 2 : i32
      %get3A_318 = arith.index_cast %get3A_317 : i32 to index
      %get3A_319 = arith.index_cast %add3A_281 : i32 to index
      %get3A_320 = arith.constant 48 : index
      %get3A_321 = tpu.vector_load %arg9[%get3A_318, %get3A_319, %get3A_320] {strides = array<i32>} : memref<4x128x64xf32, #tpu.memory_space<vmem>>, vector<16xf32>,
      %get3A_322 = arith.constant 2 : i32
      %get3A_323 = arith.index_cast %get3A_322 : i32 to index
      %get3A_324 = arith.index_cast %add3A_281 : i32 to index
      %get3A_325 = arith.constant 48 : index
      %get3A_326 = tpu.vector_load %arg10[%get3A_323, %get3A_324, %get3A_325] {strides = array<i32>} : memref<4x128x64xf32, #tpu.memory_space<vmem>>, vector<16xf32>,
      %mul3A_327 = arith.mulf %get3A_321, %get3A_326 : vector<16xf32>
      %add3A_328 = arith.addf %add3A_316, %mul3A_327 : vector<16xf32>
      %reduce_sum3A_329 = arith.constant true
      %reduce_sum3A_330 = vector.broadcast %reduce_sum3A_329 : i1 to vector<16xi1>
      %reduce_sum3A_331 = tpu.scan <sum>, %add3A_328 masked %reduce_sum3A_330 : vector<16xf32>, vector<16xi1> -> vector<16xf32>
      %reduce_sum3A_332 = vector.extract %reduce_sum3A_331[15] : f32 from vector<16xf32>
      %eq3A_333 = arith.constant 1 : i32
      %eq3A_334 = vector.broadcast %eq3A_333 : i32 to vector<16xi32>
      %eq3A_335 = arith.cmpi eq, %iota3A, %eq3A_334 : vector<16xi32>
      %broadcast_in_dim3A_336 = vector.broadcast %reduce_sum3A_332 : f32 to vector<16xf32>
      %select_n3A_337 = arith.select %eq3A_335, %broadcast_in_dim3A_336, %select_n3A : vector<16xi1>, vector<16xf32>
      %mul3A_338 = arith.constant 16 : i32
      %mul3A_339 = arith.muli %scan3A_218, %mul3A_338 : i32
      %add3A_340 = arith.constant 2 : i32
      %add3A_341 = arith.addi %mul3A_339, %add3A_340 : i32
      %get3A_342 = arith.constant 2 : i32
      %get3A_343 = arith.index_cast %get3A_342 : i32 to index
      %get3A_344 = arith.index_cast %add3A_341 : i32 to index
      %get3A_345 = arith.constant 0 : index
      %get3A_346 = tpu.vector_load %arg9[%get3A_343, %get3A_344, %get3A_345] {strides = array<i32>} : memref<4x128x64xf32, #tpu.memory_space<vmem>>, vector<16xf32>,
      %get3A_347 = arith.constant 2 : i32
      %get3A_348 = arith.index_cast %get3A_347 : i32 to index
      %get3A_349 = arith.index_cast %add3A_341 : i32 to index
      %get3A_350 = arith.constant 0 : index
      %get3A_351 = tpu.vector_load %arg10[%get3A_348, %get3A_349, %get3A_350] {strides = array<i32>} : memref<4x128x64xf32, #tpu.memory_space<vmem>>, vector<16xf32>,
      %mul3A_352 = arith.mulf %get3A_346, %get3A_351 : vector<16xf32>
      %get3A_353 = arith.constant 2 : i32
      %get3A_354 = arith.index_cast %get3A_353 : i32 to index
      %get3A_355 = arith.index_cast %add3A_341 : i32 to index
      %get3A_356 = arith.constant 16 : index
      %get3A_357 = tpu.vector_load %arg9[%get3A_354, %get3A_355, %get3A_356] {strides = array<i32>} : memref<4x128x64xf32, #tpu.memory_space<vmem>>, vector<16xf32>,
      %get3A_358 = arith.constant 2 : i32
      %get3A_359 = arith.index_cast %get3A_358 : i32 to index
      %get3A_360 = arith.index_cast %add3A_341 : i32 to index
      %get3A_361 = arith.constant 16 : index
      %get3A_362 = tpu.vector_load %arg10[%get3A_359, %get3A_360, %get3A_361] {strides = array<i32>} : memref<4x128x64xf32, #tpu.memory_space<vmem>>, vector<16xf32>,
      %mul3A_363 = arith.mulf %get3A_357, %get3A_362 : vector<16xf32>
      %add3A_364 = arith.addf %mul3A_352, %mul3A_363 : vector<16xf32>
      %get3A_365 = arith.constant 2 : i32
      %get3A_366 = arith.index_cast %get3A_365 : i32 to index
      %get3A_367 = arith.index_cast %add3A_341 : i32 to index
      %get3A_368 = arith.constant 32 : index
      %get3A_369 = tpu.vector_load %arg9[%get3A_366, %get3A_367, %get3A_368] {strides = array<i32>} : memref<4x128x64xf32, #tpu.memory_space<vmem>>, vector<16xf32>,
      %get3A_370 = arith.constant 2 : i32
      %get3A_371 = arith.index_cast %get3A_370 : i32 to index
      %get3A_372 = arith.index_cast %add3A_341 : i32 to index
      %get3A_373 = arith.constant 32 : index
      %get3A_374 = tpu.vector_load %arg10[%get3A_371, %get3A_372, %get3A_373] {strides = array<i32>} : memref<4x128x64xf32, #tpu.memory_space<vmem>>, vector<16xf32>,
      %mul3A_375 = arith.mulf %get3A_369, %get3A_374 : vector<16xf32>
      %add3A_376 = arith.addf %add3A_364, %mul3A_375 : vector<16xf32>
      %get3A_377 = arith.constant 2 : i32
      %get3A_378 = arith.index_cast %get3A_377 : i32 to index
      %get3A_379 = arith.index_cast %add3A_341 : i32 to index
      %get3A_380 = arith.constant 48 : index
      %get3A_381 = tpu.vector_load %arg9[%get3A_378, %get3A_379, %get3A_380] {strides = array<i32>} : memref<4x128x64xf32, #tpu.memory_space<vmem>>, vector<16xf32>,
      %get3A_382 = arith.constant 2 : i32
      %get3A_383 = arith.index_cast %get3A_382 : i32 to index
      %get3A_384 = arith.index_cast %add3A_341 : i32 to index
      %get3A_385 = arith.constant 48 : index
      %get3A_386 = tpu.vector_load %arg10[%get3A_383, %get3A_384, %get3A_385] {strides = array<i32>} : memref<4x128x64xf32, #tpu.memory_space<vmem>>, vector<16xf32>,
      %mul3A_387 = arith.mulf %get3A_381, %get3A_386 : vector<16xf32>
      %add3A_388 = arith.addf %add3A_376, %mul3A_387 : vector<16xf32>
      %reduce_sum3A_389 = arith.constant true
      %reduce_sum3A_390 = vector.broadcast %reduce_sum3A_389 : i1 to vector<16xi1>
      %reduce_sum3A_391 = tpu.scan <sum>, %add3A_388 masked %reduce_sum3A_390 : vector<16xf32>, vector<16xi1> -> vector<16xf32>
      %reduce_sum3A_392 = vector.extract %reduce_sum3A_391[15] : f32 from vector<16xf32>
      %eq3A_393 = arith.constant 2 : i32
      %eq3A_394 = vector.broadcast %eq3A_393 : i32 to vector<16xi32>
      %eq3A_395 = arith.cmpi eq, %iota3A, %eq3A_394 : vector<16xi32>
      %broadcast_in_dim3A_396 = vector.broadcast %reduce_sum3A_392 : f32 to vector<16xf32>
      %select_n3A_397 = arith.select %eq3A_395, %broadcast_in_dim3A_396, %select_n3A_337 : vector<16xi1>, vector<16xf32>
      %mul3A_398 = arith.constant 16 : i32
      %mul3A_399 = arith.muli %scan3A_218, %mul3A_398 : i32
      %add3A_400 = arith.constant 3 : i32
      %add3A_401 = arith.addi %mul3A_399, %add3A_400 : i32
      %get3A_402 = arith.constant 2 : i32
      %get3A_403 = arith.index_cast %get3A_402 : i32 to index
      %get3A_404 = arith.index_cast %add3A_401 : i32 to index
      %get3A_405 = arith.constant 0 : index
      %get3A_406 = tpu.vector_load %arg9[%get3A_403, %get3A_404, %get3A_405] {strides = array<i32>} : memref<4x128x64xf32, #tpu.memory_space<vmem>>, vector<16xf32>,
      %get3A_407 = arith.constant 2 : i32
      %get3A_408 = arith.index_cast %get3A_407 : i32 to index
      %get3A_409 = arith.index_cast %add3A_401 : i32 to index
      %get3A_410 = arith.constant 0 : index
      %get3A_411 = tpu.vector_load %arg10[%get3A_408, %get3A_409, %get3A_410] {strides = array<i32>} : memref<4x128x64xf32, #tpu.memory_space<vmem>>, vector<16xf32>,
      %mul3A_412 = arith.mulf %get3A_406, %get3A_411 : vector<16xf32>
      %get3A_413 = arith.constant 2 : i32
      %get3A_414 = arith.index_cast %get3A_413 : i32 to index
      %get3A_415 = arith.index_cast %add3A_401 : i32 to index
      %get3A_416 = arith.constant 16 : index
      %get3A_417 = tpu.vector_load %arg9[%get3A_414, %get3A_415, %get3A_416] {strides = array<i32>} : memref<4x128x64xf32, #tpu.memory_space<vmem>>, vector<16xf32>,
      %get3A_418 = arith.constant 2 : i32
      %get3A_419 = arith.index_cast %get3A_418 : i32 to index
      %get3A_420 = arith.index_cast %add3A_401 : i32 to index
      %get3A_421 = arith.constant 16 : index
      %get3A_422 = tpu.vector_load %arg10[%get3A_419, %get3A_420, %get3A_421] {strides = array<i32>} : memref<4x128x64xf32, #tpu.memory_space<vmem>>, vector<16xf32>,
      %mul3A_423 = arith.mulf %get3A_417, %get3A_422 : vector<16xf32>
      %add3A_424 = arith.addf %mul3A_412, %mul3A_423 : vector<16xf32>
      %get3A_425 = arith.constant 2 : i32
      %get3A_426 = arith.index_cast %get3A_425 : i32 to index
      %get3A_427 = arith.index_cast %add3A_401 : i32 to index
      %get3A_428 = arith.constant 32 : index
      %get3A_429 = tpu.vector_load %arg9[%get3A_426, %get3A_427, %get3A_428] {strides = array<i32>} : memref<4x128x64xf32, #tpu.memory_space<vmem>>, vector<16xf32>,
      %get3A_430 = arith.constant 2 : i32
      %get3A_431 = arith.index_cast %get3A_430 : i32 to index
      %get3A_432 = arith.index_cast %add3A_401 : i32 to index
      %get3A_433 = arith.constant 32 : index
      %get3A_434 = tpu.vector_load %arg10[%get3A_431, %get3A_432, %get3A_433] {strides = array<i32>} : memref<4x128x64xf32, #tpu.memory_space<vmem>>, vector<16xf32>,
      %mul3A_435 = arith.mulf %get3A_429, %get3A_434 : vector<16xf32>
      %add3A_436 = arith.addf %add3A_424, %mul3A_435 : vector<16xf32>
      %get3A_437 = arith.constant 2 : i32
      %get3A_438 = arith.index_cast %get3A_437 : i32 to index
      %get3A_439 = arith.index_cast %add3A_401 : i32 to index
      %get3A_440 = arith.constant 48 : index
      %get3A_441 = tpu.vector_load %arg9[%get3A_438, %get3A_439, %get3A_440] {strides = array<i32>} : memref<4x128x64xf32, #tpu.memory_space<vmem>>, vector<16xf32>,
      %get3A_442 = arith.constant 2 : i32
      %get3A_443 = arith.index_cast %get3A_442 : i32 to index
      %get3A_444 = arith.index_cast %add3A_401 : i32 to index
      %get3A_445 = arith.constant 48 : index
      %get3A_446 = tpu.vector_load %arg10[%get3A_443, %get3A_444, %get3A_445] {strides = array<i32>} : memref<4x128x64xf32, #tpu.memory_space<vmem>>, vector<16xf32>,
      %mul3A_447 = arith.mulf %get3A_441, %get3A_446 : vector<16xf32>
      %add3A_448 = arith.addf %add3A_436, %mul3A_447 : vector<16xf32>
      %reduce_sum3A_449 = arith.constant true
      %reduce_sum3A_450 = vector.broadcast %reduce_sum3A_449 : i1 to vector<16xi1>
      %reduce_sum3A_451 = tpu.scan <sum>, %add3A_448 masked %reduce_sum3A_450 : vector<16xf32>, vector<16xi1> -> vector<16xf32>
      %reduce_sum3A_452 = vector.extract %reduce_sum3A_451[15] : f32 from vector<16xf32>
      %eq3A_453 = arith.constant 3 : i32
      %eq3A_454 = vector.broadcast %eq3A_453 : i32 to vector<16xi32>
      %eq3A_455 = arith.cmpi eq, %iota3A, %eq3A_454 : vector<16xi32>
      %broadcast_in_dim3A_456 = vector.broadcast %reduce_sum3A_452 : f32 to vector<16xf32>
      %select_n3A_457 = arith.select %eq3A_455, %broadcast_in_dim3A_456, %select_n3A_397 : vector<16xi1>, vector<16xf32>
      %mul3A_458 = arith.constant 16 : i32
      %mul3A_459 = arith.muli %scan3A_218, %mul3A_458 : i32
      %add3A_460 = arith.constant 4 : i32
      %add3A_461 = arith.addi %mul3A_459, %add3A_460 : i32
      %get3A_462 = arith.constant 2 : i32
      %get3A_463 = arith.index_cast %get3A_462 : i32 to index
      %get3A_464 = arith.index_cast %add3A_461 : i32 to index
      %get3A_465 = arith.constant 0 : index
      %get3A_466 = tpu.vector_load %arg9[%get3A_463, %get3A_464, %get3A_465] {strides = array<i32>} : memref<4x128x64xf32, #tpu.memory_space<vmem>>, vector<16xf32>,
      %get3A_467 = arith.constant 2 : i32
      %get3A_468 = arith.index_cast %get3A_467 : i32 to index
      %get3A_469 = arith.index_cast %add3A_461 : i32 to index
      %get3A_470 = arith.constant 0 : index
      %get3A_471 = tpu.vector_load %arg10[%get3A_468, %get3A_469, %get3A_470] {strides = array<i32>} : memref<4x128x64xf32, #tpu.memory_space<vmem>>, vector<16xf32>,
      %mul3A_472 = arith.mulf %get3A_466, %get3A_471 : vector<16xf32>
      %get3A_473 = arith.constant 2 : i32
      %get3A_474 = arith.index_cast %get3A_473 : i32 to index
      %get3A_475 = arith.index_cast %add3A_461 : i32 to index
      %get3A_476 = arith.constant 16 : index
      %get3A_477 = tpu.vector_load %arg9[%get3A_474, %get3A_475, %get3A_476] {strides = array<i32>} : memref<4x128x64xf32, #tpu.memory_space<vmem>>, vector<16xf32>,
      %get3A_478 = arith.constant 2 : i32
      %get3A_479 = arith.index_cast %get3A_478 : i32 to index
      %get3A_480 = arith.index_cast %add3A_461 : i32 to index
      %get3A_481 = arith.constant 16 : index
      %get3A_482 = tpu.vector_load %arg10[%get3A_479, %get3A_480, %get3A_481] {strides = array<i32>} : memref<4x128x64xf32, #tpu.memory_space<vmem>>, vector<16xf32>,
      %mul3A_483 = arith.mulf %get3A_477, %get3A_482 : vector<16xf32>
      %add3A_484 = arith.addf %mul3A_472, %mul3A_483 : vector<16xf32>
      %get3A_485 = arith.constant 2 : i32
      %get3A_486 = arith.index_cast %get3A_485 : i32 to index
      %get3A_487 = arith.index_cast %add3A_461 : i32 to index
      %get3A_488 = arith.constant 32 : index
      %get3A_489 = tpu.vector_load %arg9[%get3A_486, %get3A_487, %get3A_488] {strides = array<i32>} : memref<4x128x64xf32, #tpu.memory_space<vmem>>, vector<16xf32>,
      %get3A_490 = arith.constant 2 : i32
      %get3A_491 = arith.index_cast %get3A_490 : i32 to index
      %get3A_492 = arith.index_cast %add3A_461 : i32 to index
      %get3A_493 = arith.constant 32 : index
      %get3A_494 = tpu.vector_load %arg10[%get3A_491, %get3A_492, %get3A_493] {strides = array<i32>} : memref<4x128x64xf32, #tpu.memory_space<vmem>>, vector<16xf32>,
      %mul3A_495 = arith.mulf %get3A_489, %get3A_494 : vector<16xf32>
      %add3A_496 = arith.addf %add3A_484, %mul3A_495 : vector<16xf32>
      %get3A_497 = arith.constant 2 : i32
      %get3A_498 = arith.index_cast %get3A_497 : i32 to index
      %get3A_499 = arith.index_cast %add3A_461 : i32 to index
      %get3A_500 = arith.constant 48 : index
      %get3A_501 = tpu.vector_load %arg9[%get3A_498, %get3A_499, %get3A_500] {strides = array<i32>} : memref<4x128x64xf32, #tpu.memory_space<vmem>>, vector<16xf32>,
      %get3A_502 = arith.constant 2 : i32
      %get3A_503 = arith.index_cast %get3A_502 : i32 to index
      %get3A_504 = arith.index_cast %add3A_461 : i32 to index
      %get3A_505 = arith.constant 48 : index
      %get3A_506 = tpu.vector_load %arg10[%get3A_503, %get3A_504, %get3A_505] {strides = array<i32>} : memref<4x128x64xf32, #tpu.memory_space<vmem>>, vector<16xf32>,
      %mul3A_507 = arith.mulf %get3A_501, %get3A_506 : vector<16xf32>
      %add3A_508 = arith.addf %add3A_496, %mul3A_507 : vector<16xf32>
      %reduce_sum3A_509 = arith.constant true
      %reduce_sum3A_510 = vector.broadcast %reduce_sum3A_509 : i1 to vector<16xi1>
      %reduce_sum3A_511 = tpu.scan <sum>, %add3A_508 masked %reduce_sum3A_510 : vector<16xf32>, vector<16xi1> -> vector<16xf32>
      %reduce_sum3A_512 = vector.extract %reduce_sum3A_511[15] : f32 from vector<16xf32>
      %eq3A_513 = arith.constant 4 : i32
      %eq3A_514 = vector.broadcast %eq3A_513 : i32 to vector<16xi32>
      %eq3A_515 = arith.cmpi eq, %iota3A, %eq3A_514 : vector<16xi32>
      %broadcast_in_dim3A_516 = vector.broadcast %reduce_sum3A_512 : f32 to vector<16xf32>
      %select_n3A_517 = arith.select %eq3A_515, %broadcast_in_dim3A_516, %select_n3A_457 : vector<16xi1>, vector<16xf32>
      %mul3A_518 = arith.constant 16 : i32
      %mul3A_519 = arith.muli %scan3A_218, %mul3A_518 : i32
      %add3A_520 = arith.constant 5 : i32
      %add3A_521 = arith.addi %mul3A_519, %add3A_520 : i32
      %get3A_522 = arith.constant 2 : i32
      %get3A_523 = arith.index_cast %get3A_522 : i32 to index
      %get3A_524 = arith.index_cast %add3A_521 : i32 to index
      %get3A_525 = arith.constant 0 : index
      %get3A_526 = tpu.vector_load %arg9[%get3A_523, %get3A_524, %get3A_525] {strides = array<i32>} : memref<4x128x64xf32, #tpu.memory_space<vmem>>, vector<16xf32>,
      %get3A_527 = arith.constant 2 : i32
      %get3A_528 = arith.index_cast %get3A_527 : i32 to index
      %get3A_529 = arith.index_cast %add3A_521 : i32 to index
      %get3A_530 = arith.constant 0 : index
      %get3A_531 = tpu.vector_load %arg10[%get3A_528, %get3A_529, %get3A_530] {strides = array<i32>} : memref<4x128x64xf32, #tpu.memory_space<vmem>>, vector<16xf32>,
      %mul3A_532 = arith.mulf %get3A_526, %get3A_531 : vector<16xf32>
      %get3A_533 = arith.constant 2 : i32
      %get3A_534 = arith.index_cast %get3A_533 : i32 to index
      %get3A_535 = arith.index_cast %add3A_521 : i32 to index
      %get3A_536 = arith.constant 16 : index
      %get3A_537 = tpu.vector_load %arg9[%get3A_534, %get3A_535, %get3A_536] {strides = array<i32>} : memref<4x128x64xf32, #tpu.memory_space<vmem>>, vector<16xf32>,
      %get3A_538 = arith.constant 2 : i32
      %get3A_539 = arith.index_cast %get3A_538 : i32 to index
      %get3A_540 = arith.index_cast %add3A_521 : i32 to index
      %get3A_541 = arith.constant 16 : index
      %get3A_542 = tpu.vector_load %arg10[%get3A_539, %get3A_540, %get3A_541] {strides = array<i32>} : memref<4x128x64xf32, #tpu.memory_space<vmem>>, vector<16xf32>,
      %mul3A_543 = arith.mulf %get3A_537, %get3A_542 : vector<16xf32>
      %add3A_544 = arith.addf %mul3A_532, %mul3A_543 : vector<16xf32>
      %get3A_545 = arith.constant 2 : i32
      %get3A_546 = arith.index_cast %get3A_545 : i32 to index
      %get3A_547 = arith.index_cast %add3A_521 : i32 to index
      %get3A_548 = arith.constant 32 : index
      %get3A_549 = tpu.vector_load %arg9[%get3A_546, %get3A_547, %get3A_548] {strides = array<i32>} : memref<4x128x64xf32, #tpu.memory_space<vmem>>, vector<16xf32>,
      %get3A_550 = arith.constant 2 : i32
      %get3A_551 = arith.index_cast %get3A_550 : i32 to index
      %get3A_552 = arith.index_cast %add3A_521 : i32 to index
      %get3A_553 = arith.constant 32 : index
      %get3A_554 = tpu.vector_load %arg10[%get3A_551, %get3A_552, %get3A_553] {strides = array<i32>} : memref<4x128x64xf32, #tpu.memory_space<vmem>>, vector<16xf32>,
      %mul3A_555 = arith.mulf %get3A_549, %get3A_554 : vector<16xf32>
      %add3A_556 = arith.addf %add3A_544, %mul3A_555 : vector<16xf32>
      %get3A_557 = arith.constant 2 : i32
      %get3A_558 = arith.index_cast %get3A_557 : i32 to index
      %get3A_559 = arith.index_cast %add3A_521 : i32 to index
      %get3A_560 = arith.constant 48 : index
      %get3A_561 = tpu.vector_load %arg9[%get3A_558, %get3A_559, %get3A_560] {strides = array<i32>} : memref<4x128x64xf32, #tpu.memory_space<vmem>>, vector<16xf32>,
      %get3A_562 = arith.constant 2 : i32
      %get3A_563 = arith.index_cast %get3A_562 : i32 to index
      %get3A_564 = arith.index_cast %add3A_521 : i32 to index
      %get3A_565 = arith.constant 48 : index
      %get3A_566 = tpu.vector_load %arg10[%get3A_563, %get3A_564, %get3A_565] {strides = array<i32>} : memref<4x128x64xf32, #tpu.memory_space<vmem>>, vector<16xf32>,
      %mul3A_567 = arith.mulf %get3A_561, %get3A_566 : vector<16xf32>
      %add3A_568 = arith.addf %add3A_556, %mul3A_567 : vector<16xf32>
      %reduce_sum3A_569 = arith.constant true
      %reduce_sum3A_570 = vector.broadcast %reduce_sum3A_569 : i1 to vector<16xi1>
      %reduce_sum3A_571 = tpu.scan <sum>, %add3A_568 masked %reduce_sum3A_570 : vector<16xf32>, vector<16xi1> -> vector<16xf32>
      %reduce_sum3A_572 = vector.extract %reduce_sum3A_571[15] : f32 from vector<16xf32>
      %eq3A_573 = arith.constant 5 : i32
      %eq3A_574 = vector.broadcast %eq3A_573 : i32 to vector<16xi32>
      %eq3A_575 = arith.cmpi eq, %iota3A, %eq3A_574 : vector<16xi32>
      %broadcast_in_dim3A_576 = vector.broadcast %reduce_sum3A_572 : f32 to vector<16xf32>
      %select_n3A_577 = arith.select %eq3A_575, %broadcast_in_dim3A_576, %select_n3A_517 : vector<16xi1>, vector<16xf32>
      %mul3A_578 = arith.constant 16 : i32
      %mul3A_579 = arith.muli %scan3A_218, %mul3A_578 : i32
      %add3A_580 = arith.constant 6 : i32
      %add3A_581 = arith.addi %mul3A_579, %add3A_580 : i32
      %get3A_582 = arith.constant 2 : i32
      %get3A_583 = arith.index_cast %get3A_582 : i32 to index
      %get3A_584 = arith.index_cast %add3A_581 : i32 to index
      %get3A_585 = arith.constant 0 : index
      %get3A_586 = tpu.vector_load %arg9[%get3A_583, %get3A_584, %get3A_585] {strides = array<i32>} : memref<4x128x64xf32, #tpu.memory_space<vmem>>, vector<16xf32>,
      %get3A_587 = arith.constant 2 : i32
      %get3A_588 = arith.index_cast %get3A_587 : i32 to index
      %get3A_589 = arith.index_cast %add3A_581 : i32 to index
      %get3A_590 = arith.constant 0 : index
      %get3A_591 = tpu.vector_load %arg10[%get3A_588, %get3A_589, %get3A_590] {strides = array<i32>} : memref<4x128x64xf32, #tpu.memory_space<vmem>>, vector<16xf32>,
      %mul3A_592 = arith.mulf %get3A_586, %get3A_591 : vector<16xf32>
      %get3A_593 = arith.constant 2 : i32
      %get3A_594 = arith.index_cast %get3A_593 : i32 to index
      %get3A_595 = arith.index_cast %add3A_581 : i32 to index
      %get3A_596 = arith.constant 16 : index
      %get3A_597 = tpu.vector_load %arg9[%get3A_594, %get3A_595, %get3A_596] {strides = array<i32>} : memref<4x128x64xf32, #tpu.memory_space<vmem>>, vector<16xf32>,
      %get3A_598 = arith.constant 2 : i32
      %get3A_599 = arith.index_cast %get3A_598 : i32 to index
      %get3A_600 = arith.index_cast %add3A_581 : i32 to index
      %get3A_601 = arith.constant 16 : index
      %get3A_602 = tpu.vector_load %arg10[%get3A_599, %get3A_600, %get3A_601] {strides = array<i32>} : memref<4x128x64xf32, #tpu.memory_space<vmem>>, vector<16xf32>,
      %mul3A_603 = arith.mulf %get3A_597, %get3A_602 : vector<16xf32>
      %add3A_604 = arith.addf %mul3A_592, %mul3A_603 : vector<16xf32>
      %get3A_605 = arith.constant 2 : i32
      %get3A_606 = arith.index_cast %get3A_605 : i32 to index
      %get3A_607 = arith.index_cast %add3A_581 : i32 to index
      %get3A_608 = arith.constant 32 : index
      %get3A_609 = tpu.vector_load %arg9[%get3A_606, %get3A_607, %get3A_608] {strides = array<i32>} : memref<4x128x64xf32, #tpu.memory_space<vmem>>, vector<16xf32>,
      %get3A_610 = arith.constant 2 : i32
      %get3A_611 = arith.index_cast %get3A_610 : i32 to index
      %get3A_612 = arith.index_cast %add3A_581 : i32 to index
      %get3A_613 = arith.constant 32 : index
      %get3A_614 = tpu.vector_load %arg10[%get3A_611, %get3A_612, %get3A_613] {strides = array<i32>} : memref<4x128x64xf32, #tpu.memory_space<vmem>>, vector<16xf32>,
      %mul3A_615 = arith.mulf %get3A_609, %get3A_614 : vector<16xf32>
      %add3A_616 = arith.addf %add3A_604, %mul3A_615 : vector<16xf32>
      %get3A_617 = arith.constant 2 : i32
      %get3A_618 = arith.index_cast %get3A_617 : i32 to index
      %get3A_619 = arith.index_cast %add3A_581 : i32 to index
      %get3A_620 = arith.constant 48 : index
      %get3A_621 = tpu.vector_load %arg9[%get3A_618, %get3A_619, %get3A_620] {strides = array<i32>} : memref<4x128x64xf32, #tpu.memory_space<vmem>>, vector<16xf32>,
      %get3A_622 = arith.constant 2 : i32
      %get3A_623 = arith.index_cast %get3A_622 : i32 to index
      %get3A_624 = arith.index_cast %add3A_581 : i32 to index
      %get3A_625 = arith.constant 48 : index
      %get3A_626 = tpu.vector_load %arg10[%get3A_623, %get3A_624, %get3A_625] {strides = array<i32>} : memref<4x128x64xf32, #tpu.memory_space<vmem>>, vector<16xf32>,
      %mul3A_627 = arith.mulf %get3A_621, %get3A_626 : vector<16xf32>
      %add3A_628 = arith.addf %add3A_616, %mul3A_627 : vector<16xf32>
      %reduce_sum3A_629 = arith.constant true
      %reduce_sum3A_630 = vector.broadcast %reduce_sum3A_629 : i1 to vector<16xi1>
      %reduce_sum3A_631 = tpu.scan <sum>, %add3A_628 masked %reduce_sum3A_630 : vector<16xf32>, vector<16xi1> -> vector<16xf32>
      %reduce_sum3A_632 = vector.extract %reduce_sum3A_631[15] : f32 from vector<16xf32>
      %eq3A_633 = arith.constant 6 : i32
      %eq3A_634 = vector.broadcast %eq3A_633 : i32 to vector<16xi32>
      %eq3A_635 = arith.cmpi eq, %iota3A, %eq3A_634 : vector<16xi32>
      %broadcast_in_dim3A_636 = vector.broadcast %reduce_sum3A_632 : f32 to vector<16xf32>
      %select_n3A_637 = arith.select %eq3A_635, %broadcast_in_dim3A_636, %select_n3A_577 : vector<16xi1>, vector<16xf32>
      %mul3A_638 = arith.constant 16 : i32
      %mul3A_639 = arith.muli %scan3A_218, %mul3A_638 : i32
      %add3A_640 = arith.constant 7 : i32
      %add3A_641 = arith.addi %mul3A_639, %add3A_640 : i32
      %get3A_642 = arith.constant 2 : i32
      %get3A_643 = arith.index_cast %get3A_642 : i32 to index
      %get3A_644 = arith.index_cast %add3A_641 : i32 to index
      %get3A_645 = arith.constant 0 : index
      %get3A_646 = tpu.vector_load %arg9[%get3A_643, %get3A_644, %get3A_645] {strides = array<i32>} : memref<4x128x64xf32, #tpu.memory_space<vmem>>, vector<16xf32>,
      %get3A_647 = arith.constant 2 : i32
      %get3A_648 = arith.index_cast %get3A_647 : i32 to index
      %get3A_649 = arith.index_cast %add3A_641 : i32 to index
      %get3A_650 = arith.constant 0 : index
      %get3A_651 = tpu.vector_load %arg10[%get3A_648, %get3A_649, %get3A_650] {strides = array<i32>} : memref<4x128x64xf32, #tpu.memory_space<vmem>>, vector<16xf32>,
      %mul3A_652 = arith.mulf %get3A_646, %get3A_651 : vector<16xf32>
      %get3A_653 = arith.constant 2 : i32
      %get3A_654 = arith.index_cast %get3A_653 : i32 to index
      %get3A_655 = arith.index_cast %add3A_641 : i32 to index
      %get3A_656 = arith.constant 16 : index
      %get3A_657 = tpu.vector_load %arg9[%get3A_654, %get3A_655, %get3A_656] {strides = array<i32>} : memref<4x128x64xf32, #tpu.memory_space<vmem>>, vector<16xf32>,
      %get3A_658 = arith.constant 2 : i32
      %get3A_659 = arith.index_cast %get3A_658 : i32 to index
      %get3A_660 = arith.index_cast %add3A_641 : i32 to index
      %get3A_661 = arith.constant 16 : index
      %get3A_662 = tpu.vector_load %arg10[%get3A_659, %get3A_660, %get3A_661] {strides = array<i32>} : memref<4x128x64xf32, #tpu.memory_space<vmem>>, vector<16xf32>,
      %mul3A_663 = arith.mulf %get3A_657, %get3A_662 : vector<16xf32>
      %add3A_664 = arith.addf %mul3A_652, %mul3A_663 : vector<16xf32>
      %get3A_665 = arith.constant 2 : i32
      %get3A_666 = arith.index_cast %get3A_665 : i32 to index
      %get3A_667 = arith.index_cast %add3A_641 : i32 to index
      %get3A_668 = arith.constant 32 : index
      %get3A_669 = tpu.vector_load %arg9[%get3A_666, %get3A_667, %get3A_668] {strides = array<i32>} : memref<4x128x64xf32, #tpu.memory_space<vmem>>, vector<16xf32>,
      %get3A_670 = arith.constant 2 : i32
      %get3A_671 = arith.index_cast %get3A_670 : i32 to index
      %get3A_672 = arith.index_cast %add3A_641 : i32 to index
      %get3A_673 = arith.constant 32 : index
      %get3A_674 = tpu.vector_load %arg10[%get3A_671, %get3A_672, %get3A_673] {strides = array<i32>} : memref<4x128x64xf32, #tpu.memory_space<vmem>>, vector<16xf32>,
      %mul3A_675 = arith.mulf %get3A_669, %get3A_674 : vector<16xf32>
      %add3A_676 = arith.addf %add3A_664, %mul3A_675 : vector<16xf32>
      %get3A_677 = arith.constant 2 : i32
      %get3A_678 = arith.index_cast %get3A_677 : i32 to index
      %get3A_679 = arith.index_cast %add3A_641 : i32 to index
      %get3A_680 = arith.constant 48 : index
      %get3A_681 = tpu.vector_load %arg9[%get3A_678, %get3A_679, %get3A_680] {strides = array<i32>} : memref<4x128x64xf32, #tpu.memory_space<vmem>>, vector<16xf32>,
      %get3A_682 = arith.constant 2 : i32
      %get3A_683 = arith.index_cast %get3A_682 : i32 to index
      %get3A_684 = arith.index_cast %add3A_641 : i32 to index
      %get3A_685 = arith.constant 48 : index
      %get3A_686 = tpu.vector_load %arg10[%get3A_683, %get3A_684, %get3A_685] {strides = array<i32>} : memref<4x128x64xf32, #tpu.memory_space<vmem>>, vector<16xf32>,
      %mul3A_687 = arith.mulf %get3A_681, %get3A_686 : vector<16xf32>
      %add3A_688 = arith.addf %add3A_676, %mul3A_687 : vector<16xf32>
      %reduce_sum3A_689 = arith.constant true
      %reduce_sum3A_690 = vector.broadcast %reduce_sum3A_689 : i1 to vector<16xi1>
      %reduce_sum3A_691 = tpu.scan <sum>, %add3A_688 masked %reduce_sum3A_690 : vector<16xf32>, vector<16xi1> -> vector<16xf32>
      %reduce_sum3A_692 = vector.extract %reduce_sum3A_691[15] : f32 from vector<16xf32>
      %eq3A_693 = arith.constant 7 : i32
      %eq3A_694 = vector.broadcast %eq3A_693 : i32 to vector<16xi32>
      %eq3A_695 = arith.cmpi eq, %iota3A, %eq3A_694 : vector<16xi32>
      %broadcast_in_dim3A_696 = vector.broadcast %reduce_sum3A_692 : f32 to vector<16xf32>
      %select_n3A_697 = arith.select %eq3A_695, %broadcast_in_dim3A_696, %select_n3A_637 : vector<16xi1>, vector<16xf32>
      %mul3A_698 = arith.constant 16 : i32
      %mul3A_699 = arith.muli %scan3A_218, %mul3A_698 : i32
      %add3A_700 = arith.constant 8 : i32
      %add3A_701 = arith.addi %mul3A_699, %add3A_700 : i32
      %get3A_702 = arith.constant 2 : i32
      %get3A_703 = arith.index_cast %get3A_702 : i32 to index
      %get3A_704 = arith.index_cast %add3A_701 : i32 to index
      %get3A_705 = arith.constant 0 : index
      %get3A_706 = tpu.vector_load %arg9[%get3A_703, %get3A_704, %get3A_705] {strides = array<i32>} : memref<4x128x64xf32, #tpu.memory_space<vmem>>, vector<16xf32>,
      %get3A_707 = arith.constant 2 : i32
      %get3A_708 = arith.index_cast %get3A_707 : i32 to index
      %get3A_709 = arith.index_cast %add3A_701 : i32 to index
      %get3A_710 = arith.constant 0 : index
      %get3A_711 = tpu.vector_load %arg10[%get3A_708, %get3A_709, %get3A_710] {strides = array<i32>} : memref<4x128x64xf32, #tpu.memory_space<vmem>>, vector<16xf32>,
      %mul3A_712 = arith.mulf %get3A_706, %get3A_711 : vector<16xf32>
      %get3A_713 = arith.constant 2 : i32
      %get3A_714 = arith.index_cast %get3A_713 : i32 to index
      %get3A_715 = arith.index_cast %add3A_701 : i32 to index
      %get3A_716 = arith.constant 16 : index
      %get3A_717 = tpu.vector_load %arg9[%get3A_714, %get3A_715, %get3A_716] {strides = array<i32>} : memref<4x128x64xf32, #tpu.memory_space<vmem>>, vector<16xf32>,
      %get3A_718 = arith.constant 2 : i32
      %get3A_719 = arith.index_cast %get3A_718 : i32 to index
      %get3A_720 = arith.index_cast %add3A_701 : i32 to index
      %get3A_721 = arith.constant 16 : index
      %get3A_722 = tpu.vector_load %arg10[%get3A_719, %get3A_720, %get3A_721] {strides = array<i32>} : memref<4x128x64xf32, #tpu.memory_space<vmem>>, vector<16xf32>,
      %mul3A_723 = arith.mulf %get3A_717, %get3A_722 : vector<16xf32>
      %add3A_724 = arith.addf %mul3A_712, %mul3A_723 : vector<16xf32>
      %get3A_725 = arith.constant 2 : i32
      %get3A_726 = arith.index_cast %get3A_725 : i32 to index
      %get3A_727 = arith.index_cast %add3A_701 : i32 to index
      %get3A_728 = arith.constant 32 : index
      %get3A_729 = tpu.vector_load %arg9[%get3A_726, %get3A_727, %get3A_728] {strides = array<i32>} : memref<4x128x64xf32, #tpu.memory_space<vmem>>, vector<16xf32>,
      %get3A_730 = arith.constant 2 : i32
      %get3A_731 = arith.index_cast %get3A_730 : i32 to index
      %get3A_732 = arith.index_cast %add3A_701 : i32 to index
      %get3A_733 = arith.constant 32 : index
      %get3A_734 = tpu.vector_load %arg10[%get3A_731, %get3A_732, %get3A_733] {strides = array<i32>} : memref<4x128x64xf32, #tpu.memory_space<vmem>>, vector<16xf32>,
      %mul3A_735 = arith.mulf %get3A_729, %get3A_734 : vector<16xf32>
      %add3A_736 = arith.addf %add3A_724, %mul3A_735 : vector<16xf32>
      %get3A_737 = arith.constant 2 : i32
      %get3A_738 = arith.index_cast %get3A_737 : i32 to index
      %get3A_739 = arith.index_cast %add3A_701 : i32 to index
      %get3A_740 = arith.constant 48 : index
      %get3A_741 = tpu.vector_load %arg9[%get3A_738, %get3A_739, %get3A_740] {strides = array<i32>} : memref<4x128x64xf32, #tpu.memory_space<vmem>>, vector<16xf32>,
      %get3A_742 = arith.constant 2 : i32
      %get3A_743 = arith.index_cast %get3A_742 : i32 to index
      %get3A_744 = arith.index_cast %add3A_701 : i32 to index
      %get3A_745 = arith.constant 48 : index
      %get3A_746 = tpu.vector_load %arg10[%get3A_743, %get3A_744, %get3A_745] {strides = array<i32>} : memref<4x128x64xf32, #tpu.memory_space<vmem>>, vector<16xf32>,
      %mul3A_747 = arith.mulf %get3A_741, %get3A_746 : vector<16xf32>
      %add3A_748 = arith.addf %add3A_736, %mul3A_747 : vector<16xf32>
      %reduce_sum3A_749 = arith.constant true
      %reduce_sum3A_750 = vector.broadcast %reduce_sum3A_749 : i1 to vector<16xi1>
      %reduce_sum3A_751 = tpu.scan <sum>, %add3A_748 masked %reduce_sum3A_750 : vector<16xf32>, vector<16xi1> -> vector<16xf32>
      %reduce_sum3A_752 = vector.extract %reduce_sum3A_751[15] : f32 from vector<16xf32>
      %eq3A_753 = arith.constant 8 : i32
      %eq3A_754 = vector.broadcast %eq3A_753 : i32 to vector<16xi32>
      %eq3A_755 = arith.cmpi eq, %iota3A, %eq3A_754 : vector<16xi32>
      %broadcast_in_dim3A_756 = vector.broadcast %reduce_sum3A_752 : f32 to vector<16xf32>
      %select_n3A_757 = arith.select %eq3A_755, %broadcast_in_dim3A_756, %select_n3A_697 : vector<16xi1>, vector<16xf32>
      %mul3A_758 = arith.constant 16 : i32
      %mul3A_759 = arith.muli %scan3A_218, %mul3A_758 : i32
      %add3A_760 = arith.constant 9 : i32
      %add3A_761 = arith.addi %mul3A_759, %add3A_760 : i32
      %get3A_762 = arith.constant 2 : i32
      %get3A_763 = arith.index_cast %get3A_762 : i32 to index
      %get3A_764 = arith.index_cast %add3A_761 : i32 to index
      %get3A_765 = arith.constant 0 : index
      %get3A_766 = tpu.vector_load %arg9[%get3A_763, %get3A_764, %get3A_765] {strides = array<i32>} : memref<4x128x64xf32, #tpu.memory_space<vmem>>, vector<16xf32>,
      %get3A_767 = arith.constant 2 : i32
      %get3A_768 = arith.index_cast %get3A_767 : i32 to index
      %get3A_769 = arith.index_cast %add3A_761 : i32 to index
      %get3A_770 = arith.constant 0 : index
      %get3A_771 = tpu.vector_load %arg10[%get3A_768, %get3A_769, %get3A_770] {strides = array<i32>} : memref<4x128x64xf32, #tpu.memory_space<vmem>>, vector<16xf32>,
      %mul3A_772 = arith.mulf %get3A_766, %get3A_771 : vector<16xf32>
      %get3A_773 = arith.constant 2 : i32
      %get3A_774 = arith.index_cast %get3A_773 : i32 to index
      %get3A_775 = arith.index_cast %add3A_761 : i32 to index
      %get3A_776 = arith.constant 16 : index
      %get3A_777 = tpu.vector_load %arg9[%get3A_774, %get3A_775, %get3A_776] {strides = array<i32>} : memref<4x128x64xf32, #tpu.memory_space<vmem>>, vector<16xf32>,
      %get3A_778 = arith.constant 2 : i32
      %get3A_779 = arith.index_cast %get3A_778 : i32 to index
      %get3A_780 = arith.index_cast %add3A_761 : i32 to index
      %get3A_781 = arith.constant 16 : index
      %get3A_782 = tpu.vector_load %arg10[%get3A_779, %get3A_780, %get3A_781] {strides = array<i32>} : memref<4x128x64xf32, #tpu.memory_space<vmem>>, vector<16xf32>,
      %mul3A_783 = arith.mulf %get3A_777, %get3A_782 : vector<16xf32>
      %add3A_784 = arith.addf %mul3A_772, %mul3A_783 : vector<16xf32>
      %get3A_785 = arith.constant 2 : i32
      %get3A_786 = arith.index_cast %get3A_785 : i32 to index
      %get3A_787 = arith.index_cast %add3A_761 : i32 to index
      %get3A_788 = arith.constant 32 : index
      %get3A_789 = tpu.vector_load %arg9[%get3A_786, %get3A_787, %get3A_788] {strides = array<i32>} : memref<4x128x64xf32, #tpu.memory_space<vmem>>, vector<16xf32>,
      %get3A_790 = arith.constant 2 : i32
      %get3A_791 = arith.index_cast %get3A_790 : i32 to index
      %get3A_792 = arith.index_cast %add3A_761 : i32 to index
      %get3A_793 = arith.constant 32 : index
      %get3A_794 = tpu.vector_load %arg10[%get3A_791, %get3A_792, %get3A_793] {strides = array<i32>} : memref<4x128x64xf32, #tpu.memory_space<vmem>>, vector<16xf32>,
      %mul3A_795 = arith.mulf %get3A_789, %get3A_794 : vector<16xf32>
      %add3A_796 = arith.addf %add3A_784, %mul3A_795 : vector<16xf32>
      %get3A_797 = arith.constant 2 : i32
      %get3A_798 = arith.index_cast %get3A_797 : i32 to index
      %get3A_799 = arith.index_cast %add3A_761 : i32 to index
      %get3A_800 = arith.constant 48 : index
      %get3A_801 = tpu.vector_load %arg9[%get3A_798, %get3A_799, %get3A_800] {strides = array<i32>} : memref<4x128x64xf32, #tpu.memory_space<vmem>>, vector<16xf32>,
      %get3A_802 = arith.constant 2 : i32
      %get3A_803 = arith.index_cast %get3A_802 : i32 to index
      %get3A_804 = arith.index_cast %add3A_761 : i32 to index
      %get3A_805 = arith.constant 48 : index
      %get3A_806 = tpu.vector_load %arg10[%get3A_803, %get3A_804, %get3A_805] {strides = array<i32>} : memref<4x128x64xf32, #tpu.memory_space<vmem>>, vector<16xf32>,
      %mul3A_807 = arith.mulf %get3A_801, %get3A_806 : vector<16xf32>
      %add3A_808 = arith.addf %add3A_796, %mul3A_807 : vector<16xf32>
      %reduce_sum3A_809 = arith.constant true
      %reduce_sum3A_810 = vector.broadcast %reduce_sum3A_809 : i1 to vector<16xi1>
      %reduce_sum3A_811 = tpu.scan <sum>, %add3A_808 masked %reduce_sum3A_810 : vector<16xf32>, vector<16xi1> -> vector<16xf32>
      %reduce_sum3A_812 = vector.extract %reduce_sum3A_811[15] : f32 from vector<16xf32>
      %eq3A_813 = arith.constant 9 : i32
      %eq3A_814 = vector.broadcast %eq3A_813 : i32 to vector<16xi32>
      %eq3A_815 = arith.cmpi eq, %iota3A, %eq3A_814 : vector<16xi32>
      %broadcast_in_dim3A_816 = vector.broadcast %reduce_sum3A_812 : f32 to vector<16xf32>
      %select_n3A_817 = arith.select %eq3A_815, %broadcast_in_dim3A_816, %select_n3A_757 : vector<16xi1>, vector<16xf32>
      %mul3A_818 = arith.constant 16 : i32
      %mul3A_819 = arith.muli %scan3A_218, %mul3A_818 : i32
      %add3A_820 = arith.constant 10 : i32
      %add3A_821 = arith.addi %mul3A_819, %add3A_820 : i32
      %get3A_822 = arith.constant 2 : i32
      %get3A_823 = arith.index_cast %get3A_822 : i32 to index
      %get3A_824 = arith.index_cast %add3A_821 : i32 to index
      %get3A_825 = arith.constant 0 : index
      %get3A_826 = tpu.vector_load %arg9[%get3A_823, %get3A_824, %get3A_825] {strides = array<i32>} : memref<4x128x64xf32, #tpu.memory_space<vmem>>, vector<16xf32>,
      %get3A_827 = arith.constant 2 : i32
      %get3A_828 = arith.index_cast %get3A_827 : i32 to index
      %get3A_829 = arith.index_cast %add3A_821 : i32 to index
      %get3A_830 = arith.constant 0 : index
      %get3A_831 = tpu.vector_load %arg10[%get3A_828, %get3A_829, %get3A_830] {strides = array<i32>} : memref<4x128x64xf32, #tpu.memory_space<vmem>>, vector<16xf32>,
      %mul3A_832 = arith.mulf %get3A_826, %get3A_831 : vector<16xf32>
      %get3A_833 = arith.constant 2 : i32
      %get3A_834 = arith.index_cast %get3A_833 : i32 to index
      %get3A_835 = arith.index_cast %add3A_821 : i32 to index
      %get3A_836 = arith.constant 16 : index
      %get3A_837 = tpu.vector_load %arg9[%get3A_834, %get3A_835, %get3A_836] {strides = array<i32>} : memref<4x128x64xf32, #tpu.memory_space<vmem>>, vector<16xf32>,
      %get3A_838 = arith.constant 2 : i32
      %get3A_839 = arith.index_cast %get3A_838 : i32 to index
      %get3A_840 = arith.index_cast %add3A_821 : i32 to index
      %get3A_841 = arith.constant 16 : index
      %get3A_842 = tpu.vector_load %arg10[%get3A_839, %get3A_840, %get3A_841] {strides = array<i32>} : memref<4x128x64xf32, #tpu.memory_space<vmem>>, vector<16xf32>,
      %mul3A_843 = arith.mulf %get3A_837, %get3A_842 : vector<16xf32>
      %add3A_844 = arith.addf %mul3A_832, %mul3A_843 : vector<16xf32>
      %get3A_845 = arith.constant 2 : i32
      %get3A_846 = arith.index_cast %get3A_845 : i32 to index
      %get3A_847 = arith.index_cast %add3A_821 : i32 to index
      %get3A_848 = arith.constant 32 : index
      %get3A_849 = tpu.vector_load %arg9[%get3A_846, %get3A_847, %get3A_848] {strides = array<i32>} : memref<4x128x64xf32, #tpu.memory_space<vmem>>, vector<16xf32>,
      %get3A_850 = arith.constant 2 : i32
      %get3A_851 = arith.index_cast %get3A_850 : i32 to index
      %get3A_852 = arith.index_cast %add3A_821 : i32 to index
      %get3A_853 = arith.constant 32 : index
      %get3A_854 = tpu.vector_load %arg10[%get3A_851, %get3A_852, %get3A_853] {strides = array<i32>} : memref<4x128x64xf32, #tpu.memory_space<vmem>>, vector<16xf32>,
      %mul3A_855 = arith.mulf %get3A_849, %get3A_854 : vector<16xf32>
      %add3A_856 = arith.addf %add3A_844, %mul3A_855 : vector<16xf32>
      %get3A_857 = arith.constant 2 : i32
      %get3A_858 = arith.index_cast %get3A_857 : i32 to index
      %get3A_859 = arith.index_cast %add3A_821 : i32 to index
      %get3A_860 = arith.constant 48 : index
      %get3A_861 = tpu.vector_load %arg9[%get3A_858, %get3A_859, %get3A_860] {strides = array<i32>} : memref<4x128x64xf32, #tpu.memory_space<vmem>>, vector<16xf32>,
      %get3A_862 = arith.constant 2 : i32
      %get3A_863 = arith.index_cast %get3A_862 : i32 to index
      %get3A_864 = arith.index_cast %add3A_821 : i32 to index
      %get3A_865 = arith.constant 48 : index
      %get3A_866 = tpu.vector_load %arg10[%get3A_863, %get3A_864, %get3A_865] {strides = array<i32>} : memref<4x128x64xf32, #tpu.memory_space<vmem>>, vector<16xf32>,
      %mul3A_867 = arith.mulf %get3A_861, %get3A_866 : vector<16xf32>
      %add3A_868 = arith.addf %add3A_856, %mul3A_867 : vector<16xf32>
      %reduce_sum3A_869 = arith.constant true
      %reduce_sum3A_870 = vector.broadcast %reduce_sum3A_869 : i1 to vector<16xi1>
      %reduce_sum3A_871 = tpu.scan <sum>, %add3A_868 masked %reduce_sum3A_870 : vector<16xf32>, vector<16xi1> -> vector<16xf32>
      %reduce_sum3A_872 = vector.extract %reduce_sum3A_871[15] : f32 from vector<16xf32>
      %eq3A_873 = arith.constant 10 : i32
      %eq3A_874 = vector.broadcast %eq3A_873 : i32 to vector<16xi32>
      %eq3A_875 = arith.cmpi eq, %iota3A, %eq3A_874 : vector<16xi32>
      %broadcast_in_dim3A_876 = vector.broadcast %reduce_sum3A_872 : f32 to vector<16xf32>
      %select_n3A_877 = arith.select %eq3A_875, %broadcast_in_dim3A_876, %select_n3A_817 : vector<16xi1>, vector<16xf32>
      %mul3A_878 = arith.constant 16 : i32
      %mul3A_879 = arith.muli %scan3A_218, %mul3A_878 : i32
      %add3A_880 = arith.constant 11 : i32
      %add3A_881 = arith.addi %mul3A_879, %add3A_880 : i32
      %get3A_882 = arith.constant 2 : i32
      %get3A_883 = arith.index_cast %get3A_882 : i32 to index
      %get3A_884 = arith.index_cast %add3A_881 : i32 to index
      %get3A_885 = arith.constant 0 : index
      %get3A_886 = tpu.vector_load %arg9[%get3A_883, %get3A_884, %get3A_885] {strides = array<i32>} : memref<4x128x64xf32, #tpu.memory_space<vmem>>, vector<16xf32>,
      %get3A_887 = arith.constant 2 : i32
      %get3A_888 = arith.index_cast %get3A_887 : i32 to index
      %get3A_889 = arith.index_cast %add3A_881 : i32 to index
      %get3A_890 = arith.constant 0 : index
      %get3A_891 = tpu.vector_load %arg10[%get3A_888, %get3A_889, %get3A_890] {strides = array<i32>} : memref<4x128x64xf32, #tpu.memory_space<vmem>>, vector<16xf32>,
      %mul3A_892 = arith.mulf %get3A_886, %get3A_891 : vector<16xf32>
      %get3A_893 = arith.constant 2 : i32
      %get3A_894 = arith.index_cast %get3A_893 : i32 to index
      %get3A_895 = arith.index_cast %add3A_881 : i32 to index
      %get3A_896 = arith.constant 16 : index
      %get3A_897 = tpu.vector_load %arg9[%get3A_894, %get3A_895, %get3A_896] {strides = array<i32>} : memref<4x128x64xf32, #tpu.memory_space<vmem>>, vector<16xf32>,
      %get3A_898 = arith.constant 2 : i32
      %get3A_899 = arith.index_cast %get3A_898 : i32 to index
      %get3A_900 = arith.index_cast %add3A_881 : i32 to index
      %get3A_901 = arith.constant 16 : index
      %get3A_902 = tpu.vector_load %arg10[%get3A_899, %get3A_900, %get3A_901] {strides = array<i32>} : memref<4x128x64xf32, #tpu.memory_space<vmem>>, vector<16xf32>,
      %mul3A_903 = arith.mulf %get3A_897, %get3A_902 : vector<16xf32>
      %add3A_904 = arith.addf %mul3A_892, %mul3A_903 : vector<16xf32>
      %get3A_905 = arith.constant 2 : i32
      %get3A_906 = arith.index_cast %get3A_905 : i32 to index
      %get3A_907 = arith.index_cast %add3A_881 : i32 to index
      %get3A_908 = arith.constant 32 : index
      %get3A_909 = tpu.vector_load %arg9[%get3A_906, %get3A_907, %get3A_908] {strides = array<i32>} : memref<4x128x64xf32, #tpu.memory_space<vmem>>, vector<16xf32>,
      %get3A_910 = arith.constant 2 : i32
      %get3A_911 = arith.index_cast %get3A_910 : i32 to index
      %get3A_912 = arith.index_cast %add3A_881 : i32 to index
      %get3A_913 = arith.constant 32 : index
      %get3A_914 = tpu.vector_load %arg10[%get3A_911, %get3A_912, %get3A_913] {strides = array<i32>} : memref<4x128x64xf32, #tpu.memory_space<vmem>>, vector<16xf32>,
      %mul3A_915 = arith.mulf %get3A_909, %get3A_914 : vector<16xf32>
      %add3A_916 = arith.addf %add3A_904, %mul3A_915 : vector<16xf32>
      %get3A_917 = arith.constant 2 : i32
      %get3A_918 = arith.index_cast %get3A_917 : i32 to index
      %get3A_919 = arith.index_cast %add3A_881 : i32 to index
      %get3A_920 = arith.constant 48 : index
      %get3A_921 = tpu.vector_load %arg9[%get3A_918, %get3A_919, %get3A_920] {strides = array<i32>} : memref<4x128x64xf32, #tpu.memory_space<vmem>>, vector<16xf32>,
      %get3A_922 = arith.constant 2 : i32
      %get3A_923 = arith.index_cast %get3A_922 : i32 to index
      %get3A_924 = arith.index_cast %add3A_881 : i32 to index
      %get3A_925 = arith.constant 48 : index
      %get3A_926 = tpu.vector_load %arg10[%get3A_923, %get3A_924, %get3A_925] {strides = array<i32>} : memref<4x128x64xf32, #tpu.memory_space<vmem>>, vector<16xf32>,
      %mul3A_927 = arith.mulf %get3A_921, %get3A_926 : vector<16xf32>
      %add3A_928 = arith.addf %add3A_916, %mul3A_927 : vector<16xf32>
      %reduce_sum3A_929 = arith.constant true
      %reduce_sum3A_930 = vector.broadcast %reduce_sum3A_929 : i1 to vector<16xi1>
      %reduce_sum3A_931 = tpu.scan <sum>, %add3A_928 masked %reduce_sum3A_930 : vector<16xf32>, vector<16xi1> -> vector<16xf32>
      %reduce_sum3A_932 = vector.extract %reduce_sum3A_931[15] : f32 from vector<16xf32>
      %eq3A_933 = arith.constant 11 : i32
      %eq3A_934 = vector.broadcast %eq3A_933 : i32 to vector<16xi32>
      %eq3A_935 = arith.cmpi eq, %iota3A, %eq3A_934 : vector<16xi32>
      %broadcast_in_dim3A_936 = vector.broadcast %reduce_sum3A_932 : f32 to vector<16xf32>
      %select_n3A_937 = arith.select %eq3A_935, %broadcast_in_dim3A_936, %select_n3A_877 : vector<16xi1>, vector<16xf32>
      %mul3A_938 = arith.constant 16 : i32
      %mul3A_939 = arith.muli %scan3A_218, %mul3A_938 : i32
      %add3A_940 = arith.constant 12 : i32
      %add3A_941 = arith.addi %mul3A_939, %add3A_940 : i32
      %get3A_942 = arith.constant 2 : i32
      %get3A_943 = arith.index_cast %get3A_942 : i32 to index
      %get3A_944 = arith.index_cast %add3A_941 : i32 to index
      %get3A_945 = arith.constant 0 : index
      %get3A_946 = tpu.vector_load %arg9[%get3A_943, %get3A_944, %get3A_945] {strides = array<i32>} : memref<4x128x64xf32, #tpu.memory_space<vmem>>, vector<16xf32>,
      %get3A_947 = arith.constant 2 : i32
      %get3A_948 = arith.index_cast %get3A_947 : i32 to index
      %get3A_949 = arith.index_cast %add3A_941 : i32 to index
      %get3A_950 = arith.constant 0 : index
      %get3A_951 = tpu.vector_load %arg10[%get3A_948, %get3A_949, %get3A_950] {strides = array<i32>} : memref<4x128x64xf32, #tpu.memory_space<vmem>>, vector<16xf32>,
      %mul3A_952 = arith.mulf %get3A_946, %get3A_951 : vector<16xf32>
      %get3A_953 = arith.constant 2 : i32
      %get3A_954 = arith.index_cast %get3A_953 : i32 to index
      %get3A_955 = arith.index_cast %add3A_941 : i32 to index
      %get3A_956 = arith.constant 16 : index
      %get3A_957 = tpu.vector_load %arg9[%get3A_954, %get3A_955, %get3A_956] {strides = array<i32>} : memref<4x128x64xf32, #tpu.memory_space<vmem>>, vector<16xf32>,
      %get3A_958 = arith.constant 2 : i32
      %get3A_959 = arith.index_cast %get3A_958 : i32 to index
      %get3A_960 = arith.index_cast %add3A_941 : i32 to index
      %get3A_961 = arith.constant 16 : index
      %get3A_962 = tpu.vector_load %arg10[%get3A_959, %get3A_960, %get3A_961] {strides = array<i32>} : memref<4x128x64xf32, #tpu.memory_space<vmem>>, vector<16xf32>,
      %mul3A_963 = arith.mulf %get3A_957, %get3A_962 : vector<16xf32>
      %add3A_964 = arith.addf %mul3A_952, %mul3A_963 : vector<16xf32>
      %get3A_965 = arith.constant 2 : i32
      %get3A_966 = arith.index_cast %get3A_965 : i32 to index
      %get3A_967 = arith.index_cast %add3A_941 : i32 to index
      %get3A_968 = arith.constant 32 : index
      %get3A_969 = tpu.vector_load %arg9[%get3A_966, %get3A_967, %get3A_968] {strides = array<i32>} : memref<4x128x64xf32, #tpu.memory_space<vmem>>, vector<16xf32>,
      %get3A_970 = arith.constant 2 : i32
      %get3A_971 = arith.index_cast %get3A_970 : i32 to index
      %get3A_972 = arith.index_cast %add3A_941 : i32 to index
      %get3A_973 = arith.constant 32 : index
      %get3A_974 = tpu.vector_load %arg10[%get3A_971, %get3A_972, %get3A_973] {strides = array<i32>} : memref<4x128x64xf32, #tpu.memory_space<vmem>>, vector<16xf32>,
      %mul3A_975 = arith.mulf %get3A_969, %get3A_974 : vector<16xf32>
      %add3A_976 = arith.addf %add3A_964, %mul3A_975 : vector<16xf32>
      %get3A_977 = arith.constant 2 : i32
      %get3A_978 = arith.index_cast %get3A_977 : i32 to index
      %get3A_979 = arith.index_cast %add3A_941 : i32 to index
      %get3A_980 = arith.constant 48 : index
      %get3A_981 = tpu.vector_load %arg9[%get3A_978, %get3A_979, %get3A_980] {strides = array<i32>} : memref<4x128x64xf32, #tpu.memory_space<vmem>>, vector<16xf32>,
      %get3A_982 = arith.constant 2 : i32
      %get3A_983 = arith.index_cast %get3A_982 : i32 to index
      %get3A_984 = arith.index_cast %add3A_941 : i32 to index
      %get3A_985 = arith.constant 48 : index
      %get3A_986 = tpu.vector_load %arg10[%get3A_983, %get3A_984, %get3A_985] {strides = array<i32>} : memref<4x128x64xf32, #tpu.memory_space<vmem>>, vector<16xf32>,
      %mul3A_987 = arith.mulf %get3A_981, %get3A_986 : vector<16xf32>
      %add3A_988 = arith.addf %add3A_976, %mul3A_987 : vector<16xf32>
      %reduce_sum3A_989 = arith.constant true
      %reduce_sum3A_990 = vector.broadcast %reduce_sum3A_989 : i1 to vector<16xi1>
      %reduce_sum3A_991 = tpu.scan <sum>, %add3A_988 masked %reduce_sum3A_990 : vector<16xf32>, vector<16xi1> -> vector<16xf32>
      %reduce_sum3A_992 = vector.extract %reduce_sum3A_991[15] : f32 from vector<16xf32>
      %eq3A_993 = arith.constant 12 : i32
      %eq3A_994 = vector.broadcast %eq3A_993 : i32 to vector<16xi32>
      %eq3A_995 = arith.cmpi eq, %iota3A, %eq3A_994 : vector<16xi32>
      %broadcast_in_dim3A_996 = vector.broadcast %reduce_sum3A_992 : f32 to vector<16xf32>
      %select_n3A_997 = arith.select %eq3A_995, %broadcast_in_dim3A_996, %select_n3A_937 : vector<16xi1>, vector<16xf32>
      %mul3A_998 = arith.constant 16 : i32
      %mul3A_999 = arith.muli %scan3A_218, %mul3A_998 : i32
      %add3A_1000 = arith.constant 13 : i32
      %add3A_1001 = arith.addi %mul3A_999, %add3A_1000 : i32
      %get3A_1002 = arith.constant 2 : i32
      %get3A_1003 = arith.index_cast %get3A_1002 : i32 to index
      %get3A_1004 = arith.index_cast %add3A_1001 : i32 to index
      %get3A_1005 = arith.constant 0 : index
      %get3A_1006 = tpu.vector_load %arg9[%get3A_1003, %get3A_1004, %get3A_1005] {strides = array<i32>} : memref<4x128x64xf32, #tpu.memory_space<vmem>>, vector<16xf32>,
      %get3A_1007 = arith.constant 2 : i32
      %get3A_1008 = arith.index_cast %get3A_1007 : i32 to index
      %get3A_1009 = arith.index_cast %add3A_1001 : i32 to index
      %get3A_1010 = arith.constant 0 : index
      %get3A_1011 = tpu.vector_load %arg10[%get3A_1008, %get3A_1009, %get3A_1010] {strides = array<i32>} : memref<4x128x64xf32, #tpu.memory_space<vmem>>, vector<16xf32>,
      %mul3A_1012 = arith.mulf %get3A_1006, %get3A_1011 : vector<16xf32>
      %get3A_1013 = arith.constant 2 : i32
      %get3A_1014 = arith.index_cast %get3A_1013 : i32 to index
      %get3A_1015 = arith.index_cast %add3A_1001 : i32 to index
      %get3A_1016 = arith.constant 16 : index
      %get3A_1017 = tpu.vector_load %arg9[%get3A_1014, %get3A_1015, %get3A_1016] {strides = array<i32>} : memref<4x128x64xf32, #tpu.memory_space<vmem>>, vector<16xf32>,
      %get3A_1018 = arith.constant 2 : i32
      %get3A_1019 = arith.index_cast %get3A_1018 : i32 to index
      %get3A_1020 = arith.index_cast %add3A_1001 : i32 to index
      %get3A_1021 = arith.constant 16 : index
      %get3A_1022 = tpu.vector_load %arg10[%get3A_1019, %get3A_1020, %get3A_1021] {strides = array<i32>} : memref<4x128x64xf32, #tpu.memory_space<vmem>>, vector<16xf32>,
      %mul3A_1023 = arith.mulf %get3A_1017, %get3A_1022 : vector<16xf32>
      %add3A_1024 = arith.addf %mul3A_1012, %mul3A_1023 : vector<16xf32>
      %get3A_1025 = arith.constant 2 : i32
      %get3A_1026 = arith.index_cast %get3A_1025 : i32 to index
      %get3A_1027 = arith.index_cast %add3A_1001 : i32 to index
      %get3A_1028 = arith.constant 32 : index
      %get3A_1029 = tpu.vector_load %arg9[%get3A_1026, %get3A_1027, %get3A_1028] {strides = array<i32>} : memref<4x128x64xf32, #tpu.memory_space<vmem>>, vector<16xf32>,
      %get3A_1030 = arith.constant 2 : i32
      %get3A_1031 = arith.index_cast %get3A_1030 : i32 to index
      %get3A_1032 = arith.index_cast %add3A_1001 : i32 to index
      %get3A_1033 = arith.constant 32 : index
      %get3A_1034 = tpu.vector_load %arg10[%get3A_1031, %get3A_1032, %get3A_1033] {strides = array<i32>} : memref<4x128x64xf32, #tpu.memory_space<vmem>>, vector<16xf32>,
      %mul3A_1035 = arith.mulf %get3A_1029, %get3A_1034 : vector<16xf32>
      %add3A_1036 = arith.addf %add3A_1024, %mul3A_1035 : vector<16xf32>
      %get3A_1037 = arith.constant 2 : i32
      %get3A_1038 = arith.index_cast %get3A_1037 : i32 to index
      %get3A_1039 = arith.index_cast %add3A_1001 : i32 to index
      %get3A_1040 = arith.constant 48 : index
      %get3A_1041 = tpu.vector_load %arg9[%get3A_1038, %get3A_1039, %get3A_1040] {strides = array<i32>} : memref<4x128x64xf32, #tpu.memory_space<vmem>>, vector<16xf32>,
      %get3A_1042 = arith.constant 2 : i32
      %get3A_1043 = arith.index_cast %get3A_1042 : i32 to index
      %get3A_1044 = arith.index_cast %add3A_1001 : i32 to index
      %get3A_1045 = arith.constant 48 : index
      %get3A_1046 = tpu.vector_load %arg10[%get3A_1043, %get3A_1044, %get3A_1045] {strides = array<i32>} : memref<4x128x64xf32, #tpu.memory_space<vmem>>, vector<16xf32>,
      %mul3A_1047 = arith.mulf %get3A_1041, %get3A_1046 : vector<16xf32>
      %add3A_1048 = arith.addf %add3A_1036, %mul3A_1047 : vector<16xf32>
      %reduce_sum3A_1049 = arith.constant true
      %reduce_sum3A_1050 = vector.broadcast %reduce_sum3A_1049 : i1 to vector<16xi1>
      %reduce_sum3A_1051 = tpu.scan <sum>, %add3A_1048 masked %reduce_sum3A_1050 : vector<16xf32>, vector<16xi1> -> vector<16xf32>
      %reduce_sum3A_1052 = vector.extract %reduce_sum3A_1051[15] : f32 from vector<16xf32>
      %eq3A_1053 = arith.constant 13 : i32
      %eq3A_1054 = vector.broadcast %eq3A_1053 : i32 to vector<16xi32>
      %eq3A_1055 = arith.cmpi eq, %iota3A, %eq3A_1054 : vector<16xi32>
      %broadcast_in_dim3A_1056 = vector.broadcast %reduce_sum3A_1052 : f32 to vector<16xf32>
      %select_n3A_1057 = arith.select %eq3A_1055, %broadcast_in_dim3A_1056, %select_n3A_997 : vector<16xi1>, vector<16xf32>
      %mul3A_1058 = arith.constant 16 : i32
      %mul3A_1059 = arith.muli %scan3A_218, %mul3A_1058 : i32
      %add3A_1060 = arith.constant 14 : i32
      %add3A_1061 = arith.addi %mul3A_1059, %add3A_1060 : i32
      %get3A_1062 = arith.constant 2 : i32
      %get3A_1063 = arith.index_cast %get3A_1062 : i32 to index
      %get3A_1064 = arith.index_cast %add3A_1061 : i32 to index
      %get3A_1065 = arith.constant 0 : index
      %get3A_1066 = tpu.vector_load %arg9[%get3A_1063, %get3A_1064, %get3A_1065] {strides = array<i32>} : memref<4x128x64xf32, #tpu.memory_space<vmem>>, vector<16xf32>,
      %get3A_1067 = arith.constant 2 : i32
      %get3A_1068 = arith.index_cast %get3A_1067 : i32 to index
      %get3A_1069 = arith.index_cast %add3A_1061 : i32 to index
      %get3A_1070 = arith.constant 0 : index
      %get3A_1071 = tpu.vector_load %arg10[%get3A_1068, %get3A_1069, %get3A_1070] {strides = array<i32>} : memref<4x128x64xf32, #tpu.memory_space<vmem>>, vector<16xf32>,
      %mul3A_1072 = arith.mulf %get3A_1066, %get3A_1071 : vector<16xf32>
      %get3A_1073 = arith.constant 2 : i32
      %get3A_1074 = arith.index_cast %get3A_1073 : i32 to index
      %get3A_1075 = arith.index_cast %add3A_1061 : i32 to index
      %get3A_1076 = arith.constant 16 : index
      %get3A_1077 = tpu.vector_load %arg9[%get3A_1074, %get3A_1075, %get3A_1076] {strides = array<i32>} : memref<4x128x64xf32, #tpu.memory_space<vmem>>, vector<16xf32>,
      %get3A_1078 = arith.constant 2 : i32
      %get3A_1079 = arith.index_cast %get3A_1078 : i32 to index
      %get3A_1080 = arith.index_cast %add3A_1061 : i32 to index
      %get3A_1081 = arith.constant 16 : index
      %get3A_1082 = tpu.vector_load %arg10[%get3A_1079, %get3A_1080, %get3A_1081] {strides = array<i32>} : memref<4x128x64xf32, #tpu.memory_space<vmem>>, vector<16xf32>,
      %mul3A_1083 = arith.mulf %get3A_1077, %get3A_1082 : vector<16xf32>
      %add3A_1084 = arith.addf %mul3A_1072, %mul3A_1083 : vector<16xf32>
      %get3A_1085 = arith.constant 2 : i32
      %get3A_1086 = arith.index_cast %get3A_1085 : i32 to index
      %get3A_1087 = arith.index_cast %add3A_1061 : i32 to index
      %get3A_1088 = arith.constant 32 : index
      %get3A_1089 = tpu.vector_load %arg9[%get3A_1086, %get3A_1087, %get3A_1088] {strides = array<i32>} : memref<4x128x64xf32, #tpu.memory_space<vmem>>, vector<16xf32>,
      %get3A_1090 = arith.constant 2 : i32
      %get3A_1091 = arith.index_cast %get3A_1090 : i32 to index
      %get3A_1092 = arith.index_cast %add3A_1061 : i32 to index
      %get3A_1093 = arith.constant 32 : index
      %get3A_1094 = tpu.vector_load %arg10[%get3A_1091, %get3A_1092, %get3A_1093] {strides = array<i32>} : memref<4x128x64xf32, #tpu.memory_space<vmem>>, vector<16xf32>,
      %mul3A_1095 = arith.mulf %get3A_1089, %get3A_1094 : vector<16xf32>
      %add3A_1096 = arith.addf %add3A_1084, %mul3A_1095 : vector<16xf32>
      %get3A_1097 = arith.constant 2 : i32
      %get3A_1098 = arith.index_cast %get3A_1097 : i32 to index
      %get3A_1099 = arith.index_cast %add3A_1061 : i32 to index
      %get3A_1100 = arith.constant 48 : index
      %get3A_1101 = tpu.vector_load %arg9[%get3A_1098, %get3A_1099, %get3A_1100] {strides = array<i32>} : memref<4x128x64xf32, #tpu.memory_space<vmem>>, vector<16xf32>,
      %get3A_1102 = arith.constant 2 : i32
      %get3A_1103 = arith.index_cast %get3A_1102 : i32 to index
      %get3A_1104 = arith.index_cast %add3A_1061 : i32 to index
      %get3A_1105 = arith.constant 48 : index
      %get3A_1106 = tpu.vector_load %arg10[%get3A_1103, %get3A_1104, %get3A_1105] {strides = array<i32>} : memref<4x128x64xf32, #tpu.memory_space<vmem>>, vector<16xf32>,
      %mul3A_1107 = arith.mulf %get3A_1101, %get3A_1106 : vector<16xf32>
      %add3A_1108 = arith.addf %add3A_1096, %mul3A_1107 : vector<16xf32>
      %reduce_sum3A_1109 = arith.constant true
      %reduce_sum3A_1110 = vector.broadcast %reduce_sum3A_1109 : i1 to vector<16xi1>
      %reduce_sum3A_1111 = tpu.scan <sum>, %add3A_1108 masked %reduce_sum3A_1110 : vector<16xf32>, vector<16xi1> -> vector<16xf32>
      %reduce_sum3A_1112 = vector.extract %reduce_sum3A_1111[15] : f32 from vector<16xf32>
      %eq3A_1113 = arith.constant 14 : i32
      %eq3A_1114 = vector.broadcast %eq3A_1113 : i32 to vector<16xi32>
      %eq3A_1115 = arith.cmpi eq, %iota3A, %eq3A_1114 : vector<16xi32>
      %broadcast_in_dim3A_1116 = vector.broadcast %reduce_sum3A_1112 : f32 to vector<16xf32>
      %select_n3A_1117 = arith.select %eq3A_1115, %broadcast_in_dim3A_1116, %select_n3A_1057 : vector<16xi1>, vector<16xf32>
      %mul3A_1118 = arith.constant 16 : i32
      %mul3A_1119 = arith.muli %scan3A_218, %mul3A_1118 : i32
      %add3A_1120 = arith.constant 15 : i32
      %add3A_1121 = arith.addi %mul3A_1119, %add3A_1120 : i32
      %get3A_1122 = arith.constant 2 : i32
      %get3A_1123 = arith.index_cast %get3A_1122 : i32 to index
      %get3A_1124 = arith.index_cast %add3A_1121 : i32 to index
      %get3A_1125 = arith.constant 0 : index
      %get3A_1126 = tpu.vector_load %arg9[%get3A_1123, %get3A_1124, %get3A_1125] {strides = array<i32>} : memref<4x128x64xf32, #tpu.memory_space<vmem>>, vector<16xf32>,
      %get3A_1127 = arith.constant 2 : i32
      %get3A_1128 = arith.index_cast %get3A_1127 : i32 to index
      %get3A_1129 = arith.index_cast %add3A_1121 : i32 to index
      %get3A_1130 = arith.constant 0 : index
      %get3A_1131 = tpu.vector_load %arg10[%get3A_1128, %get3A_1129, %get3A_1130] {strides = array<i32>} : memref<4x128x64xf32, #tpu.memory_space<vmem>>, vector<16xf32>,
      %mul3A_1132 = arith.mulf %get3A_1126, %get3A_1131 : vector<16xf32>
      %get3A_1133 = arith.constant 2 : i32
      %get3A_1134 = arith.index_cast %get3A_1133 : i32 to index
      %get3A_1135 = arith.index_cast %add3A_1121 : i32 to index
      %get3A_1136 = arith.constant 16 : index
      %get3A_1137 = tpu.vector_load %arg9[%get3A_1134, %get3A_1135, %get3A_1136] {strides = array<i32>} : memref<4x128x64xf32, #tpu.memory_space<vmem>>, vector<16xf32>,
      %get3A_1138 = arith.constant 2 : i32
      %get3A_1139 = arith.index_cast %get3A_1138 : i32 to index
      %get3A_1140 = arith.index_cast %add3A_1121 : i32 to index
      %get3A_1141 = arith.constant 16 : index
      %get3A_1142 = tpu.vector_load %arg10[%get3A_1139, %get3A_1140, %get3A_1141] {strides = array<i32>} : memref<4x128x64xf32, #tpu.memory_space<vmem>>, vector<16xf32>,
      %mul3A_1143 = arith.mulf %get3A_1137, %get3A_1142 : vector<16xf32>
      %add3A_1144 = arith.addf %mul3A_1132, %mul3A_1143 : vector<16xf32>
      %get3A_1145 = arith.constant 2 : i32
      %get3A_1146 = arith.index_cast %get3A_1145 : i32 to index
      %get3A_1147 = arith.index_cast %add3A_1121 : i32 to index
      %get3A_1148 = arith.constant 32 : index
      %get3A_1149 = tpu.vector_load %arg9[%get3A_1146, %get3A_1147, %get3A_1148] {strides = array<i32>} : memref<4x128x64xf32, #tpu.memory_space<vmem>>, vector<16xf32>,
      %get3A_1150 = arith.constant 2 : i32
      %get3A_1151 = arith.index_cast %get3A_1150 : i32 to index
      %get3A_1152 = arith.index_cast %add3A_1121 : i32 to index
      %get3A_1153 = arith.constant 32 : index
      %get3A_1154 = tpu.vector_load %arg10[%get3A_1151, %get3A_1152, %get3A_1153] {strides = array<i32>} : memref<4x128x64xf32, #tpu.memory_space<vmem>>, vector<16xf32>,
      %mul3A_1155 = arith.mulf %get3A_1149, %get3A_1154 : vector<16xf32>
      %add3A_1156 = arith.addf %add3A_1144, %mul3A_1155 : vector<16xf32>
      %get3A_1157 = arith.constant 2 : i32
      %get3A_1158 = arith.index_cast %get3A_1157 : i32 to index
      %get3A_1159 = arith.index_cast %add3A_1121 : i32 to index
      %get3A_1160 = arith.constant 48 : index
      %get3A_1161 = tpu.vector_load %arg9[%get3A_1158, %get3A_1159, %get3A_1160] {strides = array<i32>} : memref<4x128x64xf32, #tpu.memory_space<vmem>>, vector<16xf32>,
      %get3A_1162 = arith.constant 2 : i32
      %get3A_1163 = arith.index_cast %get3A_1162 : i32 to index
      %get3A_1164 = arith.index_cast %add3A_1121 : i32 to index
      %get3A_1165 = arith.constant 48 : index
      %get3A_1166 = tpu.vector_load %arg10[%get3A_1163, %get3A_1164, %get3A_1165] {strides = array<i32>} : memref<4x128x64xf32, #tpu.memory_space<vmem>>, vector<16xf32>,
      %mul3A_1167 = arith.mulf %get3A_1161, %get3A_1166 : vector<16xf32>
      %add3A_1168 = arith.addf %add3A_1156, %mul3A_1167 : vector<16xf32>
      %reduce_sum3A_1169 = arith.constant true
      %reduce_sum3A_1170 = vector.broadcast %reduce_sum3A_1169 : i1 to vector<16xi1>
      %reduce_sum3A_1171 = tpu.scan <sum>, %add3A_1168 masked %reduce_sum3A_1170 : vector<16xf32>, vector<16xi1> -> vector<16xf32>
      %reduce_sum3A_1172 = vector.extract %reduce_sum3A_1171[15] : f32 from vector<16xf32>
      %eq3A_1173 = arith.constant 15 : i32
      %eq3A_1174 = vector.broadcast %eq3A_1173 : i32 to vector<16xi32>
      %eq3A_1175 = arith.cmpi eq, %iota3A, %eq3A_1174 : vector<16xi32>
      %broadcast_in_dim3A_1176 = vector.broadcast %reduce_sum3A_1172 : f32 to vector<16xf32>
      %select_n3A_1177 = arith.select %eq3A_1175, %broadcast_in_dim3A_1176, %select_n3A_1117 : vector<16xi1>, vector<16xf32>
      %abs3A = math.absf %select_n3A_1177 : vector<16xf32>
      %neg3A = arith.constant 0.000000e+00 : f32
      %neg3A_1178 = vector.broadcast %neg3A : f32 to vector<16xf32>
      %neg3A_1179 = arith.subf %neg3A_1178, %abs3A : vector<16xf32>
      %exp3A = math.exp %neg3A_1179 : vector<16xf32>
      %add3A_1180 = arith.constant 2.000000e+00 : f32
      %add3A_1181 = vector.broadcast %add3A_1180 : f32 to vector<16xf32>
      %add3A_1182 = arith.addf %exp3A, %add3A_1181 : vector<16xf32>
      %div3A = arith.divf %exp3A, %add3A_1182 : vector<16xf32>
      %mul3A_1183 = arith.mulf %div3A, %div3A : vector<16xf32>
      %mul3A_1184 = arith.constant 0.0909090936 : f32
      %mul3A_1185 = vector.broadcast %mul3A_1184 : f32 to vector<16xf32>
      %mul3A_1186 = arith.mulf %mul3A_1183, %mul3A_1185 : vector<16xf32>
      %add3A_1187 = arith.constant 0.111111112 : f32
      %add3A_1188 = vector.broadcast %add3A_1187 : f32 to vector<16xf32>
      %add3A_1189 = arith.addf %add3A_1188, %mul3A_1186 : vector<16xf32>
      %mul3A_1190 = arith.mulf %mul3A_1183, %add3A_1189 : vector<16xf32>
      %add3A_1191 = arith.constant 0.142857149 : f32
      %add3A_1192 = vector.broadcast %add3A_1191 : f32 to vector<16xf32>
      %add3A_1193 = arith.addf %add3A_1192, %mul3A_1190 : vector<16xf32>
      %mul3A_1194 = arith.mulf %mul3A_1183, %add3A_1193 : vector<16xf32>
      %add3A_1195 = arith.constant 2.000000e-01 : f32
      %add3A_1196 = vector.broadcast %add3A_1195 : f32 to vector<16xf32>
      %add3A_1197 = arith.addf %add3A_1196, %mul3A_1194 : vector<16xf32>
      %mul3A_1198 = arith.mulf %mul3A_1183, %add3A_1197 : vector<16xf32>
      %add3A_1199 = arith.constant 0.333333343 : f32
      %add3A_1200 = vector.broadcast %add3A_1199 : f32 to vector<16xf32>
      %add3A_1201 = arith.addf %add3A_1200, %mul3A_1198 : vector<16xf32>
      %mul3A_1202 = arith.mulf %mul3A_1183, %add3A_1201 : vector<16xf32>
      %add3A_1203 = arith.constant 1.000000e+00 : f32
      %add3A_1204 = vector.broadcast %add3A_1203 : f32 to vector<16xf32>
      %add3A_1205 = arith.addf %add3A_1204, %mul3A_1202 : vector<16xf32>
      %min3A = arith.constant 0.000000e+00 : f32
      %min3A_1206 = vector.broadcast %min3A : f32 to vector<16xf32>
      %min3A_1207 = arith.minimumf %select_n3A_1177, %min3A_1206 : vector<16xf32>
      %mul3A_1208 = arith.constant 2.000000e+00 : f32
      %mul3A_1209 = vector.broadcast %mul3A_1208 : f32 to vector<16xf32>
      %mul3A_1210 = arith.mulf %mul3A_1209, %div3A : vector<16xf32>
      %mul3A_1211 = arith.mulf %mul3A_1210, %add3A_1205 : vector<16xf32>
      %sub3A = arith.subf %min3A_1207, %mul3A_1211 : vector<16xf32>
      %add3A_1212 = arith.addf %scan3A_219, %sub3A : vector<16xf32>
      scf.yield %add3A_1212 : vector<16xf32>
    }
    %scan3A_186 = arith.constant 8 : i32
    %dma_wait3A_187 = arith.constant 3 : i32
    %dma_wait3A_188 = arith.constant 3 : i32
    %dma_wait3A_189 = arith.constant 0 : i32
    %dma_wait3A_190 = arith.constant 0 : i32
    %dma_wait3A_191 = tpu.memref_slice %arg9[%dma_wait3A_188, %dma_wait3A_189, %dma_wait3A_190] : memref<4x128x64xf32, #tpu.memory_space<vmem>> -> memref<1x128x64xf32, #tpu.memory_space<vmem>>
    %dma_wait3A_192 = tpu.memref_squeeze %dma_wait3A_191 : memref<1x128x64xf32, #tpu.memory_space<vmem>> -> memref<128x64xf32, #tpu.memory_space<vmem>>
    %dma_wait3A_193 = arith.constant 0 : i32
    %dma_wait3A_194 = tpu.memref_slice %arg7[%dma_wait3A_187, %dma_wait3A_193] : memref<4x128xi32, #tpu.memory_space<vmem>> -> memref<1x128xi32, #tpu.memory_space<vmem>>
    %dma_wait3A_195 = tpu.memref_squeeze %dma_wait3A_194 : memref<1x128xi32, #tpu.memory_space<vmem>> -> memref<128xi32, #tpu.memory_space<vmem>>
    %dma_wait3A_196 = arith.constant 0 : i32
    %dma_wait3A_197 = arith.constant 0 : i32
    %dma_wait3A_198 = tpu.memref_slice %arg4[%dma_wait3A_196, %dma_wait3A_197] : memref<100000x64xf32, #tpu.memory_space<hbm>> -> memref<100000x64xf32, #tpu.memory_space<hbm>>
    tpu.wait_indirect_dma semaphore(%arg15 : memref<!tpu.dma_semaphore, #tpu.memory_space<semaphore_mem>>) src(%dma_wait3A_198 : memref<100000x64xf32, #tpu.memory_space<hbm>>) dst(%dma_wait3A_192 : memref<128x64xf32, #tpu.memory_space<vmem>>)
    %dma_wait3A_199 = arith.constant 3 : i32
    %dma_wait3A_200 = arith.constant 3 : i32
    %dma_wait3A_201 = arith.constant 0 : i32
    %dma_wait3A_202 = arith.constant 0 : i32
    %dma_wait3A_203 = tpu.memref_slice %arg10[%dma_wait3A_200, %dma_wait3A_201, %dma_wait3A_202] : memref<4x128x64xf32, #tpu.memory_space<vmem>> -> memref<1x128x64xf32, #tpu.memory_space<vmem>>
    %dma_wait3A_204 = tpu.memref_squeeze %dma_wait3A_203 : memref<1x128x64xf32, #tpu.memory_space<vmem>> -> memref<128x64xf32, #tpu.memory_space<vmem>>
    %dma_wait3A_205 = arith.constant 0 : i32
    %dma_wait3A_206 = tpu.memref_slice %arg8[%dma_wait3A_199, %dma_wait3A_205] : memref<4x128xi32, #tpu.memory_space<vmem>> -> memref<1x128xi32, #tpu.memory_space<vmem>>
    %dma_wait3A_207 = tpu.memref_squeeze %dma_wait3A_206 : memref<1x128xi32, #tpu.memory_space<vmem>> -> memref<128xi32, #tpu.memory_space<vmem>>
    %dma_wait3A_208 = arith.constant 0 : i32
    %dma_wait3A_209 = arith.constant 0 : i32
    %dma_wait3A_210 = tpu.memref_slice %arg5[%dma_wait3A_208, %dma_wait3A_209] : memref<100003x64xf32, #tpu.memory_space<hbm>> -> memref<100003x64xf32, #tpu.memory_space<hbm>>
    tpu.wait_indirect_dma semaphore(%arg15 : memref<!tpu.dma_semaphore, #tpu.memory_space<semaphore_mem>>) src(%dma_wait3A_210 : memref<100003x64xf32, #tpu.memory_space<hbm>>) dst(%dma_wait3A_204 : memref<128x64xf32, #tpu.memory_space<vmem>>)
    %scan3A_211 = arith.constant 0 : i32
    %scan3A_212 = arith.constant 8 : i32
    %scan3A_213 = arith.addi %scan3A_211, %scan3A_212 : i32
    %scan3A_214 = arith.constant 1 : i32
    %scan3A_215 = scf.for %scan3A_218 = %scan3A_211 to %scan3A_213 step %scan3A_214 iter_args(%scan3A_219 = %scan3A_185) -> (vector<16xf32>)  : i32 {
      %broadcast_in_dim3A_220 = arith.constant 0.000000e+00 : f32
      %broadcast_in_dim3A_221 = vector.broadcast %broadcast_in_dim3A_220 : f32 to vector<16xf32>
      %mul3A_222 = arith.constant 16 : i32
      %mul3A_223 = arith.muli %scan3A_218, %mul3A_222 : i32
      %add3A_224 = arith.constant 0 : i32
      %add3A_225 = arith.addi %mul3A_223, %add3A_224 : i32
      %get3A = arith.constant 3 : i32
      %get3A_226 = arith.index_cast %get3A : i32 to index
      %get3A_227 = arith.index_cast %add3A_225 : i32 to index
      %get3A_228 = arith.constant 0 : index
      %get3A_229 = tpu.vector_load %arg9[%get3A_226, %get3A_227, %get3A_228] {strides = array<i32>} : memref<4x128x64xf32, #tpu.memory_space<vmem>>, vector<16xf32>,
      %get3A_230 = arith.constant 3 : i32
      %get3A_231 = arith.index_cast %get3A_230 : i32 to index
      %get3A_232 = arith.index_cast %add3A_225 : i32 to index
      %get3A_233 = arith.constant 0 : index
      %get3A_234 = tpu.vector_load %arg10[%get3A_231, %get3A_232, %get3A_233] {strides = array<i32>} : memref<4x128x64xf32, #tpu.memory_space<vmem>>, vector<16xf32>,
      %mul3A_235 = arith.mulf %get3A_229, %get3A_234 : vector<16xf32>
      %get3A_236 = arith.constant 3 : i32
      %get3A_237 = arith.index_cast %get3A_236 : i32 to index
      %get3A_238 = arith.index_cast %add3A_225 : i32 to index
      %get3A_239 = arith.constant 16 : index
      %get3A_240 = tpu.vector_load %arg9[%get3A_237, %get3A_238, %get3A_239] {strides = array<i32>} : memref<4x128x64xf32, #tpu.memory_space<vmem>>, vector<16xf32>,
      %get3A_241 = arith.constant 3 : i32
      %get3A_242 = arith.index_cast %get3A_241 : i32 to index
      %get3A_243 = arith.index_cast %add3A_225 : i32 to index
      %get3A_244 = arith.constant 16 : index
      %get3A_245 = tpu.vector_load %arg10[%get3A_242, %get3A_243, %get3A_244] {strides = array<i32>} : memref<4x128x64xf32, #tpu.memory_space<vmem>>, vector<16xf32>,
      %mul3A_246 = arith.mulf %get3A_240, %get3A_245 : vector<16xf32>
      %add3A_247 = arith.addf %mul3A_235, %mul3A_246 : vector<16xf32>
      %get3A_248 = arith.constant 3 : i32
      %get3A_249 = arith.index_cast %get3A_248 : i32 to index
      %get3A_250 = arith.index_cast %add3A_225 : i32 to index
      %get3A_251 = arith.constant 32 : index
      %get3A_252 = tpu.vector_load %arg9[%get3A_249, %get3A_250, %get3A_251] {strides = array<i32>} : memref<4x128x64xf32, #tpu.memory_space<vmem>>, vector<16xf32>,
      %get3A_253 = arith.constant 3 : i32
      %get3A_254 = arith.index_cast %get3A_253 : i32 to index
      %get3A_255 = arith.index_cast %add3A_225 : i32 to index
      %get3A_256 = arith.constant 32 : index
      %get3A_257 = tpu.vector_load %arg10[%get3A_254, %get3A_255, %get3A_256] {strides = array<i32>} : memref<4x128x64xf32, #tpu.memory_space<vmem>>, vector<16xf32>,
      %mul3A_258 = arith.mulf %get3A_252, %get3A_257 : vector<16xf32>
      %add3A_259 = arith.addf %add3A_247, %mul3A_258 : vector<16xf32>
      %get3A_260 = arith.constant 3 : i32
      %get3A_261 = arith.index_cast %get3A_260 : i32 to index
      %get3A_262 = arith.index_cast %add3A_225 : i32 to index
      %get3A_263 = arith.constant 48 : index
      %get3A_264 = tpu.vector_load %arg9[%get3A_261, %get3A_262, %get3A_263] {strides = array<i32>} : memref<4x128x64xf32, #tpu.memory_space<vmem>>, vector<16xf32>,
      %get3A_265 = arith.constant 3 : i32
      %get3A_266 = arith.index_cast %get3A_265 : i32 to index
      %get3A_267 = arith.index_cast %add3A_225 : i32 to index
      %get3A_268 = arith.constant 48 : index
      %get3A_269 = tpu.vector_load %arg10[%get3A_266, %get3A_267, %get3A_268] {strides = array<i32>} : memref<4x128x64xf32, #tpu.memory_space<vmem>>, vector<16xf32>,
      %mul3A_270 = arith.mulf %get3A_264, %get3A_269 : vector<16xf32>
      %add3A_271 = arith.addf %add3A_259, %mul3A_270 : vector<16xf32>
      %reduce_sum3A = arith.constant true
      %reduce_sum3A_272 = vector.broadcast %reduce_sum3A : i1 to vector<16xi1>
      %reduce_sum3A_273 = tpu.scan <sum>, %add3A_271 masked %reduce_sum3A_272 : vector<16xf32>, vector<16xi1> -> vector<16xf32>
      %reduce_sum3A_274 = vector.extract %reduce_sum3A_273[15] : f32 from vector<16xf32>
      %eq3A = arith.constant 0 : i32
      %eq3A_275 = vector.broadcast %eq3A : i32 to vector<16xi32>
      %eq3A_276 = arith.cmpi eq, %iota3A, %eq3A_275 : vector<16xi32>
      %broadcast_in_dim3A_277 = vector.broadcast %reduce_sum3A_274 : f32 to vector<16xf32>
      %select_n3A = arith.select %eq3A_276, %broadcast_in_dim3A_277, %broadcast_in_dim3A_221 : vector<16xi1>, vector<16xf32>
      %mul3A_278 = arith.constant 16 : i32
      %mul3A_279 = arith.muli %scan3A_218, %mul3A_278 : i32
      %add3A_280 = arith.constant 1 : i32
      %add3A_281 = arith.addi %mul3A_279, %add3A_280 : i32
      %get3A_282 = arith.constant 3 : i32
      %get3A_283 = arith.index_cast %get3A_282 : i32 to index
      %get3A_284 = arith.index_cast %add3A_281 : i32 to index
      %get3A_285 = arith.constant 0 : index
      %get3A_286 = tpu.vector_load %arg9[%get3A_283, %get3A_284, %get3A_285] {strides = array<i32>} : memref<4x128x64xf32, #tpu.memory_space<vmem>>, vector<16xf32>,
      %get3A_287 = arith.constant 3 : i32
      %get3A_288 = arith.index_cast %get3A_287 : i32 to index
      %get3A_289 = arith.index_cast %add3A_281 : i32 to index
      %get3A_290 = arith.constant 0 : index
      %get3A_291 = tpu.vector_load %arg10[%get3A_288, %get3A_289, %get3A_290] {strides = array<i32>} : memref<4x128x64xf32, #tpu.memory_space<vmem>>, vector<16xf32>,
      %mul3A_292 = arith.mulf %get3A_286, %get3A_291 : vector<16xf32>
      %get3A_293 = arith.constant 3 : i32
      %get3A_294 = arith.index_cast %get3A_293 : i32 to index
      %get3A_295 = arith.index_cast %add3A_281 : i32 to index
      %get3A_296 = arith.constant 16 : index
      %get3A_297 = tpu.vector_load %arg9[%get3A_294, %get3A_295, %get3A_296] {strides = array<i32>} : memref<4x128x64xf32, #tpu.memory_space<vmem>>, vector<16xf32>,
      %get3A_298 = arith.constant 3 : i32
      %get3A_299 = arith.index_cast %get3A_298 : i32 to index
      %get3A_300 = arith.index_cast %add3A_281 : i32 to index
      %get3A_301 = arith.constant 16 : index
      %get3A_302 = tpu.vector_load %arg10[%get3A_299, %get3A_300, %get3A_301] {strides = array<i32>} : memref<4x128x64xf32, #tpu.memory_space<vmem>>, vector<16xf32>,
      %mul3A_303 = arith.mulf %get3A_297, %get3A_302 : vector<16xf32>
      %add3A_304 = arith.addf %mul3A_292, %mul3A_303 : vector<16xf32>
      %get3A_305 = arith.constant 3 : i32
      %get3A_306 = arith.index_cast %get3A_305 : i32 to index
      %get3A_307 = arith.index_cast %add3A_281 : i32 to index
      %get3A_308 = arith.constant 32 : index
      %get3A_309 = tpu.vector_load %arg9[%get3A_306, %get3A_307, %get3A_308] {strides = array<i32>} : memref<4x128x64xf32, #tpu.memory_space<vmem>>, vector<16xf32>,
      %get3A_310 = arith.constant 3 : i32
      %get3A_311 = arith.index_cast %get3A_310 : i32 to index
      %get3A_312 = arith.index_cast %add3A_281 : i32 to index
      %get3A_313 = arith.constant 32 : index
      %get3A_314 = tpu.vector_load %arg10[%get3A_311, %get3A_312, %get3A_313] {strides = array<i32>} : memref<4x128x64xf32, #tpu.memory_space<vmem>>, vector<16xf32>,
      %mul3A_315 = arith.mulf %get3A_309, %get3A_314 : vector<16xf32>
      %add3A_316 = arith.addf %add3A_304, %mul3A_315 : vector<16xf32>
      %get3A_317 = arith.constant 3 : i32
      %get3A_318 = arith.index_cast %get3A_317 : i32 to index
      %get3A_319 = arith.index_cast %add3A_281 : i32 to index
      %get3A_320 = arith.constant 48 : index
      %get3A_321 = tpu.vector_load %arg9[%get3A_318, %get3A_319, %get3A_320] {strides = array<i32>} : memref<4x128x64xf32, #tpu.memory_space<vmem>>, vector<16xf32>,
      %get3A_322 = arith.constant 3 : i32
      %get3A_323 = arith.index_cast %get3A_322 : i32 to index
      %get3A_324 = arith.index_cast %add3A_281 : i32 to index
      %get3A_325 = arith.constant 48 : index
      %get3A_326 = tpu.vector_load %arg10[%get3A_323, %get3A_324, %get3A_325] {strides = array<i32>} : memref<4x128x64xf32, #tpu.memory_space<vmem>>, vector<16xf32>,
      %mul3A_327 = arith.mulf %get3A_321, %get3A_326 : vector<16xf32>
      %add3A_328 = arith.addf %add3A_316, %mul3A_327 : vector<16xf32>
      %reduce_sum3A_329 = arith.constant true
      %reduce_sum3A_330 = vector.broadcast %reduce_sum3A_329 : i1 to vector<16xi1>
      %reduce_sum3A_331 = tpu.scan <sum>, %add3A_328 masked %reduce_sum3A_330 : vector<16xf32>, vector<16xi1> -> vector<16xf32>
      %reduce_sum3A_332 = vector.extract %reduce_sum3A_331[15] : f32 from vector<16xf32>
      %eq3A_333 = arith.constant 1 : i32
      %eq3A_334 = vector.broadcast %eq3A_333 : i32 to vector<16xi32>
      %eq3A_335 = arith.cmpi eq, %iota3A, %eq3A_334 : vector<16xi32>
      %broadcast_in_dim3A_336 = vector.broadcast %reduce_sum3A_332 : f32 to vector<16xf32>
      %select_n3A_337 = arith.select %eq3A_335, %broadcast_in_dim3A_336, %select_n3A : vector<16xi1>, vector<16xf32>
      %mul3A_338 = arith.constant 16 : i32
      %mul3A_339 = arith.muli %scan3A_218, %mul3A_338 : i32
      %add3A_340 = arith.constant 2 : i32
      %add3A_341 = arith.addi %mul3A_339, %add3A_340 : i32
      %get3A_342 = arith.constant 3 : i32
      %get3A_343 = arith.index_cast %get3A_342 : i32 to index
      %get3A_344 = arith.index_cast %add3A_341 : i32 to index
      %get3A_345 = arith.constant 0 : index
      %get3A_346 = tpu.vector_load %arg9[%get3A_343, %get3A_344, %get3A_345] {strides = array<i32>} : memref<4x128x64xf32, #tpu.memory_space<vmem>>, vector<16xf32>,
      %get3A_347 = arith.constant 3 : i32
      %get3A_348 = arith.index_cast %get3A_347 : i32 to index
      %get3A_349 = arith.index_cast %add3A_341 : i32 to index
      %get3A_350 = arith.constant 0 : index
      %get3A_351 = tpu.vector_load %arg10[%get3A_348, %get3A_349, %get3A_350] {strides = array<i32>} : memref<4x128x64xf32, #tpu.memory_space<vmem>>, vector<16xf32>,
      %mul3A_352 = arith.mulf %get3A_346, %get3A_351 : vector<16xf32>
      %get3A_353 = arith.constant 3 : i32
      %get3A_354 = arith.index_cast %get3A_353 : i32 to index
      %get3A_355 = arith.index_cast %add3A_341 : i32 to index
      %get3A_356 = arith.constant 16 : index
      %get3A_357 = tpu.vector_load %arg9[%get3A_354, %get3A_355, %get3A_356] {strides = array<i32>} : memref<4x128x64xf32, #tpu.memory_space<vmem>>, vector<16xf32>,
      %get3A_358 = arith.constant 3 : i32
      %get3A_359 = arith.index_cast %get3A_358 : i32 to index
      %get3A_360 = arith.index_cast %add3A_341 : i32 to index
      %get3A_361 = arith.constant 16 : index
      %get3A_362 = tpu.vector_load %arg10[%get3A_359, %get3A_360, %get3A_361] {strides = array<i32>} : memref<4x128x64xf32, #tpu.memory_space<vmem>>, vector<16xf32>,
      %mul3A_363 = arith.mulf %get3A_357, %get3A_362 : vector<16xf32>
      %add3A_364 = arith.addf %mul3A_352, %mul3A_363 : vector<16xf32>
      %get3A_365 = arith.constant 3 : i32
      %get3A_366 = arith.index_cast %get3A_365 : i32 to index
      %get3A_367 = arith.index_cast %add3A_341 : i32 to index
      %get3A_368 = arith.constant 32 : index
      %get3A_369 = tpu.vector_load %arg9[%get3A_366, %get3A_367, %get3A_368] {strides = array<i32>} : memref<4x128x64xf32, #tpu.memory_space<vmem>>, vector<16xf32>,
      %get3A_370 = arith.constant 3 : i32
      %get3A_371 = arith.index_cast %get3A_370 : i32 to index
      %get3A_372 = arith.index_cast %add3A_341 : i32 to index
      %get3A_373 = arith.constant 32 : index
      %get3A_374 = tpu.vector_load %arg10[%get3A_371, %get3A_372, %get3A_373] {strides = array<i32>} : memref<4x128x64xf32, #tpu.memory_space<vmem>>, vector<16xf32>,
      %mul3A_375 = arith.mulf %get3A_369, %get3A_374 : vector<16xf32>
      %add3A_376 = arith.addf %add3A_364, %mul3A_375 : vector<16xf32>
      %get3A_377 = arith.constant 3 : i32
      %get3A_378 = arith.index_cast %get3A_377 : i32 to index
      %get3A_379 = arith.index_cast %add3A_341 : i32 to index
      %get3A_380 = arith.constant 48 : index
      %get3A_381 = tpu.vector_load %arg9[%get3A_378, %get3A_379, %get3A_380] {strides = array<i32>} : memref<4x128x64xf32, #tpu.memory_space<vmem>>, vector<16xf32>,
      %get3A_382 = arith.constant 3 : i32
      %get3A_383 = arith.index_cast %get3A_382 : i32 to index
      %get3A_384 = arith.index_cast %add3A_341 : i32 to index
      %get3A_385 = arith.constant 48 : index
      %get3A_386 = tpu.vector_load %arg10[%get3A_383, %get3A_384, %get3A_385] {strides = array<i32>} : memref<4x128x64xf32, #tpu.memory_space<vmem>>, vector<16xf32>,
      %mul3A_387 = arith.mulf %get3A_381, %get3A_386 : vector<16xf32>
      %add3A_388 = arith.addf %add3A_376, %mul3A_387 : vector<16xf32>
      %reduce_sum3A_389 = arith.constant true
      %reduce_sum3A_390 = vector.broadcast %reduce_sum3A_389 : i1 to vector<16xi1>
      %reduce_sum3A_391 = tpu.scan <sum>, %add3A_388 masked %reduce_sum3A_390 : vector<16xf32>, vector<16xi1> -> vector<16xf32>
      %reduce_sum3A_392 = vector.extract %reduce_sum3A_391[15] : f32 from vector<16xf32>
      %eq3A_393 = arith.constant 2 : i32
      %eq3A_394 = vector.broadcast %eq3A_393 : i32 to vector<16xi32>
      %eq3A_395 = arith.cmpi eq, %iota3A, %eq3A_394 : vector<16xi32>
      %broadcast_in_dim3A_396 = vector.broadcast %reduce_sum3A_392 : f32 to vector<16xf32>
      %select_n3A_397 = arith.select %eq3A_395, %broadcast_in_dim3A_396, %select_n3A_337 : vector<16xi1>, vector<16xf32>
      %mul3A_398 = arith.constant 16 : i32
      %mul3A_399 = arith.muli %scan3A_218, %mul3A_398 : i32
      %add3A_400 = arith.constant 3 : i32
      %add3A_401 = arith.addi %mul3A_399, %add3A_400 : i32
      %get3A_402 = arith.constant 3 : i32
      %get3A_403 = arith.index_cast %get3A_402 : i32 to index
      %get3A_404 = arith.index_cast %add3A_401 : i32 to index
      %get3A_405 = arith.constant 0 : index
      %get3A_406 = tpu.vector_load %arg9[%get3A_403, %get3A_404, %get3A_405] {strides = array<i32>} : memref<4x128x64xf32, #tpu.memory_space<vmem>>, vector<16xf32>,
      %get3A_407 = arith.constant 3 : i32
      %get3A_408 = arith.index_cast %get3A_407 : i32 to index
      %get3A_409 = arith.index_cast %add3A_401 : i32 to index
      %get3A_410 = arith.constant 0 : index
      %get3A_411 = tpu.vector_load %arg10[%get3A_408, %get3A_409, %get3A_410] {strides = array<i32>} : memref<4x128x64xf32, #tpu.memory_space<vmem>>, vector<16xf32>,
      %mul3A_412 = arith.mulf %get3A_406, %get3A_411 : vector<16xf32>
      %get3A_413 = arith.constant 3 : i32
      %get3A_414 = arith.index_cast %get3A_413 : i32 to index
      %get3A_415 = arith.index_cast %add3A_401 : i32 to index
      %get3A_416 = arith.constant 16 : index
      %get3A_417 = tpu.vector_load %arg9[%get3A_414, %get3A_415, %get3A_416] {strides = array<i32>} : memref<4x128x64xf32, #tpu.memory_space<vmem>>, vector<16xf32>,
      %get3A_418 = arith.constant 3 : i32
      %get3A_419 = arith.index_cast %get3A_418 : i32 to index
      %get3A_420 = arith.index_cast %add3A_401 : i32 to index
      %get3A_421 = arith.constant 16 : index
      %get3A_422 = tpu.vector_load %arg10[%get3A_419, %get3A_420, %get3A_421] {strides = array<i32>} : memref<4x128x64xf32, #tpu.memory_space<vmem>>, vector<16xf32>,
      %mul3A_423 = arith.mulf %get3A_417, %get3A_422 : vector<16xf32>
      %add3A_424 = arith.addf %mul3A_412, %mul3A_423 : vector<16xf32>
      %get3A_425 = arith.constant 3 : i32
      %get3A_426 = arith.index_cast %get3A_425 : i32 to index
      %get3A_427 = arith.index_cast %add3A_401 : i32 to index
      %get3A_428 = arith.constant 32 : index
      %get3A_429 = tpu.vector_load %arg9[%get3A_426, %get3A_427, %get3A_428] {strides = array<i32>} : memref<4x128x64xf32, #tpu.memory_space<vmem>>, vector<16xf32>,
      %get3A_430 = arith.constant 3 : i32
      %get3A_431 = arith.index_cast %get3A_430 : i32 to index
      %get3A_432 = arith.index_cast %add3A_401 : i32 to index
      %get3A_433 = arith.constant 32 : index
      %get3A_434 = tpu.vector_load %arg10[%get3A_431, %get3A_432, %get3A_433] {strides = array<i32>} : memref<4x128x64xf32, #tpu.memory_space<vmem>>, vector<16xf32>,
      %mul3A_435 = arith.mulf %get3A_429, %get3A_434 : vector<16xf32>
      %add3A_436 = arith.addf %add3A_424, %mul3A_435 : vector<16xf32>
      %get3A_437 = arith.constant 3 : i32
      %get3A_438 = arith.index_cast %get3A_437 : i32 to index
      %get3A_439 = arith.index_cast %add3A_401 : i32 to index
      %get3A_440 = arith.constant 48 : index
      %get3A_441 = tpu.vector_load %arg9[%get3A_438, %get3A_439, %get3A_440] {strides = array<i32>} : memref<4x128x64xf32, #tpu.memory_space<vmem>>, vector<16xf32>,
      %get3A_442 = arith.constant 3 : i32
      %get3A_443 = arith.index_cast %get3A_442 : i32 to index
      %get3A_444 = arith.index_cast %add3A_401 : i32 to index
      %get3A_445 = arith.constant 48 : index
      %get3A_446 = tpu.vector_load %arg10[%get3A_443, %get3A_444, %get3A_445] {strides = array<i32>} : memref<4x128x64xf32, #tpu.memory_space<vmem>>, vector<16xf32>,
      %mul3A_447 = arith.mulf %get3A_441, %get3A_446 : vector<16xf32>
      %add3A_448 = arith.addf %add3A_436, %mul3A_447 : vector<16xf32>
      %reduce_sum3A_449 = arith.constant true
      %reduce_sum3A_450 = vector.broadcast %reduce_sum3A_449 : i1 to vector<16xi1>
      %reduce_sum3A_451 = tpu.scan <sum>, %add3A_448 masked %reduce_sum3A_450 : vector<16xf32>, vector<16xi1> -> vector<16xf32>
      %reduce_sum3A_452 = vector.extract %reduce_sum3A_451[15] : f32 from vector<16xf32>
      %eq3A_453 = arith.constant 3 : i32
      %eq3A_454 = vector.broadcast %eq3A_453 : i32 to vector<16xi32>
      %eq3A_455 = arith.cmpi eq, %iota3A, %eq3A_454 : vector<16xi32>
      %broadcast_in_dim3A_456 = vector.broadcast %reduce_sum3A_452 : f32 to vector<16xf32>
      %select_n3A_457 = arith.select %eq3A_455, %broadcast_in_dim3A_456, %select_n3A_397 : vector<16xi1>, vector<16xf32>
      %mul3A_458 = arith.constant 16 : i32
      %mul3A_459 = arith.muli %scan3A_218, %mul3A_458 : i32
      %add3A_460 = arith.constant 4 : i32
      %add3A_461 = arith.addi %mul3A_459, %add3A_460 : i32
      %get3A_462 = arith.constant 3 : i32
      %get3A_463 = arith.index_cast %get3A_462 : i32 to index
      %get3A_464 = arith.index_cast %add3A_461 : i32 to index
      %get3A_465 = arith.constant 0 : index
      %get3A_466 = tpu.vector_load %arg9[%get3A_463, %get3A_464, %get3A_465] {strides = array<i32>} : memref<4x128x64xf32, #tpu.memory_space<vmem>>, vector<16xf32>,
      %get3A_467 = arith.constant 3 : i32
      %get3A_468 = arith.index_cast %get3A_467 : i32 to index
      %get3A_469 = arith.index_cast %add3A_461 : i32 to index
      %get3A_470 = arith.constant 0 : index
      %get3A_471 = tpu.vector_load %arg10[%get3A_468, %get3A_469, %get3A_470] {strides = array<i32>} : memref<4x128x64xf32, #tpu.memory_space<vmem>>, vector<16xf32>,
      %mul3A_472 = arith.mulf %get3A_466, %get3A_471 : vector<16xf32>
      %get3A_473 = arith.constant 3 : i32
      %get3A_474 = arith.index_cast %get3A_473 : i32 to index
      %get3A_475 = arith.index_cast %add3A_461 : i32 to index
      %get3A_476 = arith.constant 16 : index
      %get3A_477 = tpu.vector_load %arg9[%get3A_474, %get3A_475, %get3A_476] {strides = array<i32>} : memref<4x128x64xf32, #tpu.memory_space<vmem>>, vector<16xf32>,
      %get3A_478 = arith.constant 3 : i32
      %get3A_479 = arith.index_cast %get3A_478 : i32 to index
      %get3A_480 = arith.index_cast %add3A_461 : i32 to index
      %get3A_481 = arith.constant 16 : index
      %get3A_482 = tpu.vector_load %arg10[%get3A_479, %get3A_480, %get3A_481] {strides = array<i32>} : memref<4x128x64xf32, #tpu.memory_space<vmem>>, vector<16xf32>,
      %mul3A_483 = arith.mulf %get3A_477, %get3A_482 : vector<16xf32>
      %add3A_484 = arith.addf %mul3A_472, %mul3A_483 : vector<16xf32>
      %get3A_485 = arith.constant 3 : i32
      %get3A_486 = arith.index_cast %get3A_485 : i32 to index
      %get3A_487 = arith.index_cast %add3A_461 : i32 to index
      %get3A_488 = arith.constant 32 : index
      %get3A_489 = tpu.vector_load %arg9[%get3A_486, %get3A_487, %get3A_488] {strides = array<i32>} : memref<4x128x64xf32, #tpu.memory_space<vmem>>, vector<16xf32>,
      %get3A_490 = arith.constant 3 : i32
      %get3A_491 = arith.index_cast %get3A_490 : i32 to index
      %get3A_492 = arith.index_cast %add3A_461 : i32 to index
      %get3A_493 = arith.constant 32 : index
      %get3A_494 = tpu.vector_load %arg10[%get3A_491, %get3A_492, %get3A_493] {strides = array<i32>} : memref<4x128x64xf32, #tpu.memory_space<vmem>>, vector<16xf32>,
      %mul3A_495 = arith.mulf %get3A_489, %get3A_494 : vector<16xf32>
      %add3A_496 = arith.addf %add3A_484, %mul3A_495 : vector<16xf32>
      %get3A_497 = arith.constant 3 : i32
      %get3A_498 = arith.index_cast %get3A_497 : i32 to index
      %get3A_499 = arith.index_cast %add3A_461 : i32 to index
      %get3A_500 = arith.constant 48 : index
      %get3A_501 = tpu.vector_load %arg9[%get3A_498, %get3A_499, %get3A_500] {strides = array<i32>} : memref<4x128x64xf32, #tpu.memory_space<vmem>>, vector<16xf32>,
      %get3A_502 = arith.constant 3 : i32
      %get3A_503 = arith.index_cast %get3A_502 : i32 to index
      %get3A_504 = arith.index_cast %add3A_461 : i32 to index
      %get3A_505 = arith.constant 48 : index
      %get3A_506 = tpu.vector_load %arg10[%get3A_503, %get3A_504, %get3A_505] {strides = array<i32>} : memref<4x128x64xf32, #tpu.memory_space<vmem>>, vector<16xf32>,
      %mul3A_507 = arith.mulf %get3A_501, %get3A_506 : vector<16xf32>
      %add3A_508 = arith.addf %add3A_496, %mul3A_507 : vector<16xf32>
      %reduce_sum3A_509 = arith.constant true
      %reduce_sum3A_510 = vector.broadcast %reduce_sum3A_509 : i1 to vector<16xi1>
      %reduce_sum3A_511 = tpu.scan <sum>, %add3A_508 masked %reduce_sum3A_510 : vector<16xf32>, vector<16xi1> -> vector<16xf32>
      %reduce_sum3A_512 = vector.extract %reduce_sum3A_511[15] : f32 from vector<16xf32>
      %eq3A_513 = arith.constant 4 : i32
      %eq3A_514 = vector.broadcast %eq3A_513 : i32 to vector<16xi32>
      %eq3A_515 = arith.cmpi eq, %iota3A, %eq3A_514 : vector<16xi32>
      %broadcast_in_dim3A_516 = vector.broadcast %reduce_sum3A_512 : f32 to vector<16xf32>
      %select_n3A_517 = arith.select %eq3A_515, %broadcast_in_dim3A_516, %select_n3A_457 : vector<16xi1>, vector<16xf32>
      %mul3A_518 = arith.constant 16 : i32
      %mul3A_519 = arith.muli %scan3A_218, %mul3A_518 : i32
      %add3A_520 = arith.constant 5 : i32
      %add3A_521 = arith.addi %mul3A_519, %add3A_520 : i32
      %get3A_522 = arith.constant 3 : i32
      %get3A_523 = arith.index_cast %get3A_522 : i32 to index
      %get3A_524 = arith.index_cast %add3A_521 : i32 to index
      %get3A_525 = arith.constant 0 : index
      %get3A_526 = tpu.vector_load %arg9[%get3A_523, %get3A_524, %get3A_525] {strides = array<i32>} : memref<4x128x64xf32, #tpu.memory_space<vmem>>, vector<16xf32>,
      %get3A_527 = arith.constant 3 : i32
      %get3A_528 = arith.index_cast %get3A_527 : i32 to index
      %get3A_529 = arith.index_cast %add3A_521 : i32 to index
      %get3A_530 = arith.constant 0 : index
      %get3A_531 = tpu.vector_load %arg10[%get3A_528, %get3A_529, %get3A_530] {strides = array<i32>} : memref<4x128x64xf32, #tpu.memory_space<vmem>>, vector<16xf32>,
      %mul3A_532 = arith.mulf %get3A_526, %get3A_531 : vector<16xf32>
      %get3A_533 = arith.constant 3 : i32
      %get3A_534 = arith.index_cast %get3A_533 : i32 to index
      %get3A_535 = arith.index_cast %add3A_521 : i32 to index
      %get3A_536 = arith.constant 16 : index
      %get3A_537 = tpu.vector_load %arg9[%get3A_534, %get3A_535, %get3A_536] {strides = array<i32>} : memref<4x128x64xf32, #tpu.memory_space<vmem>>, vector<16xf32>,
      %get3A_538 = arith.constant 3 : i32
      %get3A_539 = arith.index_cast %get3A_538 : i32 to index
      %get3A_540 = arith.index_cast %add3A_521 : i32 to index
      %get3A_541 = arith.constant 16 : index
      %get3A_542 = tpu.vector_load %arg10[%get3A_539, %get3A_540, %get3A_541] {strides = array<i32>} : memref<4x128x64xf32, #tpu.memory_space<vmem>>, vector<16xf32>,
      %mul3A_543 = arith.mulf %get3A_537, %get3A_542 : vector<16xf32>
      %add3A_544 = arith.addf %mul3A_532, %mul3A_543 : vector<16xf32>
      %get3A_545 = arith.constant 3 : i32
      %get3A_546 = arith.index_cast %get3A_545 : i32 to index
      %get3A_547 = arith.index_cast %add3A_521 : i32 to index
      %get3A_548 = arith.constant 32 : index
      %get3A_549 = tpu.vector_load %arg9[%get3A_546, %get3A_547, %get3A_548] {strides = array<i32>} : memref<4x128x64xf32, #tpu.memory_space<vmem>>, vector<16xf32>,
      %get3A_550 = arith.constant 3 : i32
      %get3A_551 = arith.index_cast %get3A_550 : i32 to index
      %get3A_552 = arith.index_cast %add3A_521 : i32 to index
      %get3A_553 = arith.constant 32 : index
      %get3A_554 = tpu.vector_load %arg10[%get3A_551, %get3A_552, %get3A_553] {strides = array<i32>} : memref<4x128x64xf32, #tpu.memory_space<vmem>>, vector<16xf32>,
      %mul3A_555 = arith.mulf %get3A_549, %get3A_554 : vector<16xf32>
      %add3A_556 = arith.addf %add3A_544, %mul3A_555 : vector<16xf32>
      %get3A_557 = arith.constant 3 : i32
      %get3A_558 = arith.index_cast %get3A_557 : i32 to index
      %get3A_559 = arith.index_cast %add3A_521 : i32 to index
      %get3A_560 = arith.constant 48 : index
      %get3A_561 = tpu.vector_load %arg9[%get3A_558, %get3A_559, %get3A_560] {strides = array<i32>} : memref<4x128x64xf32, #tpu.memory_space<vmem>>, vector<16xf32>,
      %get3A_562 = arith.constant 3 : i32
      %get3A_563 = arith.index_cast %get3A_562 : i32 to index
      %get3A_564 = arith.index_cast %add3A_521 : i32 to index
      %get3A_565 = arith.constant 48 : index
      %get3A_566 = tpu.vector_load %arg10[%get3A_563, %get3A_564, %get3A_565] {strides = array<i32>} : memref<4x128x64xf32, #tpu.memory_space<vmem>>, vector<16xf32>,
      %mul3A_567 = arith.mulf %get3A_561, %get3A_566 : vector<16xf32>
      %add3A_568 = arith.addf %add3A_556, %mul3A_567 : vector<16xf32>
      %reduce_sum3A_569 = arith.constant true
      %reduce_sum3A_570 = vector.broadcast %reduce_sum3A_569 : i1 to vector<16xi1>
      %reduce_sum3A_571 = tpu.scan <sum>, %add3A_568 masked %reduce_sum3A_570 : vector<16xf32>, vector<16xi1> -> vector<16xf32>
      %reduce_sum3A_572 = vector.extract %reduce_sum3A_571[15] : f32 from vector<16xf32>
      %eq3A_573 = arith.constant 5 : i32
      %eq3A_574 = vector.broadcast %eq3A_573 : i32 to vector<16xi32>
      %eq3A_575 = arith.cmpi eq, %iota3A, %eq3A_574 : vector<16xi32>
      %broadcast_in_dim3A_576 = vector.broadcast %reduce_sum3A_572 : f32 to vector<16xf32>
      %select_n3A_577 = arith.select %eq3A_575, %broadcast_in_dim3A_576, %select_n3A_517 : vector<16xi1>, vector<16xf32>
      %mul3A_578 = arith.constant 16 : i32
      %mul3A_579 = arith.muli %scan3A_218, %mul3A_578 : i32
      %add3A_580 = arith.constant 6 : i32
      %add3A_581 = arith.addi %mul3A_579, %add3A_580 : i32
      %get3A_582 = arith.constant 3 : i32
      %get3A_583 = arith.index_cast %get3A_582 : i32 to index
      %get3A_584 = arith.index_cast %add3A_581 : i32 to index
      %get3A_585 = arith.constant 0 : index
      %get3A_586 = tpu.vector_load %arg9[%get3A_583, %get3A_584, %get3A_585] {strides = array<i32>} : memref<4x128x64xf32, #tpu.memory_space<vmem>>, vector<16xf32>,
      %get3A_587 = arith.constant 3 : i32
      %get3A_588 = arith.index_cast %get3A_587 : i32 to index
      %get3A_589 = arith.index_cast %add3A_581 : i32 to index
      %get3A_590 = arith.constant 0 : index
      %get3A_591 = tpu.vector_load %arg10[%get3A_588, %get3A_589, %get3A_590] {strides = array<i32>} : memref<4x128x64xf32, #tpu.memory_space<vmem>>, vector<16xf32>,
      %mul3A_592 = arith.mulf %get3A_586, %get3A_591 : vector<16xf32>
      %get3A_593 = arith.constant 3 : i32
      %get3A_594 = arith.index_cast %get3A_593 : i32 to index
      %get3A_595 = arith.index_cast %add3A_581 : i32 to index
      %get3A_596 = arith.constant 16 : index
      %get3A_597 = tpu.vector_load %arg9[%get3A_594, %get3A_595, %get3A_596] {strides = array<i32>} : memref<4x128x64xf32, #tpu.memory_space<vmem>>, vector<16xf32>,
      %get3A_598 = arith.constant 3 : i32
      %get3A_599 = arith.index_cast %get3A_598 : i32 to index
      %get3A_600 = arith.index_cast %add3A_581 : i32 to index
      %get3A_601 = arith.constant 16 : index
      %get3A_602 = tpu.vector_load %arg10[%get3A_599, %get3A_600, %get3A_601] {strides = array<i32>} : memref<4x128x64xf32, #tpu.memory_space<vmem>>, vector<16xf32>,
      %mul3A_603 = arith.mulf %get3A_597, %get3A_602 : vector<16xf32>
      %add3A_604 = arith.addf %mul3A_592, %mul3A_603 : vector<16xf32>
      %get3A_605 = arith.constant 3 : i32
      %get3A_606 = arith.index_cast %get3A_605 : i32 to index
      %get3A_607 = arith.index_cast %add3A_581 : i32 to index
      %get3A_608 = arith.constant 32 : index
      %get3A_609 = tpu.vector_load %arg9[%get3A_606, %get3A_607, %get3A_608] {strides = array<i32>} : memref<4x128x64xf32, #tpu.memory_space<vmem>>, vector<16xf32>,
      %get3A_610 = arith.constant 3 : i32
      %get3A_611 = arith.index_cast %get3A_610 : i32 to index
      %get3A_612 = arith.index_cast %add3A_581 : i32 to index
      %get3A_613 = arith.constant 32 : index
      %get3A_614 = tpu.vector_load %arg10[%get3A_611, %get3A_612, %get3A_613] {strides = array<i32>} : memref<4x128x64xf32, #tpu.memory_space<vmem>>, vector<16xf32>,
      %mul3A_615 = arith.mulf %get3A_609, %get3A_614 : vector<16xf32>
      %add3A_616 = arith.addf %add3A_604, %mul3A_615 : vector<16xf32>
      %get3A_617 = arith.constant 3 : i32
      %get3A_618 = arith.index_cast %get3A_617 : i32 to index
      %get3A_619 = arith.index_cast %add3A_581 : i32 to index
      %get3A_620 = arith.constant 48 : index
      %get3A_621 = tpu.vector_load %arg9[%get3A_618, %get3A_619, %get3A_620] {strides = array<i32>} : memref<4x128x64xf32, #tpu.memory_space<vmem>>, vector<16xf32>,
      %get3A_622 = arith.constant 3 : i32
      %get3A_623 = arith.index_cast %get3A_622 : i32 to index
      %get3A_624 = arith.index_cast %add3A_581 : i32 to index
      %get3A_625 = arith.constant 48 : index
      %get3A_626 = tpu.vector_load %arg10[%get3A_623, %get3A_624, %get3A_625] {strides = array<i32>} : memref<4x128x64xf32, #tpu.memory_space<vmem>>, vector<16xf32>,
      %mul3A_627 = arith.mulf %get3A_621, %get3A_626 : vector<16xf32>
      %add3A_628 = arith.addf %add3A_616, %mul3A_627 : vector<16xf32>
      %reduce_sum3A_629 = arith.constant true
      %reduce_sum3A_630 = vector.broadcast %reduce_sum3A_629 : i1 to vector<16xi1>
      %reduce_sum3A_631 = tpu.scan <sum>, %add3A_628 masked %reduce_sum3A_630 : vector<16xf32>, vector<16xi1> -> vector<16xf32>
      %reduce_sum3A_632 = vector.extract %reduce_sum3A_631[15] : f32 from vector<16xf32>
      %eq3A_633 = arith.constant 6 : i32
      %eq3A_634 = vector.broadcast %eq3A_633 : i32 to vector<16xi32>
      %eq3A_635 = arith.cmpi eq, %iota3A, %eq3A_634 : vector<16xi32>
      %broadcast_in_dim3A_636 = vector.broadcast %reduce_sum3A_632 : f32 to vector<16xf32>
      %select_n3A_637 = arith.select %eq3A_635, %broadcast_in_dim3A_636, %select_n3A_577 : vector<16xi1>, vector<16xf32>
      %mul3A_638 = arith.constant 16 : i32
      %mul3A_639 = arith.muli %scan3A_218, %mul3A_638 : i32
      %add3A_640 = arith.constant 7 : i32
      %add3A_641 = arith.addi %mul3A_639, %add3A_640 : i32
      %get3A_642 = arith.constant 3 : i32
      %get3A_643 = arith.index_cast %get3A_642 : i32 to index
      %get3A_644 = arith.index_cast %add3A_641 : i32 to index
      %get3A_645 = arith.constant 0 : index
      %get3A_646 = tpu.vector_load %arg9[%get3A_643, %get3A_644, %get3A_645] {strides = array<i32>} : memref<4x128x64xf32, #tpu.memory_space<vmem>>, vector<16xf32>,
      %get3A_647 = arith.constant 3 : i32
      %get3A_648 = arith.index_cast %get3A_647 : i32 to index
      %get3A_649 = arith.index_cast %add3A_641 : i32 to index
      %get3A_650 = arith.constant 0 : index
      %get3A_651 = tpu.vector_load %arg10[%get3A_648, %get3A_649, %get3A_650] {strides = array<i32>} : memref<4x128x64xf32, #tpu.memory_space<vmem>>, vector<16xf32>,
      %mul3A_652 = arith.mulf %get3A_646, %get3A_651 : vector<16xf32>
      %get3A_653 = arith.constant 3 : i32
      %get3A_654 = arith.index_cast %get3A_653 : i32 to index
      %get3A_655 = arith.index_cast %add3A_641 : i32 to index
      %get3A_656 = arith.constant 16 : index
      %get3A_657 = tpu.vector_load %arg9[%get3A_654, %get3A_655, %get3A_656] {strides = array<i32>} : memref<4x128x64xf32, #tpu.memory_space<vmem>>, vector<16xf32>,
      %get3A_658 = arith.constant 3 : i32
      %get3A_659 = arith.index_cast %get3A_658 : i32 to index
      %get3A_660 = arith.index_cast %add3A_641 : i32 to index
      %get3A_661 = arith.constant 16 : index
      %get3A_662 = tpu.vector_load %arg10[%get3A_659, %get3A_660, %get3A_661] {strides = array<i32>} : memref<4x128x64xf32, #tpu.memory_space<vmem>>, vector<16xf32>,
      %mul3A_663 = arith.mulf %get3A_657, %get3A_662 : vector<16xf32>
      %add3A_664 = arith.addf %mul3A_652, %mul3A_663 : vector<16xf32>
      %get3A_665 = arith.constant 3 : i32
      %get3A_666 = arith.index_cast %get3A_665 : i32 to index
      %get3A_667 = arith.index_cast %add3A_641 : i32 to index
      %get3A_668 = arith.constant 32 : index
      %get3A_669 = tpu.vector_load %arg9[%get3A_666, %get3A_667, %get3A_668] {strides = array<i32>} : memref<4x128x64xf32, #tpu.memory_space<vmem>>, vector<16xf32>,
      %get3A_670 = arith.constant 3 : i32
      %get3A_671 = arith.index_cast %get3A_670 : i32 to index
      %get3A_672 = arith.index_cast %add3A_641 : i32 to index
      %get3A_673 = arith.constant 32 : index
      %get3A_674 = tpu.vector_load %arg10[%get3A_671, %get3A_672, %get3A_673] {strides = array<i32>} : memref<4x128x64xf32, #tpu.memory_space<vmem>>, vector<16xf32>,
      %mul3A_675 = arith.mulf %get3A_669, %get3A_674 : vector<16xf32>
      %add3A_676 = arith.addf %add3A_664, %mul3A_675 : vector<16xf32>
      %get3A_677 = arith.constant 3 : i32
      %get3A_678 = arith.index_cast %get3A_677 : i32 to index
      %get3A_679 = arith.index_cast %add3A_641 : i32 to index
      %get3A_680 = arith.constant 48 : index
      %get3A_681 = tpu.vector_load %arg9[%get3A_678, %get3A_679, %get3A_680] {strides = array<i32>} : memref<4x128x64xf32, #tpu.memory_space<vmem>>, vector<16xf32>,
      %get3A_682 = arith.constant 3 : i32
      %get3A_683 = arith.index_cast %get3A_682 : i32 to index
      %get3A_684 = arith.index_cast %add3A_641 : i32 to index
      %get3A_685 = arith.constant 48 : index
      %get3A_686 = tpu.vector_load %arg10[%get3A_683, %get3A_684, %get3A_685] {strides = array<i32>} : memref<4x128x64xf32, #tpu.memory_space<vmem>>, vector<16xf32>,
      %mul3A_687 = arith.mulf %get3A_681, %get3A_686 : vector<16xf32>
      %add3A_688 = arith.addf %add3A_676, %mul3A_687 : vector<16xf32>
      %reduce_sum3A_689 = arith.constant true
      %reduce_sum3A_690 = vector.broadcast %reduce_sum3A_689 : i1 to vector<16xi1>
      %reduce_sum3A_691 = tpu.scan <sum>, %add3A_688 masked %reduce_sum3A_690 : vector<16xf32>, vector<16xi1> -> vector<16xf32>
      %reduce_sum3A_692 = vector.extract %reduce_sum3A_691[15] : f32 from vector<16xf32>
      %eq3A_693 = arith.constant 7 : i32
      %eq3A_694 = vector.broadcast %eq3A_693 : i32 to vector<16xi32>
      %eq3A_695 = arith.cmpi eq, %iota3A, %eq3A_694 : vector<16xi32>
      %broadcast_in_dim3A_696 = vector.broadcast %reduce_sum3A_692 : f32 to vector<16xf32>
      %select_n3A_697 = arith.select %eq3A_695, %broadcast_in_dim3A_696, %select_n3A_637 : vector<16xi1>, vector<16xf32>
      %mul3A_698 = arith.constant 16 : i32
      %mul3A_699 = arith.muli %scan3A_218, %mul3A_698 : i32
      %add3A_700 = arith.constant 8 : i32
      %add3A_701 = arith.addi %mul3A_699, %add3A_700 : i32
      %get3A_702 = arith.constant 3 : i32
      %get3A_703 = arith.index_cast %get3A_702 : i32 to index
      %get3A_704 = arith.index_cast %add3A_701 : i32 to index
      %get3A_705 = arith.constant 0 : index
      %get3A_706 = tpu.vector_load %arg9[%get3A_703, %get3A_704, %get3A_705] {strides = array<i32>} : memref<4x128x64xf32, #tpu.memory_space<vmem>>, vector<16xf32>,
      %get3A_707 = arith.constant 3 : i32
      %get3A_708 = arith.index_cast %get3A_707 : i32 to index
      %get3A_709 = arith.index_cast %add3A_701 : i32 to index
      %get3A_710 = arith.constant 0 : index
      %get3A_711 = tpu.vector_load %arg10[%get3A_708, %get3A_709, %get3A_710] {strides = array<i32>} : memref<4x128x64xf32, #tpu.memory_space<vmem>>, vector<16xf32>,
      %mul3A_712 = arith.mulf %get3A_706, %get3A_711 : vector<16xf32>
      %get3A_713 = arith.constant 3 : i32
      %get3A_714 = arith.index_cast %get3A_713 : i32 to index
      %get3A_715 = arith.index_cast %add3A_701 : i32 to index
      %get3A_716 = arith.constant 16 : index
      %get3A_717 = tpu.vector_load %arg9[%get3A_714, %get3A_715, %get3A_716] {strides = array<i32>} : memref<4x128x64xf32, #tpu.memory_space<vmem>>, vector<16xf32>,
      %get3A_718 = arith.constant 3 : i32
      %get3A_719 = arith.index_cast %get3A_718 : i32 to index
      %get3A_720 = arith.index_cast %add3A_701 : i32 to index
      %get3A_721 = arith.constant 16 : index
      %get3A_722 = tpu.vector_load %arg10[%get3A_719, %get3A_720, %get3A_721] {strides = array<i32>} : memref<4x128x64xf32, #tpu.memory_space<vmem>>, vector<16xf32>,
      %mul3A_723 = arith.mulf %get3A_717, %get3A_722 : vector<16xf32>
      %add3A_724 = arith.addf %mul3A_712, %mul3A_723 : vector<16xf32>
      %get3A_725 = arith.constant 3 : i32
      %get3A_726 = arith.index_cast %get3A_725 : i32 to index
      %get3A_727 = arith.index_cast %add3A_701 : i32 to index
      %get3A_728 = arith.constant 32 : index
      %get3A_729 = tpu.vector_load %arg9[%get3A_726, %get3A_727, %get3A_728] {strides = array<i32>} : memref<4x128x64xf32, #tpu.memory_space<vmem>>, vector<16xf32>,
      %get3A_730 = arith.constant 3 : i32
      %get3A_731 = arith.index_cast %get3A_730 : i32 to index
      %get3A_732 = arith.index_cast %add3A_701 : i32 to index
      %get3A_733 = arith.constant 32 : index
      %get3A_734 = tpu.vector_load %arg10[%get3A_731, %get3A_732, %get3A_733] {strides = array<i32>} : memref<4x128x64xf32, #tpu.memory_space<vmem>>, vector<16xf32>,
      %mul3A_735 = arith.mulf %get3A_729, %get3A_734 : vector<16xf32>
      %add3A_736 = arith.addf %add3A_724, %mul3A_735 : vector<16xf32>
      %get3A_737 = arith.constant 3 : i32
      %get3A_738 = arith.index_cast %get3A_737 : i32 to index
      %get3A_739 = arith.index_cast %add3A_701 : i32 to index
      %get3A_740 = arith.constant 48 : index
      %get3A_741 = tpu.vector_load %arg9[%get3A_738, %get3A_739, %get3A_740] {strides = array<i32>} : memref<4x128x64xf32, #tpu.memory_space<vmem>>, vector<16xf32>,
      %get3A_742 = arith.constant 3 : i32
      %get3A_743 = arith.index_cast %get3A_742 : i32 to index
      %get3A_744 = arith.index_cast %add3A_701 : i32 to index
      %get3A_745 = arith.constant 48 : index
      %get3A_746 = tpu.vector_load %arg10[%get3A_743, %get3A_744, %get3A_745] {strides = array<i32>} : memref<4x128x64xf32, #tpu.memory_space<vmem>>, vector<16xf32>,
      %mul3A_747 = arith.mulf %get3A_741, %get3A_746 : vector<16xf32>
      %add3A_748 = arith.addf %add3A_736, %mul3A_747 : vector<16xf32>
      %reduce_sum3A_749 = arith.constant true
      %reduce_sum3A_750 = vector.broadcast %reduce_sum3A_749 : i1 to vector<16xi1>
      %reduce_sum3A_751 = tpu.scan <sum>, %add3A_748 masked %reduce_sum3A_750 : vector<16xf32>, vector<16xi1> -> vector<16xf32>
      %reduce_sum3A_752 = vector.extract %reduce_sum3A_751[15] : f32 from vector<16xf32>
      %eq3A_753 = arith.constant 8 : i32
      %eq3A_754 = vector.broadcast %eq3A_753 : i32 to vector<16xi32>
      %eq3A_755 = arith.cmpi eq, %iota3A, %eq3A_754 : vector<16xi32>
      %broadcast_in_dim3A_756 = vector.broadcast %reduce_sum3A_752 : f32 to vector<16xf32>
      %select_n3A_757 = arith.select %eq3A_755, %broadcast_in_dim3A_756, %select_n3A_697 : vector<16xi1>, vector<16xf32>
      %mul3A_758 = arith.constant 16 : i32
      %mul3A_759 = arith.muli %scan3A_218, %mul3A_758 : i32
      %add3A_760 = arith.constant 9 : i32
      %add3A_761 = arith.addi %mul3A_759, %add3A_760 : i32
      %get3A_762 = arith.constant 3 : i32
      %get3A_763 = arith.index_cast %get3A_762 : i32 to index
      %get3A_764 = arith.index_cast %add3A_761 : i32 to index
      %get3A_765 = arith.constant 0 : index
      %get3A_766 = tpu.vector_load %arg9[%get3A_763, %get3A_764, %get3A_765] {strides = array<i32>} : memref<4x128x64xf32, #tpu.memory_space<vmem>>, vector<16xf32>,
      %get3A_767 = arith.constant 3 : i32
      %get3A_768 = arith.index_cast %get3A_767 : i32 to index
      %get3A_769 = arith.index_cast %add3A_761 : i32 to index
      %get3A_770 = arith.constant 0 : index
      %get3A_771 = tpu.vector_load %arg10[%get3A_768, %get3A_769, %get3A_770] {strides = array<i32>} : memref<4x128x64xf32, #tpu.memory_space<vmem>>, vector<16xf32>,
      %mul3A_772 = arith.mulf %get3A_766, %get3A_771 : vector<16xf32>
      %get3A_773 = arith.constant 3 : i32
      %get3A_774 = arith.index_cast %get3A_773 : i32 to index
      %get3A_775 = arith.index_cast %add3A_761 : i32 to index
      %get3A_776 = arith.constant 16 : index
      %get3A_777 = tpu.vector_load %arg9[%get3A_774, %get3A_775, %get3A_776] {strides = array<i32>} : memref<4x128x64xf32, #tpu.memory_space<vmem>>, vector<16xf32>,
      %get3A_778 = arith.constant 3 : i32
      %get3A_779 = arith.index_cast %get3A_778 : i32 to index
      %get3A_780 = arith.index_cast %add3A_761 : i32 to index
      %get3A_781 = arith.constant 16 : index
      %get3A_782 = tpu.vector_load %arg10[%get3A_779, %get3A_780, %get3A_781] {strides = array<i32>} : memref<4x128x64xf32, #tpu.memory_space<vmem>>, vector<16xf32>,
      %mul3A_783 = arith.mulf %get3A_777, %get3A_782 : vector<16xf32>
      %add3A_784 = arith.addf %mul3A_772, %mul3A_783 : vector<16xf32>
      %get3A_785 = arith.constant 3 : i32
      %get3A_786 = arith.index_cast %get3A_785 : i32 to index
      %get3A_787 = arith.index_cast %add3A_761 : i32 to index
      %get3A_788 = arith.constant 32 : index
      %get3A_789 = tpu.vector_load %arg9[%get3A_786, %get3A_787, %get3A_788] {strides = array<i32>} : memref<4x128x64xf32, #tpu.memory_space<vmem>>, vector<16xf32>,
      %get3A_790 = arith.constant 3 : i32
      %get3A_791 = arith.index_cast %get3A_790 : i32 to index
      %get3A_792 = arith.index_cast %add3A_761 : i32 to index
      %get3A_793 = arith.constant 32 : index
      %get3A_794 = tpu.vector_load %arg10[%get3A_791, %get3A_792, %get3A_793] {strides = array<i32>} : memref<4x128x64xf32, #tpu.memory_space<vmem>>, vector<16xf32>,
      %mul3A_795 = arith.mulf %get3A_789, %get3A_794 : vector<16xf32>
      %add3A_796 = arith.addf %add3A_784, %mul3A_795 : vector<16xf32>
      %get3A_797 = arith.constant 3 : i32
      %get3A_798 = arith.index_cast %get3A_797 : i32 to index
      %get3A_799 = arith.index_cast %add3A_761 : i32 to index
      %get3A_800 = arith.constant 48 : index
      %get3A_801 = tpu.vector_load %arg9[%get3A_798, %get3A_799, %get3A_800] {strides = array<i32>} : memref<4x128x64xf32, #tpu.memory_space<vmem>>, vector<16xf32>,
      %get3A_802 = arith.constant 3 : i32
      %get3A_803 = arith.index_cast %get3A_802 : i32 to index
      %get3A_804 = arith.index_cast %add3A_761 : i32 to index
      %get3A_805 = arith.constant 48 : index
      %get3A_806 = tpu.vector_load %arg10[%get3A_803, %get3A_804, %get3A_805] {strides = array<i32>} : memref<4x128x64xf32, #tpu.memory_space<vmem>>, vector<16xf32>,
      %mul3A_807 = arith.mulf %get3A_801, %get3A_806 : vector<16xf32>
      %add3A_808 = arith.addf %add3A_796, %mul3A_807 : vector<16xf32>
      %reduce_sum3A_809 = arith.constant true
      %reduce_sum3A_810 = vector.broadcast %reduce_sum3A_809 : i1 to vector<16xi1>
      %reduce_sum3A_811 = tpu.scan <sum>, %add3A_808 masked %reduce_sum3A_810 : vector<16xf32>, vector<16xi1> -> vector<16xf32>
      %reduce_sum3A_812 = vector.extract %reduce_sum3A_811[15] : f32 from vector<16xf32>
      %eq3A_813 = arith.constant 9 : i32
      %eq3A_814 = vector.broadcast %eq3A_813 : i32 to vector<16xi32>
      %eq3A_815 = arith.cmpi eq, %iota3A, %eq3A_814 : vector<16xi32>
      %broadcast_in_dim3A_816 = vector.broadcast %reduce_sum3A_812 : f32 to vector<16xf32>
      %select_n3A_817 = arith.select %eq3A_815, %broadcast_in_dim3A_816, %select_n3A_757 : vector<16xi1>, vector<16xf32>
      %mul3A_818 = arith.constant 16 : i32
      %mul3A_819 = arith.muli %scan3A_218, %mul3A_818 : i32
      %add3A_820 = arith.constant 10 : i32
      %add3A_821 = arith.addi %mul3A_819, %add3A_820 : i32
      %get3A_822 = arith.constant 3 : i32
      %get3A_823 = arith.index_cast %get3A_822 : i32 to index
      %get3A_824 = arith.index_cast %add3A_821 : i32 to index
      %get3A_825 = arith.constant 0 : index
      %get3A_826 = tpu.vector_load %arg9[%get3A_823, %get3A_824, %get3A_825] {strides = array<i32>} : memref<4x128x64xf32, #tpu.memory_space<vmem>>, vector<16xf32>,
      %get3A_827 = arith.constant 3 : i32
      %get3A_828 = arith.index_cast %get3A_827 : i32 to index
      %get3A_829 = arith.index_cast %add3A_821 : i32 to index
      %get3A_830 = arith.constant 0 : index
      %get3A_831 = tpu.vector_load %arg10[%get3A_828, %get3A_829, %get3A_830] {strides = array<i32>} : memref<4x128x64xf32, #tpu.memory_space<vmem>>, vector<16xf32>,
      %mul3A_832 = arith.mulf %get3A_826, %get3A_831 : vector<16xf32>
      %get3A_833 = arith.constant 3 : i32
      %get3A_834 = arith.index_cast %get3A_833 : i32 to index
      %get3A_835 = arith.index_cast %add3A_821 : i32 to index
      %get3A_836 = arith.constant 16 : index
      %get3A_837 = tpu.vector_load %arg9[%get3A_834, %get3A_835, %get3A_836] {strides = array<i32>} : memref<4x128x64xf32, #tpu.memory_space<vmem>>, vector<16xf32>,
      %get3A_838 = arith.constant 3 : i32
      %get3A_839 = arith.index_cast %get3A_838 : i32 to index
      %get3A_840 = arith.index_cast %add3A_821 : i32 to index
      %get3A_841 = arith.constant 16 : index
      %get3A_842 = tpu.vector_load %arg10[%get3A_839, %get3A_840, %get3A_841] {strides = array<i32>} : memref<4x128x64xf32, #tpu.memory_space<vmem>>, vector<16xf32>,
      %mul3A_843 = arith.mulf %get3A_837, %get3A_842 : vector<16xf32>
      %add3A_844 = arith.addf %mul3A_832, %mul3A_843 : vector<16xf32>
      %get3A_845 = arith.constant 3 : i32
      %get3A_846 = arith.index_cast %get3A_845 : i32 to index
      %get3A_847 = arith.index_cast %add3A_821 : i32 to index
      %get3A_848 = arith.constant 32 : index
      %get3A_849 = tpu.vector_load %arg9[%get3A_846, %get3A_847, %get3A_848] {strides = array<i32>} : memref<4x128x64xf32, #tpu.memory_space<vmem>>, vector<16xf32>,
      %get3A_850 = arith.constant 3 : i32
      %get3A_851 = arith.index_cast %get3A_850 : i32 to index
      %get3A_852 = arith.index_cast %add3A_821 : i32 to index
      %get3A_853 = arith.constant 32 : index
      %get3A_854 = tpu.vector_load %arg10[%get3A_851, %get3A_852, %get3A_853] {strides = array<i32>} : memref<4x128x64xf32, #tpu.memory_space<vmem>>, vector<16xf32>,
      %mul3A_855 = arith.mulf %get3A_849, %get3A_854 : vector<16xf32>
      %add3A_856 = arith.addf %add3A_844, %mul3A_855 : vector<16xf32>
      %get3A_857 = arith.constant 3 : i32
      %get3A_858 = arith.index_cast %get3A_857 : i32 to index
      %get3A_859 = arith.index_cast %add3A_821 : i32 to index
      %get3A_860 = arith.constant 48 : index
      %get3A_861 = tpu.vector_load %arg9[%get3A_858, %get3A_859, %get3A_860] {strides = array<i32>} : memref<4x128x64xf32, #tpu.memory_space<vmem>>, vector<16xf32>,
      %get3A_862 = arith.constant 3 : i32
      %get3A_863 = arith.index_cast %get3A_862 : i32 to index
      %get3A_864 = arith.index_cast %add3A_821 : i32 to index
      %get3A_865 = arith.constant 48 : index
      %get3A_866 = tpu.vector_load %arg10[%get3A_863, %get3A_864, %get3A_865] {strides = array<i32>} : memref<4x128x64xf32, #tpu.memory_space<vmem>>, vector<16xf32>,
      %mul3A_867 = arith.mulf %get3A_861, %get3A_866 : vector<16xf32>
      %add3A_868 = arith.addf %add3A_856, %mul3A_867 : vector<16xf32>
      %reduce_sum3A_869 = arith.constant true
      %reduce_sum3A_870 = vector.broadcast %reduce_sum3A_869 : i1 to vector<16xi1>
      %reduce_sum3A_871 = tpu.scan <sum>, %add3A_868 masked %reduce_sum3A_870 : vector<16xf32>, vector<16xi1> -> vector<16xf32>
      %reduce_sum3A_872 = vector.extract %reduce_sum3A_871[15] : f32 from vector<16xf32>
      %eq3A_873 = arith.constant 10 : i32
      %eq3A_874 = vector.broadcast %eq3A_873 : i32 to vector<16xi32>
      %eq3A_875 = arith.cmpi eq, %iota3A, %eq3A_874 : vector<16xi32>
      %broadcast_in_dim3A_876 = vector.broadcast %reduce_sum3A_872 : f32 to vector<16xf32>
      %select_n3A_877 = arith.select %eq3A_875, %broadcast_in_dim3A_876, %select_n3A_817 : vector<16xi1>, vector<16xf32>
      %mul3A_878 = arith.constant 16 : i32
      %mul3A_879 = arith.muli %scan3A_218, %mul3A_878 : i32
      %add3A_880 = arith.constant 11 : i32
      %add3A_881 = arith.addi %mul3A_879, %add3A_880 : i32
      %get3A_882 = arith.constant 3 : i32
      %get3A_883 = arith.index_cast %get3A_882 : i32 to index
      %get3A_884 = arith.index_cast %add3A_881 : i32 to index
      %get3A_885 = arith.constant 0 : index
      %get3A_886 = tpu.vector_load %arg9[%get3A_883, %get3A_884, %get3A_885] {strides = array<i32>} : memref<4x128x64xf32, #tpu.memory_space<vmem>>, vector<16xf32>,
      %get3A_887 = arith.constant 3 : i32
      %get3A_888 = arith.index_cast %get3A_887 : i32 to index
      %get3A_889 = arith.index_cast %add3A_881 : i32 to index
      %get3A_890 = arith.constant 0 : index
      %get3A_891 = tpu.vector_load %arg10[%get3A_888, %get3A_889, %get3A_890] {strides = array<i32>} : memref<4x128x64xf32, #tpu.memory_space<vmem>>, vector<16xf32>,
      %mul3A_892 = arith.mulf %get3A_886, %get3A_891 : vector<16xf32>
      %get3A_893 = arith.constant 3 : i32
      %get3A_894 = arith.index_cast %get3A_893 : i32 to index
      %get3A_895 = arith.index_cast %add3A_881 : i32 to index
      %get3A_896 = arith.constant 16 : index
      %get3A_897 = tpu.vector_load %arg9[%get3A_894, %get3A_895, %get3A_896] {strides = array<i32>} : memref<4x128x64xf32, #tpu.memory_space<vmem>>, vector<16xf32>,
      %get3A_898 = arith.constant 3 : i32
      %get3A_899 = arith.index_cast %get3A_898 : i32 to index
      %get3A_900 = arith.index_cast %add3A_881 : i32 to index
      %get3A_901 = arith.constant 16 : index
      %get3A_902 = tpu.vector_load %arg10[%get3A_899, %get3A_900, %get3A_901] {strides = array<i32>} : memref<4x128x64xf32, #tpu.memory_space<vmem>>, vector<16xf32>,
      %mul3A_903 = arith.mulf %get3A_897, %get3A_902 : vector<16xf32>
      %add3A_904 = arith.addf %mul3A_892, %mul3A_903 : vector<16xf32>
      %get3A_905 = arith.constant 3 : i32
      %get3A_906 = arith.index_cast %get3A_905 : i32 to index
      %get3A_907 = arith.index_cast %add3A_881 : i32 to index
      %get3A_908 = arith.constant 32 : index
      %get3A_909 = tpu.vector_load %arg9[%get3A_906, %get3A_907, %get3A_908] {strides = array<i32>} : memref<4x128x64xf32, #tpu.memory_space<vmem>>, vector<16xf32>,
      %get3A_910 = arith.constant 3 : i32
      %get3A_911 = arith.index_cast %get3A_910 : i32 to index
      %get3A_912 = arith.index_cast %add3A_881 : i32 to index
      %get3A_913 = arith.constant 32 : index
      %get3A_914 = tpu.vector_load %arg10[%get3A_911, %get3A_912, %get3A_913] {strides = array<i32>} : memref<4x128x64xf32, #tpu.memory_space<vmem>>, vector<16xf32>,
      %mul3A_915 = arith.mulf %get3A_909, %get3A_914 : vector<16xf32>
      %add3A_916 = arith.addf %add3A_904, %mul3A_915 : vector<16xf32>
      %get3A_917 = arith.constant 3 : i32
      %get3A_918 = arith.index_cast %get3A_917 : i32 to index
      %get3A_919 = arith.index_cast %add3A_881 : i32 to index
      %get3A_920 = arith.constant 48 : index
      %get3A_921 = tpu.vector_load %arg9[%get3A_918, %get3A_919, %get3A_920] {strides = array<i32>} : memref<4x128x64xf32, #tpu.memory_space<vmem>>, vector<16xf32>,
      %get3A_922 = arith.constant 3 : i32
      %get3A_923 = arith.index_cast %get3A_922 : i32 to index
      %get3A_924 = arith.index_cast %add3A_881 : i32 to index
      %get3A_925 = arith.constant 48 : index
      %get3A_926 = tpu.vector_load %arg10[%get3A_923, %get3A_924, %get3A_925] {strides = array<i32>} : memref<4x128x64xf32, #tpu.memory_space<vmem>>, vector<16xf32>,
      %mul3A_927 = arith.mulf %get3A_921, %get3A_926 : vector<16xf32>
      %add3A_928 = arith.addf %add3A_916, %mul3A_927 : vector<16xf32>
      %reduce_sum3A_929 = arith.constant true
      %reduce_sum3A_930 = vector.broadcast %reduce_sum3A_929 : i1 to vector<16xi1>
      %reduce_sum3A_931 = tpu.scan <sum>, %add3A_928 masked %reduce_sum3A_930 : vector<16xf32>, vector<16xi1> -> vector<16xf32>
      %reduce_sum3A_932 = vector.extract %reduce_sum3A_931[15] : f32 from vector<16xf32>
      %eq3A_933 = arith.constant 11 : i32
      %eq3A_934 = vector.broadcast %eq3A_933 : i32 to vector<16xi32>
      %eq3A_935 = arith.cmpi eq, %iota3A, %eq3A_934 : vector<16xi32>
      %broadcast_in_dim3A_936 = vector.broadcast %reduce_sum3A_932 : f32 to vector<16xf32>
      %select_n3A_937 = arith.select %eq3A_935, %broadcast_in_dim3A_936, %select_n3A_877 : vector<16xi1>, vector<16xf32>
      %mul3A_938 = arith.constant 16 : i32
      %mul3A_939 = arith.muli %scan3A_218, %mul3A_938 : i32
      %add3A_940 = arith.constant 12 : i32
      %add3A_941 = arith.addi %mul3A_939, %add3A_940 : i32
      %get3A_942 = arith.constant 3 : i32
      %get3A_943 = arith.index_cast %get3A_942 : i32 to index
      %get3A_944 = arith.index_cast %add3A_941 : i32 to index
      %get3A_945 = arith.constant 0 : index
      %get3A_946 = tpu.vector_load %arg9[%get3A_943, %get3A_944, %get3A_945] {strides = array<i32>} : memref<4x128x64xf32, #tpu.memory_space<vmem>>, vector<16xf32>,
      %get3A_947 = arith.constant 3 : i32
      %get3A_948 = arith.index_cast %get3A_947 : i32 to index
      %get3A_949 = arith.index_cast %add3A_941 : i32 to index
      %get3A_950 = arith.constant 0 : index
      %get3A_951 = tpu.vector_load %arg10[%get3A_948, %get3A_949, %get3A_950] {strides = array<i32>} : memref<4x128x64xf32, #tpu.memory_space<vmem>>, vector<16xf32>,
      %mul3A_952 = arith.mulf %get3A_946, %get3A_951 : vector<16xf32>
      %get3A_953 = arith.constant 3 : i32
      %get3A_954 = arith.index_cast %get3A_953 : i32 to index
      %get3A_955 = arith.index_cast %add3A_941 : i32 to index
      %get3A_956 = arith.constant 16 : index
      %get3A_957 = tpu.vector_load %arg9[%get3A_954, %get3A_955, %get3A_956] {strides = array<i32>} : memref<4x128x64xf32, #tpu.memory_space<vmem>>, vector<16xf32>,
      %get3A_958 = arith.constant 3 : i32
      %get3A_959 = arith.index_cast %get3A_958 : i32 to index
      %get3A_960 = arith.index_cast %add3A_941 : i32 to index
      %get3A_961 = arith.constant 16 : index
      %get3A_962 = tpu.vector_load %arg10[%get3A_959, %get3A_960, %get3A_961] {strides = array<i32>} : memref<4x128x64xf32, #tpu.memory_space<vmem>>, vector<16xf32>,
      %mul3A_963 = arith.mulf %get3A_957, %get3A_962 : vector<16xf32>
      %add3A_964 = arith.addf %mul3A_952, %mul3A_963 : vector<16xf32>
      %get3A_965 = arith.constant 3 : i32
      %get3A_966 = arith.index_cast %get3A_965 : i32 to index
      %get3A_967 = arith.index_cast %add3A_941 : i32 to index
      %get3A_968 = arith.constant 32 : index
      %get3A_969 = tpu.vector_load %arg9[%get3A_966, %get3A_967, %get3A_968] {strides = array<i32>} : memref<4x128x64xf32, #tpu.memory_space<vmem>>, vector<16xf32>,
      %get3A_970 = arith.constant 3 : i32
      %get3A_971 = arith.index_cast %get3A_970 : i32 to index
      %get3A_972 = arith.index_cast %add3A_941 : i32 to index
      %get3A_973 = arith.constant 32 : index
      %get3A_974 = tpu.vector_load %arg10[%get3A_971, %get3A_972, %get3A_973] {strides = array<i32>} : memref<4x128x64xf32, #tpu.memory_space<vmem>>, vector<16xf32>,
      %mul3A_975 = arith.mulf %get3A_969, %get3A_974 : vector<16xf32>
      %add3A_976 = arith.addf %add3A_964, %mul3A_975 : vector<16xf32>
      %get3A_977 = arith.constant 3 : i32
      %get3A_978 = arith.index_cast %get3A_977 : i32 to index
      %get3A_979 = arith.index_cast %add3A_941 : i32 to index
      %get3A_980 = arith.constant 48 : index
      %get3A_981 = tpu.vector_load %arg9[%get3A_978, %get3A_979, %get3A_980] {strides = array<i32>} : memref<4x128x64xf32, #tpu.memory_space<vmem>>, vector<16xf32>,
      %get3A_982 = arith.constant 3 : i32
      %get3A_983 = arith.index_cast %get3A_982 : i32 to index
      %get3A_984 = arith.index_cast %add3A_941 : i32 to index
      %get3A_985 = arith.constant 48 : index
      %get3A_986 = tpu.vector_load %arg10[%get3A_983, %get3A_984, %get3A_985] {strides = array<i32>} : memref<4x128x64xf32, #tpu.memory_space<vmem>>, vector<16xf32>,
      %mul3A_987 = arith.mulf %get3A_981, %get3A_986 : vector<16xf32>
      %add3A_988 = arith.addf %add3A_976, %mul3A_987 : vector<16xf32>
      %reduce_sum3A_989 = arith.constant true
      %reduce_sum3A_990 = vector.broadcast %reduce_sum3A_989 : i1 to vector<16xi1>
      %reduce_sum3A_991 = tpu.scan <sum>, %add3A_988 masked %reduce_sum3A_990 : vector<16xf32>, vector<16xi1> -> vector<16xf32>
      %reduce_sum3A_992 = vector.extract %reduce_sum3A_991[15] : f32 from vector<16xf32>
      %eq3A_993 = arith.constant 12 : i32
      %eq3A_994 = vector.broadcast %eq3A_993 : i32 to vector<16xi32>
      %eq3A_995 = arith.cmpi eq, %iota3A, %eq3A_994 : vector<16xi32>
      %broadcast_in_dim3A_996 = vector.broadcast %reduce_sum3A_992 : f32 to vector<16xf32>
      %select_n3A_997 = arith.select %eq3A_995, %broadcast_in_dim3A_996, %select_n3A_937 : vector<16xi1>, vector<16xf32>
      %mul3A_998 = arith.constant 16 : i32
      %mul3A_999 = arith.muli %scan3A_218, %mul3A_998 : i32
      %add3A_1000 = arith.constant 13 : i32
      %add3A_1001 = arith.addi %mul3A_999, %add3A_1000 : i32
      %get3A_1002 = arith.constant 3 : i32
      %get3A_1003 = arith.index_cast %get3A_1002 : i32 to index
      %get3A_1004 = arith.index_cast %add3A_1001 : i32 to index
      %get3A_1005 = arith.constant 0 : index
      %get3A_1006 = tpu.vector_load %arg9[%get3A_1003, %get3A_1004, %get3A_1005] {strides = array<i32>} : memref<4x128x64xf32, #tpu.memory_space<vmem>>, vector<16xf32>,
      %get3A_1007 = arith.constant 3 : i32
      %get3A_1008 = arith.index_cast %get3A_1007 : i32 to index
      %get3A_1009 = arith.index_cast %add3A_1001 : i32 to index
      %get3A_1010 = arith.constant 0 : index
      %get3A_1011 = tpu.vector_load %arg10[%get3A_1008, %get3A_1009, %get3A_1010] {strides = array<i32>} : memref<4x128x64xf32, #tpu.memory_space<vmem>>, vector<16xf32>,
      %mul3A_1012 = arith.mulf %get3A_1006, %get3A_1011 : vector<16xf32>
      %get3A_1013 = arith.constant 3 : i32
      %get3A_1014 = arith.index_cast %get3A_1013 : i32 to index
      %get3A_1015 = arith.index_cast %add3A_1001 : i32 to index
      %get3A_1016 = arith.constant 16 : index
      %get3A_1017 = tpu.vector_load %arg9[%get3A_1014, %get3A_1015, %get3A_1016] {strides = array<i32>} : memref<4x128x64xf32, #tpu.memory_space<vmem>>, vector<16xf32>,
      %get3A_1018 = arith.constant 3 : i32
      %get3A_1019 = arith.index_cast %get3A_1018 : i32 to index
      %get3A_1020 = arith.index_cast %add3A_1001 : i32 to index
      %get3A_1021 = arith.constant 16 : index
      %get3A_1022 = tpu.vector_load %arg10[%get3A_1019, %get3A_1020, %get3A_1021] {strides = array<i32>} : memref<4x128x64xf32, #tpu.memory_space<vmem>>, vector<16xf32>,
      %mul3A_1023 = arith.mulf %get3A_1017, %get3A_1022 : vector<16xf32>
      %add3A_1024 = arith.addf %mul3A_1012, %mul3A_1023 : vector<16xf32>
      %get3A_1025 = arith.constant 3 : i32
      %get3A_1026 = arith.index_cast %get3A_1025 : i32 to index
      %get3A_1027 = arith.index_cast %add3A_1001 : i32 to index
      %get3A_1028 = arith.constant 32 : index
      %get3A_1029 = tpu.vector_load %arg9[%get3A_1026, %get3A_1027, %get3A_1028] {strides = array<i32>} : memref<4x128x64xf32, #tpu.memory_space<vmem>>, vector<16xf32>,
      %get3A_1030 = arith.constant 3 : i32
      %get3A_1031 = arith.index_cast %get3A_1030 : i32 to index
      %get3A_1032 = arith.index_cast %add3A_1001 : i32 to index
      %get3A_1033 = arith.constant 32 : index
      %get3A_1034 = tpu.vector_load %arg10[%get3A_1031, %get3A_1032, %get3A_1033] {strides = array<i32>} : memref<4x128x64xf32, #tpu.memory_space<vmem>>, vector<16xf32>,
      %mul3A_1035 = arith.mulf %get3A_1029, %get3A_1034 : vector<16xf32>
      %add3A_1036 = arith.addf %add3A_1024, %mul3A_1035 : vector<16xf32>
      %get3A_1037 = arith.constant 3 : i32
      %get3A_1038 = arith.index_cast %get3A_1037 : i32 to index
      %get3A_1039 = arith.index_cast %add3A_1001 : i32 to index
      %get3A_1040 = arith.constant 48 : index
      %get3A_1041 = tpu.vector_load %arg9[%get3A_1038, %get3A_1039, %get3A_1040] {strides = array<i32>} : memref<4x128x64xf32, #tpu.memory_space<vmem>>, vector<16xf32>,
      %get3A_1042 = arith.constant 3 : i32
      %get3A_1043 = arith.index_cast %get3A_1042 : i32 to index
      %get3A_1044 = arith.index_cast %add3A_1001 : i32 to index
      %get3A_1045 = arith.constant 48 : index
      %get3A_1046 = tpu.vector_load %arg10[%get3A_1043, %get3A_1044, %get3A_1045] {strides = array<i32>} : memref<4x128x64xf32, #tpu.memory_space<vmem>>, vector<16xf32>,
      %mul3A_1047 = arith.mulf %get3A_1041, %get3A_1046 : vector<16xf32>
      %add3A_1048 = arith.addf %add3A_1036, %mul3A_1047 : vector<16xf32>
      %reduce_sum3A_1049 = arith.constant true
      %reduce_sum3A_1050 = vector.broadcast %reduce_sum3A_1049 : i1 to vector<16xi1>
      %reduce_sum3A_1051 = tpu.scan <sum>, %add3A_1048 masked %reduce_sum3A_1050 : vector<16xf32>, vector<16xi1> -> vector<16xf32>
      %reduce_sum3A_1052 = vector.extract %reduce_sum3A_1051[15] : f32 from vector<16xf32>
      %eq3A_1053 = arith.constant 13 : i32
      %eq3A_1054 = vector.broadcast %eq3A_1053 : i32 to vector<16xi32>
      %eq3A_1055 = arith.cmpi eq, %iota3A, %eq3A_1054 : vector<16xi32>
      %broadcast_in_dim3A_1056 = vector.broadcast %reduce_sum3A_1052 : f32 to vector<16xf32>
      %select_n3A_1057 = arith.select %eq3A_1055, %broadcast_in_dim3A_1056, %select_n3A_997 : vector<16xi1>, vector<16xf32>
      %mul3A_1058 = arith.constant 16 : i32
      %mul3A_1059 = arith.muli %scan3A_218, %mul3A_1058 : i32
      %add3A_1060 = arith.constant 14 : i32
      %add3A_1061 = arith.addi %mul3A_1059, %add3A_1060 : i32
      %get3A_1062 = arith.constant 3 : i32
      %get3A_1063 = arith.index_cast %get3A_1062 : i32 to index
      %get3A_1064 = arith.index_cast %add3A_1061 : i32 to index
      %get3A_1065 = arith.constant 0 : index
      %get3A_1066 = tpu.vector_load %arg9[%get3A_1063, %get3A_1064, %get3A_1065] {strides = array<i32>} : memref<4x128x64xf32, #tpu.memory_space<vmem>>, vector<16xf32>,
      %get3A_1067 = arith.constant 3 : i32
      %get3A_1068 = arith.index_cast %get3A_1067 : i32 to index
      %get3A_1069 = arith.index_cast %add3A_1061 : i32 to index
      %get3A_1070 = arith.constant 0 : index
      %get3A_1071 = tpu.vector_load %arg10[%get3A_1068, %get3A_1069, %get3A_1070] {strides = array<i32>} : memref<4x128x64xf32, #tpu.memory_space<vmem>>, vector<16xf32>,
      %mul3A_1072 = arith.mulf %get3A_1066, %get3A_1071 : vector<16xf32>
      %get3A_1073 = arith.constant 3 : i32
      %get3A_1074 = arith.index_cast %get3A_1073 : i32 to index
      %get3A_1075 = arith.index_cast %add3A_1061 : i32 to index
      %get3A_1076 = arith.constant 16 : index
      %get3A_1077 = tpu.vector_load %arg9[%get3A_1074, %get3A_1075, %get3A_1076] {strides = array<i32>} : memref<4x128x64xf32, #tpu.memory_space<vmem>>, vector<16xf32>,
      %get3A_1078 = arith.constant 3 : i32
      %get3A_1079 = arith.index_cast %get3A_1078 : i32 to index
      %get3A_1080 = arith.index_cast %add3A_1061 : i32 to index
      %get3A_1081 = arith.constant 16 : index
      %get3A_1082 = tpu.vector_load %arg10[%get3A_1079, %get3A_1080, %get3A_1081] {strides = array<i32>} : memref<4x128x64xf32, #tpu.memory_space<vmem>>, vector<16xf32>,
      %mul3A_1083 = arith.mulf %get3A_1077, %get3A_1082 : vector<16xf32>
      %add3A_1084 = arith.addf %mul3A_1072, %mul3A_1083 : vector<16xf32>
      %get3A_1085 = arith.constant 3 : i32
      %get3A_1086 = arith.index_cast %get3A_1085 : i32 to index
      %get3A_1087 = arith.index_cast %add3A_1061 : i32 to index
      %get3A_1088 = arith.constant 32 : index
      %get3A_1089 = tpu.vector_load %arg9[%get3A_1086, %get3A_1087, %get3A_1088] {strides = array<i32>} : memref<4x128x64xf32, #tpu.memory_space<vmem>>, vector<16xf32>,
      %get3A_1090 = arith.constant 3 : i32
      %get3A_1091 = arith.index_cast %get3A_1090 : i32 to index
      %get3A_1092 = arith.index_cast %add3A_1061 : i32 to index
      %get3A_1093 = arith.constant 32 : index
      %get3A_1094 = tpu.vector_load %arg10[%get3A_1091, %get3A_1092, %get3A_1093] {strides = array<i32>} : memref<4x128x64xf32, #tpu.memory_space<vmem>>, vector<16xf32>,
      %mul3A_1095 = arith.mulf %get3A_1089, %get3A_1094 : vector<16xf32>
      %add3A_1096 = arith.addf %add3A_1084, %mul3A_1095 : vector<16xf32>
      %get3A_1097 = arith.constant 3 : i32
      %get3A_1098 = arith.index_cast %get3A_1097 : i32 to index
      %get3A_1099 = arith.index_cast %add3A_1061 : i32 to index
      %get3A_1100 = arith.constant 48 : index
      %get3A_1101 = tpu.vector_load %arg9[%get3A_1098, %get3A_1099, %get3A_1100] {strides = array<i32>} : memref<4x128x64xf32, #tpu.memory_space<vmem>>, vector<16xf32>,
      %get3A_1102 = arith.constant 3 : i32
      %get3A_1103 = arith.index_cast %get3A_1102 : i32 to index
      %get3A_1104 = arith.index_cast %add3A_1061 : i32 to index
      %get3A_1105 = arith.constant 48 : index
      %get3A_1106 = tpu.vector_load %arg10[%get3A_1103, %get3A_1104, %get3A_1105] {strides = array<i32>} : memref<4x128x64xf32, #tpu.memory_space<vmem>>, vector<16xf32>,
      %mul3A_1107 = arith.mulf %get3A_1101, %get3A_1106 : vector<16xf32>
      %add3A_1108 = arith.addf %add3A_1096, %mul3A_1107 : vector<16xf32>
      %reduce_sum3A_1109 = arith.constant true
      %reduce_sum3A_1110 = vector.broadcast %reduce_sum3A_1109 : i1 to vector<16xi1>
      %reduce_sum3A_1111 = tpu.scan <sum>, %add3A_1108 masked %reduce_sum3A_1110 : vector<16xf32>, vector<16xi1> -> vector<16xf32>
      %reduce_sum3A_1112 = vector.extract %reduce_sum3A_1111[15] : f32 from vector<16xf32>
      %eq3A_1113 = arith.constant 14 : i32
      %eq3A_1114 = vector.broadcast %eq3A_1113 : i32 to vector<16xi32>
      %eq3A_1115 = arith.cmpi eq, %iota3A, %eq3A_1114 : vector<16xi32>
      %broadcast_in_dim3A_1116 = vector.broadcast %reduce_sum3A_1112 : f32 to vector<16xf32>
      %select_n3A_1117 = arith.select %eq3A_1115, %broadcast_in_dim3A_1116, %select_n3A_1057 : vector<16xi1>, vector<16xf32>
      %mul3A_1118 = arith.constant 16 : i32
      %mul3A_1119 = arith.muli %scan3A_218, %mul3A_1118 : i32
      %add3A_1120 = arith.constant 15 : i32
      %add3A_1121 = arith.addi %mul3A_1119, %add3A_1120 : i32
      %get3A_1122 = arith.constant 3 : i32
      %get3A_1123 = arith.index_cast %get3A_1122 : i32 to index
      %get3A_1124 = arith.index_cast %add3A_1121 : i32 to index
      %get3A_1125 = arith.constant 0 : index
      %get3A_1126 = tpu.vector_load %arg9[%get3A_1123, %get3A_1124, %get3A_1125] {strides = array<i32>} : memref<4x128x64xf32, #tpu.memory_space<vmem>>, vector<16xf32>,
      %get3A_1127 = arith.constant 3 : i32
      %get3A_1128 = arith.index_cast %get3A_1127 : i32 to index
      %get3A_1129 = arith.index_cast %add3A_1121 : i32 to index
      %get3A_1130 = arith.constant 0 : index
      %get3A_1131 = tpu.vector_load %arg10[%get3A_1128, %get3A_1129, %get3A_1130] {strides = array<i32>} : memref<4x128x64xf32, #tpu.memory_space<vmem>>, vector<16xf32>,
      %mul3A_1132 = arith.mulf %get3A_1126, %get3A_1131 : vector<16xf32>
      %get3A_1133 = arith.constant 3 : i32
      %get3A_1134 = arith.index_cast %get3A_1133 : i32 to index
      %get3A_1135 = arith.index_cast %add3A_1121 : i32 to index
      %get3A_1136 = arith.constant 16 : index
      %get3A_1137 = tpu.vector_load %arg9[%get3A_1134, %get3A_1135, %get3A_1136] {strides = array<i32>} : memref<4x128x64xf32, #tpu.memory_space<vmem>>, vector<16xf32>,
      %get3A_1138 = arith.constant 3 : i32
      %get3A_1139 = arith.index_cast %get3A_1138 : i32 to index
      %get3A_1140 = arith.index_cast %add3A_1121 : i32 to index
      %get3A_1141 = arith.constant 16 : index
      %get3A_1142 = tpu.vector_load %arg10[%get3A_1139, %get3A_1140, %get3A_1141] {strides = array<i32>} : memref<4x128x64xf32, #tpu.memory_space<vmem>>, vector<16xf32>,
      %mul3A_1143 = arith.mulf %get3A_1137, %get3A_1142 : vector<16xf32>
      %add3A_1144 = arith.addf %mul3A_1132, %mul3A_1143 : vector<16xf32>
      %get3A_1145 = arith.constant 3 : i32
      %get3A_1146 = arith.index_cast %get3A_1145 : i32 to index
      %get3A_1147 = arith.index_cast %add3A_1121 : i32 to index
      %get3A_1148 = arith.constant 32 : index
      %get3A_1149 = tpu.vector_load %arg9[%get3A_1146, %get3A_1147, %get3A_1148] {strides = array<i32>} : memref<4x128x64xf32, #tpu.memory_space<vmem>>, vector<16xf32>,
      %get3A_1150 = arith.constant 3 : i32
      %get3A_1151 = arith.index_cast %get3A_1150 : i32 to index
      %get3A_1152 = arith.index_cast %add3A_1121 : i32 to index
      %get3A_1153 = arith.constant 32 : index
      %get3A_1154 = tpu.vector_load %arg10[%get3A_1151, %get3A_1152, %get3A_1153] {strides = array<i32>} : memref<4x128x64xf32, #tpu.memory_space<vmem>>, vector<16xf32>,
      %mul3A_1155 = arith.mulf %get3A_1149, %get3A_1154 : vector<16xf32>
      %add3A_1156 = arith.addf %add3A_1144, %mul3A_1155 : vector<16xf32>
      %get3A_1157 = arith.constant 3 : i32
      %get3A_1158 = arith.index_cast %get3A_1157 : i32 to index
      %get3A_1159 = arith.index_cast %add3A_1121 : i32 to index
      %get3A_1160 = arith.constant 48 : index
      %get3A_1161 = tpu.vector_load %arg9[%get3A_1158, %get3A_1159, %get3A_1160] {strides = array<i32>} : memref<4x128x64xf32, #tpu.memory_space<vmem>>, vector<16xf32>,
      %get3A_1162 = arith.constant 3 : i32
      %get3A_1163 = arith.index_cast %get3A_1162 : i32 to index
      %get3A_1164 = arith.index_cast %add3A_1121 : i32 to index
      %get3A_1165 = arith.constant 48 : index
      %get3A_1166 = tpu.vector_load %arg10[%get3A_1163, %get3A_1164, %get3A_1165] {strides = array<i32>} : memref<4x128x64xf32, #tpu.memory_space<vmem>>, vector<16xf32>,
      %mul3A_1167 = arith.mulf %get3A_1161, %get3A_1166 : vector<16xf32>
      %add3A_1168 = arith.addf %add3A_1156, %mul3A_1167 : vector<16xf32>
      %reduce_sum3A_1169 = arith.constant true
      %reduce_sum3A_1170 = vector.broadcast %reduce_sum3A_1169 : i1 to vector<16xi1>
      %reduce_sum3A_1171 = tpu.scan <sum>, %add3A_1168 masked %reduce_sum3A_1170 : vector<16xf32>, vector<16xi1> -> vector<16xf32>
      %reduce_sum3A_1172 = vector.extract %reduce_sum3A_1171[15] : f32 from vector<16xf32>
      %eq3A_1173 = arith.constant 15 : i32
      %eq3A_1174 = vector.broadcast %eq3A_1173 : i32 to vector<16xi32>
      %eq3A_1175 = arith.cmpi eq, %iota3A, %eq3A_1174 : vector<16xi32>
      %broadcast_in_dim3A_1176 = vector.broadcast %reduce_sum3A_1172 : f32 to vector<16xf32>
      %select_n3A_1177 = arith.select %eq3A_1175, %broadcast_in_dim3A_1176, %select_n3A_1117 : vector<16xi1>, vector<16xf32>
      %abs3A = math.absf %select_n3A_1177 : vector<16xf32>
      %neg3A = arith.constant 0.000000e+00 : f32
      %neg3A_1178 = vector.broadcast %neg3A : f32 to vector<16xf32>
      %neg3A_1179 = arith.subf %neg3A_1178, %abs3A : vector<16xf32>
      %exp3A = math.exp %neg3A_1179 : vector<16xf32>
      %add3A_1180 = arith.constant 2.000000e+00 : f32
      %add3A_1181 = vector.broadcast %add3A_1180 : f32 to vector<16xf32>
      %add3A_1182 = arith.addf %exp3A, %add3A_1181 : vector<16xf32>
      %div3A = arith.divf %exp3A, %add3A_1182 : vector<16xf32>
      %mul3A_1183 = arith.mulf %div3A, %div3A : vector<16xf32>
      %mul3A_1184 = arith.constant 0.0909090936 : f32
      %mul3A_1185 = vector.broadcast %mul3A_1184 : f32 to vector<16xf32>
      %mul3A_1186 = arith.mulf %mul3A_1183, %mul3A_1185 : vector<16xf32>
      %add3A_1187 = arith.constant 0.111111112 : f32
      %add3A_1188 = vector.broadcast %add3A_1187 : f32 to vector<16xf32>
      %add3A_1189 = arith.addf %add3A_1188, %mul3A_1186 : vector<16xf32>
      %mul3A_1190 = arith.mulf %mul3A_1183, %add3A_1189 : vector<16xf32>
      %add3A_1191 = arith.constant 0.142857149 : f32
      %add3A_1192 = vector.broadcast %add3A_1191 : f32 to vector<16xf32>
      %add3A_1193 = arith.addf %add3A_1192, %mul3A_1190 : vector<16xf32>
      %mul3A_1194 = arith.mulf %mul3A_1183, %add3A_1193 : vector<16xf32>
      %add3A_1195 = arith.constant 2.000000e-01 : f32
      %add3A_1196 = vector.broadcast %add3A_1195 : f32 to vector<16xf32>
      %add3A_1197 = arith.addf %add3A_1196, %mul3A_1194 : vector<16xf32>
      %mul3A_1198 = arith.mulf %mul3A_1183, %add3A_1197 : vector<16xf32>
      %add3A_1199 = arith.constant 0.333333343 : f32
      %add3A_1200 = vector.broadcast %add3A_1199 : f32 to vector<16xf32>
      %add3A_1201 = arith.addf %add3A_1200, %mul3A_1198 : vector<16xf32>
      %mul3A_1202 = arith.mulf %mul3A_1183, %add3A_1201 : vector<16xf32>
      %add3A_1203 = arith.constant 1.000000e+00 : f32
      %add3A_1204 = vector.broadcast %add3A_1203 : f32 to vector<16xf32>
      %add3A_1205 = arith.addf %add3A_1204, %mul3A_1202 : vector<16xf32>
      %min3A = arith.constant 0.000000e+00 : f32
      %min3A_1206 = vector.broadcast %min3A : f32 to vector<16xf32>
      %min3A_1207 = arith.minimumf %select_n3A_1177, %min3A_1206 : vector<16xf32>
      %mul3A_1208 = arith.constant 2.000000e+00 : f32
      %mul3A_1209 = vector.broadcast %mul3A_1208 : f32 to vector<16xf32>
      %mul3A_1210 = arith.mulf %mul3A_1209, %div3A : vector<16xf32>
      %mul3A_1211 = arith.mulf %mul3A_1210, %add3A_1205 : vector<16xf32>
      %sub3A = arith.subf %min3A_1207, %mul3A_1211 : vector<16xf32>
      %add3A_1212 = arith.addf %scan3A_219, %sub3A : vector<16xf32>
      scf.yield %add3A_1212 : vector<16xf32>
    }
    %scan3A_216 = arith.constant 8 : i32
    %swap3A = arith.constant 0 : index
    %swap3A_217 = tpu.vector_load %arg11[%swap3A] {strides = array<i32>} : memref<16xf32, #tpu.memory_space<vmem>>, vector<16xf32>,
    tpu.vector_store %arg11[%swap3A], %scan3A_215 {strides = array<i32>} : memref<16xf32, #tpu.memory_space<vmem>>, vector<16xf32>,
    "tpu.region"() ({
      %run_scoped3A = tpu.sem_alloc : memref<!tpu.dma_semaphore, #tpu.memory_space<semaphore_mem>>
      %dma_start3A_218 = arith.constant 0 : i32
      %dma_start3A_219 = tpu.memref_slice %arg6[%add3A, %dma_start3A_218] : memref<32x16xf32, #tpu.memory_space<hbm>> -> memref<1x16xf32, #tpu.memory_space<hbm>>
      %dma_start3A_220 = tpu.memref_squeeze %dma_start3A_219 : memref<1x16xf32, #tpu.memory_space<hbm>> -> memref<16xf32, #tpu.memory_space<hbm>>
      %dma_start3A_221 = arith.constant 0 : i32
      %dma_start3A_222 = tpu.memref_slice %arg6[%add3A, %dma_start3A_221] : memref<32x16xf32, #tpu.memory_space<hbm>> -> memref<1x16xf32, #tpu.memory_space<hbm>>
      %dma_start3A_223 = tpu.memref_squeeze %dma_start3A_222 : memref<1x16xf32, #tpu.memory_space<hbm>> -> memref<16xf32, #tpu.memory_space<hbm>>
      tpu.enqueue_dma source(%arg11 : memref<16xf32, #tpu.memory_space<vmem>>) target(%dma_start3A_223 : memref<16xf32, #tpu.memory_space<hbm>>) target_semaphore(%run_scoped3A : memref<!tpu.dma_semaphore, #tpu.memory_space<semaphore_mem>>)
      %dma_wait3A_224 = arith.constant 0 : i32
      %dma_wait3A_225 = tpu.memref_slice %arg6[%add3A, %dma_wait3A_224] : memref<32x16xf32, #tpu.memory_space<hbm>> -> memref<1x16xf32, #tpu.memory_space<hbm>>
      %dma_wait3A_226 = tpu.memref_squeeze %dma_wait3A_225 : memref<1x16xf32, #tpu.memory_space<hbm>> -> memref<16xf32, #tpu.memory_space<hbm>>
      %dma_wait3A_227 = arith.constant 0 : i32
      %dma_wait3A_228 = tpu.memref_slice %arg6[%add3A, %dma_wait3A_227] : memref<32x16xf32, #tpu.memory_space<hbm>> -> memref<1x16xf32, #tpu.memory_space<hbm>>
      %dma_wait3A_229 = tpu.memref_squeeze %dma_wait3A_228 : memref<1x16xf32, #tpu.memory_space<hbm>> -> memref<16xf32, #tpu.memory_space<hbm>>
      tpu.wait_dma2 semaphore(%run_scoped3A : memref<!tpu.dma_semaphore, #tpu.memory_space<semaphore_mem>>) src(%arg11 : memref<16xf32, #tpu.memory_space<vmem>>) dst(%dma_wait3A_229 : memref<16xf32, #tpu.memory_space<hbm>>)
      tpu.yield
    }) : () -> ()
    return
  }
}

</mosaic_0001>

<sc_bundles>
// kernel: kernel.3.cloned.1.call-start
scs
__scs_entry_jumppad:
0x0: {  	(pc) =	sbr.rel $0x88, $3  }
0x1: {  	(tag) =	ssettag $0x0;
	lr =	simm.s32 $0x1  }
0x2: {  	[smem:$0x3F9C] =	sst lr;
	_ =	strace $0xD0000000  }
0x3: {  	_ = 	snop  }
0x4: {  	_ = 	snop  }
0x5: {  	_ = 	snop  }
0x6: {  	_ = 	snop  }
0x7: {  	_ = 	snop  }
__scs_overlays_trampoline_lowered:
0x8: {  	[smem:$0x3FAB] =	sst s0  }
0x9: {  	[smem:$0x3FAC] =	sst s1  }
0xa: {  	[smem:$0x3FAD] =	sst s2  }
0xb: {  	[smem:$0x3FAE] =	sst s3  }
0xc: {  	[smem:$0x3FAF] =	sst s4  }
0xd: {  	[smem:$0x3FB0] =	sst s5  }
0xe: {  	[smem:$0x3FB1] =	sst s6  }
0xf: {  	[smem:$0x3FB2] =	sst s7  }
0x10: {  	[smem:$0x3FB3] =	sst s8  }
0x11: {  	[smem:$0x3FB4] =	sst s9;
	s0 =	simm.s32 @!p0 $0x0  }
0x12: {  	s1 =	sld [smem:$0x3F9A];
	s0 =	simm.s32 @p0 $0x1  }
0x13: {  	[smem:$0x3FB5] =	sst s0;
	s0 =	simm.s32 @!p1 $0x0  }
0x14: {  	s2 =	sld [smem:$0x3F99];
	s0 =	simm.s32 @p1 $0x1  }
0x15: {  	[smem:$0x3FB6] =	sst s0;
	s0 =	simm.s32 @!p2 $0x0  }
0x16: {  	s3 =	sld [smem:$0x3FDB];
	s0 =	simm.s32 @p2 $0x1  }
0x17: {  	s4 =	simm.s32 $0x1BF5;
	[smem:$0x3FB8] =	sst s0  }
0x18: {  	s0 =	sld [smem:$0x3F9B];
	_ =	swait.ge [sflag:s4], $0x0  }
0x19: {  	s7 =	sld [smem:$0x3F9C]  }
0x1a: {  	s8 =	sadd.s32 $0xFFFFE003, lr  }
0x1b: {  	s9 =	sadd.s32 $0xFFFFFEF7, lr;
	s5 =	simm.s32 $0xFFFFFFFF;
	p2 =	slt.u32 s8, $0xFFFFF086  }
0x1c: {  	p1 =	slt.u32 s9, $0xF7A;
	s5 =	simm.s32 @!p2 $0x0  }
0x1d: {  	s5 =	simm.s32 @p1 $0x1;
	p0 =	seq.s32 s7, s2  }
0x1e: {  	s7 =	smul.u32 @!p0 $0xF7A, s2;
	p2 =	seq.s32 @!p0 s5, $0x0  }
0x1f: {  	s9 =	smul.u32 $0xF7A, s1;
	s8 =	simm.s32 @!p0 $0x1BF5;
	p2 =	por !p2, p0  }
0x20: {  	[sflag:s8] =	ssyncset.s32 @!p0 $0xFFFFF086;
	s6 =	sadd.s32 @!p0 s3, s7;
	s7 =	simm.s32 @!p0 $0x108  }
0x21: {  	s3 =	sadd.s32 s3, s9;
	s6 =	sadd.s32 @!p0 $0x88, s6;
	s7 =	simm.s32 @p2 $0x1082  }
0x22: {  	[simem:s7], [sflag:s8] =	dma.local @!p0 [hbm:s6], $0xF7A  }
0x23: {  	s9 =	sor.u32 $0xD0000000, s2;
	s6 =	simm.s32 $0x108;
	_ =	swait.ge @!p0 [sflag:s8], $0x0  }
0x24: {  	s3 =	sadd.s32 $0x88, s3;
	s6 =	simm.s32 @!p1 $0x1082;
	[sflag:s4] =	ssyncset.s32 $0xFFFFF086  }
0x25: {  	[simem:s6], [sflag:s4] =	dma.local [hbm:s3], $0xF7A  }
0x26: {  	[smem:$0x3F9C] =	sst s1;
	(tag) =	ssettag s2;
	_ =	strace s9  }
0x27: {  	s1 =	sld [smem:$0x3FAC]  }
0x28: {  	s2 =	sld [smem:$0x3FAD]  }
0x29: {  	s4 =	sld [smem:$0x3FAF]  }
0x2a: {  	p0 =	seq.s32 s5, $0x0;
	s5 =	sld [smem:$0x3FB0]  }
0x2b: {  	s6 =	sld [smem:$0x3FB1]  }
0x2c: {  	s7 =	sld [smem:$0x3FB2]  }
0x2d: {  	s3 =	simm.s32 $0x108;
	s8 =	sld [smem:$0x3FB3]  }
0x2e: {  	s3 =	simm.s32 @!p0 $0x1082;
	s9 =	sld [smem:$0x3FB4]  }
0x2f: {  	lr =	sadd.s32 s0, s3;
	s0 =	sld [smem:$0x3FAB]  }
0x30: {  	s3 =	sld [smem:$0x3FAE]  }
0x31: {  	[smem:$0x3FB7] =	sst s10  }
0x32: {  	s10 =	sld [smem:$0x3FB5];
	_ =	sdelay $0x3  }
0x33: {  	p0 =	seq.s32 s10, $0x1;
	s10 =	sld [smem:$0x3FB7];
	_ =	sdelay $0x3  }
0x34: {  	[smem:$0x3FB7] =	sst s10  }
0x35: {  	s10 =	sld [smem:$0x3FB6];
	_ =	sdelay $0x3  }
0x36: {  	p1 =	seq.s32 s10, $0x1;
	s10 =	sld [smem:$0x3FB7];
	_ =	sdelay $0x3  }
0x37: {  	[smem:$0x3FB7] =	sst s10  }
0x38: {  	s10 =	sld [smem:$0x3FB8]  }
0x39: {  	_ = 	snop;
	(pc) =	sbr.ind lr, $3  }
0x3a: {  	_ = 	snop  }
0x3b: {  	_ = 	snop  }
0x3c: {  	p2 =	seq.s32 s10, $0x1;
	s10 =	sld [smem:$0x3FB7]  }
0x3d: {  	_ =	shalt  }
0x3e: {  	_ =	shalt  }
0x3f: {  	_ =	shalt  }
0x40: {  	_ =	shalt  }
0x41: {  	_ =	shalt  }
0x42: {  	_ =	shalt  }
0x43: {  	_ =	shalt  }
0x44: {  	_ =	shalt  }
0x45: {  	_ =	shalt  }
0x46: {  	_ =	shalt  }
0x47: {  	_ =	shalt  }
0x48: {  	_ =	shalt  }
0x49: {  	_ =	shalt  }
0x4a: {  	_ =	shalt  }
0x4b: {  	_ =	shalt  }
0x4c: {  	_ =	shalt  }
0x4d: {  	_ =	shalt  }
0x4e: {  	_ =	shalt  }
0x4f: {  	_ =	shalt  }
0x50: {  	_ =	shalt  }
0x51: {  	_ =	shalt  }
0x52: {  	_ =	shalt  }
0x53: {  	_ =	shalt  }
0x54: {  	_ =	shalt  }
0x55: {  	_ =	shalt  }
0x56: {  	_ =	shalt  }
0x57: {  	_ =	shalt  }
0x58: {  	_ =	shalt  }
0x59: {  	_ =	shalt  }
0x5a: {  	_ =	shalt  }
0x5b: {  	_ =	shalt  }
0x5c: {  	_ =	shalt  }
0x5d: {  	_ =	shalt  }
0x5e: {  	_ =	shalt  }
0x5f: {  	_ =	shalt  }
0x60: {  	_ =	shalt  }
0x61: {  	_ =	shalt  }
0x62: {  	_ =	shalt  }
0x63: {  	_ =	shalt  }
0x64: {  	_ =	shalt  }
0x65: {  	_ =	shalt  }
0x66: {  	_ =	shalt  }
0x67: {  	_ =	shalt  }
0x68: {  	_ =	shalt  }
0x69: {  	_ =	shalt  }
0x6a: {  	_ =	shalt  }
0x6b: {  	_ =	shalt  }
0x6c: {  	_ =	shalt  }
0x6d: {  	_ =	shalt  }
0x6e: {  	_ =	shalt  }
0x6f: {  	_ =	shalt  }
0x70: {  	_ =	shalt  }
0x71: {  	_ =	shalt  }
0x72: {  	_ =	shalt  }
0x73: {  	_ =	shalt  }
0x74: {  	_ =	shalt  }
0x75: {  	_ =	shalt  }
0x76: {  	_ =	shalt  }
0x77: {  	_ =	shalt  }
0x78: {  	_ =	shalt  }
0x79: {  	_ =	shalt  }
0x7a: {  	_ =	shalt  }
0x7b: {  	_ =	shalt  }
0x7c: {  	_ =	shalt  }
0x7d: {  	_ =	shalt  }
0x7e: {  	_ =	shalt  }
0x7f: {  	_ =	shalt  }
0x80: {  	_ =	shalt  }
0x81: {  	_ =	shalt  }
0x82: {  	_ =	shalt  }
0x83: {  	_ =	shalt  }
0x84: {  	_ =	shalt  }
0x85: {  	_ =	shalt  }
0x86: {  	_ =	shalt  }
0x87: {  	_ =	shalt  }
.Lfunc_end0:
.L_simem_size_0:
called_computation_lowered:
.L_overlay_start_0:
0x88: {  	s2 =	sld [smem:$0x3FD9]  }
0x89: {  	s3 =	sld [smem:$0x3FFE];
	_ =	sdelay $0x1  }
0x8a: {  	s1 =	srdreg.scid  }
0x8b: {  	s0 =	sand.u32 $0x1, s1  }
0x8c: {  	s17 =	sshll.u32 s0, $0xA;
	s2 =	sadd.s32 s3, s2  }
0x8d: {  	s2 =	sadd.s32 s2, s17  }
0x8e: {  	[smem:$0x3FC3] =	sst s2  }
0x8f: {  	_ = 	snop  }
0x90: {  	s2 =	sld [smem:$0x3FC9]  }
0x91: {  	s18 =	sld [smem:$0x3FC8];
	(tm) =	ssettm $0x1  }
0x92: {  	s4 =	sld [smem:$0x3FFB];
	_ =	sdelay $0x3  }
0x93: {  	_ =	strace s4  }
0x94: {  	s4 =	sld [smem:$0x3FFC];
	_ =	sdelay $0x3  }
0x95: {  	_ =	strace s4  }
0x96: {  	s4 =	sld [smem:$0x3FFD];
	_ =	sdelay $0x3  }
0x97: {  	_ =	strace s4  }
0x98: {  	_ =	strace $0x8FFFFFFF  }
0x99: {  	s19 =	sld [smem:$0x3FDB];
	_ =	sdelay $0x1  }
0x9a: {  	s5 =	simm.s32 $_scs_section_size  }
0x9b: {  	s6 =	simm.s32 $_size__tile_overlayer_lowered;
	s7 =	simm.s32 $_tile_overlayer_lowered  }
0x9c: {  	s22 =	simm.s32 $0x1BFF;
	s21 =	sshll.u32 s7, $0x1;
	s4 =	sadd.s32 s5, s19  }
0x9d: {  	s8 =	simm.s32 $0x0;
	s20 =	sshll.u32 s6, $0x1;
	s6 =	sadd.s32 s21, s4  }
0x9e: {  	[timem:s8], [sflag:s22] =	dma.local [hbm:s6], s20  }
0x9f: {  	_ =	swait.ge [sflag:s22], s20  }
0xa0: {  	s5 =	ssub.s32 $0x0, s20;
	[sflag:s22] =	ssyncset.done $0x0  }
0xa1: {  	[sflag:s22] =	ssyncadd.s32 s5;
	_ =	sdelay $0x1  }
0xa2: {  	s23 =	simm.s32 $0x1B8B  }
0xa3: {  	_ =	swait.ge [sflag:s23], $0x1  }
0xa4: {  	[sflag:s23] =	ssyncset.done $0x0  }
0xa5: {  	s25 =	simm.s32 $0x1B8E;
	s24 =	sld [smem:$0x3FFE];
	[sflag:s23] =	ssyncadd.s32 $0xFFFFFFFF  }
0xa6: {  	s26 =	simm.s32 $execute0_lowered;
	[smem:$0x3FD2] =	sst s25  }
0xa7: {  	s6 =	sshll.u32 s26, $0x1;
	_ =	strace $0x80000046;
	[dreg:$0x1] =	wrdreg $0xFFFFFFFF  }
0xa8: {  	s28 =	simm.s32 $_size_execute0_lowered;
	s4 =	sadd.s32 s4, s6;
	[dreg:$0x0] =	wrdreg $0x0  }
0xa9: {  	s6 =	sshll.u32 s28, $0x1;
	[dreg:$0x2] =	wrdreg s4  }
0xaa: {  	[dreg:$0x3] =	wrdreg s6  }
0xab: {  	[dreg:$0x4] =	wrdreg $0xC0  }
0xac: {  	_ =	task [dreg:s8], $0x5FFFF  }
0xad: {  	[dreg:$0x1] =	wrdreg $0xFFFFFFFF  }
0xae: {  	[dreg:$0x0] =	wrdreg $0x60  }
0xaf: {  	[dreg:$0x2] =	wrdreg s2  }
0xb0: {  	[dreg:$0x3] =	wrdreg s18  }
0xb1: {  	[dreg:$0x4] =	wrdreg s24  }
0xb2: {  	[dreg:$0x5] =	wrdreg $0x9  }
0xb3: {  	_ =	task.clear_ibuf [dreg:s8], $0x6FFFF;
	_ =	strace $0x90000046  }
0xb4: {  	s29 =	simm.s32 $0x9;
	_ =	strace $0x80000048  }
0xb5: {  	_ =	swait.ge [sflag:s29], $0x1  }
0xb6: {  	[sflag:s29] =	ssyncadd.s32 $0xFFFFFFFF  }
0xb7: {  	_ =	strace $0x90000048  }
0xb8: {  	_ =	sfence  }
0xb9: {  	s30 =	sld [smem:$0x0];
	_ =	sdelay $0x2  }
0xba: {  	s31 =	sshll.u32 s1, $0xD;
	s1 =	sshrl.u32 s1, $0x2  }
0xbb: {  	s3 =	sand.u32 $0x4000, s31;
	s1 =	sadd.s32 s1, s30  }
0xbc: {  	s0 =	sor.u32 s3, s0;
	s1 =	sshll.u32 s1, $0x11  }
0xbd: {  	s0 =	sor.u32 s1, s0  }
0xbe: {  	s0 =	sadd.s32 $0x8F2B, s0  }
0xbf: {  	[sflag:s0] =	ssyncadd.remote.s32 $0x1  }
0xc0: {  	_ =	sfence.sel $0xFFFF  }
0xc1: {  	[dreg:$0x0] =	wrdreg $0xFFFFFFFF;
	(pc) =	sbr.abs _section_cstart, $3  }
0xc2: {  	[dreg:$0x1] =	wrdreg $0xFFFFFFFF  }
0xc3: {  	_ =	task.clear_ibuf [dreg:s8], $0x2FFFF;
	_ =	strace $0x9FFFFFFF  }
0xc4: {  	(tm) =	ssettm $0x7FFFFFFF  }
0xc5: {  	_ =	shalt  }
tec
execute0_lowered:
.L_overlay_start_1:
0x0: {  	(tag) =	ssettag $0x1  }
0x1: {  	s0 =	rddreg [dreg:$0x0]  }
0x2: {  	s1 =	rddreg [dreg:$0x1]  }
0x3: {  	s5 =	rddreg [dreg:$0x2]  }
0x4: {  	s2 =	simm.s32 $0x0;
	s3 =	srdreg.scid;
	s4 =	stileid.u32  }
0x5: {  	s10 =	simm.s32 $0x200;
	s11 =	simm.s32 $0x80;
	s12 =	simm.s32 $0x400  }
0x6: {  	s13 =	simm.s32 $0x8400;
	s14 =	simm.s32 $0x2400;
	s15 =	simm.s32 $0x280  }
0x7: {  	s16 =	simm.s32 $0xA400;
	s17 =	simm.s32 $0x100;
	s18 =	simm.s32 $0x4400  }
0x8: {  	s19 =	simm.s32 $0x300;
	s20 =	simm.s32 $0xC400;
	s21 =	simm.s32 $0x180  }
0x9: {  	s22 =	simm.s32 $0x6400;
	s23 =	simm.s32 $0x380;
	s24 =	simm.s32 $0xE400  }
0xa: {  	s25 =	simm.s32 $0x1;
	s28 =	simm.s32 $0x3;
	s29 =	simm.s32 $0x4  }
0xb: {  	s30 =	simm.s32 $0x10400;
	s31 =	simm.s32 $0x0;
	[smem:$0x7FF] =	sst s2  }
0xc: {  	s6 =	sand.u32 $0x1, s3;
	s4 =	sshll.u32 s4, $0x1;
	s3 =	sadd.s32 $0x24BE00, s5  }
0xd: {  	vm0 =	vmmov $0x1;
	vm1 =	vmmov $0x3;
	vm2 =	vmmov $0x7;
	_ =	strace $0x80000047;
	s7 =	sor.u32 s6, s4;
	s6 =	ssub.s32 $0x2, s6  }
0xe: {  	vm3 =	vmmov $0xf;
	vm4 =	vmmov $0x1f;
	vm5 =	vmmov $0x3f;
	s4 =	sadd.s32 $0x188800, s5;
	s8 =	sshll.u32 s7, $0x1;
	s26 =	sshrl.u32 s6, $0x1  }
0xf: {  	vm6 =	vmmov $0x7f;
	vm7 =	vmmov $0xff;
	vm8 =	vmmov $0x1ff;
	s7 =	sshll.u32 s7, $0x6;
	s8 =	sadd.s32 s8, s5;
	s9 =	ssub.s32 s6, s26  }
0x10: {  	vm9 =	vmmov $0x3ff;
	vm10 =	vmmov $0x7ff;
	vm11 =	vmmov $0xfff;
	s5 =	sadd.s32 s0, s7;
	s6 =	sadd.s32 s1, s7;
	s26 =	simm.s32 $0x2  }
0x11: {  	vm12 =	vmmov $0x1fff;
	vm13 =	vmmov $0x3fff;
	vm14 =	vmmov $0x7fff;
	s7 =	sadd.s32 $0x1C00, s8;
	s8 =	smax.u32 s9, $0x1;
	s9 =	simm.s32 $0x5  }
.LBB2_1:
0x12: {  	[tilespmem:s2], [sflag:$0x5] =	stream.linear.gather [hbm4b:s5+s2], $0x200, $0x38;
	[tilespmem:$0x10410] =	vst v63  }
0x13: {  	_ =	swait.ge [sflag:s9], $0x200  }
0x14: {  	[sflag:s9] =	ssyncset.done $0x0  }
0x15: {  	[sflag:s9] =	ssyncadd.s32 $0xFFFFFE00  }
0x16: {  	[tilespmem:s10], [sflag:$0x5] =	stream.linear.gather [hbm4b:s6+s2], $0x200, $0x38;
	[tilespmem:$0x10410] =	vst v63  }
0x17: {  	_ =	swait.ge [sflag:s9], $0x200  }
0x18: {  	[sflag:s9] =	ssyncset.done $0x0  }
0x19: {  	[sflag:s9] =	ssyncadd.s32 $0xFFFFFE00  }
0x1a: {  	[tilespmem:s12], [sflag:$0x1] =	stream.indirect.gather [hbm4b:s3+s11], $0x40, s2, s11, $0xb8;
	[tilespmem:$0x10410] =	vst v63  }
0x1b: {  	_ = 	snop  }
0x1c: {  	[tilespmem:s13], [sflag:$0x1] =	stream.indirect.gather [hbm4b:s4+s11], $0x40, s10, s11, $0xb8;
	[tilespmem:$0x10410] =	vst v63  }
0x1d: {  	_ = 	snop  }
0x1e: {  	[tilespmem:s14], [sflag:$0x2] =	stream.indirect.gather [hbm4b:s3+s11], $0x40, s11, s11, $0xb8;
	[tilespmem:$0x10410] =	vst v63  }
0x1f: {  	_ = 	snop  }
0x20: {  	[tilespmem:s16], [sflag:$0x2] =	stream.indirect.gather [hbm4b:s4+s11], $0x40, s15, s11, $0xb8;
	[tilespmem:$0x10410] =	vst v63  }
0x21: {  	_ = 	snop  }
0x22: {  	[tilespmem:s18], [sflag:$0x3] =	stream.indirect.gather [hbm4b:s3+s11], $0x40, s17, s11, $0xb8;
	[tilespmem:$0x10410] =	vst v63  }
0x23: {  	_ = 	snop  }
0x24: {  	[tilespmem:s20], [sflag:$0x3] =	stream.indirect.gather [hbm4b:s4+s11], $0x40, s19, s11, $0xb8;
	[tilespmem:$0x10410] =	vst v63  }
0x25: {  	_ = 	snop  }
0x26: {  	[tilespmem:s22], [sflag:$0x4] =	stream.indirect.gather [hbm4b:s3+s11], $0x40, s21, s11, $0xb8;
	[tilespmem:$0x10410] =	vst v63  }
0x27: {  	_ = 	snop  }
0x28: {  	[tilespmem:s24], [sflag:$0x4] =	stream.indirect.gather [hbm4b:s4+s11], $0x40, s23, s11, $0xb8;
	[tilespmem:$0x10410] =	vst v63  }
0x29: {  	_ =	swait.ge [sflag:s25], $0x2000  }
0x2a: {  	[sflag:s25] =	ssyncset.done $0x0  }
0x2b: {  	[sflag:s25] =	ssyncadd.s32 $0xFFFFE000  }
0x2c: {  	_ =	swait.ge [sflag:s25], $0x2000  }
0x2d: {  	[sflag:s25] =	ssyncset.done $0x0  }
0x2e: {  	s0 =	simm.s32 $0x0;
	[sflag:s25] =	ssyncadd.s32 $0xFFFFE000  }
0x2f: {  	v0 =	vld [tilespmem:s0+$0x770];
	_ =	sdelay $0x4  }
0x30: {  	[tilespmem:$0x1FEB0] =	vst v0;
	v0 =	vld [tilespmem:s0+$0x8770]  }
0x31: {  	v13 =	vld [tilespmem:s0+$0x7B0]  }
0x32: {  	v18 =	vld [tilespmem:s0+$0x87B0]  }
0x33: {  	v25 =	vld [tilespmem:s0+$0x730]  }
0x34: {  	v39 =	vld [tilespmem:s0+$0x7A0]  }
0x35: {  	[tilespmem:$0x1FEC0] =	vst v0;
	v0 =	vld [tilespmem:s0+$0x7C0]  }
0x36: {  	v33 =	vld [tilespmem:s0+$0x87A0]  }
0x37: {  	v34 =	vld [tilespmem:s0+$0x8720]  }
0x38: {  	v31 =	vld [tilespmem:s0+$0x780]  }
0x39: {  	v32 =	vld [tilespmem:s0+$0x8780]  }
0x3a: {  	[tilespmem:$0x1FED0] =	vst v0;
	v0 =	vld [tilespmem:s0+$0x87C0]  }
0x3b: {  	v36 =	vld [tilespmem:s0+$0x790]  }
0x3c: {  	v38 =	vld [tilespmem:s0+$0x8790]  }
0x3d: {  	v7 =	vld [tilespmem:s0+$0x670]  }
0x3e: {  	v8 =	vld [tilespmem:s0+$0x8670]  }
0x3f: {  	[tilespmem:$0x1FEE0] =	vst v0;
	v0 =	vld [tilespmem:s0+$0x8730]  }
0x40: {  	v57 =	vld [tilespmem:s0+$0x6E0]  }
0x41: {  	v4 =	vld [tilespmem:s0+$0x86E0]  }
0x42: {  	v5 =	vld [tilespmem:s0+$0x630]  }
0x43: {  	v6 =	vld [tilespmem:s0+$0x8630]  }
0x44: {  	[tilespmem:$0x1FF90] =	vst v0;
	v0 =	vld [tilespmem:s0+$0x6F0]  }
0x45: {  	v46 =	vld [tilespmem:s0+$0x700]  }
0x46: {  	v47 =	vld [tilespmem:s0+$0x8700]  }
0x47: {  	v48 =	vld [tilespmem:s0+$0x710]  }
0x48: {  	v49 =	vld [tilespmem:s0+$0x8710]  }
0x49: {  	[tilespmem:$0x1FFA0] =	vst v0;
	v0 =	vld [tilespmem:s0+$0x86F0]  }
0x4a: {  	v61 =	vld [tilespmem:s0+$0x8660]  }
0x4b: {  	v52 =	vld [tilespmem:s0+$0x6C0]  }
0x4c: {  	v53 =	vld [tilespmem:s0+$0x86C0]  }
0x4d: {  	v54 =	vld [tilespmem:s0+$0x6D0]  }
0x4e: {  	[tilespmem:$0x1FFB0] =	vst v0;
	v0 =	vld [tilespmem:s0+$0x760]  }
0x4f: {  	v55 =	vld [tilespmem:s0+$0x86D0]  }
0x50: {  	v11 =	vld [tilespmem:s0+$0x5B0]  }
0x51: {  	v12 =	vld [tilespmem:s0+$0x85B0]  }
0x52: {  	v14 =	vld [tilespmem:s0+$0x680]  }
0x53: {  	[tilespmem:$0x1FEF0] =	vst v0;
	v0 =	vld [tilespmem:s0+$0x6B0]  }
0x54: {  	v9 =	vld [tilespmem:s0+$0x570]  }
0x55: {  	v10 =	vld [tilespmem:s0+$0x8570]  }
0x56: {  	v15 =	vld [tilespmem:s0+$0x5E0]  }
0x57: {  	v62 =	vld [tilespmem:s0+$0x640]  }
0x58: {  	[tilespmem:$0x1FF00] =	vst v0;
	v0 =	vld [tilespmem:s0+$0x720]  }
0x59: {  	v63 =	vld [tilespmem:s0+$0x8640]  }
0x5a: {  	v41 =	vld [tilespmem:s0+$0x650]  }
0x5b: {  	v40 =	vld [tilespmem:s0+$0x8650]  }
0x5c: {  	v16 =	vld [tilespmem:s0+$0x530]  }
0x5d: {  	[tilespmem:$0x1FF80] =	vst v0;
	v0 =	vld [tilespmem:s0+$0x740]  }
0x5e: {  	v56 =	vld [tilespmem:s0+$0x5A0]  }
0x5f: {  	v50 =	vld [tilespmem:s0+$0x85A0]  }
0x60: {  	v45 =	vld [tilespmem:s0+$0x600]  }
0x61: {  	v44 =	vld [tilespmem:s0+$0x8600]  }
0x62: {  	[tilespmem:$0x1FF10] =	vst v0;
	v0 =	vld [tilespmem:s0+$0x8740]  }
0x63: {  	v43 =	vld [tilespmem:s0+$0x610]  }
0x64: {  	v42 =	vld [tilespmem:s0+$0x8610]  }
0x65: {  	v26 =	vld [tilespmem:s0+$0x4F0]  }
0x66: {  	v28 =	vld [tilespmem:s0+$0x84F0]  }
0x67: {  	[tilespmem:$0x1FF20] =	vst v0;
	v0 =	vld [tilespmem:s0+$0x750]  }
0x68: {  	v60 =	vld [tilespmem:s0+$0x8560]  }
0x69: {  	v17 =	vld [tilespmem:s0+$0x5C0]  }
0x6a: {  	v19 =	vld [tilespmem:s0+$0x85C0]  }
0x6b: {  	v20 =	vld [tilespmem:s0+$0x5D0]  }
0x6c: {  	[tilespmem:$0x1FF30] =	vst v0;
	v0 =	vld [tilespmem:s0+$0x6A0]  }
0x6d: {  	v51 =	vld [tilespmem:s0+$0x4B0]  }
0x6e: {  	v27 =	vld [tilespmem:s0+$0x84B0]  }
0x6f: {  	v21 =	vld [tilespmem:s0+$0x520]  }
0x70: {  	v3 =	vld [tilespmem:s0+$0x580]  }
0x71: {  	[tilespmem:$0x1FF40] =	vst v0;
	v0 =	vld [tilespmem:s0+$0x5F0]  }
0x72: {  	v2 =	vld [tilespmem:s0+$0x8580]  }
0x73: {  	v1 =	vld [tilespmem:s0+$0x590]  }
0x74: {  	v29 =	vld [tilespmem:s0+$0x430]  }
0x75: {  	v30 =	vld [tilespmem:s0+$0x8430]  }
0x76: {  	[tilespmem:$0x1FF50] =	vst v0;
	v0 =	vld [tilespmem:s0+$0x660]  }
0x77: {  	v23 =	vld [tilespmem:s0+$0x470]  }
0x78: {  	v59 =	vld [tilespmem:s0+$0x4E0]  }
0x79: {  	v58 =	vld [tilespmem:s0+$0x84E0]  }
0x7a: {  	v37 =	vld [tilespmem:s0+$0x540]  }
0x7b: {  	[tilespmem:$0x1FFC0] =	vst v0;
	v0 =	vld [tilespmem:s0+$0x620]  }
0x7c: {  	v35 =	vld [tilespmem:s0+$0x8540]  }
0x7d: {  	v24 =	vld [tilespmem:s0+$0x550]  }
0x7e: {  	v22 =	vld [tilespmem:s0+$0x8550]  }
0x7f: {  	v31 =	vmul.f32 v32, v31;
	v32 =	vmul.f32 v38, v36;
	v38 =	vld [tilespmem:s0+$0x4A0]  }
0x80: {  	[tilespmem:$0x1FFD0] =	vst v0;
	v0 =	vld [tilespmem:s0+$0x8620]  }
0x81: {  	v33 =	vmul.f32 v33, v39;
	v39 =	vld [tilespmem:s0+$0x84A0]  }
0x82: {  	v40 =	vmul.f32 v40, v41;
	v41 =	vld [tilespmem:s0+$0x480]  }
0x83: {  	v42 =	vmul.f32 v42, v43;
	v43 =	vld [tilespmem:s0+$0x8480]  }
0x84: {  	v35 =	vmul.f32 v35, v37;
	v37 =	vld [tilespmem:s0+$0x440]  }
0x85: {  	v46 =	vmul.f32 v47, v46;
	[tilespmem:$0x1FFE0] =	vst v0;
	v0 =	vld [tilespmem:s0+$0x8680]  }
0x86: {  	v47 =	vmul.f32 v49, v48;
	v49 =	vmul.f32 v55, v54;
	v54 =	vld [tilespmem:$0x1FF80]  }
0x87: {  	v22 =	vmul.f32 v22, v24;
	v36 =	vadd.f32 v32, v31;
	v31 =	vld [tilespmem:s0+$0x500]  }
0x88: {  	v32 =	vld [tilespmem:s0+$0x8500]  }
0x89: {  	v22 =	vadd.f32 v22, v35;
	v35 =	vld [tilespmem:s0+$0x410]  }
0x8a: {  	v48 =	vmul.f32 v53, v52;
	v53 =	vmul.f32 v18, v13;
	[tilespmem:$0x1FF60] =	vst v0;
	v0 =	vld [tilespmem:s0+$0x690]  }
0x8b: {  	v52 =	vadd.f32 v33, v36;
	v36 =	vadd.f32 v47, v46;
	v13 =	vld [tilespmem:$0x1FFA0];
	v55 =	vmul.f32 v34, v54  }
0x8c: {  	v18 =	vld [tilespmem:$0x1FFB0]  }
0x8d: {  	v46 =	vadd.f32 v55, v36;
	v55 =	vld [tilespmem:$0x1FF90]  }
0x8e: {  	v33 =	vld [tilespmem:s0+$0x420]  }
0x8f: {  	[tilespmem:$0x1FF70] =	vst v0;
	v0 =	vld [tilespmem:s0+$0x560]  }
0x90: {  	v44 =	vmul.f32 v44, v45;
	v45 =	vmul.f32 v43, v41;
	v41 =	vld [tilespmem:s0+$0x8440];
	v47 =	vadd.f32 v53, v52  }
0x91: {  	v48 =	vadd.f32 v49, v48;
	v54 =	vmul.f32 v4, v57;
	v57 =	vmul.f32 v18, v13;
	v13 =	vld [tilespmem:$0x1FFC0]  }
0x92: {  	(xrf2) =	vadd.scan.msk.f32 $0xffff, v47;
	v4 =	vmul.f32 v55, v25;
	v47 =	vld [tilespmem:$0x1FFD0]  }
0x93: {  	v48 =	vadd.f32 v54, v48;
	v49 =	vld [tilespmem:$0x1FFE0]  }
0x94: {  	v46 =	vadd.f32 v4, v46;
	[tilespmem:$0x1FFF0] =	vst v0;
	v0 =	vld [tilespmem:s0+$0x8590]  }
0x95: {  	v52 =	vld [tilespmem:s0+$0x4C0];
	v57 =	vadd.f32 v57, v48  }
0x96: {  	v54 =	vld [tilespmem:s0+$0x8490];
	v55 =	vmul.f32 v63, v62;
	(xrf2) =	vadd.scan.msk.f32 $0xffff, v46  }
0x97: {  	v2 =	vmul.f32 v2, v3;
	v48 =	vld [tilespmem:s0+$0x4D0];
	v63 =	vadd.f32 v42, v44;
	(xrf2) =	vadd.scan.msk.f32 $0xffff, v57  }
0x98: {  	v40 =	vadd.f32 v40, v55;
	v61 =	vmul.f32 v61, v13;
	v53 =	vmul.f32 v49, v47;
	v57 =	vld [tilespmem:$0x1FFF0]  }
0x99: {  	v3 =	vmul.f32 v8, v7;
	v62 =	vld [tilespmem:s0+$0x84D0];
	v0 =	vmul.f32 v0, v1  }
0x9a: {  	v4 =	vld [tilespmem:s0+$0x84C0];
	v55 =	vmul.f32 v6, v5;
	v24 =	vadd.f32 v53, v63;
	v1 =	vadd.f32 v61, v40  }
0x9b: {  	v42 =	vld [tilespmem:s0+$0x490];
	v0 =	vadd.f32 v0, v2;
	v2 =	vmul.f32 v50, v56  }
0x9c: {  	v34 =	vld [tilespmem:s0+$0x510];
	v24 =	vadd.f32 v55, v24;
	v3 =	vadd.f32 v3, v1  }
0x9d: {  	v36 =	vld [tilespmem:s0+$0x8420];
	v60 =	vmul.f32 v60, v57;
	v56 =	vmul.f32 v12, v11;
	v0 =	vadd.f32 v2, v0  }
0x9e: {  	v46 =	vmul.f32 v62, v48;
	v63 =	vmul.f32 v10, v9;
	v40 =	vld [tilespmem:s0+$0x8410];
	(xrf2) =	vadd.scan.msk.f32 $0xffff, v3  }
0x9f: {  	v61 =	vmul.f32 v4, v52;
	v1 =	vld [tilespmem:s0+$0x400];
	v62 =	vadd.f32 v60, v22;
	v22, _, _ =	vpop (xrf2);
	v0 =	vadd.f32 v56, v0  }
0xa0: {  	v18 =	vimm.f32 $0.0e+00;
	v47 =	vmul.f32 v54, v42;
	v2 =	vld [tilespmem:s0+$0x8400];
	v49, _, _ =	vpop (xrf2);
	(xrf2) =	vadd.scan.msk.f32 $0xffff, v24  }
0xa1: {  	s1 =	simm.s32 $0x1000;
	v42 =	vld [tilespmem:s0+$0x450];
	v44 =	vadd.f32 v46, v61;
	v46 =	vmul.f32 v58, v59;
	v43 =	vadd.f32 v63, v62;
	v24, _, _ =	vpop (xrf2);
	(xrf2) =	vadd.scan.msk.f32 $0xffff, v0  }
.LBB2_2:
0xa2: {  	_ = 	snop  }
0xa3: {  	v48 =	vld [tilespmem:s0+$0x8450]  }
0xa4: {  	v59 =	vld [tilespmem:s0+$0x8460];
	v44 =	vadd.f32 v46, v44;
	v0 =	vmul.f32 v28, v26  }
0xa5: {  	v28 =	vld [tilespmem:s0+$0x460];
	v1 =	vmul.f32 v2, v1;
	v2 =	vmul.f32 v40, v35  }
0xa6: {  	v45 =	vadd.f32 v47, v45;
	v38 =	vmul.f32 v39, v38;
	v0 =	vadd.f32 v0, v44  }
0xa7: {  	v60 =	vld [tilespmem:s0+$0x8470];
	(xrf2) =	vadd.scan.msk.f32 $0xffff, v43;
	v25 =	vmul.f32 v27, v51;
	v1 =	vadd.f32 v2, v1;
	v2 =	vmul.f32 v36, v33  }
0xa8: {  	v27 =	vld [tilespmem:s0+$0x8510];
	v61 =	vmul.f32 v41, v37;
	v26, _, _ =	vpop (xrf2);
	(xrf2) =	vadd.scan.msk.f32 $0xffff, v0;
	v0 =	vmul.f32 v48, v42  }
0xa9: {  	v38 =	vadd.f32 v38, v45;
	v1 =	vadd.f32 v2, v1  }
0xaa: {  	v62 =	vld [tilespmem:s0+$0x8520];
	v2 =	vmul.f32 v30, v29;
	v28 =	vmul.f32 v59, v28;
	v30 =	vadd.f32 v0, v61  }
0xab: {  	v25 =	vadd.f32 v25, v38  }
0xac: {  	v40 =	vld [tilespmem:s0+$0x8530];
	v1 =	vadd.f32 v2, v1;
	v0 =	vmul.f32 v60, v23;
	v28 =	vadd.f32 v28, v30  }
0xad: {  	v63, _, _ =	vpop (xrf2);
	(xrf2) =	vadd.scan.msk.f32 $0xffff, v25;
	v2 =	vmul.f32 v32, v31;
	v25 =	vmul.f32 v27, v34  }
0xae: {  	v41, _, _ =	vpop (xrf2);
	(xrf2) =	vadd.scan.msk.f32 $0xffff, v1;
	v1 =	vadd.f32 v0, v28;
	v0 =	vld [tilespmem:$0x1FF60]  }
0xaf: {  	v21 =	vmul.f32 v62, v21;
	v2 =	vadd.f32 v25, v2;
	_ =	sdelay $0x1  }
0xb0: {  	v16 =	vmul.f32 v40, v16;
	v2 =	vadd.f32 v21, v2  }
0xb1: {  	v30 =	vld [tilespmem:s0+$0x8690]  }
0xb2: {  	v23, _, _ =	vpop (xrf2);
	(xrf2) =	vadd.scan.msk.f32 $0xffff, v1;
	v1 =	vadd.f32 v16, v2;
	v2 =	vmul.f32 v0, v14;
	v0 =	vld [tilespmem:$0x1FF70];
	_ =	sdelay $0x2  }
0xb3: {  	v29 =	vld [tilespmem:s0+$0x85D0]  }
0xb4: {  	v25 =	vld [tilespmem:s0+$0x85F0]  }
0xb5: {  	v12 =	vmul.f32 v30, v0;
	v0 =	vld [tilespmem:$0x1FF50];
	_ =	sdelay $0x3  }
0xb6: {  	v17 =	vmul.f32 v19, v17;
	v19 =	vmul.f32 v29, v20;
	v20 =	vld [tilespmem:s0+$0x86A0]  }
0xb7: {  	v4 =	vmul.f32 v25, v0;
	v0 =	vld [tilespmem:$0x1FF40];
	_ =	sdelay $0x3  }
0xb8: {  	v3 =	vld [tilespmem:$0x1FF20]  }
0xb9: {  	v10 =	vmul.f32 v20, v0;
	v0 =	vld [tilespmem:$0x1FF10];
	_ =	sdelay $0x3  }
0xba: {  	v21 =	vld [tilespmem:s0+$0x8750]  }
0xbb: {  	v7 =	vmul.f32 v3, v0;
	v0 =	vld [tilespmem:$0x1FF30];
	_ =	sdelay $0x2  }
0xbc: {  	v27 =	vld [tilespmem:s0+$0x85E0]  }
0xbd: {  	v17 =	vadd.f32 v19, v17;
	v19 =	vld [tilespmem:s0+$0x86B0]  }
0xbe: {  	v8 =	vmul.f32 v21, v0;
	v0 =	vld [tilespmem:$0x1FF00];
	_ =	sdelay $0x2  }
0xbf: {  	v15 =	vmul.f32 v27, v15  }
0xc0: {  	v13 =	vld [tilespmem:s0+$0x8760]  }
0xc1: {  	v15 =	vadd.f32 v15, v17;
	v2 =	vadd.f32 v12, v2;
	v6 =	vmul.f32 v19, v0;
	v0 =	vld [tilespmem:$0x1FEF0];
	_ =	sdelay $0x1  }
0xc2: {  	v9 =	vld [tilespmem:s0+$0x7E0];
	v14, _, _ =	vpop (xrf2);
	(xrf2) =	vadd.scan.msk.f32 $0xffff, v1;
	v1 =	vadd.f32 v4, v15;
	v2 =	vadd.f32 v10, v2  }
0xc3: {  	v43 =	vld [tilespmem:s0+$0x7F0]  }
0xc4: {  	v11, _, _ =	vpop (xrf2);
	(xrf2) =	vadd.scan.msk.f32 $0xffff, v1;
	v1 =	vadd.f32 v6, v2;
	v2 =	vld [tilespmem:$0x1FEC0]  }
0xc5: {  	v5 =	vmul.f32 v13, v0;
	v0 =	vld [tilespmem:$0x1FEB0]  }
0xc6: {  	v44 =	vld [tilespmem:s0+$0x87F0]  }
0xc7: {  	v42 =	vld [tilespmem:s0+$0x87E0]  }
0xc8: {  	v16 =	vld [tilespmem:s0+$0x7D0]  }
0xc9: {  	v12 =	vld [tilespmem:s0+$0x87D0];
	s0 =	sshra.s32 s1, $0x2  }
0xca: {  	v2 =	vmul.f32 v2, v0;
	v0 =	vld [tilespmem:s0+$0x7B0];
	_ =	sdelay $0x3  }
0xcb: {  	v45 =	vld [tilespmem:$0x1FEE0]  }
0xcc: {  	[tilespmem:$0x1FE40] =	vst v0;
	v0 =	vld [tilespmem:$0x1FED0];
	_ =	sdelay $0x4  }
0xcd: {  	v4 =	vmul.f32 v45, v0;
	v0 =	vld [tilespmem:s0+$0x770];
	_ =	sdelay $0x4  }
0xce: {  	[tilespmem:$0x1FEB0] =	vst v0;
	v0 =	vld [tilespmem:s0+$0x8770];
	_ =	sdelay $0x3  }
0xcf: {  	v31 =	vld [tilespmem:s0+$0x87B0]  }
0xd0: {  	[tilespmem:$0x1FEC0] =	vst v0;
	v0 =	vld [tilespmem:s0+$0x7C0]  }
0xd1: {  	v33 =	vld [tilespmem:s0+$0x730]  }
0xd2: {  	v36 =	vld [tilespmem:s0+$0x8730]  }
0xd3: {  	v34 =	vld [tilespmem:s0+$0x7A0];
	v7 =	vadd.f32 v8, v7  }
0xd4: {  	v38 =	vld [tilespmem:s0+$0x87A0]  }
0xd5: {  	v13, _, _ =	vpop (xrf2);
	v3 =	vadd.f32 v5, v7;
	[tilespmem:$0x1FED0] =	vst v0;
	v0 =	vld [tilespmem:s0+$0x87C0]  }
0xd6: {  	v54 =	vbroadcast v41, $0xF;
	v41 =	vld [tilespmem:s0+$0x720];
	v48, _, _ =	vpop (xrf2)  }
0xd7: {  	v32 =	vld [tilespmem:s0+$0x8720];
	(xrf2) =	vadd.scan.msk.f32 $0xffff, v1;
	v5 =	vbroadcast v48, $0xF;
	v1 =	vadd.f32 v2, v3;
	v3 =	vbroadcast v13, $0xF  }
0xd8: {  	v50 =	vbroadcast v11, $0xF;
	v39 =	vld [tilespmem:s0+$0x780]  }
0xd9: {  	v51 =	vbroadcast v14, $0xF;
	v40 =	vld [tilespmem:s0+$0x8630];
	v52, _, _ =	vpop (xrf2);
	(xrf2) =	vadd.scan.msk.f32 $0xffff, v1;
	v1 =	vsel vm0, v3, v5  }
0xda: {  	v61 =	vld [tilespmem:s0+$0x710];
	v1 =	vsel vm1, v1, v50;
	[tilespmem:$0x1FEE0] =	vst v0;
	v0 =	vbroadcast v52, $0xF  }
0xdb: {  	v58 =	vbroadcast v49, $0xF;
	v49 =	vld [tilespmem:s0+$0x660];
	v1 =	vsel vm2, v1, v51  }
0xdc: {  	v1 =	vsel vm3, v1, v0;
	v0 =	vld [tilespmem:s0+$0x6F0]  }
0xdd: {  	v35 =	vld [tilespmem:s0+$0x8660]  }
0xde: {  	v56 =	vbroadcast v63, $0xF;
	v63 =	vld [tilespmem:s0+$0x6C0]  }
0xdf: {  	v37 =	vld [tilespmem:s0+$0x5E0]  }
0xe0: {  	v47 =	vmul.f32 v42, v9;
	v42 =	vld [tilespmem:s0+$0x530]  }
0xe1: {  	[tilespmem:$0x1FE50] =	vst v0;
	v0 =	vld [tilespmem:s0+$0x86F0]  }
0xe2: {  	v9 =	vld [tilespmem:s0+$0x600];
	v46 =	vmul.f32 v12, v16  }
0xe3: {  	v11 =	vld [tilespmem:s0+$0x8610]  }
0xe4: {  	v28 =	vld [tilespmem:s0+$0x84F0];
	v2 =	vadd.f32 v46, v4  }
0xe5: {  	v62 =	vld [tilespmem:s0+$0x8560]  }
0xe6: {  	v6 =	vmul.f32 v44, v43;
	v2 =	vadd.f32 v47, v2;
	[tilespmem:$0x1FE60] =	vst v0;
	v0 =	vld [tilespmem:s0+$0x760]  }
0xe7: {  	v60 =	vbroadcast v22, $0xF;
	v22 =	vld [tilespmem:s0+$0x85C0]  }
0xe8: {  	v53 =	vbroadcast v23, $0xF;
	v14 =	vld [tilespmem:s0+$0x590];
	v2 =	vadd.f32 v6, v2  }
0xe9: {  	v12 =	vld [tilespmem:s0+$0x580];
	v55, _, _ =	vpop (xrf2)  }
0xea: {  	v34 =	vmul.f32 v38, v34;
	v38 =	vld [tilespmem:s0+$0x4A0];
	(xrf2) =	vadd.scan.msk.f32 $0xffff, v2;
	v2 =	vbroadcast v55, $0xF;
	v1 =	vsel vm4, v1, v53  }
0xeb: {  	v1 =	vsel vm5, v1, v54;
	[tilespmem:$0x1FEF0] =	vst v0;
	v0 =	vld [tilespmem:s0+$0x6B0]  }
0xec: {  	v41 =	vmul.f32 v32, v41;
	v32 =	vld [tilespmem:s0+$0x8500];
	v57, _, _ =	vpop (xrf2);
	v1 =	vsel vm6, v1, v2;
	v2 =	vbroadcast v26, $0xF  }
0xed: {  	v10 =	vld [tilespmem:s0+$0x8600];
	v7 =	vbroadcast v57, $0xF;
	v1 =	vsel vm7, v1, v56  }
0xee: {  	v8 =	vld [tilespmem:s0+$0x8650];
	v1 =	vsel vm8, v1, v2;
	v2 =	vbroadcast v24, $0xF  }
0xef: {  	v19 =	vld [tilespmem:s0+$0x540];
	v59, _, _ =	vpop (xrf2);
	v1 =	vsel vm9, v1, v7  }
0xf0: {  	v43 =	vld [tilespmem:s0+$0x5B0];
	v1 =	vsel vm10, v1, v2;
	[tilespmem:$0x1FF00] =	vst v0;
	v0 =	vbroadcast v59, $0xF  }
0xf1: {  	v44 =	vld [tilespmem:s0+$0x570];
	v1 =	vsel vm11, v1, v58  }
0xf2: {  	v1 =	vsel vm12, v1, v0;
	v0 =	vld [tilespmem:s0+$0x670]  }
0xf3: {  	v48 =	vld [tilespmem:s0+$0x86E0]  }
0xf4: {  	v13 =	vld [tilespmem:s0+$0x8580]  }
0xf5: {  	v3 =	vld [tilespmem:s0+$0x6D0]  }
0xf6: {  	v5 =	vld [tilespmem:s0+$0x640]  }
0xf7: {  	[tilespmem:$0x1FE70] =	vst v0;
	v0 =	vld [tilespmem:s0+$0x8670]  }
0xf8: {  	v50 =	vld [tilespmem:s0+$0x8780]  }
0xf9: {  	v57 =	vld [tilespmem:s0+$0x85A0]  }
0xfa: {  	v51 =	vld [tilespmem:s0+$0x4B0]  }
0xfb: {  	v45 =	vld [tilespmem:s0+$0x85B0]  }
0xfc: {  	[tilespmem:$0x1FE80] =	vst v0;
	v0 =	vld [tilespmem:s0+$0x740]  }
0xfd: {  	v4 =	vld [tilespmem:s0+$0x86D0]  }
0xfe: {  	v46 =	vld [tilespmem:s0+$0x8570];
	v2, _, _ =	vpop (xrf2);
	v1 =	vsel vm13, v1, v60  }
0xff: {  	v47 =	vld [tilespmem:s0+$0x6E0];
	v23 =	vsel vm14, v1, v2  }
0x100: {  	v6 =	vld [tilespmem:s0+$0x8640];
	v1 =	vand.u32 $0x7FFFFFFF, v23  }
0x101: {  	v1 =	vsub.f32 $0.0e+00, v1;
	[tilespmem:$0x1FF10] =	vst v0;
	v0 =	vld [tilespmem:s0+$0x8740]  }
0x102: {  	v55 =	vld [tilespmem:s0+$0x8790]  }
0x103: {  	v52 =	vld [tilespmem:s0+$0x790];
	v1 =	vmul.f32 $1.442695020e+00, v1  }
0x104: {  	v53 =	vld [tilespmem:s0+$0x620]  }
0x105: {  	v54 =	vld [tilespmem:s0+$0x8620];
	(erf) = vpow2.f32 v1  }
0x106: {  	[tilespmem:$0x1FF20] =	vst v0;
	v0 =	vld [tilespmem:s0+$0x750]  }
0x107: {  	v26 =	vld [tilespmem:s0+$0x4F0]  }
0x108: {  	v39 =	vmul.f32 v50, v39;
	v50 =	vmul.f32 v55, v52;
	v52 =	vld [tilespmem:s0+$0x550]  }
0x109: {  	v55 =	vld [tilespmem:s0+$0x8550]  }
0x10a: {  	v56 =	vld [tilespmem:s0+$0x5A0]  }
0x10b: {  	[tilespmem:$0x1FF30] =	vst v0;
	v0 =	vld [tilespmem:s0+$0x630]  }
0x10c: {  	v58 =	vld [tilespmem:s0+$0x700]  }
0x10d: {  	v60 =	vld [tilespmem:s0+$0x8700]  }
0x10e: {  	v1 =	vld [tilespmem:s0+$0x8710];
	v15 =	vpop (erf)  }
0x10f: {  	v7 =	vld [tilespmem:s0+$0x650];
	v2 =	vadd.f32 $2.000000000e+00, v15  }
0x110: {  	[tilespmem:$0x1FE90] =	vst v0;
	v0 =	vld [tilespmem:s0+$0x6A0]  }
0x111: {  	v24 =	vld [tilespmem:s0+$0x5C0];
	(erf) = vrcp.f32 v2  }
0x112: {  	v50 =	vadd.f32 v50, v39;
	v39 =	vld [tilespmem:s0+$0x84A0]  }
0x113: {  	v59 =	vld [tilespmem:s0+$0x560];
	v58 =	vmul.f32 v60, v58;
	v1 =	vmul.f32 v1, v61  }
0x114: {  	v61 =	vld [tilespmem:$0x1FE40]  }
0x115: {  	v60 =	vmul.f32 v8, v7;
	v1 =	vadd.f32 v1, v58;
	v58 =	vmul.f32 v6, v5;
	[tilespmem:$0x1FF40] =	vst v0;
	v0 =	vld [tilespmem:s0+$0x5F0]  }
0x116: {  	v6 =	vld [tilespmem:s0+$0x4C0]  }
0x117: {  	v3 =	vmul.f32 v4, v3;
	v4 =	vadd.f32 v60, v58;
	v60 =	vld [tilespmem:s0+$0x490]  }
0x118: {  	v2 =	vld [tilespmem:s0+$0x86C0]  }
0x119: {  	v1 =	vadd.f32 v41, v1;
	v41 =	vld [tilespmem:s0+$0x8440]  }
0x11a: {  	v16 =	vpop (erf);
	[tilespmem:$0x1FF50] =	vst v0;
	v0 =	vld [tilespmem:s0+$0x680]  }
0x11b: {  	v34 =	vadd.f32 v34, v50;
	v50 =	vmul.f32 v31, v61;
	v31 =	vld [tilespmem:s0+$0x500];
	v21 =	vmul.f32 v16, v15  }
0x11c: {  	v61 =	vld [tilespmem:$0x1FE60]  }
0x11d: {  	v2 =	vmul.f32 v2, v63;
	v63 =	vadd.f32 v50, v34;
	v34 =	vld [tilespmem:s0+$0x510];
	v20 =	vmul.f32 v21, v21  }
0x11e: {  	v50 =	vmul.f32 v36, v33;
	v33 =	vld [tilespmem:s0+$0x420]  }
0x11f: {  	v16 =	vmul.f32 $9.090909360e-02, v20;
	[tilespmem:$0x1FEA0] =	vst v0;
	v0 =	vld [tilespmem:s0+$0x8680]  }
0x120: {  	v36 =	vld [tilespmem:s0+$0x8420]  }
0x121: {  	(xrf2) =	vadd.scan.msk.f32 $0xffff, v63;
	v63 =	vld [tilespmem:s0+$0x84C0];
	v17 =	vadd.f32 $1.111111120e-01, v16  }
0x122: {  	v2 =	vadd.f32 v3, v2;
	v3 =	vmul.f32 v48, v47;
	v48 =	vld [tilespmem:s0+$0x4D0]  }
0x123: {  	v47 =	vmul.f32 v35, v49;
	v49 =	vld [tilespmem:$0x1FE70];
	v17 =	vmul.f32 v17, v20  }
0x124: {  	[tilespmem:$0x1FF60] =	vst v0;
	v0 =	vld [tilespmem:s0+$0x690]  }
0x125: {  	v1 =	vadd.f32 v50, v1;
	v50 =	vld [tilespmem:$0x1FE80];
	v17 =	vadd.f32 $1.428571490e-01, v17  }
0x126: {  	v2 =	vadd.f32 v3, v2;
	v3 =	vld [tilespmem:$0x1FE50]  }
0x127: {  	v15 =	vld [tilespmem:s0+$0x8590];
	v17 =	vmul.f32 v17, v20  }
0x128: {  	v35 =	vld [tilespmem:s0+$0x410]  }
0x129: {  	v17 =	vadd.f32 $2.000000030e-01, v17;
	[tilespmem:$0x1FF70] =	vst v0;
	v0 =	vld [tilespmem:s0+$0x610]  }
0x12a: {  	(xrf2) =	vadd.scan.msk.f32 $0xffff, v1;
	v1 =	vmul.f32 v10, v9;
	v9 =	vld [tilespmem:s0+$0x480]  }
0x12b: {  	v30 =	vadd.f32 v21, v21;
	v21 =	vld [tilespmem:s0+$0x520];
	v17 =	vmul.f32 v17, v20  }
0x12c: {  	v3 =	vmul.f32 v61, v3;
	v58 =	vmul.f32 v15, v14;
	v15 =	vmov v37;
	v37 =	vld [tilespmem:s0+$0x440]  }
0x12d: {  	v16 =	vld [tilespmem:s0+$0x4E0];
	v25 =	vadd.f32 $3.333333430e-01, v17  }
0x12e: {  	v2 =	vadd.f32 v3, v2;
	v3 =	vld [tilespmem:s0+$0x84D0];
	v0 =	vmul.f32 v11, v0  }
0x12f: {  	v27 =	vmul.f32 v25, v20;
	v25 =	vld [tilespmem:s0+$0x5D0]  }
0x130: {  	v20 =	vld [tilespmem:s0+$0x8540];
	v0 =	vadd.f32 v0, v1;
	v1 =	vmul.f32 v54, v53  }
0x131: {  	(xrf2) =	vadd.scan.msk.f32 $0xffff, v2;
	v2 =	vmul.f32 v13, v12;
	v13 =	vld [tilespmem:s0+$0x8490]  }
0x132: {  	v29 =	vadd.f32 $1.000000000e+00, v27;
	v0 =	vadd.f32 v1, v0;
	v1 =	vld [tilespmem:$0x1FE90]  }
0x133: {  	v4 =	vadd.f32 v47, v4;
	v5 =	vmul.f32 v50, v49;
	v17 =	vld [tilespmem:s0+$0x84E0]  }
0x134: {  	v23 =	vmin.f32 v23, $0.0e+00;
	v27 =	vld [tilespmem:s0+$0x84B0];
	v29 =	vmul.f32 v29, v30  }
0x135: {  	v4 =	vadd.f32 v5, v4;
	v30 =	vld [tilespmem:s0+$0x8430];
	v61 =	vmul.f32 v20, v19;
	v20 =	vmovc v25;
	v25 =	vmul.f32 v55, v52  }
0x136: {  	v14 =	vmul.f32 v57, v56;
	v23 =	vsub.f32 v23, v29;
	v29 =	vld [tilespmem:s0+$0x430];
	v11 =	vadd.f32 v58, v2  }
0x137: {  	(xrf2) =	vadd.scan.msk.f32 $0xffff, v4;
	v4 =	vadd.f32 v25, v61;
	v54 =	vld [tilespmem:s0+$0x8480];
	v12 =	vmul.f32 v40, v1  }
0x138: {  	p0 =	sne.s32 s1, $0x7000;
	v18 =	vadd.f32 v23, v18;
	v23 =	vld [tilespmem:s0+$0x470];
	v11 =	vadd.f32 v14, v11;
	v14 =	vmul.f32 v62, v59  }
.Ltmp0:
0x139: {  	v2 =	vld [tilespmem:s0+$0x8400];
	v0 =	vadd.f32 v12, v0;
	v12 =	vmul.f32 v45, v43;
	(pc) =	sbr.rel @p0 .LBB2_2-.Ltmp0, $4  }
0x13a: {  	v3 =	vmul.f32 v3, v48;
	v47 =	vmul.f32 v13, v60;
	v19 =	vmovc v22;
	v4 =	vadd.f32 v14, v4;
	v14 =	vld [tilespmem:$0x1FEA0]  }
0x13b: {  	v22, _, _ =	vpop (xrf2);
	v1 =	vld [tilespmem:s0+$0x400];
	(xrf2) =	vadd.scan.msk.f32 $0xffff, v0;
	v0 =	vmul.f32 v63, v6;
	v62 =	vadd.f32 v12, v11;
	v63 =	vmul.f32 v46, v44  }
0x13c: {  	v49, _, _ =	vpop (xrf2);
	v40 =	vld [tilespmem:s0+$0x8410];
	v45 =	vmul.f32 v54, v9;
	v46 =	vmul.f32 v17, v16;
	v17 =	vmov v24  }
0x13d: {  	s1 =	sadd.s32 $0x1000, s1;
	v16 =	vmov v42;
	v42 =	vld [tilespmem:s0+$0x450];
	v24, _, _ =	vpop (xrf2);
	v44 =	vadd.f32 v3, v0;
	(xrf2) =	vadd.scan.msk.f32 $0xffff, v62;
	v43 =	vadd.f32 v63, v4  }
0x13e: {  	v0 =	vld [tilespmem:s0+$0x8450]  }
0x13f: {  	v3 =	vld [tilespmem:s0+$0x460]  }
0x140: {  	v5 =	vmul.f32 v28, v26;
	v6 =	vld [tilespmem:s0+$0x8460];
	v8 =	vmul.f32 v39, v38  }
0x141: {  	v9 =	vld [tilespmem:s0+$0x8510];
	v55 =	vmul.f32 v41, v37;
	v11 =	vmul.f32 v27, v51  }
0x142: {  	v7 =	vadd.f32 v47, v45;
	v10 =	vld [tilespmem:s0+$0x8520];
	v1 =	vmul.f32 v2, v1;
	v2 =	vmul.f32 v40, v35  }
0x143: {  	v54 =	vld [tilespmem:s0+$0x8470];
	v13 =	vmul.f32 v30, v29;
	v4 =	vadd.f32 v46, v44;
	v0 =	vmul.f32 v0, v42  }
0x144: {  	v7 =	vadd.f32 v8, v7;
	v1 =	vadd.f32 v2, v1;
	v2 =	vmul.f32 v36, v33  }
0x145: {  	v56 =	vld [tilespmem:s0+$0x8530];
	v4 =	vadd.f32 v5, v4;
	v3 =	vmul.f32 v6, v3;
	v0 =	vadd.f32 v0, v55  }
0x146: {  	v57 =	vmul.f32 v9, v34;
	v1 =	vadd.f32 v2, v1;
	v2 =	vmul.f32 v32, v31  }
0x147: {  	(xrf2) =	vadd.scan.msk.f32 $0xffff, v43;
	v7 =	vadd.f32 v11, v7;
	v60 =	vmul.f32 v10, v21;
	v0 =	vadd.f32 v3, v0  }
0x148: {  	(xrf2) =	vadd.scan.msk.f32 $0xffff, v4;
	v3 =	vmul.f32 v54, v23;
	v1 =	vadd.f32 v13, v1;
	v2 =	vadd.f32 v57, v2  }
0x149: {  	(xrf2) =	vadd.scan.msk.f32 $0xffff, v7  }
0x14a: {  	v0 =	vadd.f32 v3, v0;
	(xrf2) =	vadd.scan.msk.f32 $0xffff, v1;
	v1 =	vadd.f32 v60, v2;
	v2 =	vmul.f32 v56, v16  }
0x14b: {  	v59 =	vld [tilespmem:s0+$0x8690]  }
0x14c: {  	(xrf2) =	vadd.scan.msk.f32 $0xffff, v0;
	v0 =	vadd.f32 v2, v1;
	v1 =	vld [tilespmem:$0x1FF60]  }
0x14d: {  	v2 =	vld [tilespmem:$0x1FF70];
	_ =	sdelay $0x1  }
0x14e: {  	v12 =	vld [tilespmem:s0+$0x85D0]  }
0x14f: {  	v58 =	vld [tilespmem:s0+$0x85E0]  }
0x150: {  	v61 =	vld [tilespmem:s0+$0x85F0]  }
0x151: {  	v63 =	vld [tilespmem:s0+$0x86A0];
	v1 =	vmul.f32 v1, v14;
	v2 =	vmul.f32 v59, v2  }
0x152: {  	v37 =	vld [tilespmem:s0+$0x7D0]  }
0x153: {  	v1 =	vadd.f32 v2, v1;
	v2 =	vld [tilespmem:$0x1FF40]  }
0x154: {  	v39 =	vld [tilespmem:s0+$0x87D0]  }
0x155: {  	v41 =	vld [tilespmem:$0x1FF20]  }
0x156: {  	v45 =	vld [tilespmem:$0x1FEF0]  }
0x157: {  	v47 =	vld [tilespmem:$0x1FED0]  }
0x158: {  	v34 =	vld [tilespmem:s0+$0x86B0];
	v2 =	vmul.f32 v63, v2  }
0x159: {  	v36 =	vld [tilespmem:$0x1FF50]  }
0x15a: {  	v1 =	vadd.f32 v2, v1;
	v2 =	vld [tilespmem:$0x1FF00]  }
0x15b: {  	v43 =	vld [tilespmem:s0+$0x7E0];
	v62 =	vmul.f32 v12, v20;
	v3 =	vmul.f32 v19, v17  }
0x15c: {  	v40 =	vld [tilespmem:$0x1FF10]  }
0x15d: {  	v33 =	vmul.f32 v58, v15;
	v42 =	vld [tilespmem:$0x1FF30];
	v3 =	vadd.f32 v62, v3  }
0x15e: {  	v32 =	vld [tilespmem:s0+$0x8750]  }
0x15f: {  	v35 =	vld [tilespmem:s0+$0x8760];
	v6 =	vmul.f32 v61, v36;
	v3 =	vadd.f32 v33, v3;
	v2 =	vmul.f32 v34, v2  }
0x160: {  	v14 =	vld [tilespmem:$0x1FEC0]  }
0x161: {  	v38, _, _ =	vpop (xrf2);
	(xrf2) =	vadd.scan.msk.f32 $0xffff, v0;
	v3 =	vadd.f32 v6, v3;
	v1 =	vadd.f32 v2, v1;
	v2 =	vld [tilespmem:$0x1FEB0]  }
0x162: {  	v16 =	vld [tilespmem:$0x1FEE0];
	v0, _, _ =	vpop (xrf2)  }
0x163: {  	v44 =	vld [tilespmem:s0+$0x87E0];
	v4 =	vmul.f32 v32, v42;
	v6 =	vmul.f32 v41, v40;
	v12, _, _ =	vpop (xrf2)  }
0x164: {  	v13, _, _ =	vpop (xrf2);
	(xrf2) =	vadd.scan.msk.f32 $0xffff, v3  }
0x165: {  	v46 =	vld [tilespmem:s0+$0x7F0];
	v5 =	vmul.f32 v35, v45;
	v4 =	vadd.f32 v4, v6;
	v3, _, _ =	vpop (xrf2)  }
0x166: {  	v15, _, _ =	vpop (xrf2);
	v2 =	vmul.f32 v14, v2;
	v14 =	vld [tilespmem:s0+$0x87F0]  }
0x167: {  	v8 =	vmul.f32 v39, v37;
	v4 =	vadd.f32 v5, v4;
	v5 =	vmul.f32 v16, v47;
	v48, _, _ =	vpop (xrf2);
	(xrf2) =	vadd.scan.msk.f32 $0xffff, v1  }
0x168: {  	v50 =	vmul.f32 v44, v43;
	v51, _, _ =	vpop (xrf2);
	v52 =	vbroadcast v48, $0xF  }
0x169: {  	v1 =	vadd.f32 v2, v4;
	v2 =	vadd.f32 v8, v5;
	v5 =	vbroadcast v51, $0xF  }
0x16a: {  	v3 =	vbroadcast v3, $0xF;
	v53 =	vbroadcast v15, $0xF  }
0x16b: {  	v55, _, _ =	vpop (xrf2);
	v2 =	vadd.f32 v50, v2;
	(xrf2) =	vadd.scan.msk.f32 $0xffff, v1;
	v1 =	vsel vm0, v52, v5;
	v54 =	vmul.f32 v14, v46  }
0x16c: {  	v5 =	vbroadcast v55, $0xF;
	v1 =	vsel vm1, v1, v53  }
0x16d: {  	v1 =	vsel vm2, v1, v3;
	v3 =	vbroadcast v13, $0xF;
	v2 =	vadd.f32 v54, v2  }
0x16e: {  	v56 =	vbroadcast v12, $0xF;
	v57, _, _ =	vpop (xrf2);
	v1 =	vsel vm3, v1, v5  }
0x16f: {  	v1 =	vsel vm4, v1, v3;
	(xrf2) =	vadd.scan.msk.f32 $0xffff, v2;
	v2 =	vbroadcast v57, $0xF  }
0x170: {  	v0 =	vbroadcast v0, $0xF;
	v1 =	vsel vm5, v1, v56  }
0x171: {  	v3, _, _ =	vpop (xrf2);
	v1 =	vsel vm6, v1, v2;
	v2 =	vbroadcast v38, $0xF  }
0x172: {  	v0 =	vsel vm7, v1, v0;
	v1 =	vbroadcast v3, $0xF  }
0x173: {  	v0 =	vsel vm8, v0, v2;
	v2 =	vbroadcast v24, $0xF  }
0x174: {  	v0 =	vsel vm9, v0, v1;
	v1 =	vbroadcast v49, $0xF  }
0x175: {  	v0 =	vsel vm10, v0, v2  }
0x176: {  	v3, _, _ =	vpop (xrf2);
	v0 =	vsel vm11, v0, v1;
	v1 =	vbroadcast v22, $0xF  }
0x177: {  	v2 =	vbroadcast v3, $0xF;
	_ =	sdelay $0x1  }
0x178: {  	v0 =	vsel vm12, v0, v2  }
0x179: {  	v0 =	vsel vm13, v0, v1;
	v1, _, _ =	vpop (xrf2)  }
0x17a: {  	v3 =	vsel vm14, v0, v1  }
0x17b: {  	v0 =	vand.u32 $0x7FFFFFFF, v3  }
0x17c: {  	v0 =	vsub.f32 $0.0e+00, v0;
	_ =	sdelay $0x1  }
0x17d: {  	v0 =	vmul.f32 $1.442695020e+00, v0;
	_ =	sdelay $0x1  }
0x17e: {  	(erf) = vpow2.f32 v0;
	_ =	sdelay $0x8  }
0x17f: {  	v0 =	vpop (erf)  }
0x180: {  	v1 =	vadd.f32 $2.000000000e+00, v0;
	_ =	sdelay $0x1  }
0x181: {  	(erf) = vrcp.f32 v1;
	_ =	sdelay $0x8  }
0x182: {  	v21 =	vpop (erf)  }
0x183: {  	_ =	swait.ge [sflag:s26], $0x2000  }
0x184: {  	[sflag:s26] =	ssyncset.done $0x0  }
0x185: {  	[sflag:s26] =	ssyncadd.s32 $0xFFFFE000  }
0x186: {  	_ =	swait.ge [sflag:s26], $0x2000  }
0x187: {  	[sflag:s26] =	ssyncset.done $0x0  }
0x188: {  	s0 =	simm.s32 $0x0;
	[sflag:s26] =	ssyncadd.s32 $0xFFFFE000  }
0x189: {  	v1 =	vld [tilespmem:s0+$0x27B0];
	_ =	sdelay $0x4  }
0x18a: {  	[tilespmem:$0x1FD70] =	vst v1;
	v1 =	vld [tilespmem:s0+$0xA7B0];
	_ =	sdelay $0x4  }
0x18b: {  	[tilespmem:$0x1FD80] =	vst v1;
	v1 =	vld [tilespmem:s0+$0x2770];
	_ =	sdelay $0x4  }
0x18c: {  	[tilespmem:$0x1FC90] =	vst v1;
	v1 =	vld [tilespmem:s0+$0xA770];
	_ =	sdelay $0x4  }
0x18d: {  	[tilespmem:$0x1FCA0] =	vst v1;
	v1 =	vld [tilespmem:s0+$0x27C0];
	_ =	sdelay $0x4  }
0x18e: {  	[tilespmem:$0x1FCB0] =	vst v1;
	v1 =	vld [tilespmem:s0+$0xA7C0];
	_ =	sdelay $0x4  }
0x18f: {  	[tilespmem:$0x1FCC0] =	vst v1;
	v1 =	vld [tilespmem:s0+$0x2730];
	_ =	sdelay $0x4  }
0x190: {  	[tilespmem:$0x1FD90] =	vst v1;
	v1 =	vld [tilespmem:s0+$0xA730];
	_ =	sdelay $0x4  }
0x191: {  	[tilespmem:$0x1FDA0] =	vst v1;
	v1 =	vld [tilespmem:s0+$0x2760];
	_ =	sdelay $0x4  }
0x192: {  	[tilespmem:$0x1FCD0] =	vst v1;
	v1 =	vld [tilespmem:s0+$0x26B0];
	_ =	sdelay $0x4  }
0x193: {  	[tilespmem:$0x1FCE0] =	vst v1;
	v1 =	vld [tilespmem:s0+$0x2740];
	_ =	sdelay $0x4  }
0x194: {  	[tilespmem:$0x1FCF0] =	vst v1;
	v1 =	vld [tilespmem:s0+$0xA740]  }
0x195: {  	v59 =	vld [tilespmem:s0+$0x27A0]  }
0x196: {  	v58 =	vld [tilespmem:s0+$0xA7A0]  }
0x197: {  	v12 =	vld [tilespmem:s0+$0x26F0]  }
0x198: {  	v13 =	vld [tilespmem:s0+$0xA6F0]  }
0x199: {  	[tilespmem:$0x1FD00] =	vst v1;
	v1 =	vld [tilespmem:s0+$0x2750]  }
0x19a: {  	v34 =	vld [tilespmem:s0+$0x2720]  }
0x19b: {  	v33 =	vld [tilespmem:s0+$0xA720]  }
0x19c: {  	v38 =	vld [tilespmem:s0+$0x2780]  }
0x19d: {  	v39 =	vld [tilespmem:s0+$0xA780]  }
0x19e: {  	[tilespmem:$0x1FD10] =	vst v1;
	v1 =	vld [tilespmem:s0+$0x26A0]  }
0x19f: {  	v32 =	vld [tilespmem:s0+$0x2790]  }
0x1a0: {  	v31 =	vld [tilespmem:s0+$0xA790]  }
0x1a1: {  	v6 =	vld [tilespmem:s0+$0x2670]  }
0x1a2: {  	v7 =	vld [tilespmem:s0+$0xA670]  }
0x1a3: {  	[tilespmem:$0x1FD20] =	vst v1;
	v1 =	vld [tilespmem:s0+$0x25F0]  }
0x1a4: {  	v61 =	vld [tilespmem:s0+$0x26E0]  }
0x1a5: {  	v60 =	vld [tilespmem:s0+$0xA6E0]  }
0x1a6: {  	v4 =	vld [tilespmem:s0+$0x2630]  }
0x1a7: {  	v5 =	vld [tilespmem:s0+$0xA630]  }
0x1a8: {  	[tilespmem:$0x1FD30] =	vst v1;
	v1 =	vld [tilespmem:s0+$0x2660]  }
0x1a9: {  	v48 =	vld [tilespmem:s0+$0x2700]  }
0x1aa: {  	v49 =	vld [tilespmem:s0+$0xA700]  }
0x1ab: {  	v50 =	vld [tilespmem:s0+$0x2710]  }
0x1ac: {  	v51 =	vld [tilespmem:s0+$0xA710]  }
0x1ad: {  	[tilespmem:$0x1FDB0] =	vst v1;
	v1 =	vld [tilespmem:s0+$0xA660]  }
0x1ae: {  	v54 =	vld [tilespmem:s0+$0x26C0]  }
0x1af: {  	v55 =	vld [tilespmem:s0+$0xA6C0]  }
0x1b0: {  	v56 =	vld [tilespmem:s0+$0x26D0]  }
0x1b1: {  	v57 =	vld [tilespmem:s0+$0xA6D0]  }
0x1b2: {  	[tilespmem:$0x1FDC0] =	vst v1;
	v1 =	vld [tilespmem:s0+$0x2620]  }
0x1b3: {  	v10 =	vld [tilespmem:s0+$0x25B0]  }
0x1b4: {  	v11 =	vld [tilespmem:s0+$0xA5B0]  }
0x1b5: {  	v14 =	vld [tilespmem:s0+$0x2680]  }
0x1b6: {  	v8 =	vld [tilespmem:s0+$0x2570]  }
0x1b7: {  	[tilespmem:$0x1FDD0] =	vst v1;
	v1 =	vld [tilespmem:s0+$0xA620]  }
0x1b8: {  	v9 =	vld [tilespmem:s0+$0xA570]  }
0x1b9: {  	v15 =	vld [tilespmem:s0+$0x25E0]  }
0x1ba: {  	v36 =	vld [tilespmem:s0+$0x2640]  }
0x1bb: {  	v35 =	vld [tilespmem:s0+$0xA640]  }
0x1bc: {  	[tilespmem:$0x1FDE0] =	vst v1;
	v1 =	vld [tilespmem:s0+$0xA680]  }
0x1bd: {  	v45 =	vld [tilespmem:s0+$0x2650]  }
0x1be: {  	v44 =	vld [tilespmem:s0+$0xA650]  }
0x1bf: {  	v16 =	vld [tilespmem:s0+$0x2530]  }
0x1c0: {  	v62 =	vld [tilespmem:s0+$0xA5A0]  }
0x1c1: {  	[tilespmem:$0x1FD40] =	vst v1;
	v1 =	vld [tilespmem:s0+$0x2690]  }
0x1c2: {  	v53 =	vld [tilespmem:s0+$0x2600]  }
0x1c3: {  	v47 =	vld [tilespmem:s0+$0xA600]  }
0x1c4: {  	v52 =	vld [tilespmem:s0+$0x2610]  }
0x1c5: {  	v46 =	vld [tilespmem:s0+$0xA610]  }
0x1c6: {  	[tilespmem:$0x1FD50] =	vst v1;
	v1 =	vld [tilespmem:s0+$0x25A0]  }
0x1c7: {  	v25 =	vld [tilespmem:s0+$0x24F0]  }
0x1c8: {  	v27 =	vld [tilespmem:s0+$0xA4F0]  }
0x1c9: {  	v17 =	vld [tilespmem:s0+$0x25C0]  }
0x1ca: {  	v19 =	vld [tilespmem:s0+$0xA5C0]  }
0x1cb: {  	[tilespmem:$0x1FDF0] =	vst v1;
	v1 =	vld [tilespmem:s0+$0x2560]  }
0x1cc: {  	v24 =	vld [tilespmem:s0+$0x24B0]  }
0x1cd: {  	v26 =	vld [tilespmem:s0+$0xA4B0]  }
0x1ce: {  	v2 =	vmul.f32 v21, v0;
	v21 =	vld [tilespmem:s0+$0x2520]  }
0x1cf: {  	v43 =	vld [tilespmem:s0+$0x2580]  }
0x1d0: {  	[tilespmem:$0x1FE00] =	vst v1;
	v1 =	vld [tilespmem:s0+$0xA560]  }
0x1d1: {  	v42 =	vld [tilespmem:s0+$0xA580]  }
0x1d2: {  	v41 =	vld [tilespmem:s0+$0x2590]  }
0x1d3: {  	v28 =	vld [tilespmem:s0+$0xA590]  }
0x1d4: {  	v29 =	vld [tilespmem:s0+$0x2430]  }
0x1d5: {  	[tilespmem:$0x1FE10] =	vst v1;
	v1 =	vld [tilespmem:s0+$0x25D0]  }
0x1d6: {  	v0 =	vmul.f32 v2, v2;
	v30 =	vld [tilespmem:s0+$0xA430]  }
0x1d7: {  	v20 =	vld [tilespmem:s0+$0x24E0]  }
0x1d8: {  	v23 =	vmul.f32 $9.090909360e-02, v0;
	v63 =	vld [tilespmem:s0+$0xA4E0]  }
0x1d9: {  	v40 =	vld [tilespmem:s0+$0x2540]  }
0x1da: {  	v37 =	vld [tilespmem:s0+$0xA540];
	v39 =	vmul.f32 v39, v38;
	[tilespmem:$0x1FD60] =	vst v1;
	v1 =	vadd.f32 $1.111111120e-01, v23  }
0x1db: {  	v22 =	vld [tilespmem:s0+$0x2550];
	v31 =	vmul.f32 v31, v32;
	v32 =	vmul.f32 v49, v48  }
0x1dc: {  	v58 =	vmul.f32 v58, v59;
	v59 =	vld [tilespmem:$0x1FD70];
	v1 =	vmul.f32 v1, v0  }
0x1dd: {  	v48 =	vmul.f32 v51, v50;
	v51 =	vmul.f32 v57, v56;
	v57 =	vld [tilespmem:$0x1FD80]  }
0x1de: {  	[tilespmem:$0x1FE30] =	vst v20;
	v20 =	vld [tilespmem:s0+$0xA550];
	v1 =	vadd.f32 $1.428571490e-01, v1  }
0x1df: {  	v38 =	vld [tilespmem:s0+$0x24A0];
	v49 =	vadd.f32 v31, v39  }
0x1e0: {  	v33 =	vmul.f32 v33, v34;
	v34 =	vld [tilespmem:s0+$0x2510];
	v1 =	vmul.f32 v1, v0  }
0x1e1: {  	v49 =	vadd.f32 v58, v49;
	v58 =	vld [tilespmem:$0x1FD90]  }
0x1e2: {  	v50 =	vmul.f32 v55, v54;
	v54 =	vmul.f32 v57, v59;
	v59 =	vld [tilespmem:$0x1FDA0];
	v1 =	vadd.f32 $2.000000030e-01, v1  }
0x1e3: {  	v56 =	vmul.f32 v60, v61;
	v35 =	vmul.f32 v35, v36;
	v36 =	vld [tilespmem:s0+$0xA420]  }
0x1e4: {  	v44 =	vmul.f32 v44, v45;
	v45 =	vld [tilespmem:s0+$0xA4C0];
	v1 =	vmul.f32 v1, v0  }
0x1e5: {  	v28 =	vmul.f32 v28, v41;
	v41 =	vld [tilespmem:s0+$0xA440];
	v48 =	vadd.f32 v48, v32;
	v50 =	vadd.f32 v51, v50  }
0x1e6: {  	v39 =	vld [tilespmem:s0+$0xA4A0];
	v1 =	vadd.f32 $3.333333430e-01, v1  }
0x1e7: {  	v31 =	vld [tilespmem:s0+$0x2500];
	v48 =	vadd.f32 v33, v48;
	v57 =	vadd.f32 v56, v50;
	v55 =	vmul.f32 v59, v58  }
0x1e8: {  	v32 =	vld [tilespmem:s0+$0xA500];
	v58 =	vmul.f32 v13, v12;
	v0 =	vmul.f32 v1, v0;
	v1 =	vadd.f32 v54, v49  }
0x1e9: {  	v51 =	vld [tilespmem:s0+$0x24C0];
	v48 =	vadd.f32 v55, v48  }
0x1ea: {  	v33 =	vld [tilespmem:s0+$0x2420];
	(xrf2) =	vadd.scan.msk.f32 $0xffff, v1;
	v1 =	vadd.f32 v58, v57  }
0x1eb: {  	v46 =	vmul.f32 v46, v52;
	v52 =	vld [tilespmem:$0x1FDE0];
	(xrf2) =	vadd.scan.msk.f32 $0xffff, v48  }
0x1ec: {  	(xrf2) =	vadd.scan.msk.f32 $0xffff, v1;
	v1 =	vmin.f32 v3, $0.0e+00;
	v3 =	vld [tilespmem:$0x1FDD0]  }
0x1ed: {  	v12 =	vld [tilespmem:$0x1FDB0]  }
0x1ee: {  	v13 =	vld [tilespmem:$0x1FDC0]  }
0x1ef: {  	v56 =	vmul.f32 v37, v40;
	v40 =	vld [tilespmem:s0+$0xA410]  }
0x1f0: {  	v2 =	vadd.f32 v2, v2;
	v37 =	vld [tilespmem:s0+$0x2440];
	v0 =	vadd.f32 $1.000000000e+00, v0  }
0x1f1: {  	v47 =	vmul.f32 v47, v53;
	v53 =	vmul.f32 v52, v3;
	v3 =	vld [tilespmem:$0x1FDF0]  }
0x1f2: {  	v49 =	vld [tilespmem:s0+$0x24D0];
	v0 =	vmul.f32 v0, v2  }
0x1f3: {  	v59 =	vmul.f32 v13, v12;
	v54 =	vld [tilespmem:s0+$0xA490];
	v2 =	vadd.f32 v44, v35  }
0x1f4: {  	v48 =	vld [tilespmem:s0+$0x2480];
	v0 =	vsub.f32 v1, v0;
	v1 =	vmul.f32 v42, v43  }
0x1f5: {  	v2 =	vadd.f32 v59, v2;
	v59 =	vld [tilespmem:$0x1FE10]  }
0x1f6: {  	v1 =	vadd.f32 v28, v1;
	v28 =	vmul.f32 v62, v3;
	v3 =	vld [tilespmem:$0x1FE00]  }
0x1f7: {  	v60 =	vmul.f32 v7, v6;
	v44 =	vld [tilespmem:s0+$0xA4D0]  }
0x1f8: {  	v61 =	vadd.f32 v46, v47;
	v20 =	vmul.f32 v20, v22;
	v42 =	vld [tilespmem:s0+$0xA480];
	v0 =	vadd.f32 v0, v18  }
0x1f9: {  	v58 =	vmul.f32 v11, v10;
	v43 =	vld [tilespmem:s0+$0x2490];
	v55 =	vadd.f32 v60, v2;
	v28 =	vadd.f32 v28, v1  }
0x1fa: {  	v20 =	vadd.f32 v20, v56;
	v57 =	vmul.f32 v5, v4;
	[tilespmem:$0x1FE20] =	vst v0;
	v0 =	vld [tilespmem:$0x1FE30];
	v22 =	vadd.f32 v53, v61  }
0x1fb: {  	v35 =	vld [tilespmem:s0+$0x2410];
	(xrf2) =	vadd.scan.msk.f32 $0xffff, v55;
	v28 =	vadd.f32 v58, v28;
	v60 =	vmul.f32 v59, v3  }
0x1fc: {  	v45 =	vmul.f32 v45, v51;
	v2 =	vld [tilespmem:s0+$0x2400];
	v44 =	vmul.f32 v44, v49;
	v22 =	vadd.f32 v57, v22  }
0x1fd: {  	v51, _, _ =	vpop (xrf2);
	v62 =	vmul.f32 v9, v8;
	v1 =	vld [tilespmem:s0+$0xA400];
	v61 =	vadd.f32 v60, v20  }
0x1fe: {  	v23 =	vld [tilespmem:s0+$0x2470];
	v44 =	vadd.f32 v44, v45;
	v46 =	vmul.f32 v42, v48;
	(xrf2) =	vadd.scan.msk.f32 $0xffff, v22;
	v20, _, _ =	vpop (xrf2)  }
0x1ff: {  	s1 =	simm.s32 $0x1000;
	v47 =	vmul.f32 v54, v43;
	v42 =	vld [tilespmem:s0+$0x2450];
	v45 =	vmul.f32 v63, v0;
	(xrf2) =	vadd.scan.msk.f32 $0xffff, v28;
	v28, _, _ =	vpop (xrf2);
	v43 =	vadd.f32 v62, v61  }
.LBB2_4:
0x200: {  	v48 =	vld [tilespmem:s0+$0xA450]  }
0x201: {  	v44 =	vadd.f32 v45, v44;
	v0 =	vmul.f32 v27, v25  }
0x202: {  	v59 =	vld [tilespmem:s0+$0xA460];
	v1 =	vmul.f32 v1, v2;
	v2 =	vmul.f32 v40, v35  }
0x203: {  	v60 =	vld [tilespmem:s0+$0xA470];
	v38 =	vmul.f32 v39, v38;
	v0 =	vadd.f32 v0, v44  }
0x204: {  	(xrf2) =	vadd.scan.msk.f32 $0xffff, v43;
	v27 =	vld [tilespmem:s0+$0x2460];
	v24 =	vmul.f32 v26, v24;
	v1 =	vadd.f32 v2, v1;
	v2 =	vmul.f32 v36, v33  }
0x205: {  	v58 =	vadd.f32 v47, v46;
	v26 =	vld [tilespmem:s0+$0xA510];
	v61 =	vmul.f32 v41, v37;
	v25, _, _ =	vpop (xrf2);
	(xrf2) =	vadd.scan.msk.f32 $0xffff, v0;
	v0 =	vmul.f32 v48, v42  }
0x206: {  	v1 =	vadd.f32 v2, v1;
	v2 =	vmul.f32 v30, v29;
	v29 =	vld [tilespmem:s0+$0xA5D0]  }
0x207: {  	v38 =	vadd.f32 v38, v58;
	v30 =	vadd.f32 v0, v61;
	v0 =	vld [tilespmem:$0x1FD60]  }
0x208: {  	v62 =	vld [tilespmem:s0+$0xA520]  }
0x209: {  	v24 =	vadd.f32 v24, v38  }
0x20a: {  	v40 =	vld [tilespmem:s0+$0xA530];
	v27 =	vmul.f32 v59, v27  }
0x20b: {  	v63, _, _ =	vpop (xrf2);
	(xrf2) =	vadd.scan.msk.f32 $0xffff, v24;
	v1 =	vadd.f32 v2, v1;
	v2 =	vmul.f32 v32, v31;
	v24 =	vmul.f32 v26, v34  }
0x20c: {  	v3 =	vmul.f32 v60, v23;
	v18 =	vmul.f32 v29, v0;
	v0 =	vld [tilespmem:$0x1FD40]  }
0x20d: {  	v21 =	vmul.f32 v62, v21;
	v27 =	vadd.f32 v27, v30;
	v2 =	vadd.f32 v24, v2;
	_ =	sdelay $0x1  }
0x20e: {  	v41, _, _ =	vpop (xrf2);
	v16 =	vmul.f32 v40, v16;
	(xrf2) =	vadd.scan.msk.f32 $0xffff, v1;
	v1 =	vadd.f32 v3, v27;
	v2 =	vadd.f32 v21, v2  }
0x20f: {  	v30 =	vld [tilespmem:s0+$0xA690]  }
0x210: {  	v23, _, _ =	vpop (xrf2);
	(xrf2) =	vadd.scan.msk.f32 $0xffff, v1;
	v1 =	vadd.f32 v16, v2;
	v2 =	vmul.f32 v0, v14;
	v0 =	vld [tilespmem:$0x1FD50];
	_ =	sdelay $0x3  }
0x211: {  	v24 =	vld [tilespmem:s0+$0xA5F0]  }
0x212: {  	v12 =	vmul.f32 v30, v0;
	v0 =	vld [tilespmem:$0x1FD30];
	_ =	sdelay $0x3  }
0x213: {  	v17 =	vmul.f32 v19, v17;
	v19 =	vld [tilespmem:s0+$0xA6A0]  }
0x214: {  	v4 =	vmul.f32 v24, v0;
	v0 =	vld [tilespmem:$0x1FD20];
	_ =	sdelay $0x3  }
0x215: {  	v3 =	vld [tilespmem:$0x1FD00]  }
0x216: {  	v10 =	vmul.f32 v19, v0;
	v0 =	vld [tilespmem:$0x1FCF0];
	_ =	sdelay $0x3  }
0x217: {  	v21 =	vld [tilespmem:s0+$0xA750]  }
0x218: {  	v7 =	vmul.f32 v3, v0;
	v0 =	vld [tilespmem:$0x1FD10];
	_ =	sdelay $0x2  }
0x219: {  	v26 =	vld [tilespmem:s0+$0xA5E0]  }
0x21a: {  	v17 =	vadd.f32 v18, v17;
	v18 =	vld [tilespmem:s0+$0xA6B0]  }
0x21b: {  	v8 =	vmul.f32 v21, v0;
	v0 =	vld [tilespmem:$0x1FCE0];
	_ =	sdelay $0x2  }
0x21c: {  	v15 =	vmul.f32 v26, v15  }
0x21d: {  	v13 =	vld [tilespmem:s0+$0xA760]  }
0x21e: {  	v15 =	vadd.f32 v15, v17;
	v2 =	vadd.f32 v12, v2;
	v6 =	vmul.f32 v18, v0;
	v0 =	vld [tilespmem:$0x1FCD0];
	_ =	sdelay $0x1  }
0x21f: {  	v9 =	vld [tilespmem:s0+$0x27E0];
	v14, _, _ =	vpop (xrf2);
	(xrf2) =	vadd.scan.msk.f32 $0xffff, v1;
	v1 =	vadd.f32 v4, v15;
	v2 =	vadd.f32 v10, v2  }
0x220: {  	v43 =	vld [tilespmem:s0+$0x27F0]  }
0x221: {  	v11, _, _ =	vpop (xrf2);
	(xrf2) =	vadd.scan.msk.f32 $0xffff, v1;
	v1 =	vadd.f32 v6, v2;
	v2 =	vld [tilespmem:$0x1FCA0]  }
0x222: {  	v5 =	vmul.f32 v13, v0;
	v0 =	vld [tilespmem:$0x1FC90]  }
0x223: {  	v44 =	vld [tilespmem:s0+$0xA7F0]  }
0x224: {  	v42 =	vld [tilespmem:s0+$0xA7E0]  }
0x225: {  	v16 =	vld [tilespmem:s0+$0x27D0]  }
0x226: {  	v12 =	vld [tilespmem:s0+$0xA7D0];
	s0 =	sshra.s32 s1, $0x2  }
0x227: {  	v2 =	vmul.f32 v2, v0;
	v0 =	vld [tilespmem:s0+$0x27B0];
	_ =	sdelay $0x3  }
0x228: {  	v45 =	vld [tilespmem:$0x1FCC0]  }
0x229: {  	[tilespmem:$0x1FC40] =	vst v0;
	v0 =	vld [tilespmem:$0x1FCB0];
	_ =	sdelay $0x2  }
0x22a: {  	v31 =	vld [tilespmem:s0+$0xA7B0]  }
0x22b: {  	v33 =	vld [tilespmem:s0+$0x2730]  }
0x22c: {  	v4 =	vmul.f32 v45, v0;
	v0 =	vld [tilespmem:s0+$0x2770]  }
0x22d: {  	v36 =	vld [tilespmem:s0+$0xA730]  }
0x22e: {  	v34 =	vld [tilespmem:s0+$0x27A0]  }
0x22f: {  	v38 =	vld [tilespmem:s0+$0xA7A0]  }
0x230: {  	v54 =	vbroadcast v41, $0xF;
	v41 =	vld [tilespmem:s0+$0x2720]  }
0x231: {  	[tilespmem:$0x1FC90] =	vst v0;
	v0 =	vld [tilespmem:s0+$0xA770]  }
0x232: {  	v32 =	vld [tilespmem:s0+$0xA720]  }
0x233: {  	v39 =	vld [tilespmem:s0+$0x2780]  }
0x234: {  	v37 =	vld [tilespmem:s0+$0xA670]  }
0x235: {  	v35 =	vld [tilespmem:s0+$0x2630]  }
0x236: {  	[tilespmem:$0x1FCA0] =	vst v0;
	v0 =	vld [tilespmem:s0+$0x27C0]  }
0x237: {  	v40 =	vld [tilespmem:s0+$0xA630]  }
0x238: {  	v61 =	vld [tilespmem:s0+$0x2710]  }
0x239: {  	v60 =	vbroadcast v51, $0xF;
	v51 =	vld [tilespmem:s0+$0xA660];
	v7 =	vadd.f32 v8, v7  }
0x23a: {  	v56 =	vbroadcast v63, $0xF;
	v63 =	vld [tilespmem:s0+$0x26C0]  }
0x23b: {  	v13, _, _ =	vpop (xrf2);
	v3 =	vadd.f32 v5, v7;
	[tilespmem:$0x1FCB0] =	vst v0;
	v0 =	vld [tilespmem:s0+$0xA7C0]  }
0x23c: {  	v47 =	vmul.f32 v42, v9;
	v42 =	vld [tilespmem:s0+$0x2530];
	v48, _, _ =	vpop (xrf2)  }
0x23d: {  	v9 =	vld [tilespmem:s0+$0x2600];
	(xrf2) =	vadd.scan.msk.f32 $0xffff, v1;
	v5 =	vbroadcast v48, $0xF;
	v1 =	vadd.f32 v2, v3;
	v3 =	vbroadcast v13, $0xF  }
0x23e: {  	v49 =	vbroadcast v11, $0xF;
	v11 =	vld [tilespmem:s0+$0x2610]  }
0x23f: {  	v50 =	vbroadcast v14, $0xF;
	v27 =	vld [tilespmem:s0+$0xA4F0];
	v52, _, _ =	vpop (xrf2);
	(xrf2) =	vadd.scan.msk.f32 $0xffff, v1;
	v1 =	vsel vm0, v3, v5  }
0x240: {  	v62 =	vld [tilespmem:s0+$0xA560];
	v1 =	vsel vm1, v1, v49;
	[tilespmem:$0x1FCC0] =	vst v0;
	v0 =	vbroadcast v52, $0xF  }
0x241: {  	v22 =	vld [tilespmem:s0+$0x25C0];
	v1 =	vsel vm2, v1, v50  }
0x242: {  	v1 =	vsel vm3, v1, v0;
	v0 =	vld [tilespmem:s0+$0x26F0]  }
0x243: {  	v58 =	vbroadcast v20, $0xF;
	v20 =	vld [tilespmem:s0+$0xA5C0]  }
0x244: {  	v14 =	vld [tilespmem:s0+$0x2590]  }
0x245: {  	v46 =	vmul.f32 v12, v16;
	v12 =	vld [tilespmem:s0+$0x25D0]  }
0x246: {  	v34 =	vmul.f32 v38, v34;
	v38 =	vld [tilespmem:s0+$0x24A0]  }
0x247: {  	[tilespmem:$0x1FC50] =	vst v0;
	v0 =	vld [tilespmem:s0+$0xA6F0]  }
0x248: {  	v41 =	vmul.f32 v32, v41;
	v32 =	vld [tilespmem:s0+$0xA500]  }
0x249: {  	v10 =	vld [tilespmem:s0+$0xA600];
	v2 =	vadd.f32 v46, v4  }
0x24a: {  	[tilespmem:$0x1FD60] =	vst v12;
	v12 =	vld [tilespmem:s0+$0x2580]  }
0x24b: {  	v8 =	vld [tilespmem:s0+$0xA650];
	v6 =	vmul.f32 v44, v43;
	v2 =	vadd.f32 v47, v2  }
0x24c: {  	[tilespmem:$0x1FC60] =	vst v0;
	v0 =	vld [tilespmem:s0+$0x2760]  }
0x24d: {  	v18 =	vld [tilespmem:s0+$0x2540];
	v2 =	vadd.f32 v6, v2  }
0x24e: {  	v53 =	vbroadcast v23, $0xF;
	v43 =	vld [tilespmem:s0+$0x25B0]  }
0x24f: {  	v44 =	vld [tilespmem:s0+$0x2570];
	v55, _, _ =	vpop (xrf2);
	(xrf2) =	vadd.scan.msk.f32 $0xffff, v2  }
0x250: {  	v48 =	vld [tilespmem:s0+$0xA6E0];
	v2 =	vbroadcast v55, $0xF;
	v1 =	vsel vm4, v1, v53  }
0x251: {  	v1 =	vsel vm5, v1, v54;
	[tilespmem:$0x1FCD0] =	vst v0;
	v0 =	vld [tilespmem:s0+$0x26B0]  }
0x252: {  	v13 =	vld [tilespmem:s0+$0xA580];
	v57, _, _ =	vpop (xrf2);
	v1 =	vsel vm6, v1, v2;
	v2 =	vbroadcast v25, $0xF  }
0x253: {  	v3 =	vld [tilespmem:s0+$0x26D0];
	v7 =	vbroadcast v57, $0xF;
	v1 =	vsel vm7, v1, v56  }
0x254: {  	v5 =	vld [tilespmem:s0+$0x2640];
	v1 =	vsel vm8, v1, v2;
	v2 =	vbroadcast v28, $0xF  }
0x255: {  	v49 =	vld [tilespmem:s0+$0x2660];
	v59, _, _ =	vpop (xrf2);
	v1 =	vsel vm9, v1, v7  }
0x256: {  	v50 =	vld [tilespmem:s0+$0xA780];
	v1 =	vsel vm10, v1, v2;
	[tilespmem:$0x1FCE0] =	vst v0;
	v0 =	vbroadcast v59, $0xF  }
0x257: {  	v57 =	vld [tilespmem:s0+$0xA5A0];
	v1 =	vsel vm11, v1, v58  }
0x258: {  	v45 =	vld [tilespmem:s0+$0xA5B0];
	v1 =	vsel vm12, v1, v0  }
0x259: {  	v4 =	vld [tilespmem:s0+$0xA6D0];
	v2, _, _ =	vpop (xrf2);
	v1 =	vsel vm13, v1, v60  }
0x25a: {  	v46 =	vld [tilespmem:s0+$0xA570];
	v23 =	vsel vm14, v1, v2  }
0x25b: {  	v47 =	vld [tilespmem:s0+$0x26E0];
	v1 =	vand.u32 $0x7FFFFFFF, v23  }
0x25c: {  	v0 =	vld [tilespmem:s0+$0x2670];
	v1 =	vsub.f32 $0.0e+00, v1  }
0x25d: {  	v6 =	vld [tilespmem:s0+$0xA640]  }
0x25e: {  	v55 =	vld [tilespmem:s0+$0xA790];
	v1 =	vmul.f32 $1.442695020e+00, v1  }
0x25f: {  	v52 =	vld [tilespmem:s0+$0x2790]  }
0x260: {  	v53 =	vld [tilespmem:s0+$0x2620];
	(erf) = vpow2.f32 v1  }
0x261: {  	[tilespmem:$0x1FC70] =	vst v0;
	v0 =	vld [tilespmem:s0+$0x2740]  }
0x262: {  	v54 =	vld [tilespmem:s0+$0xA620]  }
0x263: {  	v25 =	vld [tilespmem:s0+$0x24F0]  }
0x264: {  	v39 =	vmul.f32 v50, v39;
	v50 =	vmul.f32 v55, v52;
	v52 =	vld [tilespmem:s0+$0x2550]  }
0x265: {  	v55 =	vld [tilespmem:s0+$0xA550]  }
0x266: {  	[tilespmem:$0x1FCF0] =	vst v0;
	v0 =	vld [tilespmem:s0+$0xA740]  }
0x267: {  	v56 =	vld [tilespmem:s0+$0x25A0]  }
0x268: {  	v58 =	vld [tilespmem:s0+$0x2700]  }
0x269: {  	v60 =	vld [tilespmem:s0+$0xA700];
	v15 =	vpop (erf)  }
0x26a: {  	v1 =	vld [tilespmem:s0+$0xA710];
	v2 =	vadd.f32 $2.000000000e+00, v15  }
0x26b: {  	[tilespmem:$0x1FD00] =	vst v0;
	v0 =	vld [tilespmem:s0+$0x2750]  }
0x26c: {  	v28 =	vld [tilespmem:s0+$0x25E0];
	(erf) = vrcp.f32 v2  }
0x26d: {  	v7 =	vld [tilespmem:s0+$0x2650]  }
0x26e: {  	v50 =	vadd.f32 v50, v39;
	v39 =	vld [tilespmem:s0+$0xA4A0]  }
0x26f: {  	v59 =	vld [tilespmem:s0+$0x2560];
	v58 =	vmul.f32 v60, v58;
	v1 =	vmul.f32 v1, v61  }
0x270: {  	[tilespmem:$0x1FD10] =	vst v0;
	v0 =	vld [tilespmem:s0+$0x26A0]  }
0x271: {  	v61 =	vld [tilespmem:$0x1FC40];
	v1 =	vadd.f32 v1, v58  }
0x272: {  	v60 =	vmul.f32 v8, v7;
	v58 =	vmul.f32 v6, v5;
	v6 =	vld [tilespmem:s0+$0x24C0]  }
0x273: {  	v1 =	vadd.f32 v41, v1;
	v41 =	vmul.f32 v51, v49;
	v51 =	vld [tilespmem:$0x1FC70]  }
0x274: {  	v3 =	vmul.f32 v4, v3;
	v4 =	vadd.f32 v60, v58;
	v60 =	vld [tilespmem:s0+$0x2490]  }
0x275: {  	[tilespmem:$0x1FD20] =	vst v0;
	v0 =	vld [tilespmem:s0+$0x25F0];
	v16 =	vpop (erf)  }
0x276: {  	v34 =	vadd.f32 v34, v50;
	v50 =	vmul.f32 v31, v61;
	v31 =	vld [tilespmem:s0+$0x2500];
	v21 =	vmul.f32 v16, v15  }
0x277: {  	v2 =	vld [tilespmem:s0+$0xA6C0]  }
0x278: {  	v61 =	vld [tilespmem:$0x1FC60];
	v19 =	vmul.f32 v21, v21  }
0x279: {  	v4 =	vadd.f32 v41, v4;
	v41 =	vld [tilespmem:s0+$0xA440]  }
0x27a: {  	[tilespmem:$0x1FD30] =	vst v0;
	v0 =	vld [tilespmem:s0+$0x2680];
	v16 =	vmul.f32 $9.090909360e-02, v19  }
0x27b: {  	v5 =	vmul.f32 v37, v51;
	v37 =	vld [tilespmem:s0+$0x2440]  }
0x27c: {  	v2 =	vmul.f32 v2, v63;
	v63 =	vadd.f32 v50, v34;
	v34 =	vld [tilespmem:s0+$0x2510];
	v17 =	vadd.f32 $1.111111120e-01, v16  }
0x27d: {  	v50 =	vmul.f32 v36, v33;
	v33 =	vld [tilespmem:s0+$0x2420]  }
0x27e: {  	v36 =	vld [tilespmem:s0+$0xA420];
	v17 =	vmul.f32 v17, v19  }
0x27f: {  	v2 =	vadd.f32 v3, v2;
	v3 =	vmul.f32 v48, v47;
	[tilespmem:$0x1FC80] =	vst v0;
	v0 =	vld [tilespmem:s0+$0xA680]  }
0x280: {  	(xrf2) =	vadd.scan.msk.f32 $0xffff, v63;
	v63 =	vld [tilespmem:s0+$0xA4C0];
	v17 =	vadd.f32 $1.428571490e-01, v17  }
0x281: {  	v1 =	vadd.f32 v50, v1;
	v2 =	vadd.f32 v3, v2;
	v3 =	vld [tilespmem:$0x1FC50]  }
0x282: {  	v47 =	vld [tilespmem:s0+$0x24D0];
	v17 =	vmul.f32 v17, v19  }
0x283: {  	(xrf2) =	vadd.scan.msk.f32 $0xffff, v1;
	v1 =	vmul.f32 v10, v9;
	v9 =	vld [tilespmem:s0+$0x2480]  }
0x284: {  	[tilespmem:$0x1FD40] =	vst v0;
	v0 =	vld [tilespmem:s0+$0x2690];
	v17 =	vadd.f32 $2.000000030e-01, v17  }
0x285: {  	v15 =	vld [tilespmem:s0+$0xA590]  }
0x286: {  	v30 =	vadd.f32 v21, v21;
	v21 =	vld [tilespmem:s0+$0x2520];
	v3 =	vmul.f32 v61, v3;
	v17 =	vmul.f32 v17, v19  }
0x287: {  	v16 =	vld [tilespmem:$0x1FE20]  }
0x288: {  	v2 =	vadd.f32 v3, v2;
	v3 =	vld [tilespmem:s0+$0xA4D0];
	v24 =	vadd.f32 $3.333333430e-01, v17  }
0x289: {  	[tilespmem:$0x1FD50] =	vst v0;
	v0 =	vld [tilespmem:s0+$0xA610]  }
0x28a: {  	(xrf2) =	vadd.scan.msk.f32 $0xffff, v2;
	v2 =	vmul.f32 v13, v12;
	v12 =	vld [tilespmem:s0+$0xA490];
	v26 =	vmul.f32 v24, v19  }
0x28b: {  	v17 =	vld [tilespmem:s0+$0xA4E0]  }
0x28c: {  	v58 =	vmul.f32 v15, v14;
	v24 =	vld [tilespmem:s0+$0x24B0];
	v29 =	vadd.f32 $1.000000000e+00, v26  }
0x28d: {  	v19 =	vld [tilespmem:s0+$0xA540]  }
0x28e: {  	v0 =	vmul.f32 v0, v11;
	v11 =	vadd.f32 v58, v2;
	v2 =	vld [tilespmem:s0+$0x2400];
	v29 =	vmul.f32 v29, v30  }
0x28f: {  	v23 =	vmin.f32 v23, $0.0e+00;
	v26 =	vld [tilespmem:s0+$0xA4B0]  }
0x290: {  	v0 =	vadd.f32 v0, v1;
	v1 =	vmul.f32 v54, v53;
	v54 =	vld [tilespmem:s0+$0xA480];
	v23 =	vsub.f32 v23, v29  }
0x291: {  	v13 =	vmul.f32 v57, v56;
	v30 =	vld [tilespmem:s0+$0xA430]  }
0x292: {  	v0 =	vadd.f32 v1, v0;
	v1 =	vmul.f32 v40, v35;
	v35 =	vld [tilespmem:s0+$0x2410];
	v16 =	vadd.f32 v23, v16  }
0x293: {  	v4 =	vadd.f32 v5, v4;
	v14 =	vmul.f32 v55, v52;
	v40 =	vld [tilespmem:s0+$0xA410];
	v61 =	vmul.f32 v19, v18  }
0x294: {  	p0 =	sne.s32 s1, $0x7000;
	v15 =	vmov v28;
	v11 =	vadd.f32 v13, v11;
	v0 =	vadd.f32 v1, v0;
	[tilespmem:$0x1FE20] =	vst v16;
	v16 =	vld [tilespmem:s0+$0x24E0]  }
.Ltmp1:
0x295: {  	(xrf2) =	vadd.scan.msk.f32 $0xffff, v4;
	v13 =	vmul.f32 v45, v43;
	v29 =	vld [tilespmem:s0+$0x2430];
	v4 =	vadd.f32 v14, v61;
	v14 =	vmul.f32 v62, v59;
	(pc) =	sbr.rel @p0 .LBB2_4-.Ltmp1, $4  }
0x296: {  	v51, _, _ =	vpop (xrf2);
	v3 =	vmul.f32 v3, v47;
	v19 =	vmov v20;
	v1 =	vld [tilespmem:s0+$0xA400];
	(xrf2) =	vadd.scan.msk.f32 $0xffff, v0;
	v0 =	vmul.f32 v63, v6  }
0x297: {  	v20, _, _ =	vpop (xrf2);
	v62 =	vadd.f32 v13, v11;
	v23 =	vld [tilespmem:s0+$0x2470];
	v63 =	vmul.f32 v46, v44;
	v4 =	vadd.f32 v14, v4  }
0x298: {  	v47 =	vmul.f32 v12, v60;
	v28, _, _ =	vpop (xrf2);
	v46 =	vmul.f32 v54, v9;
	v14 =	vld [tilespmem:$0x1FC80];
	v44 =	vadd.f32 v3, v0  }
0x299: {  	s1 =	sadd.s32 $0x1000, s1;
	(xrf2) =	vadd.scan.msk.f32 $0xffff, v62;
	v43 =	vadd.f32 v63, v4;
	v45 =	vmul.f32 v17, v16;
	v17 =	vmovc v22;
	v16 =	vmov v42;
	v42 =	vld [tilespmem:s0+$0x2450]  }
0x29a: {  	v0 =	vld [tilespmem:s0+$0xA450]  }
0x29b: {  	v3 =	vld [tilespmem:s0+$0x2460]  }
0x29c: {  	v5 =	vmul.f32 v27, v25;
	v6 =	vld [tilespmem:s0+$0xA460];
	v8 =	vmul.f32 v39, v38  }
0x29d: {  	v9 =	vld [tilespmem:s0+$0xA510];
	v1 =	vmul.f32 v1, v2;
	v2 =	vmul.f32 v40, v35  }
0x29e: {  	v7 =	vadd.f32 v47, v46;
	v55 =	vmul.f32 v41, v37;
	v10 =	vld [tilespmem:s0+$0xA520];
	v11 =	vmul.f32 v26, v24  }
0x29f: {  	v54 =	vld [tilespmem:s0+$0xA470];
	v4 =	vadd.f32 v45, v44;
	v1 =	vadd.f32 v2, v1;
	v2 =	vmul.f32 v36, v33  }
0x2a0: {  	v13 =	vmul.f32 v30, v29;
	v7 =	vadd.f32 v8, v7;
	v0 =	vmul.f32 v0, v42  }
0x2a1: {  	v56 =	vld [tilespmem:s0+$0xA530];
	v4 =	vadd.f32 v5, v4;
	v3 =	vmul.f32 v6, v3;
	v1 =	vadd.f32 v2, v1  }
0x2a2: {  	v2 =	vmul.f32 v32, v31;
	v57 =	vmul.f32 v9, v34;
	v0 =	vadd.f32 v0, v55  }
0x2a3: {  	(xrf2) =	vadd.scan.msk.f32 $0xffff, v43;
	v7 =	vadd.f32 v11, v7;
	v60 =	vmul.f32 v10, v21;
	v1 =	vadd.f32 v13, v1  }
0x2a4: {  	(xrf2) =	vadd.scan.msk.f32 $0xffff, v4;
	v2 =	vadd.f32 v57, v2;
	v0 =	vadd.f32 v3, v0;
	v3 =	vmul.f32 v54, v23  }
0x2a5: {  	(xrf2) =	vadd.scan.msk.f32 $0xffff, v7  }
0x2a6: {  	(xrf2) =	vadd.scan.msk.f32 $0xffff, v1;
	v1 =	vadd.f32 v60, v2;
	v2 =	vmul.f32 v56, v16;
	v0 =	vadd.f32 v3, v0  }
0x2a7: {  	v59 =	vld [tilespmem:s0+$0xA690]  }
0x2a8: {  	(xrf2) =	vadd.scan.msk.f32 $0xffff, v0;
	v0 =	vadd.f32 v2, v1;
	v1 =	vld [tilespmem:$0x1FD40]  }
0x2a9: {  	v2 =	vld [tilespmem:$0x1FD50]  }
0x2aa: {  	v12 =	vld [tilespmem:s0+$0xA5D0]  }
0x2ab: {  	v58 =	vld [tilespmem:s0+$0xA5E0]  }
0x2ac: {  	v61 =	vld [tilespmem:s0+$0xA5F0]  }
0x2ad: {  	v62 =	vld [tilespmem:$0x1FD60]  }
0x2ae: {  	v63 =	vld [tilespmem:s0+$0xA6A0];
	v1 =	vmul.f32 v1, v14;
	v2 =	vmul.f32 v59, v2  }
0x2af: {  	v37 =	vld [tilespmem:s0+$0x27D0]  }
0x2b0: {  	v1 =	vadd.f32 v2, v1;
	v2 =	vld [tilespmem:$0x1FD20]  }
0x2b1: {  	v39 =	vld [tilespmem:s0+$0xA7D0]  }
0x2b2: {  	v41 =	vld [tilespmem:$0x1FD00]  }
0x2b3: {  	v47 =	vld [tilespmem:$0x1FCB0]  }
0x2b4: {  	v35 =	vld [tilespmem:s0+$0xA760]  }
0x2b5: {  	v36 =	vld [tilespmem:$0x1FD30];
	v2 =	vmul.f32 v63, v2  }
0x2b6: {  	v34 =	vld [tilespmem:s0+$0xA6B0]  }
0x2b7: {  	v1 =	vadd.f32 v2, v1;
	v2 =	vld [tilespmem:$0x1FCE0]  }
0x2b8: {  	v40 =	vld [tilespmem:$0x1FCF0];
	v7 =	vmul.f32 v12, v62;
	v3 =	vmul.f32 v19, v17  }
0x2b9: {  	v43 =	vld [tilespmem:s0+$0x27E0]  }
0x2ba: {  	v32 =	vld [tilespmem:s0+$0xA750];
	v33 =	vmul.f32 v58, v15;
	v3 =	vadd.f32 v7, v3  }
0x2bb: {  	v42 =	vld [tilespmem:$0x1FD10]  }
0x2bc: {  	v45 =	vld [tilespmem:$0x1FCD0];
	v6 =	vmul.f32 v61, v36;
	v3 =	vadd.f32 v33, v3;
	v2 =	vmul.f32 v34, v2  }
0x2bd: {  	v14 =	vld [tilespmem:$0x1FCA0]  }
0x2be: {  	v38, _, _ =	vpop (xrf2);
	(xrf2) =	vadd.scan.msk.f32 $0xffff, v0;
	v3 =	vadd.f32 v6, v3;
	v1 =	vadd.f32 v2, v1;
	v2 =	vld [tilespmem:$0x1FC90]  }
0x2bf: {  	v16 =	vld [tilespmem:$0x1FCC0];
	v0, _, _ =	vpop (xrf2)  }
0x2c0: {  	v44 =	vld [tilespmem:s0+$0xA7E0];
	v4 =	vmul.f32 v32, v42;
	v6 =	vmul.f32 v41, v40;
	v12, _, _ =	vpop (xrf2)  }
0x2c1: {  	v13, _, _ =	vpop (xrf2);
	(xrf2) =	vadd.scan.msk.f32 $0xffff, v3  }
0x2c2: {  	v46 =	vld [tilespmem:s0+$0x27F0];
	v5 =	vmul.f32 v35, v45;
	v4 =	vadd.f32 v4, v6;
	v3, _, _ =	vpop (xrf2)  }
0x2c3: {  	v15, _, _ =	vpop (xrf2);
	v2 =	vmul.f32 v14, v2;
	v14 =	vld [tilespmem:s0+$0xA7F0]  }
0x2c4: {  	v8 =	vmul.f32 v39, v37;
	v4 =	vadd.f32 v5, v4;
	v5 =	vmul.f32 v16, v47;
	v48, _, _ =	vpop (xrf2);
	(xrf2) =	vadd.scan.msk.f32 $0xffff, v1  }
0x2c5: {  	v49 =	vmul.f32 v44, v43;
	v50, _, _ =	vpop (xrf2);
	v52 =	vbroadcast v48, $0xF  }
0x2c6: {  	v1 =	vadd.f32 v2, v4;
	v2 =	vadd.f32 v8, v5;
	v5 =	vbroadcast v50, $0xF  }
0x2c7: {  	v3 =	vbroadcast v3, $0xF;
	v53 =	vbroadcast v15, $0xF  }
0x2c8: {  	v55, _, _ =	vpop (xrf2);
	v2 =	vadd.f32 v49, v2;
	(xrf2) =	vadd.scan.msk.f32 $0xffff, v1;
	v1 =	vsel vm0, v52, v5;
	v54 =	vmul.f32 v14, v46  }
0x2c9: {  	v5 =	vbroadcast v55, $0xF;
	v1 =	vsel vm1, v1, v53  }
0x2ca: {  	v1 =	vsel vm2, v1, v3;
	v3 =	vbroadcast v13, $0xF;
	v2 =	vadd.f32 v54, v2  }
0x2cb: {  	v56 =	vbroadcast v12, $0xF;
	v57, _, _ =	vpop (xrf2);
	v1 =	vsel vm3, v1, v5  }
0x2cc: {  	v1 =	vsel vm4, v1, v3;
	(xrf2) =	vadd.scan.msk.f32 $0xffff, v2;
	v2 =	vbroadcast v57, $0xF  }
0x2cd: {  	v0 =	vbroadcast v0, $0xF;
	v1 =	vsel vm5, v1, v56  }
0x2ce: {  	v3, _, _ =	vpop (xrf2);
	v1 =	vsel vm6, v1, v2;
	v2 =	vbroadcast v38, $0xF  }
0x2cf: {  	v0 =	vsel vm7, v1, v0;
	v1 =	vbroadcast v3, $0xF  }
0x2d0: {  	v0 =	vsel vm8, v0, v2;
	v2 =	vbroadcast v28, $0xF  }
0x2d1: {  	v0 =	vsel vm9, v0, v1;
	v1 =	vbroadcast v20, $0xF  }
0x2d2: {  	v0 =	vsel vm10, v0, v2  }
0x2d3: {  	v3, _, _ =	vpop (xrf2);
	v0 =	vsel vm11, v0, v1;
	v1 =	vbroadcast v51, $0xF  }
0x2d4: {  	v2 =	vbroadcast v3, $0xF;
	_ =	sdelay $0x1  }
0x2d5: {  	v0 =	vsel vm12, v0, v2  }
0x2d6: {  	v0 =	vsel vm13, v0, v1;
	v1, _, _ =	vpop (xrf2)  }
0x2d7: {  	v4 =	vsel vm14, v0, v1  }
0x2d8: {  	v0 =	vand.u32 $0x7FFFFFFF, v4  }
0x2d9: {  	v0 =	vsub.f32 $0.0e+00, v0;
	_ =	sdelay $0x1  }
0x2da: {  	v0 =	vmul.f32 $1.442695020e+00, v0;
	_ =	sdelay $0x1  }
0x2db: {  	(erf) = vpow2.f32 v0;
	_ =	sdelay $0x8  }
0x2dc: {  	v0 =	vpop (erf)  }
0x2dd: {  	v1 =	vadd.f32 $2.000000000e+00, v0;
	_ =	sdelay $0x1  }
0x2de: {  	(erf) = vrcp.f32 v1;
	_ =	sdelay $0x8  }
0x2df: {  	v21 =	vpop (erf)  }
0x2e0: {  	_ =	swait.ge [sflag:s28], $0x2000  }
0x2e1: {  	[sflag:s28] =	ssyncset.done $0x0  }
0x2e2: {  	[sflag:s28] =	ssyncadd.s32 $0xFFFFE000  }
0x2e3: {  	_ =	swait.ge [sflag:s28], $0x2000  }
0x2e4: {  	[sflag:s28] =	ssyncset.done $0x0  }
0x2e5: {  	s0 =	simm.s32 $0x0;
	[sflag:s28] =	ssyncadd.s32 $0xFFFFE000  }
0x2e6: {  	v1 =	vld [tilespmem:s0+$0x47B0];
	_ =	sdelay $0x4  }
0x2e7: {  	[tilespmem:$0x1FB70] =	vst v1;
	v1 =	vld [tilespmem:s0+$0xC7B0];
	_ =	sdelay $0x4  }
0x2e8: {  	[tilespmem:$0x1FB80] =	vst v1;
	v1 =	vld [tilespmem:s0+$0x4770];
	_ =	sdelay $0x4  }
0x2e9: {  	[tilespmem:$0x1FAA0] =	vst v1;
	v1 =	vld [tilespmem:s0+$0xC770];
	_ =	sdelay $0x4  }
0x2ea: {  	[tilespmem:$0x1FAB0] =	vst v1;
	v1 =	vld [tilespmem:s0+$0x47C0];
	_ =	sdelay $0x4  }
0x2eb: {  	[tilespmem:$0x1FAC0] =	vst v1;
	v1 =	vld [tilespmem:s0+$0xC7C0];
	_ =	sdelay $0x4  }
0x2ec: {  	[tilespmem:$0x1FAD0] =	vst v1;
	v1 =	vld [tilespmem:s0+$0x4730];
	_ =	sdelay $0x4  }
0x2ed: {  	[tilespmem:$0x1FB90] =	vst v1;
	v1 =	vld [tilespmem:s0+$0xC730];
	_ =	sdelay $0x4  }
0x2ee: {  	[tilespmem:$0x1FBA0] =	vst v1;
	v1 =	vld [tilespmem:s0+$0x4760];
	_ =	sdelay $0x4  }
0x2ef: {  	[tilespmem:$0x1FAE0] =	vst v1;
	v1 =	vld [tilespmem:s0+$0x46B0]  }
0x2f0: {  	v59 =	vld [tilespmem:s0+$0x47A0]  }
0x2f1: {  	v58 =	vld [tilespmem:s0+$0xC7A0]  }
0x2f2: {  	v13 =	vld [tilespmem:s0+$0x46F0]  }
0x2f3: {  	v24 =	vld [tilespmem:s0+$0xC6F0]  }
0x2f4: {  	[tilespmem:$0x1FAF0] =	vst v1;
	v1 =	vld [tilespmem:s0+$0x4740]  }
0x2f5: {  	v34 =	vld [tilespmem:s0+$0x4720]  }
0x2f6: {  	v33 =	vld [tilespmem:s0+$0xC720]  }
0x2f7: {  	v38 =	vld [tilespmem:s0+$0x4780]  }
0x2f8: {  	v39 =	vld [tilespmem:s0+$0xC780]  }
0x2f9: {  	[tilespmem:$0x1FB00] =	vst v1;
	v1 =	vld [tilespmem:s0+$0xC740]  }
0x2fa: {  	v32 =	vld [tilespmem:s0+$0x4790]  }
0x2fb: {  	v31 =	vld [tilespmem:s0+$0xC790]  }
0x2fc: {  	v7 =	vld [tilespmem:s0+$0x4670]  }
0x2fd: {  	v8 =	vld [tilespmem:s0+$0xC670]  }
0x2fe: {  	[tilespmem:$0x1FB10] =	vst v1;
	v1 =	vld [tilespmem:s0+$0x4750]  }
0x2ff: {  	v61 =	vld [tilespmem:s0+$0x46E0]  }
0x300: {  	v60 =	vld [tilespmem:s0+$0xC6E0]  }
0x301: {  	v5 =	vld [tilespmem:s0+$0x4630]  }
0x302: {  	v6 =	vld [tilespmem:s0+$0xC630]  }
0x303: {  	[tilespmem:$0x1FB20] =	vst v1;
	v1 =	vld [tilespmem:s0+$0x46A0]  }
0x304: {  	v48 =	vld [tilespmem:s0+$0x4700]  }
0x305: {  	v3 =	vld [tilespmem:s0+$0xC700]  }
0x306: {  	v50 =	vld [tilespmem:s0+$0x4710]  }
0x307: {  	v51 =	vld [tilespmem:s0+$0xC710]  }
0x308: {  	[tilespmem:$0x1FB30] =	vst v1;
	v1 =	vld [tilespmem:s0+$0x45F0]  }
0x309: {  	v54 =	vld [tilespmem:s0+$0x46C0]  }
0x30a: {  	v55 =	vld [tilespmem:s0+$0xC6C0]  }
0x30b: {  	v56 =	vld [tilespmem:s0+$0x46D0]  }
0x30c: {  	v57 =	vld [tilespmem:s0+$0xC6D0]  }
0x30d: {  	[tilespmem:$0x1FB40] =	vst v1;
	v1 =	vld [tilespmem:s0+$0x4660]  }
0x30e: {  	v11 =	vld [tilespmem:s0+$0x45B0]  }
0x30f: {  	v12 =	vld [tilespmem:s0+$0xC5B0]  }
0x310: {  	v14 =	vld [tilespmem:s0+$0x4680]  }
0x311: {  	v9 =	vld [tilespmem:s0+$0x4570]  }
0x312: {  	[tilespmem:$0x1FBB0] =	vst v1;
	v1 =	vld [tilespmem:s0+$0xC660]  }
0x313: {  	v10 =	vld [tilespmem:s0+$0xC570]  }
0x314: {  	v15 =	vld [tilespmem:s0+$0x45E0]  }
0x315: {  	v36 =	vld [tilespmem:s0+$0x4640]  }
0x316: {  	v35 =	vld [tilespmem:s0+$0xC640]  }
0x317: {  	[tilespmem:$0x1FBC0] =	vst v1;
	v1 =	vld [tilespmem:s0+$0x4620]  }
0x318: {  	v45 =	vld [tilespmem:s0+$0x4650]  }
0x319: {  	v44 =	vld [tilespmem:s0+$0xC650]  }
0x31a: {  	v16 =	vld [tilespmem:s0+$0x4530]  }
0x31b: {  	v62 =	vld [tilespmem:s0+$0xC5A0]  }
0x31c: {  	[tilespmem:$0x1FBD0] =	vst v1;
	v1 =	vld [tilespmem:s0+$0xC620]  }
0x31d: {  	v53 =	vld [tilespmem:s0+$0x4600]  }
0x31e: {  	v47 =	vld [tilespmem:s0+$0xC600]  }
0x31f: {  	v52 =	vld [tilespmem:s0+$0x4610]  }
0x320: {  	v46 =	vld [tilespmem:s0+$0xC610]  }
0x321: {  	[tilespmem:$0x1FBE0] =	vst v1;
	v1 =	vld [tilespmem:s0+$0xC680]  }
0x322: {  	v25 =	vld [tilespmem:s0+$0x44F0]  }
0x323: {  	v27 =	vld [tilespmem:s0+$0xC4F0]  }
0x324: {  	v17 =	vld [tilespmem:s0+$0x45C0]  }
0x325: {  	v18 =	vld [tilespmem:s0+$0xC5C0]  }
0x326: {  	[tilespmem:$0x1FB50] =	vst v1;
	v1 =	vld [tilespmem:s0+$0x4690]  }
0x327: {  	v19 =	vld [tilespmem:s0+$0x45D0]  }
0x328: {  	v49 =	vld [tilespmem:s0+$0x44B0]  }
0x329: {  	v26 =	vld [tilespmem:s0+$0xC4B0]  }
0x32a: {  	v2 =	vmul.f32 v21, v0;
	v21 =	vld [tilespmem:s0+$0x4520]  }
0x32b: {  	[tilespmem:$0x1FB60] =	vst v1;
	v1 =	vld [tilespmem:s0+$0x45A0]  }
0x32c: {  	v43 =	vld [tilespmem:s0+$0x4580]  }
0x32d: {  	v42 =	vld [tilespmem:s0+$0xC580]  }
0x32e: {  	v41 =	vld [tilespmem:s0+$0x4590]  }
0x32f: {  	v28 =	vld [tilespmem:s0+$0xC590]  }
0x330: {  	[tilespmem:$0x1FBF0] =	vst v1;
	v1 =	vld [tilespmem:s0+$0x4560]  }
0x331: {  	v29 =	vld [tilespmem:s0+$0x4430]  }
0x332: {  	v30 =	vld [tilespmem:s0+$0xC430]  }
0x333: {  	v20 =	vld [tilespmem:s0+$0x44E0]  }
0x334: {  	v63 =	vld [tilespmem:s0+$0xC4E0]  }
0x335: {  	[tilespmem:$0x1FC00] =	vst v1;
	v1 =	vld [tilespmem:s0+$0xC560]  }
0x336: {  	v0 =	vmul.f32 v2, v2;
	v40 =	vld [tilespmem:s0+$0x4540]  }
0x337: {  	v37 =	vld [tilespmem:s0+$0xC540]  }
0x338: {  	v23 =	vmul.f32 $9.090909360e-02, v0;
	v22 =	vld [tilespmem:s0+$0x4550]  }
0x339: {  	[tilespmem:$0x1FC30] =	vst v20;
	v20 =	vld [tilespmem:s0+$0xC550]  }
0x33a: {  	v39 =	vmul.f32 v39, v38;
	v38 =	vld [tilespmem:s0+$0x44A0];
	[tilespmem:$0x1FC10] =	vst v1;
	v1 =	vadd.f32 $1.111111120e-01, v23  }
0x33b: {  	v31 =	vmul.f32 v31, v32;
	v33 =	vmul.f32 v33, v34;
	v34 =	vld [tilespmem:s0+$0x4510]  }
0x33c: {  	v35 =	vmul.f32 v35, v36;
	v36 =	vld [tilespmem:s0+$0xC420];
	v1 =	vmul.f32 v1, v0  }
0x33d: {  	v32 =	vmul.f32 v3, v48;
	v58 =	vmul.f32 v58, v59;
	v59 =	vld [tilespmem:$0x1FB70]  }
0x33e: {  	v48 =	vmul.f32 v51, v50;
	v51 =	vmul.f32 v57, v56;
	v57 =	vld [tilespmem:$0x1FB80];
	v1 =	vadd.f32 $1.428571490e-01, v1  }
0x33f: {  	v44 =	vmul.f32 v44, v45;
	v45 =	vld [tilespmem:s0+$0xC4C0]  }
0x340: {  	v56 =	vmul.f32 v37, v40;
	v40 =	vld [tilespmem:s0+$0xC410];
	v3 =	vadd.f32 v31, v39;
	v1 =	vmul.f32 v1, v0  }
0x341: {  	v37 =	vld [tilespmem:s0+$0x4440]  }
0x342: {  	v3 =	vadd.f32 v58, v3;
	v58 =	vld [tilespmem:$0x1FB90];
	v1 =	vadd.f32 $2.000000030e-01, v1  }
0x343: {  	v50 =	vmul.f32 v55, v54;
	v54 =	vmul.f32 v57, v59;
	v59 =	vld [tilespmem:$0x1FBA0]  }
0x344: {  	v28 =	vmul.f32 v28, v41;
	v41 =	vld [tilespmem:s0+$0xC440];
	v1 =	vmul.f32 v1, v0  }
0x345: {  	v39 =	vld [tilespmem:s0+$0xC4A0]  }
0x346: {  	v31 =	vld [tilespmem:s0+$0x4500];
	v1 =	vadd.f32 $3.333333430e-01, v1  }
0x347: {  	v48 =	vadd.f32 v48, v32;
	v32 =	vld [tilespmem:s0+$0xC500];
	v50 =	vadd.f32 v51, v50;
	v57 =	vmul.f32 v60, v61  }
0x348: {  	v51 =	vld [tilespmem:s0+$0x44C0];
	v55 =	vmul.f32 v59, v58;
	v0 =	vmul.f32 v1, v0  }
0x349: {  	v58 =	vmul.f32 v24, v13;
	v13 =	vld [tilespmem:$0x1FBB0];
	v1 =	vadd.f32 v54, v3;
	v3 =	vadd.f32 v57, v50  }
0x34a: {  	v2 =	vadd.f32 v2, v2;
	v24 =	vld [tilespmem:$0x1FBC0];
	v0 =	vadd.f32 $1.000000000e+00, v0  }
0x34b: {  	v47 =	vmul.f32 v47, v53;
	(xrf2) =	vadd.scan.msk.f32 $0xffff, v1;
	v1 =	vadd.f32 v58, v3;
	v3 =	vld [tilespmem:s0+$0x44D0]  }
0x34c: {  	v46 =	vmul.f32 v46, v52;
	v0 =	vmul.f32 v0, v2;
	v2 =	vadd.f32 v44, v35;
	v44 =	vld [tilespmem:s0+$0xC4D0]  }
0x34d: {  	v48 =	vadd.f32 v33, v48;
	v33 =	vld [tilespmem:s0+$0x4420]  }
0x34e: {  	v61 =	vadd.f32 v46, v47;
	v47 =	vld [tilespmem:$0x1FBD0]  }
0x34f: {  	v48 =	vadd.f32 v55, v48;
	v53 =	vld [tilespmem:$0x1FBF0]  }
0x350: {  	v59 =	vmul.f32 v24, v13;
	v50 =	vld [tilespmem:$0x1FBE0]  }
0x351: {  	(xrf2) =	vadd.scan.msk.f32 $0xffff, v48;
	v44 =	vmul.f32 v44, v3;
	v3 =	vld [tilespmem:$0x1FE20]  }
0x352: {  	v60 =	vmul.f32 v8, v7;
	v54 =	vld [tilespmem:s0+$0xC490];
	(xrf2) =	vadd.scan.msk.f32 $0xffff, v1;
	v1 =	vmin.f32 v4, $0.0e+00;
	v2 =	vadd.f32 v59, v2  }
0x353: {  	v0 =	vsub.f32 v1, v0;
	v1 =	vmul.f32 v42, v43;
	v59 =	vld [tilespmem:$0x1FC00]  }
0x354: {  	v55 =	vadd.f32 v60, v2;
	v60 =	vld [tilespmem:$0x1FC10]  }
0x355: {  	v48 =	vld [tilespmem:s0+$0x4480];
	v1 =	vadd.f32 v28, v1;
	v28 =	vmul.f32 v62, v53  }
0x356: {  	v20 =	vmul.f32 v20, v22;
	v52 =	vmul.f32 v50, v47;
	v42 =	vld [tilespmem:s0+$0xC480];
	v0 =	vadd.f32 v0, v3  }
0x357: {  	v58 =	vmul.f32 v12, v11;
	v43 =	vld [tilespmem:s0+$0x4490];
	v28 =	vadd.f32 v28, v1  }
0x358: {  	v20 =	vadd.f32 v20, v56;
	v57 =	vmul.f32 v6, v5;
	v22 =	vadd.f32 v52, v61;
	[tilespmem:$0x1FC20] =	vst v0;
	v0 =	vld [tilespmem:$0x1FC30]  }
0x359: {  	v23 =	vld [tilespmem:s0+$0x4470];
	v28 =	vadd.f32 v58, v28;
	v61 =	vmul.f32 v60, v59  }
0x35a: {  	v45 =	vmul.f32 v45, v51;
	v35 =	vld [tilespmem:s0+$0x4410];
	v22 =	vadd.f32 v57, v22;
	(xrf2) =	vadd.scan.msk.f32 $0xffff, v55  }
0x35b: {  	v2 =	vld [tilespmem:s0+$0x4400];
	v62 =	vmul.f32 v10, v9;
	v51, _, _ =	vpop (xrf2);
	v4 =	vadd.f32 v61, v20  }
0x35c: {  	v1 =	vld [tilespmem:s0+$0xC400];
	v44 =	vadd.f32 v44, v45;
	v46 =	vmul.f32 v42, v48;
	(xrf2) =	vadd.scan.msk.f32 $0xffff, v22;
	v20, _, _ =	vpop (xrf2)  }
0x35d: {  	s1 =	simm.s32 $0x1000;
	v47 =	vmul.f32 v54, v43;
	v42 =	vld [tilespmem:s0+$0x4450];
	(xrf2) =	vadd.scan.msk.f32 $0xffff, v28;
	v28, _, _ =	vpop (xrf2);
	v43 =	vadd.f32 v62, v4;
	v45 =	vmul.f32 v63, v0  }
.LBB2_6:
0x35e: {  	_ = 	snop  }
0x35f: {  	v48 =	vld [tilespmem:s0+$0xC450]  }
0x360: {  	v59 =	vld [tilespmem:s0+$0xC460];
	v44 =	vadd.f32 v45, v44;
	v0 =	vmul.f32 v27, v25  }
0x361: {  	v27 =	vld [tilespmem:s0+$0x4460];
	v1 =	vmul.f32 v1, v2;
	v2 =	vmul.f32 v40, v35  }
0x362: {  	v58 =	vadd.f32 v47, v46;
	v38 =	vmul.f32 v39, v38;
	v0 =	vadd.f32 v0, v44  }
0x363: {  	v60 =	vld [tilespmem:s0+$0xC470];
	(xrf2) =	vadd.scan.msk.f32 $0xffff, v43;
	v24 =	vmul.f32 v26, v49;
	v1 =	vadd.f32 v2, v1;
	v2 =	vmul.f32 v36, v33  }
0x364: {  	v26 =	vld [tilespmem:s0+$0xC510];
	v61 =	vmul.f32 v41, v37;
	v25, _, _ =	vpop (xrf2);
	(xrf2) =	vadd.scan.msk.f32 $0xffff, v0;
	v0 =	vmul.f32 v48, v42  }
0x365: {  	v38 =	vadd.f32 v38, v58;
	v1 =	vadd.f32 v2, v1  }
0x366: {  	v62 =	vld [tilespmem:s0+$0xC520];
	v2 =	vmul.f32 v30, v29;
	v27 =	vmul.f32 v59, v27;
	v30 =	vadd.f32 v0, v61  }
0x367: {  	v24 =	vadd.f32 v24, v38  }
0x368: {  	v40 =	vld [tilespmem:s0+$0xC530];
	v1 =	vadd.f32 v2, v1;
	v0 =	vmul.f32 v60, v23;
	v27 =	vadd.f32 v27, v30  }
0x369: {  	v63, _, _ =	vpop (xrf2);
	(xrf2) =	vadd.scan.msk.f32 $0xffff, v24;
	v2 =	vmul.f32 v32, v31;
	v24 =	vmul.f32 v26, v34  }
0x36a: {  	v41, _, _ =	vpop (xrf2);
	(xrf2) =	vadd.scan.msk.f32 $0xffff, v1;
	v1 =	vadd.f32 v0, v27;
	v0 =	vld [tilespmem:$0x1FB50]  }
0x36b: {  	v21 =	vmul.f32 v62, v21;
	v2 =	vadd.f32 v24, v2;
	_ =	sdelay $0x1  }
0x36c: {  	v16 =	vmul.f32 v40, v16;
	v2 =	vadd.f32 v21, v2  }
0x36d: {  	v30 =	vld [tilespmem:s0+$0xC690]  }
0x36e: {  	v23, _, _ =	vpop (xrf2);
	(xrf2) =	vadd.scan.msk.f32 $0xffff, v1;
	v1 =	vadd.f32 v16, v2;
	v2 =	vmul.f32 v0, v14;
	v0 =	vld [tilespmem:$0x1FB60];
	_ =	sdelay $0x2  }
0x36f: {  	v29 =	vld [tilespmem:s0+$0xC5D0]  }
0x370: {  	v24 =	vld [tilespmem:s0+$0xC5F0]  }
0x371: {  	v12 =	vmul.f32 v30, v0;
	v0 =	vld [tilespmem:$0x1FB40];
	_ =	sdelay $0x3  }
0x372: {  	v17 =	vmul.f32 v18, v17;
	v18 =	vmul.f32 v29, v19;
	v19 =	vld [tilespmem:s0+$0xC6A0]  }
0x373: {  	v4 =	vmul.f32 v24, v0;
	v0 =	vld [tilespmem:$0x1FB30];
	_ =	sdelay $0x3  }
0x374: {  	v3 =	vld [tilespmem:$0x1FB10]  }
0x375: {  	v10 =	vmul.f32 v19, v0;
	v0 =	vld [tilespmem:$0x1FB00];
	_ =	sdelay $0x3  }
0x376: {  	v21 =	vld [tilespmem:s0+$0xC750]  }
0x377: {  	v7 =	vmul.f32 v3, v0;
	v0 =	vld [tilespmem:$0x1FB20];
	_ =	sdelay $0x2  }
0x378: {  	v26 =	vld [tilespmem:s0+$0xC5E0]  }
0x379: {  	v17 =	vadd.f32 v18, v17;
	v18 =	vld [tilespmem:s0+$0xC6B0]  }
0x37a: {  	v8 =	vmul.f32 v21, v0;
	v0 =	vld [tilespmem:$0x1FAF0];
	_ =	sdelay $0x2  }
0x37b: {  	v15 =	vmul.f32 v26, v15  }
0x37c: {  	v13 =	vld [tilespmem:s0+$0xC760]  }
0x37d: {  	v15 =	vadd.f32 v15, v17;
	v2 =	vadd.f32 v12, v2;
	v6 =	vmul.f32 v18, v0;
	v0 =	vld [tilespmem:$0x1FAE0];
	_ =	sdelay $0x1  }
0x37e: {  	v9 =	vld [tilespmem:s0+$0x47E0];
	v14, _, _ =	vpop (xrf2);
	(xrf2) =	vadd.scan.msk.f32 $0xffff, v1;
	v1 =	vadd.f32 v4, v15;
	v2 =	vadd.f32 v10, v2  }
0x37f: {  	v43 =	vld [tilespmem:s0+$0x47F0]  }
0x380: {  	v11, _, _ =	vpop (xrf2);
	(xrf2) =	vadd.scan.msk.f32 $0xffff, v1;
	v1 =	vadd.f32 v6, v2;
	v2 =	vld [tilespmem:$0x1FAB0]  }
0x381: {  	v5 =	vmul.f32 v13, v0;
	v0 =	vld [tilespmem:$0x1FAA0]  }
0x382: {  	v44 =	vld [tilespmem:s0+$0xC7F0]  }
0x383: {  	v42 =	vld [tilespmem:s0+$0xC7E0]  }
0x384: {  	v16 =	vld [tilespmem:s0+$0x47D0]  }
0x385: {  	v12 =	vld [tilespmem:s0+$0xC7D0];
	s0 =	sshra.s32 s1, $0x2  }
0x386: {  	v2 =	vmul.f32 v2, v0;
	v0 =	vld [tilespmem:s0+$0x47B0];
	_ =	sdelay $0x3  }
0x387: {  	v45 =	vld [tilespmem:$0x1FAD0]  }
0x388: {  	[tilespmem:$0x1FA40] =	vst v0;
	v0 =	vld [tilespmem:$0x1FAC0];
	_ =	sdelay $0x2  }
0x389: {  	v31 =	vld [tilespmem:s0+$0xC7B0]  }
0x38a: {  	v33 =	vld [tilespmem:s0+$0x4730]  }
0x38b: {  	v4 =	vmul.f32 v45, v0;
	v0 =	vld [tilespmem:s0+$0x4770]  }
0x38c: {  	v36 =	vld [tilespmem:s0+$0xC730]  }
0x38d: {  	v34 =	vld [tilespmem:s0+$0x47A0]  }
0x38e: {  	v38 =	vld [tilespmem:s0+$0xC7A0]  }
0x38f: {  	v54 =	vbroadcast v41, $0xF;
	v41 =	vld [tilespmem:s0+$0x4720]  }
0x390: {  	[tilespmem:$0x1FAA0] =	vst v0;
	v0 =	vld [tilespmem:s0+$0xC770]  }
0x391: {  	v32 =	vld [tilespmem:s0+$0xC720]  }
0x392: {  	v39 =	vld [tilespmem:s0+$0x4780]  }
0x393: {  	v37 =	vld [tilespmem:s0+$0x4630]  }
0x394: {  	v40 =	vld [tilespmem:s0+$0xC630]  }
0x395: {  	[tilespmem:$0x1FAB0] =	vst v0;
	v0 =	vld [tilespmem:s0+$0x47C0]  }
0x396: {  	v61 =	vld [tilespmem:s0+$0x4710]  }
0x397: {  	v35 =	vld [tilespmem:s0+$0x4660]  }
0x398: {  	v60 =	vbroadcast v51, $0xF;
	v51 =	vld [tilespmem:s0+$0xC660];
	v7 =	vadd.f32 v8, v7  }
0x399: {  	v56 =	vbroadcast v63, $0xF;
	v63 =	vld [tilespmem:s0+$0x46C0]  }
0x39a: {  	v13, _, _ =	vpop (xrf2);
	v3 =	vadd.f32 v5, v7;
	[tilespmem:$0x1FAC0] =	vst v0;
	v0 =	vld [tilespmem:s0+$0xC7C0]  }
0x39b: {  	v47 =	vmul.f32 v42, v9;
	v42 =	vld [tilespmem:s0+$0x4530];
	v48, _, _ =	vpop (xrf2)  }
0x39c: {  	v9 =	vld [tilespmem:s0+$0x4600];
	(xrf2) =	vadd.scan.msk.f32 $0xffff, v1;
	v5 =	vbroadcast v48, $0xF;
	v1 =	vadd.f32 v2, v3;
	v3 =	vbroadcast v13, $0xF  }
0x39d: {  	v49 =	vbroadcast v11, $0xF;
	v11 =	vld [tilespmem:s0+$0x4610]  }
0x39e: {  	v50 =	vbroadcast v14, $0xF;
	v27 =	vld [tilespmem:s0+$0xC4F0];
	v52, _, _ =	vpop (xrf2);
	(xrf2) =	vadd.scan.msk.f32 $0xffff, v1;
	v1 =	vsel vm0, v3, v5  }
0x39f: {  	v62 =	vld [tilespmem:s0+$0xC560];
	v1 =	vsel vm1, v1, v49;
	[tilespmem:$0x1FAD0] =	vst v0;
	v0 =	vbroadcast v52, $0xF  }
0x3a0: {  	v22 =	vld [tilespmem:s0+$0x45C0];
	v1 =	vsel vm2, v1, v50  }
0x3a1: {  	v1 =	vsel vm3, v1, v0;
	v0 =	vld [tilespmem:s0+$0x46F0]  }
0x3a2: {  	v58 =	vbroadcast v20, $0xF;
	v20 =	vld [tilespmem:s0+$0xC5C0]  }
0x3a3: {  	v14 =	vld [tilespmem:s0+$0x4590]  }
0x3a4: {  	v46 =	vmul.f32 v12, v16;
	v12 =	vld [tilespmem:s0+$0x4580]  }
0x3a5: {  	v34 =	vmul.f32 v38, v34;
	v38 =	vld [tilespmem:s0+$0x44A0]  }
0x3a6: {  	[tilespmem:$0x1FA50] =	vst v0;
	v0 =	vld [tilespmem:s0+$0xC6F0]  }
0x3a7: {  	v41 =	vmul.f32 v32, v41;
	v32 =	vld [tilespmem:s0+$0xC500]  }
0x3a8: {  	v10 =	vld [tilespmem:s0+$0xC600]  }
0x3a9: {  	v8 =	vld [tilespmem:s0+$0xC650];
	v2 =	vadd.f32 v46, v4  }
0x3aa: {  	v18 =	vld [tilespmem:s0+$0x4540]  }
0x3ab: {  	v6 =	vmul.f32 v44, v43;
	v2 =	vadd.f32 v47, v2;
	[tilespmem:$0x1FA60] =	vst v0;
	v0 =	vld [tilespmem:s0+$0x4760]  }
0x3ac: {  	v43 =	vld [tilespmem:s0+$0x45B0]  }
0x3ad: {  	v53 =	vbroadcast v23, $0xF;
	v44 =	vld [tilespmem:s0+$0x4570];
	v2 =	vadd.f32 v6, v2  }
0x3ae: {  	v48 =	vld [tilespmem:s0+$0xC6E0];
	v55, _, _ =	vpop (xrf2)  }
0x3af: {  	v13 =	vld [tilespmem:s0+$0xC580];
	(xrf2) =	vadd.scan.msk.f32 $0xffff, v2;
	v2 =	vbroadcast v55, $0xF;
	v1 =	vsel vm4, v1, v53  }
0x3b0: {  	v1 =	vsel vm5, v1, v54;
	[tilespmem:$0x1FAE0] =	vst v0;
	v0 =	vld [tilespmem:s0+$0x46B0]  }
0x3b1: {  	v3 =	vld [tilespmem:s0+$0x46D0];
	v57, _, _ =	vpop (xrf2);
	v1 =	vsel vm6, v1, v2;
	v2 =	vbroadcast v25, $0xF  }
0x3b2: {  	v5 =	vld [tilespmem:s0+$0x4640];
	v7 =	vbroadcast v57, $0xF;
	v1 =	vsel vm7, v1, v56  }
0x3b3: {  	v49 =	vld [tilespmem:s0+$0x44B0];
	v1 =	vsel vm8, v1, v2;
	v2 =	vbroadcast v28, $0xF  }
0x3b4: {  	v50 =	vld [tilespmem:s0+$0xC780];
	v59, _, _ =	vpop (xrf2);
	v1 =	vsel vm9, v1, v7  }
0x3b5: {  	v57 =	vld [tilespmem:s0+$0xC5A0];
	v1 =	vsel vm10, v1, v2;
	[tilespmem:$0x1FAF0] =	vst v0;
	v0 =	vbroadcast v59, $0xF  }
0x3b6: {  	v45 =	vld [tilespmem:s0+$0xC5B0];
	v1 =	vsel vm11, v1, v58  }
0x3b7: {  	v1 =	vsel vm12, v1, v0;
	v0 =	vld [tilespmem:s0+$0x4670]  }
0x3b8: {  	v4 =	vld [tilespmem:s0+$0xC6D0]  }
0x3b9: {  	v46 =	vld [tilespmem:s0+$0xC570];
	v2, _, _ =	vpop (xrf2);
	v1 =	vsel vm13, v1, v60  }
0x3ba: {  	v47 =	vld [tilespmem:s0+$0x46E0];
	v23 =	vsel vm14, v1, v2  }
0x3bb: {  	v6 =	vld [tilespmem:s0+$0xC640];
	v1 =	vand.u32 $0x7FFFFFFF, v23  }
0x3bc: {  	v1 =	vsub.f32 $0.0e+00, v1;
	[tilespmem:$0x1FA70] =	vst v0;
	v0 =	vld [tilespmem:s0+$0xC670]  }
0x3bd: {  	v55 =	vld [tilespmem:s0+$0xC790]  }
0x3be: {  	v52 =	vld [tilespmem:s0+$0x4790];
	v1 =	vmul.f32 $1.442695020e+00, v1  }
0x3bf: {  	v53 =	vld [tilespmem:s0+$0x4620]  }
0x3c0: {  	v54 =	vld [tilespmem:s0+$0xC620];
	(erf) = vpow2.f32 v1  }
0x3c1: {  	[tilespmem:$0x1FA80] =	vst v0;
	v0 =	vld [tilespmem:s0+$0x4740]  }
0x3c2: {  	v25 =	vld [tilespmem:s0+$0x44F0]  }
0x3c3: {  	v39 =	vmul.f32 v50, v39;
	v50 =	vmul.f32 v55, v52;
	v52 =	vld [tilespmem:s0+$0x4550]  }
0x3c4: {  	v55 =	vld [tilespmem:s0+$0xC550]  }
0x3c5: {  	v56 =	vld [tilespmem:s0+$0x45A0]  }
0x3c6: {  	[tilespmem:$0x1FB00] =	vst v0;
	v0 =	vld [tilespmem:s0+$0xC740]  }
0x3c7: {  	v58 =	vld [tilespmem:s0+$0x4700]  }
0x3c8: {  	v60 =	vld [tilespmem:s0+$0xC700]  }
0x3c9: {  	v1 =	vld [tilespmem:s0+$0xC710];
	v15 =	vpop (erf)  }
0x3ca: {  	v28 =	vld [tilespmem:s0+$0x45E0];
	v2 =	vadd.f32 $2.000000000e+00, v15  }
0x3cb: {  	[tilespmem:$0x1FB10] =	vst v0;
	v0 =	vld [tilespmem:s0+$0x4750]  }
0x3cc: {  	v7 =	vld [tilespmem:s0+$0x4650];
	(erf) = vrcp.f32 v2  }
0x3cd: {  	v50 =	vadd.f32 v50, v39;
	v39 =	vld [tilespmem:s0+$0xC4A0]  }
0x3ce: {  	v59 =	vld [tilespmem:s0+$0x4560];
	v58 =	vmul.f32 v60, v58;
	v1 =	vmul.f32 v1, v61  }
0x3cf: {  	v61 =	vld [tilespmem:$0x1FA40]  }
0x3d0: {  	v1 =	vadd.f32 v1, v58;
	[tilespmem:$0x1FB20] =	vst v0;
	v0 =	vld [tilespmem:s0+$0x46A0]  }
0x3d1: {  	v60 =	vmul.f32 v8, v7;
	v58 =	vmul.f32 v6, v5;
	v6 =	vld [tilespmem:s0+$0x44C0]  }
0x3d2: {  	v1 =	vadd.f32 v41, v1;
	v41 =	vmul.f32 v51, v35;
	v51 =	vld [tilespmem:$0x1FA80]  }
0x3d3: {  	v3 =	vmul.f32 v4, v3;
	v4 =	vadd.f32 v60, v58;
	v60 =	vld [tilespmem:s0+$0x4490]  }
0x3d4: {  	v35 =	vld [tilespmem:s0+$0x4410]  }
0x3d5: {  	v16 =	vpop (erf);
	[tilespmem:$0x1FB30] =	vst v0;
	v0 =	vld [tilespmem:s0+$0x45F0]  }
0x3d6: {  	v2 =	vld [tilespmem:s0+$0xC6C0];
	v21 =	vmul.f32 v16, v15  }
0x3d7: {  	v34 =	vadd.f32 v34, v50;
	v50 =	vmul.f32 v31, v61;
	v31 =	vld [tilespmem:s0+$0x4500]  }
0x3d8: {  	v61 =	vld [tilespmem:$0x1FA60];
	v19 =	vmul.f32 v21, v21  }
0x3d9: {  	v4 =	vadd.f32 v41, v4;
	v41 =	vld [tilespmem:s0+$0xC440]  }
0x3da: {  	v16 =	vmul.f32 $9.090909360e-02, v19;
	[tilespmem:$0x1FB40] =	vst v0;
	v0 =	vld [tilespmem:s0+$0x4680]  }
0x3db: {  	v2 =	vmul.f32 v2, v63;
	v63 =	vadd.f32 v50, v34;
	v34 =	vld [tilespmem:s0+$0x4510]  }
0x3dc: {  	v50 =	vmul.f32 v36, v33;
	v33 =	vld [tilespmem:s0+$0x4420];
	v17 =	vadd.f32 $1.111111120e-01, v16  }
0x3dd: {  	v36 =	vld [tilespmem:s0+$0xC420]  }
0x3de: {  	(xrf2) =	vadd.scan.msk.f32 $0xffff, v63;
	v63 =	vld [tilespmem:s0+$0xC4C0];
	v17 =	vmul.f32 v17, v19  }
0x3df: {  	v2 =	vadd.f32 v3, v2;
	v3 =	vmul.f32 v48, v47;
	[tilespmem:$0x1FA90] =	vst v0;
	v0 =	vld [tilespmem:s0+$0xC680]  }
0x3e0: {  	v47 =	vld [tilespmem:s0+$0x44D0];
	v17 =	vadd.f32 $1.428571490e-01, v17  }
0x3e1: {  	v1 =	vadd.f32 v50, v1;
	v2 =	vadd.f32 v3, v2;
	v3 =	vld [tilespmem:$0x1FA50]  }
0x3e2: {  	v50 =	vld [tilespmem:$0x1FA70];
	v17 =	vmul.f32 v17, v19  }
0x3e3: {  	(xrf2) =	vadd.scan.msk.f32 $0xffff, v1;
	v1 =	vmul.f32 v10, v9;
	v9 =	vld [tilespmem:s0+$0x4480]  }
0x3e4: {  	v17 =	vadd.f32 $2.000000030e-01, v17;
	[tilespmem:$0x1FB50] =	vst v0;
	v0 =	vld [tilespmem:s0+$0x4690]  }
0x3e5: {  	v15 =	vld [tilespmem:s0+$0xC590]  }
0x3e6: {  	v30 =	vadd.f32 v21, v21;
	v21 =	vld [tilespmem:s0+$0x4520];
	v3 =	vmul.f32 v61, v3;
	v17 =	vmul.f32 v17, v19  }
0x3e7: {  	v16 =	vld [tilespmem:$0x1FC20]  }
0x3e8: {  	v2 =	vadd.f32 v3, v2;
	v3 =	vld [tilespmem:s0+$0xC4D0];
	v24 =	vadd.f32 $3.333333430e-01, v17  }
0x3e9: {  	[tilespmem:$0x1FB60] =	vst v0;
	v0 =	vld [tilespmem:s0+$0xC610]  }
0x3ea: {  	(xrf2) =	vadd.scan.msk.f32 $0xffff, v2;
	v2 =	vmul.f32 v13, v12;
	v12 =	vld [tilespmem:s0+$0xC490];
	v26 =	vmul.f32 v24, v19  }
0x3eb: {  	v17 =	vld [tilespmem:s0+$0xC4E0]  }
0x3ec: {  	v24 =	vld [tilespmem:s0+$0x45D0];
	v29 =	vadd.f32 $1.000000000e+00, v26  }
0x3ed: {  	v58 =	vmul.f32 v15, v14;
	v19 =	vld [tilespmem:s0+$0xC540]  }
0x3ee: {  	v26 =	vld [tilespmem:s0+$0xC4B0];
	v29 =	vmul.f32 v29, v30;
	v0 =	vmul.f32 v0, v11  }
0x3ef: {  	v23 =	vmin.f32 v23, $0.0e+00;
	v30 =	vld [tilespmem:s0+$0xC430];
	v11 =	vadd.f32 v58, v2  }
0x3f0: {  	v2 =	vld [tilespmem:s0+$0x4400];
	v23 =	vsub.f32 v23, v29;
	v0 =	vadd.f32 v0, v1;
	v1 =	vmul.f32 v54, v53  }
0x3f1: {  	v5 =	vmul.f32 v51, v50;
	v13 =	vmul.f32 v57, v56;
	v29 =	vld [tilespmem:s0+$0x4430]  }
0x3f2: {  	v54 =	vld [tilespmem:s0+$0xC480];
	v16 =	vadd.f32 v23, v16;
	v0 =	vadd.f32 v1, v0;
	v1 =	vmul.f32 v40, v37  }
0x3f3: {  	v4 =	vadd.f32 v5, v4;
	v15 =	vmovc v28;
	v14 =	vmul.f32 v55, v52;
	v61 =	vmul.f32 v19, v18;
	v23 =	vld [tilespmem:s0+$0x4470]  }
0x3f4: {  	p0 =	sne.s32 s1, $0x7000;
	v3 =	vmul.f32 v3, v47;
	v11 =	vadd.f32 v13, v11;
	[tilespmem:$0x1FC20] =	vst v16;
	v16 =	vld [tilespmem:s0+$0x44E0];
	v0 =	vadd.f32 v1, v0  }
.Ltmp2:
0x3f5: {  	(xrf2) =	vadd.scan.msk.f32 $0xffff, v4;
	v13 =	vmul.f32 v45, v43;
	v4 =	vadd.f32 v14, v61;
	v14 =	vmul.f32 v62, v59;
	v40 =	vld [tilespmem:s0+$0xC410];
	(pc) =	sbr.rel @p0 .LBB2_6-.Ltmp2, $4  }
0x3f6: {  	v51, _, _ =	vpop (xrf2);
	v47 =	vmul.f32 v12, v60;
	v18 =	vmov v20;
	v37 =	vld [tilespmem:s0+$0x4440];
	(xrf2) =	vadd.scan.msk.f32 $0xffff, v0;
	v0 =	vmul.f32 v63, v6  }
0x3f7: {  	v20, _, _ =	vpop (xrf2);
	v62 =	vadd.f32 v13, v11;
	v4 =	vadd.f32 v14, v4;
	v14 =	vld [tilespmem:$0x1FA90];
	v63 =	vmul.f32 v46, v44  }
0x3f8: {  	v19 =	vmov v24;
	v28, _, _ =	vpop (xrf2);
	v1 =	vld [tilespmem:s0+$0xC400];
	v46 =	vmul.f32 v54, v9;
	v44 =	vadd.f32 v3, v0  }
0x3f9: {  	s1 =	sadd.s32 $0x1000, s1;
	(xrf2) =	vadd.scan.msk.f32 $0xffff, v62;
	v45 =	vmul.f32 v17, v16;
	v17 =	vmovc v22;
	v16 =	vmov v42;
	v42 =	vld [tilespmem:s0+$0x4450];
	v43 =	vadd.f32 v63, v4  }
0x3fa: {  	v0 =	vld [tilespmem:s0+$0xC450]  }
0x3fb: {  	v3 =	vld [tilespmem:s0+$0x4460]  }
0x3fc: {  	v5 =	vmul.f32 v27, v25;
	v6 =	vld [tilespmem:s0+$0xC460];
	v8 =	vmul.f32 v39, v38  }
0x3fd: {  	v9 =	vld [tilespmem:s0+$0xC510];
	v11 =	vmul.f32 v26, v49;
	v13 =	vmul.f32 v30, v29  }
0x3fe: {  	v7 =	vadd.f32 v47, v46;
	v10 =	vld [tilespmem:s0+$0xC520];
	v1 =	vmul.f32 v1, v2;
	v2 =	vmul.f32 v40, v35  }
0x3ff: {  	v54 =	vld [tilespmem:s0+$0xC470];
	v4 =	vadd.f32 v45, v44;
	v55 =	vmul.f32 v41, v37;
	v0 =	vmul.f32 v0, v42  }
0x400: {  	v7 =	vadd.f32 v8, v7;
	v1 =	vadd.f32 v2, v1;
	v2 =	vmul.f32 v36, v33  }
0x401: {  	v56 =	vld [tilespmem:s0+$0xC530];
	v4 =	vadd.f32 v5, v4;
	v3 =	vmul.f32 v6, v3;
	v0 =	vadd.f32 v0, v55  }
0x402: {  	v57 =	vmul.f32 v9, v34;
	v1 =	vadd.f32 v2, v1;
	v2 =	vmul.f32 v32, v31  }
0x403: {  	(xrf2) =	vadd.scan.msk.f32 $0xffff, v43;
	v7 =	vadd.f32 v11, v7;
	v60 =	vmul.f32 v10, v21;
	v0 =	vadd.f32 v3, v0  }
0x404: {  	(xrf2) =	vadd.scan.msk.f32 $0xffff, v4;
	v3 =	vmul.f32 v54, v23;
	v1 =	vadd.f32 v13, v1;
	v2 =	vadd.f32 v57, v2  }
0x405: {  	(xrf2) =	vadd.scan.msk.f32 $0xffff, v7  }
0x406: {  	v0 =	vadd.f32 v3, v0;
	(xrf2) =	vadd.scan.msk.f32 $0xffff, v1;
	v1 =	vadd.f32 v60, v2;
	v2 =	vmul.f32 v56, v16  }
0x407: {  	v59 =	vld [tilespmem:s0+$0xC690]  }
0x408: {  	(xrf2) =	vadd.scan.msk.f32 $0xffff, v0;
	v0 =	vadd.f32 v2, v1;
	v1 =	vld [tilespmem:$0x1FB50]  }
0x409: {  	v2 =	vld [tilespmem:$0x1FB60];
	_ =	sdelay $0x1  }
0x40a: {  	v12 =	vld [tilespmem:s0+$0xC5D0]  }
0x40b: {  	v58 =	vld [tilespmem:s0+$0xC5E0]  }
0x40c: {  	v61 =	vld [tilespmem:s0+$0xC5F0]  }
0x40d: {  	v63 =	vld [tilespmem:s0+$0xC6A0];
	v1 =	vmul.f32 v1, v14;
	v2 =	vmul.f32 v59, v2  }
0x40e: {  	v39 =	vld [tilespmem:s0+$0xC7D0]  }
0x40f: {  	v1 =	vadd.f32 v2, v1;
	v2 =	vld [tilespmem:$0x1FB30]  }
0x410: {  	v47 =	vld [tilespmem:$0x1FAC0]  }
0x411: {  	v37 =	vld [tilespmem:s0+$0x47D0]  }
0x412: {  	v41 =	vld [tilespmem:$0x1FB10]  }
0x413: {  	v43 =	vld [tilespmem:s0+$0x47E0]  }
0x414: {  	v34 =	vld [tilespmem:s0+$0xC6B0];
	v2 =	vmul.f32 v63, v2  }
0x415: {  	v36 =	vld [tilespmem:$0x1FB40]  }
0x416: {  	v1 =	vadd.f32 v2, v1;
	v2 =	vld [tilespmem:$0x1FAF0]  }
0x417: {  	v45 =	vld [tilespmem:$0x1FAE0];
	v62 =	vmul.f32 v12, v19;
	v3 =	vmul.f32 v18, v17  }
0x418: {  	v40 =	vld [tilespmem:$0x1FB00]  }
0x419: {  	v33 =	vmul.f32 v58, v15;
	v42 =	vld [tilespmem:$0x1FB20];
	v3 =	vadd.f32 v62, v3  }
0x41a: {  	v32 =	vld [tilespmem:s0+$0xC750]  }
0x41b: {  	v35 =	vld [tilespmem:s0+$0xC760];
	v6 =	vmul.f32 v61, v36;
	v3 =	vadd.f32 v33, v3;
	v2 =	vmul.f32 v34, v2  }
0x41c: {  	v14 =	vld [tilespmem:$0x1FAB0]  }
0x41d: {  	v38, _, _ =	vpop (xrf2);
	(xrf2) =	vadd.scan.msk.f32 $0xffff, v0;
	v3 =	vadd.f32 v6, v3;
	v1 =	vadd.f32 v2, v1;
	v2 =	vld [tilespmem:$0x1FAA0]  }
0x41e: {  	v16 =	vld [tilespmem:$0x1FAD0];
	v0, _, _ =	vpop (xrf2)  }
0x41f: {  	v44 =	vld [tilespmem:s0+$0xC7E0];
	v4 =	vmul.f32 v32, v42;
	v6 =	vmul.f32 v41, v40;
	v12, _, _ =	vpop (xrf2)  }
0x420: {  	v13, _, _ =	vpop (xrf2);
	(xrf2) =	vadd.scan.msk.f32 $0xffff, v3  }
0x421: {  	v46 =	vld [tilespmem:s0+$0x47F0];
	v5 =	vmul.f32 v35, v45;
	v4 =	vadd.f32 v4, v6;
	v3, _, _ =	vpop (xrf2)  }
0x422: {  	v15, _, _ =	vpop (xrf2);
	v2 =	vmul.f32 v14, v2;
	v14 =	vld [tilespmem:s0+$0xC7F0]  }
0x423: {  	v8 =	vmul.f32 v39, v37;
	v4 =	vadd.f32 v5, v4;
	v5 =	vmul.f32 v16, v47;
	v48, _, _ =	vpop (xrf2);
	(xrf2) =	vadd.scan.msk.f32 $0xffff, v1  }
0x424: {  	v49 =	vmul.f32 v44, v43;
	v50, _, _ =	vpop (xrf2);
	v52 =	vbroadcast v48, $0xF  }
0x425: {  	v1 =	vadd.f32 v2, v4;
	v2 =	vadd.f32 v8, v5;
	v5 =	vbroadcast v50, $0xF  }
0x426: {  	v3 =	vbroadcast v3, $0xF;
	v53 =	vbroadcast v15, $0xF  }
0x427: {  	v55, _, _ =	vpop (xrf2);
	v2 =	vadd.f32 v49, v2;
	(xrf2) =	vadd.scan.msk.f32 $0xffff, v1;
	v1 =	vsel vm0, v52, v5;
	v54 =	vmul.f32 v14, v46  }
0x428: {  	v5 =	vbroadcast v55, $0xF;
	v1 =	vsel vm1, v1, v53  }
0x429: {  	v1 =	vsel vm2, v1, v3;
	v3 =	vbroadcast v13, $0xF;
	v2 =	vadd.f32 v54, v2  }
0x42a: {  	v56 =	vbroadcast v12, $0xF;
	v57, _, _ =	vpop (xrf2);
	v1 =	vsel vm3, v1, v5  }
0x42b: {  	v1 =	vsel vm4, v1, v3;
	(xrf2) =	vadd.scan.msk.f32 $0xffff, v2;
	v2 =	vbroadcast v57, $0xF  }
0x42c: {  	v0 =	vbroadcast v0, $0xF;
	v1 =	vsel vm5, v1, v56  }
0x42d: {  	v3, _, _ =	vpop (xrf2);
	v1 =	vsel vm6, v1, v2;
	v2 =	vbroadcast v38, $0xF  }
0x42e: {  	v0 =	vsel vm7, v1, v0;
	v1 =	vbroadcast v3, $0xF  }
0x42f: {  	v0 =	vsel vm8, v0, v2;
	v2 =	vbroadcast v28, $0xF  }
0x430: {  	v0 =	vsel vm9, v0, v1;
	v1 =	vbroadcast v20, $0xF  }
0x431: {  	v0 =	vsel vm10, v0, v2  }
0x432: {  	v3, _, _ =	vpop (xrf2);
	v0 =	vsel vm11, v0, v1;
	v1 =	vbroadcast v51, $0xF  }
0x433: {  	v2 =	vbroadcast v3, $0xF;
	_ =	sdelay $0x1  }
0x434: {  	v0 =	vsel vm12, v0, v2  }
0x435: {  	v0 =	vsel vm13, v0, v1;
	v1, _, _ =	vpop (xrf2)  }
0x436: {  	v5 =	vsel vm14, v0, v1  }
0x437: {  	v0 =	vand.u32 $0x7FFFFFFF, v5  }
0x438: {  	v0 =	vsub.f32 $0.0e+00, v0;
	_ =	sdelay $0x1  }
0x439: {  	v0 =	vmul.f32 $1.442695020e+00, v0;
	_ =	sdelay $0x1  }
0x43a: {  	(erf) = vpow2.f32 v0;
	_ =	sdelay $0x8  }
0x43b: {  	v0 =	vpop (erf)  }
0x43c: {  	v1 =	vadd.f32 $2.000000000e+00, v0;
	_ =	sdelay $0x1  }
0x43d: {  	(erf) = vrcp.f32 v1;
	_ =	sdelay $0x8  }
0x43e: {  	v21 =	vpop (erf)  }
0x43f: {  	_ =	swait.ge [sflag:s29], $0x2000  }
0x440: {  	[sflag:s29] =	ssyncset.done $0x0  }
0x441: {  	[sflag:s29] =	ssyncadd.s32 $0xFFFFE000  }
0x442: {  	_ =	swait.ge [sflag:s29], $0x2000  }
0x443: {  	[sflag:s29] =	ssyncset.done $0x0  }
0x444: {  	s0 =	simm.s32 $0x0;
	[sflag:s29] =	ssyncadd.s32 $0xFFFFE000  }
0x445: {  	v1 =	vld [tilespmem:s0+$0x67B0];
	_ =	sdelay $0x4  }
0x446: {  	[tilespmem:$0x1F970] =	vst v1;
	v1 =	vld [tilespmem:s0+$0xE7B0];
	_ =	sdelay $0x4  }
0x447: {  	[tilespmem:$0x1F980] =	vst v1;
	v1 =	vld [tilespmem:s0+$0x6770];
	_ =	sdelay $0x4  }
0x448: {  	[tilespmem:$0x1F8A0] =	vst v1;
	v1 =	vld [tilespmem:s0+$0xE770];
	_ =	sdelay $0x4  }
0x449: {  	[tilespmem:$0x1F8B0] =	vst v1;
	v1 =	vld [tilespmem:s0+$0x67C0];
	_ =	sdelay $0x4  }
0x44a: {  	[tilespmem:$0x1F8C0] =	vst v1;
	v1 =	vld [tilespmem:s0+$0xE7C0];
	_ =	sdelay $0x4  }
0x44b: {  	[tilespmem:$0x1F8D0] =	vst v1;
	v1 =	vld [tilespmem:s0+$0x6730];
	_ =	sdelay $0x4  }
0x44c: {  	[tilespmem:$0x1F990] =	vst v1;
	v1 =	vld [tilespmem:s0+$0xE730];
	_ =	sdelay $0x4  }
0x44d: {  	[tilespmem:$0x1F9A0] =	vst v1;
	v1 =	vld [tilespmem:s0+$0x6760];
	_ =	sdelay $0x4  }
0x44e: {  	[tilespmem:$0x1F8E0] =	vst v1;
	v1 =	vld [tilespmem:s0+$0x66B0]  }
0x44f: {  	v59 =	vld [tilespmem:s0+$0x67A0]  }
0x450: {  	v58 =	vld [tilespmem:s0+$0xE7A0]  }
0x451: {  	v24 =	vld [tilespmem:s0+$0x66F0]  }
0x452: {  	v25 =	vld [tilespmem:s0+$0xE6F0]  }
0x453: {  	[tilespmem:$0x1F8F0] =	vst v1;
	v1 =	vld [tilespmem:s0+$0x6740]  }
0x454: {  	v34 =	vld [tilespmem:s0+$0x6720]  }
0x455: {  	v33 =	vld [tilespmem:s0+$0xE720]  }
0x456: {  	v38 =	vld [tilespmem:s0+$0x6780]  }
0x457: {  	v39 =	vld [tilespmem:s0+$0xE780]  }
0x458: {  	[tilespmem:$0x1F900] =	vst v1;
	v1 =	vld [tilespmem:s0+$0xE740]  }
0x459: {  	v32 =	vld [tilespmem:s0+$0x6790]  }
0x45a: {  	v31 =	vld [tilespmem:s0+$0xE790]  }
0x45b: {  	v8 =	vld [tilespmem:s0+$0x6670]  }
0x45c: {  	v9 =	vld [tilespmem:s0+$0xE670]  }
0x45d: {  	[tilespmem:$0x1F910] =	vst v1;
	v1 =	vld [tilespmem:s0+$0x6750]  }
0x45e: {  	v61 =	vld [tilespmem:s0+$0x66E0]  }
0x45f: {  	v60 =	vld [tilespmem:s0+$0xE6E0]  }
0x460: {  	v6 =	vld [tilespmem:s0+$0x6630]  }
0x461: {  	v7 =	vld [tilespmem:s0+$0xE630]  }
0x462: {  	[tilespmem:$0x1F920] =	vst v1;
	v1 =	vld [tilespmem:s0+$0x66A0]  }
0x463: {  	v48 =	vld [tilespmem:s0+$0x6700]  }
0x464: {  	v3 =	vld [tilespmem:s0+$0xE700]  }
0x465: {  	v50 =	vld [tilespmem:s0+$0x6710]  }
0x466: {  	v51 =	vld [tilespmem:s0+$0xE710]  }
0x467: {  	[tilespmem:$0x1F930] =	vst v1;
	v1 =	vld [tilespmem:s0+$0x65F0]  }
0x468: {  	v54 =	vld [tilespmem:s0+$0x66C0]  }
0x469: {  	v55 =	vld [tilespmem:s0+$0xE6C0]  }
0x46a: {  	v56 =	vld [tilespmem:s0+$0x66D0]  }
0x46b: {  	v57 =	vld [tilespmem:s0+$0xE6D0]  }
0x46c: {  	[tilespmem:$0x1F940] =	vst v1;
	v1 =	vld [tilespmem:s0+$0x6660]  }
0x46d: {  	v12 =	vld [tilespmem:s0+$0x65B0]  }
0x46e: {  	v13 =	vld [tilespmem:s0+$0xE5B0]  }
0x46f: {  	v14 =	vld [tilespmem:s0+$0x6680]  }
0x470: {  	v10 =	vld [tilespmem:s0+$0x6570]  }
0x471: {  	[tilespmem:$0x1F9B0] =	vst v1;
	v1 =	vld [tilespmem:s0+$0xE660]  }
0x472: {  	v11 =	vld [tilespmem:s0+$0xE570]  }
0x473: {  	v15 =	vld [tilespmem:s0+$0x65E0]  }
0x474: {  	v36 =	vld [tilespmem:s0+$0x6640]  }
0x475: {  	v35 =	vld [tilespmem:s0+$0xE640]  }
0x476: {  	[tilespmem:$0x1F9C0] =	vst v1;
	v1 =	vld [tilespmem:s0+$0x6620]  }
0x477: {  	v45 =	vld [tilespmem:s0+$0x6650]  }
0x478: {  	v44 =	vld [tilespmem:s0+$0xE650]  }
0x479: {  	v16 =	vld [tilespmem:s0+$0x6530]  }
0x47a: {  	v62 =	vld [tilespmem:s0+$0xE5A0]  }
0x47b: {  	[tilespmem:$0x1F9D0] =	vst v1;
	v1 =	vld [tilespmem:s0+$0xE620]  }
0x47c: {  	v4 =	vld [tilespmem:s0+$0x6600]  }
0x47d: {  	v47 =	vld [tilespmem:s0+$0xE600]  }
0x47e: {  	v52 =	vld [tilespmem:s0+$0x6610]  }
0x47f: {  	v46 =	vld [tilespmem:s0+$0xE610]  }
0x480: {  	[tilespmem:$0x1F9E0] =	vst v1;
	v1 =	vld [tilespmem:s0+$0xE680]  }
0x481: {  	v49 =	vld [tilespmem:s0+$0x64F0]  }
0x482: {  	v27 =	vld [tilespmem:s0+$0xE4F0]  }
0x483: {  	v17 =	vld [tilespmem:s0+$0x65C0]  }
0x484: {  	v18 =	vld [tilespmem:s0+$0xE5C0]  }
0x485: {  	[tilespmem:$0x1F950] =	vst v1;
	v1 =	vld [tilespmem:s0+$0x6690]  }
0x486: {  	v19 =	vld [tilespmem:s0+$0x65D0]  }
0x487: {  	v53 =	vld [tilespmem:s0+$0x64B0]  }
0x488: {  	v26 =	vld [tilespmem:s0+$0xE4B0]  }
0x489: {  	v2 =	vmul.f32 v21, v0;
	v21 =	vld [tilespmem:s0+$0x6520]  }
0x48a: {  	[tilespmem:$0x1F960] =	vst v1;
	v1 =	vld [tilespmem:s0+$0x65A0]  }
0x48b: {  	v43 =	vld [tilespmem:s0+$0x6580]  }
0x48c: {  	v42 =	vld [tilespmem:s0+$0xE580]  }
0x48d: {  	v41 =	vld [tilespmem:s0+$0x6590]  }
0x48e: {  	v28 =	vld [tilespmem:s0+$0xE590]  }
0x48f: {  	[tilespmem:$0x1F9F0] =	vst v1;
	v1 =	vld [tilespmem:s0+$0x6560]  }
0x490: {  	v29 =	vld [tilespmem:s0+$0x6430]  }
0x491: {  	v30 =	vld [tilespmem:s0+$0xE430]  }
0x492: {  	v20 =	vld [tilespmem:s0+$0x64E0]  }
0x493: {  	v63 =	vld [tilespmem:s0+$0xE4E0]  }
0x494: {  	[tilespmem:$0x1FA00] =	vst v1;
	v1 =	vld [tilespmem:s0+$0xE560]  }
0x495: {  	v0 =	vmul.f32 v2, v2;
	v40 =	vld [tilespmem:s0+$0x6540]  }
0x496: {  	v37 =	vld [tilespmem:s0+$0xE540]  }
0x497: {  	v23 =	vmul.f32 $9.090909360e-02, v0;
	v22 =	vld [tilespmem:s0+$0x6550]  }
0x498: {  	[tilespmem:$0x1FA30] =	vst v20;
	v20 =	vld [tilespmem:s0+$0xE550]  }
0x499: {  	v39 =	vmul.f32 v39, v38;
	v38 =	vld [tilespmem:s0+$0x64A0];
	[tilespmem:$0x1FA10] =	vst v1;
	v1 =	vadd.f32 $1.111111120e-01, v23  }
0x49a: {  	v31 =	vmul.f32 v31, v32;
	v33 =	vmul.f32 v33, v34;
	v34 =	vld [tilespmem:s0+$0x6510]  }
0x49b: {  	v35 =	vmul.f32 v35, v36;
	v36 =	vld [tilespmem:s0+$0xE420];
	v1 =	vmul.f32 v1, v0  }
0x49c: {  	v32 =	vmul.f32 v3, v48;
	v58 =	vmul.f32 v58, v59;
	v59 =	vld [tilespmem:$0x1F970]  }
0x49d: {  	v48 =	vmul.f32 v51, v50;
	v51 =	vmul.f32 v57, v56;
	v57 =	vld [tilespmem:$0x1F980];
	v1 =	vadd.f32 $1.428571490e-01, v1  }
0x49e: {  	v44 =	vmul.f32 v44, v45;
	v45 =	vld [tilespmem:s0+$0xE4C0]  }
0x49f: {  	v28 =	vmul.f32 v28, v41;
	v41 =	vld [tilespmem:s0+$0xE440];
	v3 =	vadd.f32 v31, v39;
	v1 =	vmul.f32 v1, v0  }
0x4a0: {  	v39 =	vld [tilespmem:s0+$0xE4A0]  }
0x4a1: {  	v3 =	vadd.f32 v58, v3;
	v58 =	vld [tilespmem:$0x1F990];
	v1 =	vadd.f32 $2.000000030e-01, v1  }
0x4a2: {  	v50 =	vmul.f32 v55, v54;
	v54 =	vmul.f32 v57, v59;
	v59 =	vld [tilespmem:$0x1F9A0]  }
0x4a3: {  	v31 =	vld [tilespmem:s0+$0x6500];
	v1 =	vmul.f32 v1, v0  }
0x4a4: {  	v48 =	vadd.f32 v48, v32;
	v32 =	vld [tilespmem:s0+$0xE500]  }
0x4a5: {  	v50 =	vadd.f32 v51, v50;
	v51 =	vld [tilespmem:s0+$0x64C0];
	v1 =	vadd.f32 $3.333333430e-01, v1  }
0x4a6: {  	v56 =	vmul.f32 v60, v61;
	v57 =	vmul.f32 v25, v24;
	v24 =	vld [tilespmem:$0x1F9B0]  }
0x4a7: {  	v55 =	vmul.f32 v59, v58;
	v61 =	vld [tilespmem:$0x1F9D0];
	v0 =	vmul.f32 v1, v0  }
0x4a8: {  	v59 =	vmul.f32 v9, v8;
	v8 =	vld [tilespmem:$0x1F9E0];
	v1 =	vadd.f32 v54, v3;
	v3 =	vadd.f32 v56, v50  }
0x4a9: {  	v2 =	vadd.f32 v2, v2;
	v25 =	vld [tilespmem:$0x1F9C0];
	v0 =	vadd.f32 $1.000000000e+00, v0  }
0x4aa: {  	v47 =	vmul.f32 v47, v4;
	(xrf2) =	vadd.scan.msk.f32 $0xffff, v1;
	v1 =	vadd.f32 v57, v3;
	v3 =	vld [tilespmem:s0+$0x64D0]  }
0x4ab: {  	v46 =	vmul.f32 v46, v52;
	v0 =	vmul.f32 v0, v2;
	v2 =	vadd.f32 v44, v35;
	v44 =	vld [tilespmem:s0+$0xE4D0]  }
0x4ac: {  	v48 =	vadd.f32 v33, v48;
	v33 =	vld [tilespmem:s0+$0x6420]  }
0x4ad: {  	v60 =	vadd.f32 v46, v47;
	v9 =	vmul.f32 v8, v61;
	v52 =	vld [tilespmem:$0x1F9F0]  }
0x4ae: {  	v48 =	vadd.f32 v55, v48;
	v23 =	vld [tilespmem:s0+$0x6470]  }
0x4af: {  	v20 =	vmul.f32 v20, v22;
	v58 =	vmul.f32 v25, v24;
	v22 =	vadd.f32 v9, v60;
	v60 =	vld [tilespmem:$0x1FA10]  }
0x4b0: {  	(xrf2) =	vadd.scan.msk.f32 $0xffff, v48;
	v44 =	vmul.f32 v44, v3;
	v3 =	vld [tilespmem:$0x1FC20]  }
0x4b1: {  	v54 =	vld [tilespmem:s0+$0xE490];
	(xrf2) =	vadd.scan.msk.f32 $0xffff, v1;
	v1 =	vmin.f32 v5, $0.0e+00;
	v2 =	vadd.f32 v58, v2  }
0x4b2: {  	v56 =	vmul.f32 v37, v40;
	v40 =	vld [tilespmem:s0+$0xE410];
	v0 =	vsub.f32 v1, v0;
	v1 =	vmul.f32 v42, v43  }
0x4b3: {  	v55 =	vadd.f32 v59, v2;
	v59 =	vld [tilespmem:$0x1FA00]  }
0x4b4: {  	v48 =	vld [tilespmem:s0+$0x6480];
	v1 =	vadd.f32 v28, v1;
	v28 =	vmul.f32 v62, v52  }
0x4b5: {  	v42 =	vld [tilespmem:s0+$0xE480];
	v0 =	vadd.f32 v0, v3  }
0x4b6: {  	v20 =	vadd.f32 v20, v56;
	v43 =	vld [tilespmem:s0+$0x6490];
	v58 =	vmul.f32 v13, v12;
	v28 =	vadd.f32 v28, v1  }
0x4b7: {  	v57 =	vmul.f32 v7, v6;
	[tilespmem:$0x1FA20] =	vst v0;
	v0 =	vld [tilespmem:$0x1FA30]  }
0x4b8: {  	v35 =	vld [tilespmem:s0+$0x6410];
	(xrf2) =	vadd.scan.msk.f32 $0xffff, v55;
	v28 =	vadd.f32 v58, v28;
	v61 =	vmul.f32 v60, v59  }
0x4b9: {  	v45 =	vmul.f32 v45, v51;
	v22 =	vadd.f32 v57, v22;
	v2 =	vld [tilespmem:s0+$0x6400]  }
0x4ba: {  	v62 =	vmul.f32 v11, v10;
	v1 =	vld [tilespmem:s0+$0xE400];
	v4 =	vadd.f32 v61, v20;
	v20, _, _ =	vpop (xrf2)  }
0x4bb: {  	v37 =	vld [tilespmem:s0+$0x6440];
	v44 =	vadd.f32 v44, v45;
	v46 =	vmul.f32 v42, v48;
	(xrf2) =	vadd.scan.msk.f32 $0xffff, v22;
	v51, _, _ =	vpop (xrf2)  }
0x4bc: {  	s1 =	simm.s32 $0x1000;
	v47 =	vmul.f32 v54, v43;
	v42 =	vld [tilespmem:s0+$0x6450];
	(xrf2) =	vadd.scan.msk.f32 $0xffff, v28;
	v43 =	vadd.f32 v62, v4;
	v28, _, _ =	vpop (xrf2);
	v45 =	vmul.f32 v63, v0  }
.LBB2_8:
0x4bd: {  	v48 =	vld [tilespmem:s0+$0xE450]  }
0x4be: {  	v59 =	vld [tilespmem:s0+$0xE460];
	v44 =	vadd.f32 v45, v44;
	v0 =	vmul.f32 v27, v49  }
0x4bf: {  	v27 =	vld [tilespmem:s0+$0x6460];
	v1 =	vmul.f32 v1, v2;
	v2 =	vmul.f32 v40, v35  }
0x4c0: {  	v58 =	vadd.f32 v47, v46;
	v38 =	vmul.f32 v39, v38;
	v0 =	vadd.f32 v0, v44  }
0x4c1: {  	v60 =	vld [tilespmem:s0+$0xE470];
	(xrf2) =	vadd.scan.msk.f32 $0xffff, v43;
	v24 =	vmul.f32 v26, v53;
	v1 =	vadd.f32 v2, v1;
	v2 =	vmul.f32 v36, v33  }
0x4c2: {  	v26 =	vld [tilespmem:s0+$0xE510];
	v61 =	vmul.f32 v41, v37;
	v25, _, _ =	vpop (xrf2);
	(xrf2) =	vadd.scan.msk.f32 $0xffff, v0;
	v0 =	vmul.f32 v48, v42  }
0x4c3: {  	v38 =	vadd.f32 v38, v58;
	v1 =	vadd.f32 v2, v1  }
0x4c4: {  	v62 =	vld [tilespmem:s0+$0xE520];
	v2 =	vmul.f32 v30, v29;
	v27 =	vmul.f32 v59, v27;
	v30 =	vadd.f32 v0, v61  }
0x4c5: {  	v24 =	vadd.f32 v24, v38  }
0x4c6: {  	v11 =	vld [tilespmem:s0+$0xE530];
	v1 =	vadd.f32 v2, v1;
	v0 =	vmul.f32 v60, v23;
	v27 =	vadd.f32 v27, v30  }
0x4c7: {  	v63, _, _ =	vpop (xrf2);
	(xrf2) =	vadd.scan.msk.f32 $0xffff, v24;
	v2 =	vmul.f32 v32, v31;
	v24 =	vmul.f32 v26, v34  }
0x4c8: {  	v40, _, _ =	vpop (xrf2);
	(xrf2) =	vadd.scan.msk.f32 $0xffff, v1;
	v1 =	vadd.f32 v0, v27;
	v0 =	vld [tilespmem:$0x1F950]  }
0x4c9: {  	v21 =	vmul.f32 v62, v21;
	v2 =	vadd.f32 v24, v2;
	_ =	sdelay $0x1  }
0x4ca: {  	v16 =	vmul.f32 v11, v16;
	v2 =	vadd.f32 v21, v2  }
0x4cb: {  	v30 =	vld [tilespmem:s0+$0xE690]  }
0x4cc: {  	v23, _, _ =	vpop (xrf2);
	(xrf2) =	vadd.scan.msk.f32 $0xffff, v1;
	v1 =	vadd.f32 v16, v2;
	v2 =	vmul.f32 v0, v14;
	v0 =	vld [tilespmem:$0x1F960];
	_ =	sdelay $0x2  }
0x4cd: {  	v29 =	vld [tilespmem:s0+$0xE5D0]  }
0x4ce: {  	v24 =	vld [tilespmem:s0+$0xE5F0]  }
0x4cf: {  	v12 =	vmul.f32 v30, v0;
	v0 =	vld [tilespmem:$0x1F940];
	_ =	sdelay $0x3  }
0x4d0: {  	v17 =	vmul.f32 v18, v17;
	v18 =	vmul.f32 v29, v19;
	v19 =	vld [tilespmem:s0+$0xE6A0]  }
0x4d1: {  	v4 =	vmul.f32 v24, v0;
	v0 =	vld [tilespmem:$0x1F930];
	_ =	sdelay $0x3  }
0x4d2: {  	v3 =	vld [tilespmem:$0x1F910]  }
0x4d3: {  	v10 =	vmul.f32 v19, v0;
	v0 =	vld [tilespmem:$0x1F900];
	_ =	sdelay $0x3  }
0x4d4: {  	v21 =	vld [tilespmem:s0+$0xE750]  }
0x4d5: {  	v7 =	vmul.f32 v3, v0;
	v0 =	vld [tilespmem:$0x1F920];
	_ =	sdelay $0x2  }
0x4d6: {  	v26 =	vld [tilespmem:s0+$0xE5E0]  }
0x4d7: {  	v17 =	vadd.f32 v18, v17;
	v18 =	vld [tilespmem:s0+$0xE6B0]  }
0x4d8: {  	v8 =	vmul.f32 v21, v0;
	v0 =	vld [tilespmem:$0x1F8F0];
	_ =	sdelay $0x2  }
0x4d9: {  	v15 =	vmul.f32 v26, v15  }
0x4da: {  	v13 =	vld [tilespmem:s0+$0xE760]  }
0x4db: {  	v15 =	vadd.f32 v15, v17;
	v2 =	vadd.f32 v12, v2;
	v6 =	vmul.f32 v18, v0;
	v0 =	vld [tilespmem:$0x1F8E0];
	_ =	sdelay $0x1  }
0x4dc: {  	v9 =	vld [tilespmem:s0+$0x67E0];
	v14, _, _ =	vpop (xrf2);
	(xrf2) =	vadd.scan.msk.f32 $0xffff, v1;
	v1 =	vadd.f32 v4, v15;
	v2 =	vadd.f32 v10, v2  }
0x4dd: {  	v43 =	vld [tilespmem:s0+$0xE7F0]  }
0x4de: {  	v11, _, _ =	vpop (xrf2);
	(xrf2) =	vadd.scan.msk.f32 $0xffff, v1;
	v1 =	vadd.f32 v6, v2;
	v2 =	vld [tilespmem:$0x1F8B0]  }
0x4df: {  	v5 =	vmul.f32 v13, v0;
	v0 =	vld [tilespmem:$0x1F8A0]  }
0x4e0: {  	v41 =	vld [tilespmem:s0+$0xE7E0]  }
0x4e1: {  	v42 =	vld [tilespmem:s0+$0x67F0]  }
0x4e2: {  	v16 =	vld [tilespmem:s0+$0x67D0]  }
0x4e3: {  	v12 =	vld [tilespmem:s0+$0xE7D0];
	s0 =	sshra.s32 s1, $0x2  }
0x4e4: {  	v2 =	vmul.f32 v2, v0;
	v0 =	vld [tilespmem:s0+$0x67B0];
	_ =	sdelay $0x3  }
0x4e5: {  	v44 =	vld [tilespmem:$0x1F8D0]  }
0x4e6: {  	[tilespmem:$0x1F840] =	vst v0;
	v0 =	vld [tilespmem:$0x1F8C0];
	_ =	sdelay $0x1  }
0x4e7: {  	v31 =	vld [tilespmem:s0+$0xE7B0]  }
0x4e8: {  	v33 =	vld [tilespmem:s0+$0x6730]  }
0x4e9: {  	v36 =	vld [tilespmem:s0+$0xE730]  }
0x4ea: {  	v4 =	vmul.f32 v44, v0;
	v0 =	vld [tilespmem:s0+$0x6770]  }
0x4eb: {  	v34 =	vld [tilespmem:s0+$0x67A0]  }
0x4ec: {  	v38 =	vld [tilespmem:s0+$0xE7A0]  }
0x4ed: {  	v46 =	vmul.f32 v41, v9;
	v41 =	vld [tilespmem:s0+$0x6720]  }
0x4ee: {  	v32 =	vld [tilespmem:s0+$0xE720]  }
0x4ef: {  	[tilespmem:$0x1F8A0] =	vst v0;
	v0 =	vld [tilespmem:s0+$0xE770]  }
0x4f0: {  	v39 =	vld [tilespmem:s0+$0x6780]  }
0x4f1: {  	v53 =	vbroadcast v40, $0xF;
	v40 =	vld [tilespmem:s0+$0xE630]  }
0x4f2: {  	v60 =	vld [tilespmem:s0+$0xE700]  }
0x4f3: {  	v61 =	vld [tilespmem:s0+$0x6710]  }
0x4f4: {  	[tilespmem:$0x1F8B0] =	vst v0;
	v0 =	vld [tilespmem:s0+$0x67C0]  }
0x4f5: {  	v35 =	vld [tilespmem:s0+$0x6660]  }
0x4f6: {  	v57 =	vbroadcast v51, $0xF;
	v51 =	vld [tilespmem:s0+$0xE660]  }
0x4f7: {  	v55 =	vbroadcast v63, $0xF;
	v63 =	vld [tilespmem:s0+$0x66C0];
	v7 =	vadd.f32 v8, v7  }
0x4f8: {  	v37 =	vld [tilespmem:s0+$0x6680]  }
0x4f9: {  	v13, _, _ =	vpop (xrf2);
	v3 =	vadd.f32 v5, v7;
	[tilespmem:$0x1F8C0] =	vst v0;
	v0 =	vld [tilespmem:s0+$0xE7C0]  }
0x4fa: {  	v59 =	vbroadcast v20, $0xF;
	v20 =	vld [tilespmem:s0+$0x6530];
	v47, _, _ =	vpop (xrf2)  }
0x4fb: {  	v9 =	vld [tilespmem:s0+$0x6600];
	(xrf2) =	vadd.scan.msk.f32 $0xffff, v1;
	v5 =	vbroadcast v47, $0xF;
	v1 =	vadd.f32 v2, v3;
	v3 =	vbroadcast v13, $0xF  }
0x4fc: {  	v48 =	vbroadcast v11, $0xF;
	v11 =	vld [tilespmem:s0+$0x6610]  }
0x4fd: {  	v49 =	vbroadcast v14, $0xF;
	v27 =	vld [tilespmem:s0+$0xE4F0];
	v50, _, _ =	vpop (xrf2);
	(xrf2) =	vadd.scan.msk.f32 $0xffff, v1;
	v1 =	vsel vm0, v3, v5  }
0x4fe: {  	v62 =	vld [tilespmem:s0+$0xE560];
	v1 =	vsel vm1, v1, v48;
	[tilespmem:$0x1F8D0] =	vst v0;
	v0 =	vbroadcast v50, $0xF  }
0x4ff: {  	v22 =	vld [tilespmem:s0+$0x65C0];
	v1 =	vsel vm2, v1, v49  }
0x500: {  	v1 =	vsel vm3, v1, v0;
	v0 =	vld [tilespmem:s0+$0x66F0]  }
0x501: {  	v14 =	vld [tilespmem:s0+$0xE580]  }
0x502: {  	v45 =	vmul.f32 v12, v16;
	v12 =	vld [tilespmem:s0+$0xE610]  }
0x503: {  	v34 =	vmul.f32 v38, v34;
	v38 =	vld [tilespmem:s0+$0x64A0]  }
0x504: {  	v41 =	vmul.f32 v32, v41;
	v32 =	vld [tilespmem:s0+$0xE500]  }
0x505: {  	[tilespmem:$0x1F850] =	vst v0;
	v0 =	vld [tilespmem:s0+$0xE6F0]  }
0x506: {  	v10 =	vld [tilespmem:s0+$0xE600]  }
0x507: {  	v8 =	vld [tilespmem:s0+$0xE650];
	v2 =	vadd.f32 v45, v4  }
0x508: {  	v18 =	vld [tilespmem:s0+$0x6540]  }
0x509: {  	v6 =	vmul.f32 v43, v42;
	v43 =	vld [tilespmem:s0+$0x65B0];
	v2 =	vadd.f32 v46, v2  }
0x50a: {  	[tilespmem:$0x1F860] =	vst v0;
	v0 =	vld [tilespmem:s0+$0x6760]  }
0x50b: {  	v42 =	vld [tilespmem:s0+$0x65E0];
	v2 =	vadd.f32 v6, v2  }
0x50c: {  	v52 =	vbroadcast v23, $0xF;
	v47 =	vld [tilespmem:s0+$0x66E0]  }
0x50d: {  	v54, _, _ =	vpop (xrf2);
	v13 =	vld [tilespmem:s0+$0x6580];
	(xrf2) =	vadd.scan.msk.f32 $0xffff, v2  }
0x50e: {  	v3 =	vld [tilespmem:s0+$0x66D0];
	v2 =	vbroadcast v54, $0xF;
	v1 =	vsel vm4, v1, v52  }
0x50f: {  	v1 =	vsel vm5, v1, v53;
	[tilespmem:$0x1F8E0] =	vst v0;
	v0 =	vld [tilespmem:s0+$0x66B0]  }
0x510: {  	v5 =	vld [tilespmem:s0+$0x6640];
	v56, _, _ =	vpop (xrf2);
	v1 =	vsel vm6, v1, v2;
	v2 =	vbroadcast v25, $0xF  }
0x511: {  	v48 =	vld [tilespmem:s0+$0xE6E0];
	v7 =	vbroadcast v56, $0xF;
	v1 =	vsel vm7, v1, v55  }
0x512: {  	v56 =	vld [tilespmem:s0+$0x65A0];
	v1 =	vsel vm8, v1, v2;
	v2 =	vbroadcast v28, $0xF  }
0x513: {  	v49 =	vld [tilespmem:s0+$0x64F0];
	v58, _, _ =	vpop (xrf2);
	v1 =	vsel vm9, v1, v7  }
0x514: {  	v44 =	vld [tilespmem:s0+$0x6570];
	v1 =	vsel vm10, v1, v2;
	[tilespmem:$0x1F8F0] =	vst v0;
	v0 =	vbroadcast v58, $0xF  }
0x515: {  	v4 =	vld [tilespmem:s0+$0xE6D0];
	v1 =	vsel vm11, v1, v57  }
0x516: {  	v45 =	vld [tilespmem:s0+$0xE5B0];
	v1 =	vsel vm12, v1, v0  }
0x517: {  	v46 =	vld [tilespmem:s0+$0xE570];
	v2, _, _ =	vpop (xrf2);
	v1 =	vsel vm13, v1, v59  }
0x518: {  	v6 =	vld [tilespmem:s0+$0xE640];
	v23 =	vsel vm14, v1, v2  }
0x519: {  	v0 =	vld [tilespmem:s0+$0x6670];
	v1 =	vand.u32 $0x7FFFFFFF, v23  }
0x51a: {  	v54 =	vld [tilespmem:s0+$0xE620];
	v1 =	vsub.f32 $0.0e+00, v1  }
0x51b: {  	v50 =	vld [tilespmem:s0+$0xE780]  }
0x51c: {  	v52 =	vld [tilespmem:s0+$0x6790];
	v1 =	vmul.f32 $1.442695020e+00, v1  }
0x51d: {  	v53 =	vld [tilespmem:s0+$0x64B0]  }
0x51e: {  	[tilespmem:$0x1F870] =	vst v0;
	v0 =	vld [tilespmem:s0+$0xE670];
	(erf) = vpow2.f32 v1  }
0x51f: {  	v25 =	vld [tilespmem:s0+$0xE5C0]  }
0x520: {  	v55 =	vld [tilespmem:s0+$0xE790]  }
0x521: {  	v28 =	vld [tilespmem:s0+$0x6620]  }
0x522: {  	v7 =	vld [tilespmem:s0+$0x6650]  }
0x523: {  	[tilespmem:$0x1F880] =	vst v0;
	v0 =	vld [tilespmem:s0+$0x6740]  }
0x524: {  	v58 =	vld [tilespmem:s0+$0x6700]  }
0x525: {  	v57 =	vld [tilespmem:s0+$0xE5A0]  }
0x526: {  	v39 =	vmul.f32 v50, v39;
	v50 =	vmul.f32 v55, v52;
	v52 =	vld [tilespmem:s0+$0x6550]  }
0x527: {  	v55 =	vld [tilespmem:s0+$0xE550];
	v15 =	vpop (erf)  }
0x528: {  	[tilespmem:$0x1F900] =	vst v0;
	v0 =	vld [tilespmem:s0+$0xE740];
	v2 =	vadd.f32 $2.000000000e+00, v15  }
0x529: {  	v58 =	vmul.f32 v60, v58;
	v60 =	vld [tilespmem:$0x1F840]  }
0x52a: {  	v50 =	vadd.f32 v50, v39;
	v39 =	vld [tilespmem:s0+$0xE4A0];
	(erf) = vrcp.f32 v2  }
0x52b: {  	v1 =	vld [tilespmem:s0+$0xE710]  }
0x52c: {  	v59 =	vld [tilespmem:s0+$0x6560]  }
0x52d: {  	[tilespmem:$0x1F910] =	vst v0;
	v0 =	vld [tilespmem:s0+$0x6750]  }
0x52e: {  	v34 =	vadd.f32 v34, v50;
	v50 =	vmul.f32 v31, v60;
	v31 =	vld [tilespmem:s0+$0x6500]  }
0x52f: {  	v60 =	vld [tilespmem:$0x1F860]  }
0x530: {  	v1 =	vmul.f32 v1, v61;
	v61 =	vadd.f32 v50, v34;
	v34 =	vld [tilespmem:s0+$0x6510]  }
0x531: {  	v50 =	vmul.f32 v6, v5;
	v6 =	vld [tilespmem:s0+$0x64C0]  }
0x532: {  	[tilespmem:$0x1F920] =	vst v0;
	v0 =	vld [tilespmem:s0+$0x6630]  }
0x533: {  	v1 =	vadd.f32 v1, v58;
	(xrf2) =	vadd.scan.msk.f32 $0xffff, v61;
	v58 =	vmul.f32 v8, v7;
	v7 =	vld [tilespmem:s0+$0xE4C0];
	v61 =	vmul.f32 v51, v35;
	v16 =	vpop (erf)  }
0x534: {  	v51 =	vmul.f32 v54, v28;
	v54 =	vld [tilespmem:s0+$0xE480];
	v21 =	vmul.f32 v16, v15  }
0x535: {  	v35 =	vld [tilespmem:s0+$0x6410]  }
0x536: {  	v2 =	vld [tilespmem:s0+$0xE6C0];
	v19 =	vmul.f32 v21, v21  }
0x537: {  	[tilespmem:$0x1F890] =	vst v0;
	v0 =	vld [tilespmem:s0+$0x66A0]  }
0x538: {  	v3 =	vmul.f32 v4, v3;
	v4 =	vadd.f32 v58, v50;
	v50 =	vld [tilespmem:$0x1F880];
	v16 =	vmul.f32 $9.090909360e-02, v19  }
0x539: {  	v58 =	vld [tilespmem:s0+$0x6490]  }
0x53a: {  	v1 =	vadd.f32 v41, v1;
	v41 =	vld [tilespmem:s0+$0xE440];
	v17 =	vadd.f32 $1.111111120e-01, v16  }
0x53b: {  	v2 =	vmul.f32 v2, v63;
	v63 =	vmul.f32 v36, v33;
	v33 =	vld [tilespmem:s0+$0x6420]  }
0x53c: {  	[tilespmem:$0x1F930] =	vst v0;
	v0 =	vld [tilespmem:s0+$0x65F0];
	v17 =	vmul.f32 v17, v19  }
0x53d: {  	v36 =	vld [tilespmem:s0+$0xE420];
	v2 =	vadd.f32 v3, v2  }
0x53e: {  	v3 =	vmul.f32 v48, v47;
	v1 =	vadd.f32 v63, v1;
	v63 =	vld [tilespmem:s0+$0x64D0];
	v17 =	vadd.f32 $1.428571490e-01, v17  }
0x53f: {  	v48 =	vld [tilespmem:$0x1F870]  }
0x540: {  	v2 =	vadd.f32 v3, v2;
	v3 =	vld [tilespmem:$0x1F850];
	v17 =	vmul.f32 v17, v19  }
0x541: {  	[tilespmem:$0x1F940] =	vst v0;
	v0 =	vld [tilespmem:s0+$0xE680]  }
0x542: {  	(xrf2) =	vadd.scan.msk.f32 $0xffff, v1;
	v1 =	vmul.f32 v10, v9;
	v10 =	vld [tilespmem:s0+$0x6480];
	v17 =	vadd.f32 $2.000000030e-01, v17  }
0x543: {  	v15 =	vld [tilespmem:s0+$0x6590]  }
0x544: {  	v30 =	vadd.f32 v21, v21;
	v21 =	vld [tilespmem:s0+$0x6520];
	v17 =	vmul.f32 v17, v19  }
0x545: {  	v3 =	vmul.f32 v60, v3;
	v60 =	vld [tilespmem:$0x1F890]  }
0x546: {  	[tilespmem:$0x1F950] =	vst v0;
	v0 =	vld [tilespmem:s0+$0x6690];
	v24 =	vadd.f32 $3.333333430e-01, v17  }
0x547: {  	v47 =	vmul.f32 v12, v11;
	v16 =	vld [tilespmem:s0+$0xE590];
	v2 =	vadd.f32 v3, v2  }
0x548: {  	v3 =	vld [tilespmem:s0+$0xE4D0];
	v26 =	vmul.f32 v24, v19  }
0x549: {  	v1 =	vadd.f32 v47, v1;
	(xrf2) =	vadd.scan.msk.f32 $0xffff, v2;
	v2 =	vmul.f32 v14, v13;
	v13 =	vld [tilespmem:s0+$0xE490]  }
0x54a: {  	v9 =	vmul.f32 v40, v60;
	v40 =	vld [tilespmem:s0+$0xE410];
	v29 =	vadd.f32 $1.000000000e+00, v26  }
0x54b: {  	v1 =	vadd.f32 v51, v1;
	v14 =	vmul.f32 v57, v56;
	[tilespmem:$0x1F960] =	vst v0;
	v0 =	vld [tilespmem:$0x1FA20]  }
0x54c: {  	v23 =	vmin.f32 v23, $0.0e+00;
	v12 =	vmul.f32 v16, v15;
	v19 =	vld [tilespmem:s0+$0xE540];
	v29 =	vmul.f32 v29, v30  }
0x54d: {  	v4 =	vadd.f32 v61, v4;
	v5 =	vmul.f32 v50, v48;
	v9 =	vadd.f32 v9, v1;
	v24 =	vld [tilespmem:s0+$0x65D0]  }
0x54e: {  	v1 =	vld [tilespmem:s0+$0xE400];
	v12 =	vadd.f32 v12, v2;
	v23 =	vsub.f32 v23, v29  }
0x54f: {  	v4 =	vadd.f32 v5, v4;
	v2 =	vld [tilespmem:s0+$0x6400]  }
0x550: {  	v12 =	vadd.f32 v14, v12;
	v14 =	vmov v37;
	v37 =	vld [tilespmem:s0+$0x6440];
	v0 =	vadd.f32 v23, v0  }
0x551: {  	v15 =	vmul.f32 v55, v52;
	v17 =	vld [tilespmem:s0+$0xE4E0];
	v61 =	vmul.f32 v19, v18  }
0x552: {  	p0 =	sne.s32 s1, $0x7000;
	v6 =	vmul.f32 v7, v6;
	(xrf2) =	vadd.scan.msk.f32 $0xffff, v4;
	v19 =	vmov v24;
	[tilespmem:$0x1FA20] =	vst v0;
	v0 =	vld [tilespmem:s0+$0x64E0]  }
.Ltmp3:
0x553: {  	v26 =	vld [tilespmem:s0+$0xE4B0];
	v18 =	vmovc v25;
	v24 =	vmul.f32 v45, v43;
	v25 =	vmul.f32 v62, v59;
	v4 =	vadd.f32 v15, v61;
	(pc) =	sbr.rel @p0 .LBB2_8-.Ltmp3, $4  }
0x554: {  	v16 =	vmov v20;
	v3 =	vmul.f32 v3, v63;
	v63 =	vmul.f32 v46, v44;
	v30 =	vld [tilespmem:s0+$0xE430]  }
0x555: {  	v20, _, _ =	vpop (xrf2);
	v46 =	vmul.f32 v54, v10;
	v29 =	vld [tilespmem:s0+$0x6430];
	v62 =	vadd.f32 v24, v12;
	v4 =	vadd.f32 v25, v4  }
0x556: {  	v51, _, _ =	vpop (xrf2);
	(xrf2) =	vadd.scan.msk.f32 $0xffff, v9;
	v44 =	vadd.f32 v3, v6;
	v47 =	vmul.f32 v13, v58;
	v15 =	vmov v42;
	v42 =	vld [tilespmem:s0+$0x6450]  }
0x557: {  	s1 =	sadd.s32 $0x1000, s1;
	v28, _, _ =	vpop (xrf2);
	v23 =	vld [tilespmem:s0+$0x6470];
	(xrf2) =	vadd.scan.msk.f32 $0xffff, v62;
	v43 =	vadd.f32 v63, v4;
	v45 =	vmul.f32 v17, v0;
	v17 =	vmov v22  }
0x558: {  	v0 =	vld [tilespmem:s0+$0xE450]  }
0x559: {  	v3 =	vld [tilespmem:s0+$0x6460]  }
0x55a: {  	v6 =	vld [tilespmem:s0+$0xE460]  }
0x55b: {  	v9 =	vld [tilespmem:s0+$0xE510]  }
0x55c: {  	v5 =	vmul.f32 v27, v49;
	v27 =	vld [tilespmem:s0+$0xE470]  }
0x55d: {  	v10 =	vld [tilespmem:s0+$0xE520]  }
0x55e: {  	v12 =	vld [tilespmem:s0+$0xE5D0]  }
0x55f: {  	v25 =	vmul.f32 v40, v35;
	v35 =	vmul.f32 v41, v37;
	v37 =	vld [tilespmem:s0+$0xE530]  }
0x560: {  	v40 =	vld [tilespmem:s0+$0xE5E0]  }
0x561: {  	v7 =	vadd.f32 v47, v46;
	v47 =	vld [tilespmem:s0+$0xE6A0]  }
0x562: {  	v50 =	vld [tilespmem:s0+$0xE750]  }
0x563: {  	v11 =	vmul.f32 v26, v53;
	v53 =	vld [tilespmem:s0+$0xE6B0]  }
0x564: {  	v55 =	vld [tilespmem:$0x1F950]  }
0x565: {  	v56 =	vld [tilespmem:$0x1F960]  }
0x566: {  	v57 =	vld [tilespmem:s0+$0xE760]  }
0x567: {  	v58 =	vld [tilespmem:$0x1F940]  }
0x568: {  	v8 =	vmul.f32 v39, v38;
	v59 =	vld [tilespmem:s0+$0x67D0]  }
0x569: {  	v1 =	vmul.f32 v1, v2;
	v36 =	vmul.f32 v36, v33;
	v61 =	vld [tilespmem:$0x1F930]  }
0x56a: {  	v38 =	vmul.f32 v32, v31;
	v62 =	vld [tilespmem:s0+$0xE7D0];
	v4 =	vadd.f32 v45, v44;
	v0 =	vmul.f32 v0, v42  }
0x56b: {  	v24 =	vld [tilespmem:$0x1F8F0];
	v45 =	vmul.f32 v18, v17;
	v7 =	vadd.f32 v8, v7;
	v1 =	vadd.f32 v25, v1  }
0x56c: {  	v31 =	vld [tilespmem:$0x1F8A0];
	v13 =	vmul.f32 v30, v29;
	v3 =	vmul.f32 v6, v3;
	v0 =	vadd.f32 v0, v35  }
0x56d: {  	v44 =	vld [tilespmem:s0+$0xE5F0];
	v4 =	vadd.f32 v5, v4;
	v1 =	vadd.f32 v36, v1;
	v39 =	vmul.f32 v9, v34  }
0x56e: {  	(xrf2) =	vadd.scan.msk.f32 $0xffff, v43;
	v7 =	vadd.f32 v11, v7;
	v41 =	vmul.f32 v27, v23;
	v42 =	vld [tilespmem:s0+$0xE690];
	v0 =	vadd.f32 v3, v0  }
0x56f: {  	v18 =	vld [tilespmem:$0x1F900];
	(xrf2) =	vadd.scan.msk.f32 $0xffff, v4;
	v43 =	vmul.f32 v10, v21;
	v1 =	vadd.f32 v13, v1;
	v2 =	vadd.f32 v39, v38  }
0x570: {  	v46 =	vmul.f32 v12, v19;
	v19 =	vld [tilespmem:$0x1F910];
	(xrf2) =	vadd.scan.msk.f32 $0xffff, v7;
	v0 =	vadd.f32 v41, v0  }
0x571: {  	v49 =	vmul.f32 v37, v16;
	v21 =	vld [tilespmem:$0x1F920];
	(xrf2) =	vadd.scan.msk.f32 $0xffff, v1;
	v48 =	vadd.f32 v43, v2  }
0x572: {  	v32 =	vld [tilespmem:$0x1F8B0];
	v52 =	vmul.f32 v40, v15;
	v3 =	vadd.f32 v46, v45;
	(xrf2) =	vadd.scan.msk.f32 $0xffff, v0  }
0x573: {  	v27 =	vld [tilespmem:$0x1F8E0];
	v1 =	vmul.f32 v55, v14;
	v2 =	vmul.f32 v42, v56;
	v54 =	vadd.f32 v49, v48  }
0x574: {  	v36 =	vld [tilespmem:$0x1F8D0];
	v6 =	vmul.f32 v44, v58;
	v3 =	vadd.f32 v52, v3  }
0x575: {  	v60, _, _ =	vpop (xrf2);
	v35 =	vld [tilespmem:$0x1F8C0];
	v1 =	vadd.f32 v2, v1;
	v2 =	vmul.f32 v47, v61;
	(xrf2) =	vadd.scan.msk.f32 $0xffff, v54  }
0x576: {  	v22 =	vld [tilespmem:s0+$0x67E0];
	v63, _, _ =	vpop (xrf2);
	v4 =	vmul.f32 v50, v21;
	v3 =	vadd.f32 v6, v3;
	v6 =	vmul.f32 v19, v18  }
0x577: {  	v25 =	vld [tilespmem:s0+$0xE7E0];
	v23, _, _ =	vpop (xrf2);
	v1 =	vadd.f32 v2, v1;
	v2 =	vmul.f32 v53, v24  }
0x578: {  	v33 =	vld [tilespmem:s0+$0xE7F0];
	v5 =	vmul.f32 v57, v27;
	v26, _, _ =	vpop (xrf2);
	v4 =	vadd.f32 v4, v6;
	(xrf2) =	vadd.scan.msk.f32 $0xffff, v3  }
0x579: {  	v29 =	vld [tilespmem:s0+$0x67F0];
	v8 =	vmul.f32 v62, v59;
	v30, _, _ =	vpop (xrf2);
	v1 =	vadd.f32 v2, v1  }
0x57a: {  	v2 =	vmul.f32 v32, v31;
	v34, _, _ =	vpop (xrf2);
	v4 =	vadd.f32 v5, v4;
	v5 =	vmul.f32 v36, v35  }
0x57b: {  	v37, _, _ =	vpop (xrf2);
	(xrf2) =	vadd.scan.msk.f32 $0xffff, v1  }
0x57c: {  	v40 =	vmul.f32 v25, v22;
	v38 =	vadd.f32 v2, v4;
	v39 =	vadd.f32 v8, v5;
	v41, _, _ =	vpop (xrf2)  }
0x57d: {  	v42 =	vbroadcast v37, $0xF;
	v5 =	vbroadcast v41, $0xF  }
0x57e: {  	v44 =	vmul.f32 v33, v29;
	v43 =	vbroadcast v34, $0xF;
	v2 =	vadd.f32 v40, v39;
	(xrf2) =	vadd.scan.msk.f32 $0xffff, v38  }
0x57f: {  	v3 =	vbroadcast v30, $0xF;
	v46, _, _ =	vpop (xrf2);
	v45 =	vsel vm0, v42, v5  }
0x580: {  	v2 =	vadd.f32 v44, v2;
	v5 =	vbroadcast v46, $0xF;
	v1 =	vsel vm1, v45, v43  }
0x581: {  	v47 =	vbroadcast v26, $0xF;
	v1 =	vsel vm2, v1, v3  }
0x582: {  	v48 =	vbroadcast v23, $0xF;
	v49, _, _ =	vpop (xrf2);
	(xrf2) =	vadd.scan.msk.f32 $0xffff, v2;
	v1 =	vsel vm3, v1, v5  }
0x583: {  	v50 =	vbroadcast v49, $0xF;
	v1 =	vsel vm4, v1, v47  }
0x584: {  	v0 =	vbroadcast v63, $0xF;
	v1 =	vsel vm5, v1, v48  }
0x585: {  	v52 =	vbroadcast v60, $0xF;
	v53, _, _ =	vpop (xrf2);
	v1 =	vsel vm6, v1, v50  }
0x586: {  	v54 =	vbroadcast v53, $0xF;
	v0 =	vsel vm7, v1, v0  }
0x587: {  	v55 =	vbroadcast v28, $0xF;
	v0 =	vsel vm8, v0, v52  }
0x588: {  	v56 =	vbroadcast v51, $0xF;
	v57, _, _ =	vpop (xrf2);
	v0 =	vsel vm9, v0, v54  }
0x589: {  	v58 =	vbroadcast v57, $0xF;
	v0 =	vsel vm10, v0, v55  }
0x58a: {  	v59 =	vbroadcast v20, $0xF;
	v0 =	vsel vm11, v0, v56  }
0x58b: {  	v0 =	vsel vm12, v0, v58  }
0x58c: {  	v60, _, _ =	vpop (xrf2);
	v0 =	vsel vm13, v0, v59  }
0x58d: {  	v0 =	vsel vm14, v0, v60  }
0x58e: {  	v1 =	vand.u32 $0x7FFFFFFF, v0  }
0x58f: {  	v1 =	vsub.f32 $0.0e+00, v1;
	_ =	sdelay $0x1  }
0x590: {  	v1 =	vmul.f32 $1.442695020e+00, v1;
	_ =	sdelay $0x1  }
0x591: {  	(erf) = vpow2.f32 v1;
	_ =	sdelay $0x8  }
0x592: {  	v1 =	vpop (erf)  }
0x593: {  	v61 =	vadd.f32 $2.000000000e+00, v1;
	_ =	sdelay $0x1  }
0x594: {  	(erf) = vrcp.f32 v61;
	_ =	sdelay $0x8  }
0x595: {  	v2 =	vpop (erf)  }
0x596: {  	v1 =	vmul.f32 v2, v1;
	_ =	sdelay $0x1  }
0x597: {  	v2 =	vmul.f32 v1, v1;
	_ =	sdelay $0x1  }
0x598: {  	v62 =	vmul.f32 $9.090909360e-02, v2;
	_ =	sdelay $0x1  }
0x599: {  	v3 =	vadd.f32 $1.111111120e-01, v62;
	_ =	sdelay $0x1  }
0x59a: {  	v3 =	vmul.f32 v3, v2;
	_ =	sdelay $0x1  }
0x59b: {  	v3 =	vadd.f32 $1.428571490e-01, v3;
	_ =	sdelay $0x1  }
0x59c: {  	v3 =	vmul.f32 v3, v2;
	_ =	sdelay $0x1  }
0x59d: {  	v3 =	vadd.f32 $2.000000030e-01, v3;
	_ =	sdelay $0x1  }
0x59e: {  	v3 =	vmul.f32 v3, v2;
	_ =	sdelay $0x1  }
0x59f: {  	v3 =	vadd.f32 $3.333333430e-01, v3;
	_ =	sdelay $0x1  }
0x5a0: {  	v2 =	vmul.f32 v3, v2;
	_ =	sdelay $0x1  }
0x5a1: {  	v1 =	vadd.f32 v1, v1;
	v2 =	vadd.f32 $1.000000000e+00, v2  }
0x5a2: {  	v63 =	vld [tilespmem:$0x1FA20]  }
0x5a3: {  	v1 =	vmul.f32 v2, v1  }
0x5a4: {  	v0 =	vmin.f32 v0, $0.0e+00  }
0x5a5: {  	v0 =	vsub.f32 v0, v1;
	_ =	sdelay $0x1  }
0x5a6: {  	s31 =	sadd.s32 $0x1, s31;
	v0 =	vadd.f32 v0, v63  }
0x5a7: {  	p0 =	sne.s32 s31, s8  }
.Ltmp4:
0x5a8: {  	[tilespmem:$0x10400] =	vst v0;
	(pc) =	sbr.rel @p0 .LBB2_1-.Ltmp4, $4  }
0x5a9: {  	[hbm4b:s7+s2] =	stream.linear.scatter [tilespmem:s30], [sflag:$0x5], $0x10, $0x38;
	[tilespmem:$0x10410] =	vst v63  }
0x5aa: {  	_ =	swait.ge [sflag:s9], $0x10  }
0x5ab: {  	[sflag:s9] =	ssyncset.done $0x0  }
0x5ac: {  	[sflag:s9] =	ssyncadd.s32 $0xFFFFFFF0  }
0x5ad: {  	_ =	sfence.sel $0x180000  }
0x5ae: {  	[bflag:$0x0] =	sbarrier.arrive $0xFFFF  }
0x5af: {  	_ =	strace $0x90000047  }
0x5b0: {  	s0 =	stileid.u32;
	[bflag:$0x2] =	sbarrier.arrive $0xFFFF  }
0x5b1: {  	p0 =	sne.s32 s0, $0x0;
	s0 =	rddreg [dreg:$0x3]  }
0x5b2: {  	s0 =	sadd.s32 @!p0 $0x100000, s0  }
0x5b3: {  	[sflag:s0] =	ssyncadd.tile.s32 @!p0 $0x1;
	_ =	shalt  }
.Lfunc_end2:
_tile_overlayer_lowered:
.L_overlay_start_2:
0x5b4: {  	(tag) =	ssettag $0x2  }
0x5b5: {  	s0 =	rddreg [dreg:$0x0];
	s2 =	stileid.u32  }
0x5b6: {  	s1 =	rddreg [dreg:$0x1];
	p0 =	sne.s32 s2, $0x0  }
0x5b7: {  	s3 =	rddreg [dreg:$0x2];
	[bflag:$0x3] =	sbarrier.arrive $0xFFFF;
	s2 =	simm.s32 @!p0 $0x1C05  }
0x5b8: {  	[timem:s3], [sflag:s2] =	dma.local @!p0 [hbm:s0], s1  }
0x5b9: {  	s0 =	simm.s32 @!p0 $0x5  }
0x5ba: {  	_ =	swait.ge @!p0 [sflag:s0], s1  }
0x5bb: {  	s1 =	ssub.s32 @!p0 $0x0, s1;
	[sflag:s0] =	ssyncset.done @!p0 $0x0  }
0x5bc: {  	[sflag:s0] =	ssyncadd.s32 @!p0 s1  }
0x5bd: {  	[bflag:$0x3] =	sbarrier.arrive $0xFFFF  }
0x5be: {  	_ =	shalt  }

</sc_bundles>
